<compile_context>
chip_gen: v7x
topology: tpu7x:2x2x1
jax: 0.10.2.dev20260603
libtpu: 0.0.44.dev20260713+nightly
codegen_flags: <defaults>
</compile_context>

<pallas_src>
import functools

import jax
import jax.numpy as jnp
from jax import lax
from jax.experimental import pallas as pl
from jax.experimental.pallas import tpu as pltpu
from jax.experimental.pallas import tpu_sc as plsc

NC = 2
NS = 16
NW = NC * NS
CH = 128
DH = 32


def _sc_agg_kernel(np_rows, n_chunk_rows):
    Np = np_rows
    R = n_chunk_rows
    PR = Np // NS

    mesh = plsc.VectorSubcoreMesh(core_axis_name="c", subcore_axis_name="s")

    @functools.partial(
        pl.kernel,
        out_type=jax.ShapeDtypeStruct((NC * Np, DH), jnp.float32),
        mesh=mesh,
        scratch_types=[
            pltpu.VMEM((R, CH), jnp.int32),
            pltpu.VMEM((R, CH), jnp.int32),
            pltpu.VMEM((CH, DH), jnp.float32),
            pltpu.VMEM((CH, DH), jnp.float32),
            pltpu.VMEM((CH, DH), jnp.float32),
            pltpu.VMEM((CH, DH), jnp.float32),
            pltpu.VMEM_SHARED((Np, DH), jnp.float32),
            pltpu.SemaphoreType.DMA,
            pltpu.SemaphoreType.DMA,
            pltpu.SemaphoreType.DMA,
            pltpu.SemaphoreType.DMA,
        ],
        compiler_params=pltpu.CompilerParams(use_tc_tiling_on_sc=False),
    )
    def agg(y_hbm, srcr_hbm, dstr_hbm, acc_hbm, sidx, didx,
            rows0, rows1, rows2, rows3, acc_sp, gs0, gs1, gs2, gs3):
        rows = [rows0, rows1, rows2, rows3]
        gs = [gs0, gs1, gs2, gs3]
        nbuf = 4
        c = lax.axis_index("c")
        s = lax.axis_index("s")
        wid = s * NC + c

        zero16 = jnp.zeros((16,), jnp.float32)

        def zbody(j, _):
            r = j // 2
            col = (j % 2) * 16
            rows0[r, pl.ds(col, 16)] = zero16
            return 0

        lax.fori_loop(0, CH * 2, zbody, 0)
        for t in range(PR // CH):
            pltpu.sync_copy(rows0, acc_sp.at[pl.ds(s * PR + t * CH, CH)])
        plsc.subcore_barrier()

        pltpu.sync_copy(srcr_hbm.at[pl.ds(wid * R, R)], sidx)
        pltpu.sync_copy(dstr_hbm.at[pl.ds(wid * R, R)], didx)

        for b in range(nbuf):
            pltpu.async_copy(y_hbm.at[sidx.at[b]], rows[b], gs[b])
        nj = R // nbuf

        def body(j, _):
            for b in range(nbuf):
                k = j * nbuf + b
                pltpu.make_async_copy(y_hbm.at[sidx.at[k]], rows[b],
                                      gs[b]).wait()
                pltpu.sync_copy(rows[b], acc_sp.at[didx.at[k]], add=True)

                @pl.when(j < nj - 1)
                def _():
                    pltpu.async_copy(y_hbm.at[sidx.at[k + nbuf]], rows[b],
                                     gs[b])
            return 0

        lax.fori_loop(0, nj, body, 0)
        plsc.subcore_barrier()

        pltpu.sync_copy(acc_sp.at[pl.ds(s * PR, PR)],
                        acc_hbm.at[pl.ds(c * Np + s * PR, PR)])

    return agg


def _sc_cnt_kernel(np_rows, n_chunk_rows):
    Np = np_rows
    R = n_chunk_rows
    PR = Np // NS

    mesh = plsc.VectorSubcoreMesh(core_axis_name="c", subcore_axis_name="s")

    @functools.partial(
        pl.kernel,
        out_type=jax.ShapeDtypeStruct((NC * Np,), jnp.float32),
        mesh=mesh,
        scratch_types=[
            pltpu.VMEM((R, CH), jnp.int32),
            pltpu.VMEM((CH,), jnp.float32),
            pltpu.VMEM_SHARED((Np,), jnp.float32),
        ],
        compiler_params=pltpu.CompilerParams(use_tc_tiling_on_sc=False),
    )
    def cnt(dstr_hbm, cnt_hbm, didx, ones_v, cnt_sp):
        c = lax.axis_index("c")
        s = lax.axis_index("s")
        wid = s * NC + c

        zero16 = jnp.zeros((16,), jnp.float32)
        for j in range(CH // 16):
            ones_v[pl.ds(j * 16, 16)] = zero16
        for t in range(PR // CH):
            pltpu.sync_copy(ones_v, cnt_sp.at[pl.ds(s * PR + t * CH, CH)])
        plsc.subcore_barrier()

        one16 = jnp.ones((16,), jnp.float32)
        for j in range(CH // 16):
            ones_v[pl.ds(j * 16, 16)] = one16

        pltpu.sync_copy(dstr_hbm.at[pl.ds(wid * R, R)], didx)

        def body(k, _):
            pltpu.sync_copy(ones_v, cnt_sp.at[didx.at[k]], add=True)
            return 0

        lax.fori_loop(0, R, body, 0)
        plsc.subcore_barrier()
        pltpu.sync_copy(cnt_sp.at[pl.ds(s * PR, PR)],
                        cnt_hbm.at[pl.ds(c * Np + s * PR, PR)])

    return cnt




def _mm_t(x, w):
    return lax.dot_general(x, w, dimension_numbers=(((1,), (1,)), ((), ())),
                           preferred_element_type=jnp.float32)


def _tc_transform0(x_ref, wl_ref, wr_ref, y_ref, r_ref):
    xv = x_ref[...]
    y_ref[...] = _mm_t(xv, wl_ref[...])
    r_ref[...] = _mm_t(xv, wr_ref[...])


def _tc_combine_next(skip):
    def body(acc_ref, cnt_ref, r_ref, x_ref, bl_ref, wln_ref, wrn_ref,
             xn_ref, yn_ref, rn_ref):
        npr = acc_ref.shape[0] // 2
        acc = acc_ref[0:npr, :] + acc_ref[npr:2 * npr, :]
        cnt = cnt_ref[0:npr, :] + cnt_ref[npr:2 * npr, :]
        inv = 1.0 / jnp.maximum(cnt, 1.0)
        h = acc * inv + bl_ref[...] + r_ref[...]
        if skip:
            h = h + x_ref[...]
        xn = jnp.maximum(h, 0.0)
        xn_ref[...] = xn
        yn_ref[...] = _mm_t(xn, wln_ref[...])
        rn_ref[...] = _mm_t(xn, wrn_ref[...])
    return body


def _tc_combine_final(acc_ref, cnt_ref, r_ref, bl_ref, out_ref):
    npr = acc_ref.shape[0] // 2
    acc = acc_ref[0:npr, :] + acc_ref[npr:2 * npr, :]
    cnt = cnt_ref[0:npr, :] + cnt_ref[npr:2 * npr, :]
    inv = 1.0 / jnp.maximum(cnt, 1.0)
    out_ref[...] = acc * inv + bl_ref[...] + r_ref[...]


def kernel(x, edge_index, Wl0, bl0, Wr0, Wl1, bl1, Wr1, Wl2, bl2, Wr2,
           Wl3, bl3, Wr3, Wl4, bl4, Wr4):
    N, d_in = x.shape
    E = edge_index.shape[1]
    params = [(Wl0, bl0, Wr0), (Wl1, bl1, Wr1), (Wl2, bl2, Wr2),
              (Wl3, bl3, Wr3), (Wl4, bl4, Wr4)]

    Np = (N + 1 + NS * CH - 1) // (NS * CH) * (NS * CH)
    R = (E + NW * CH - 1) // (NW * CH)
    R = (R + 7) // 8 * 8
    Ep = NW * R * CH

    src = edge_index[0]
    dst = edge_index[1]
    pad = Ep - E
    pad_ar = jnp.arange(pad, dtype=jnp.int32)
    src_p = jnp.concatenate([src, pad_ar % N])
    dst_p = jnp.concatenate([dst, N + pad_ar % (Np - N)])
    srcr = src_p.reshape(NW * R, CH)
    dstr = dst_p.reshape(NW * R, CH)

    xp = jnp.pad(x, ((0, Np - N), (0, 0)))

    agg_call = _sc_agg_kernel(Np, R)
    cnt_call = _sc_cnt_kernel(Np, R)

    cntP = cnt_call(dstr)
    cnt2 = cntP.reshape(NC * Np, 1)

    y, r = pl.pallas_call(
        _tc_transform0,
        out_shape=(jax.ShapeDtypeStruct((Np, DH), jnp.float32),
                   jax.ShapeDtypeStruct((Np, DH), jnp.float32)),
    )(xp, Wl0, Wr0)

    xi = xp
    for i in range(4):
        accP = agg_call(y, srcr, dstr)
        Wln, bln, Wrn = params[i + 1]
        xi, y, r = pl.pallas_call(
            _tc_combine_next(skip=(i > 0)),
            out_shape=(jax.ShapeDtypeStruct((Np, DH), jnp.float32),
                       jax.ShapeDtypeStruct((Np, DH), jnp.float32),
                       jax.ShapeDtypeStruct((Np, DH), jnp.float32)),
        )(accP, cnt2, r, xi, params[i][1].reshape(1, DH), Wln, Wrn)

    accP = agg_call(y, srcr, dstr)
    out = pl.pallas_call(
        _tc_combine_final,
        out_shape=jax.ShapeDtypeStruct((Np, DH), jnp.float32),
    )(accP, cnt2, r, bl4.reshape(1, DH))
    return out[:N]

# --- scband reference (transcript-rebuilt; emitter-appended) ---
"""Pipeline reference for scband-gnnencoder-21930103013914 (READ-ONLY COPY).

The authoritative reference and input builder live on the scoring server;
editing this copy changes nothing except your own understanding.
"""

import jax, jax.numpy as jnp
import numpy as np

N = 10000
E = 640000
D_IN = 128
D_H = 32


def setup_inputs(seed: int = 0) -> dict:
    key = jax.random.key(seed)
    k0, k1 = jax.random.split(key)
    inp = {}
    inp["x"] = jax.random.normal(k0, (N, D_IN), dtype=jnp.float32)
    inp["edge_index"] = jax.random.randint(k1, (2, E), 0, N, dtype=jnp.int32)
    dims = [(D_IN, D_H), (D_H, D_H), (D_H, D_H), (D_H, D_H), (D_H, D_H)]
    for i, (din, dout) in enumerate(dims):
        ka, kb = jax.random.split(jax.random.fold_in(key, 100 + i))
        inp[f"Wl{i}"] = jax.random.normal(ka, (dout, din), dtype=jnp.float32) * 0.05
        inp[f"bl{i}"] = jnp.zeros((dout,), dtype=jnp.float32)
        inp[f"Wr{i}"] = jax.random.normal(kb, (dout, din), dtype=jnp.float32) * 0.05
    return inp


def _sage(x, src, dst, Wl, bl, Wr):
    # PyG SAGEConv with mean aggregation: out = lin_l(mean_{j->i} x_j) + lin_r(x_i)
    msg = x[src]
    s = jax.ops.segment_sum(msg, dst, num_segments=N)
    cnt = jax.ops.segment_sum(jnp.ones((src.shape[0],), jnp.float32), dst, num_segments=N)
    mean = s / jnp.clip(cnt, 1.0)[:, None]
    return mean @ Wl.T + bl + x @ Wr.T


def reference(x, edge_index, Wl0, bl0, Wr0, Wl1, bl1, Wr1, Wl2, bl2, Wr2, Wl3, bl3, Wr3, Wl4, bl4, Wr4):
    params = [(Wl0, bl0, Wr0), (Wl1, bl1, Wr1), (Wl2, bl2, Wr2), (Wl3, bl3, Wr3), (Wl4, bl4, Wr4)]
    src = edge_index[0]
    dst = edge_index[1]
    for i in range(4):
        prev = x
        Wl, bl, Wr = params[i]
        h = _sage(x, src, dst, Wl, bl, Wr)
        if i > 0:
            h = h + prev  # skip connection
        x = jax.nn.relu(h)
        # dropout is identity in eval mode
    Wl, bl, Wr = params[4]
    x = _sage(x, src, dst, Wl, bl, Wr)
    return x

if __name__ == "__main__":
    import jax
    _d = setup_inputs()
    print(jax.jit(kernel)(*tuple(_d.values())))

</pallas_src>

<mosaic_0001>
#map = affine_map<(d0, d1) -> (0, 0)>
module attributes {stable_mosaic.version = 14 : i64} {
  func.func @agg(%arg0: i32, %arg1: i32, %arg2: memref<10240x32xf32, #tpu.memory_space<hbm>>, %arg3: memref<5120x128xi32, #tpu.memory_space<hbm>>, %arg4: memref<5120x128xi32, #tpu.memory_space<hbm>>, %arg5: memref<20480x32xf32, #tpu.memory_space<hbm>>, %arg6: memref<160x128xi32, #tpu.memory_space<vmem>>, %arg7: memref<160x128xi32, #tpu.memory_space<vmem>>, %arg8: memref<128x32xf32, #tpu.memory_space<vmem>>, %arg9: memref<128x32xf32, #tpu.memory_space<vmem>>, %arg10: memref<128x32xf32, #tpu.memory_space<vmem>>, %arg11: memref<128x32xf32, #tpu.memory_space<vmem>>, %arg12: memref<10240x32xf32, #tpu.memory_space<vmem_shared>>, %arg13: memref<!tpu.dma_semaphore, #tpu.memory_space<semaphore_mem>>, %arg14: memref<!tpu.dma_semaphore, #tpu.memory_space<semaphore_mem>>, %arg15: memref<!tpu.dma_semaphore, #tpu.memory_space<semaphore_mem>>, %arg16: memref<!tpu.dma_semaphore, #tpu.memory_space<semaphore_mem>>) attributes {dimension_semantics = [#tpu.dimension_semantics<core_parallel>, #tpu.dimension_semantics<subcore_parallel>], iteration_bounds = array<i64: 2, 16>, scalar_prefetch = 0 : i64, scratch_operands = 11 : i64, tpu.core_type = #tpu.core_type<sc_vector_subcore>, window_params = [{transform_indices = #map}, {transform_indices = #map}, {transform_indices = #map}, {transform_indices = #map}]} {
    %mul3A = arith.constant 2 : i32
    %mul3A_0 = arith.muli %arg1, %mul3A : i32
    %add3A = arith.addi %mul3A_0, %arg0 : i32
    %broadcast_in_dim3A = arith.constant 0.000000e+00 : f32
    %broadcast_in_dim3A_1 = vector.broadcast %broadcast_in_dim3A : f32 to vector<16xf32>
    %scan3A = arith.constant 0 : i32
    %scan3A_2 = arith.constant 0 : i32
    %scan3A_3 = arith.constant 256 : i32
    %scan3A_4 = arith.addi %scan3A_2, %scan3A_3 : i32
    %scan3A_5 = arith.constant 1 : i32
    %scan3A_6 = scf.for %scan3A_74 = %scan3A_2 to %scan3A_4 step %scan3A_5 iter_args(%scan3A_75 = %scan3A) -> (i32)  : i32 {
      %jit3A = arith.constant 2 : i32
      %div3A = arith.divsi %scan3A_74, %jit3A : i32
      %sign3A = arith.constant 0 : i32
      %sign3A_76 = arith.cmpi sgt, %scan3A_74, %sign3A : i32
      %sign3A_77 = arith.extui %sign3A_76 : i1 to i32
      %sign3A_78 = arith.constant 0 : i32
      %sign3A_79 = arith.cmpi slt, %scan3A_74, %sign3A_78 : i32
      %sign3A_80 = arith.extui %sign3A_79 : i1 to i32
      %sign3A_81 = arith.subi %sign3A_77, %sign3A_80 : i32
      %sign3A_82 = arith.constant 0 : i32
      %sign3A_83 = arith.cmpi sgt, %jit3A, %sign3A_82 : i32
      %sign3A_84 = arith.extui %sign3A_83 : i1 to i32
      %sign3A_85 = arith.constant 0 : i32
      %sign3A_86 = arith.cmpi slt, %jit3A, %sign3A_85 : i32
      %sign3A_87 = arith.extui %sign3A_86 : i1 to i32
      %sign3A_88 = arith.subi %sign3A_84, %sign3A_87 : i32
      %ne3A = arith.cmpi ne, %sign3A_81, %sign3A_88 : i32
      %rem3A = arith.remsi %scan3A_74, %jit3A : i32
      %ne3A_89 = arith.constant 0 : i32
      %ne3A_90 = arith.cmpi ne, %rem3A, %ne3A_89 : i32
      %and3A = arith.andi %ne3A, %ne3A_90 : i1
      %sub3A = arith.constant 1 : i32
      %sub3A_91 = arith.subi %div3A, %sub3A : i32
      %select_n3A = arith.select %and3A, %sub3A_91, %div3A : i32
      %jit3A_92 = arith.constant 2 : i32
      %eq3A = arith.constant 0 : i32
      %eq3A_93 = arith.cmpi eq, %jit3A_92, %eq3A : i32
      %jit3A_94 = arith.constant 1 : i32
      %select_n3A_95 = arith.select %eq3A_93, %jit3A_94, %jit3A_92 : i32
      %rem3A_96 = arith.remsi %scan3A_74, %select_n3A_95 : i32
      %ne3A_97 = arith.constant 0 : i32
      %ne3A_98 = arith.cmpi ne, %rem3A_96, %ne3A_97 : i32
      %lt3A = arith.constant 0 : i32
      %lt3A_99 = arith.cmpi slt, %rem3A_96, %lt3A : i32
      %lt3A_100 = arith.constant 0 : i32
      %lt3A_101 = arith.cmpi slt, %select_n3A_95, %lt3A_100 : i32
      %ne3A_102 = arith.xori %lt3A_99, %lt3A_101 : i1
      %and3A_103 = arith.andi %ne3A_102, %ne3A_98 : i1
      %add3A_104 = arith.addi %rem3A_96, %select_n3A_95 : i32
      %select_n3A_105 = arith.select %and3A_103, %add3A_104, %rem3A_96 : i32
      %mul3A_106 = arith.constant 16 : i32
      %mul3A_107 = arith.muli %select_n3A_105, %mul3A_106 : i32
      %swap3A = arith.index_cast %select_n3A : i32 to index
      %swap3A_108 = arith.index_cast %mul3A_107 : i32 to index
      %swap3A_109 = tpu.vector_load %arg8[%swap3A, %swap3A_108] {strides = array<i32>} : memref<128x32xf32, #tpu.memory_space<vmem>>, vector<1x16xf32>,
      %swap3A_110 = vector.shape_cast %swap3A_109 : vector<1x16xf32> to vector<16xf32>
      %swap3A_111 = vector.shape_cast %broadcast_in_dim3A_1 : vector<16xf32> to vector<1x16xf32>
      tpu.vector_store %arg8[%swap3A, %swap3A_108], %swap3A_111 {strides = array<i32>} : memref<128x32xf32, #tpu.memory_space<vmem>>, vector<1x16xf32>,
      %scan3A_112 = arith.constant 0 : i32
      scf.yield %scan3A_112 : i32
    }
    %scan3A_7 = arith.constant 256 : i32
    %mul3A_8 = arith.constant 640 : i32
    %mul3A_9 = arith.muli %arg1, %mul3A_8 : i32
    %add3A_10 = arith.constant 0 : i32
    %add3A_11 = arith.addi %mul3A_9, %add3A_10 : i32
    "tpu.region"() ({
      %run_scoped3A = tpu.sem_alloc : memref<!tpu.dma_semaphore, #tpu.memory_space<semaphore_mem>>
      %dma_start3A_74 = arith.constant 0 : i32
      %dma_start3A_75 = tpu.memref_slice %arg12[%add3A_11, %dma_start3A_74] : memref<10240x32xf32, #tpu.memory_space<vmem_shared>> -> memref<128x32xf32, #tpu.memory_space<vmem_shared>>
      %dma_start3A_76 = arith.constant 0 : i32
      %dma_start3A_77 = tpu.memref_slice %arg12[%add3A_11, %dma_start3A_76] : memref<10240x32xf32, #tpu.memory_space<vmem_shared>> -> memref<128x32xf32, #tpu.memory_space<vmem_shared>>
      tpu.enqueue_dma source(%arg8 : memref<128x32xf32, #tpu.memory_space<vmem>>) target(%dma_start3A_77 : memref<128x32xf32, #tpu.memory_space<vmem_shared>>) target_semaphore(%run_scoped3A : memref<!tpu.dma_semaphore, #tpu.memory_space<semaphore_mem>>)
      %dma_wait3A = arith.constant 0 : i32
      %dma_wait3A_78 = tpu.memref_slice %arg12[%add3A_11, %dma_wait3A] : memref<10240x32xf32, #tpu.memory_space<vmem_shared>> -> memref<128x32xf32, #tpu.memory_space<vmem_shared>>
      %dma_wait3A_79 = arith.constant 0 : i32
      %dma_wait3A_80 = tpu.memref_slice %arg12[%add3A_11, %dma_wait3A_79] : memref<10240x32xf32, #tpu.memory_space<vmem_shared>> -> memref<128x32xf32, #tpu.memory_space<vmem_shared>>
      tpu.wait_dma2 semaphore(%run_scoped3A : memref<!tpu.dma_semaphore, #tpu.memory_space<semaphore_mem>>) src(%arg8 : memref<128x32xf32, #tpu.memory_space<vmem>>) dst(%dma_wait3A_80 : memref<128x32xf32, #tpu.memory_space<vmem_shared>>)
      tpu.yield
    }) : () -> ()
    %mul3A_12 = arith.constant 640 : i32
    %mul3A_13 = arith.muli %arg1, %mul3A_12 : i32
    %add3A_14 = arith.constant 128 : i32
    %add3A_15 = arith.addi %mul3A_13, %add3A_14 : i32
    "tpu.region"() ({
      %run_scoped3A = tpu.sem_alloc : memref<!tpu.dma_semaphore, #tpu.memory_space<semaphore_mem>>
      %dma_start3A_74 = arith.constant 0 : i32
      %dma_start3A_75 = tpu.memref_slice %arg12[%add3A_15, %dma_start3A_74] : memref<10240x32xf32, #tpu.memory_space<vmem_shared>> -> memref<128x32xf32, #tpu.memory_space<vmem_shared>>
      %dma_start3A_76 = arith.constant 0 : i32
      %dma_start3A_77 = tpu.memref_slice %arg12[%add3A_15, %dma_start3A_76] : memref<10240x32xf32, #tpu.memory_space<vmem_shared>> -> memref<128x32xf32, #tpu.memory_space<vmem_shared>>
      tpu.enqueue_dma source(%arg8 : memref<128x32xf32, #tpu.memory_space<vmem>>) target(%dma_start3A_77 : memref<128x32xf32, #tpu.memory_space<vmem_shared>>) target_semaphore(%run_scoped3A : memref<!tpu.dma_semaphore, #tpu.memory_space<semaphore_mem>>)
      %dma_wait3A = arith.constant 0 : i32
      %dma_wait3A_78 = tpu.memref_slice %arg12[%add3A_15, %dma_wait3A] : memref<10240x32xf32, #tpu.memory_space<vmem_shared>> -> memref<128x32xf32, #tpu.memory_space<vmem_shared>>
      %dma_wait3A_79 = arith.constant 0 : i32
      %dma_wait3A_80 = tpu.memref_slice %arg12[%add3A_15, %dma_wait3A_79] : memref<10240x32xf32, #tpu.memory_space<vmem_shared>> -> memref<128x32xf32, #tpu.memory_space<vmem_shared>>
      tpu.wait_dma2 semaphore(%run_scoped3A : memref<!tpu.dma_semaphore, #tpu.memory_space<semaphore_mem>>) src(%arg8 : memref<128x32xf32, #tpu.memory_space<vmem>>) dst(%dma_wait3A_80 : memref<128x32xf32, #tpu.memory_space<vmem_shared>>)
      tpu.yield
    }) : () -> ()
    %mul3A_16 = arith.constant 640 : i32
    %mul3A_17 = arith.muli %arg1, %mul3A_16 : i32
    %add3A_18 = arith.constant 256 : i32
    %add3A_19 = arith.addi %mul3A_17, %add3A_18 : i32
    "tpu.region"() ({
      %run_scoped3A = tpu.sem_alloc : memref<!tpu.dma_semaphore, #tpu.memory_space<semaphore_mem>>
      %dma_start3A_74 = arith.constant 0 : i32
      %dma_start3A_75 = tpu.memref_slice %arg12[%add3A_19, %dma_start3A_74] : memref<10240x32xf32, #tpu.memory_space<vmem_shared>> -> memref<128x32xf32, #tpu.memory_space<vmem_shared>>
      %dma_start3A_76 = arith.constant 0 : i32
      %dma_start3A_77 = tpu.memref_slice %arg12[%add3A_19, %dma_start3A_76] : memref<10240x32xf32, #tpu.memory_space<vmem_shared>> -> memref<128x32xf32, #tpu.memory_space<vmem_shared>>
      tpu.enqueue_dma source(%arg8 : memref<128x32xf32, #tpu.memory_space<vmem>>) target(%dma_start3A_77 : memref<128x32xf32, #tpu.memory_space<vmem_shared>>) target_semaphore(%run_scoped3A : memref<!tpu.dma_semaphore, #tpu.memory_space<semaphore_mem>>)
      %dma_wait3A = arith.constant 0 : i32
      %dma_wait3A_78 = tpu.memref_slice %arg12[%add3A_19, %dma_wait3A] : memref<10240x32xf32, #tpu.memory_space<vmem_shared>> -> memref<128x32xf32, #tpu.memory_space<vmem_shared>>
      %dma_wait3A_79 = arith.constant 0 : i32
      %dma_wait3A_80 = tpu.memref_slice %arg12[%add3A_19, %dma_wait3A_79] : memref<10240x32xf32, #tpu.memory_space<vmem_shared>> -> memref<128x32xf32, #tpu.memory_space<vmem_shared>>
      tpu.wait_dma2 semaphore(%run_scoped3A : memref<!tpu.dma_semaphore, #tpu.memory_space<semaphore_mem>>) src(%arg8 : memref<128x32xf32, #tpu.memory_space<vmem>>) dst(%dma_wait3A_80 : memref<128x32xf32, #tpu.memory_space<vmem_shared>>)
      tpu.yield
    }) : () -> ()
    %mul3A_20 = arith.constant 640 : i32
    %mul3A_21 = arith.muli %arg1, %mul3A_20 : i32
    %add3A_22 = arith.constant 384 : i32
    %add3A_23 = arith.addi %mul3A_21, %add3A_22 : i32
    "tpu.region"() ({
      %run_scoped3A = tpu.sem_alloc : memref<!tpu.dma_semaphore, #tpu.memory_space<semaphore_mem>>
      %dma_start3A_74 = arith.constant 0 : i32
      %dma_start3A_75 = tpu.memref_slice %arg12[%add3A_23, %dma_start3A_74] : memref<10240x32xf32, #tpu.memory_space<vmem_shared>> -> memref<128x32xf32, #tpu.memory_space<vmem_shared>>
      %dma_start3A_76 = arith.constant 0 : i32
      %dma_start3A_77 = tpu.memref_slice %arg12[%add3A_23, %dma_start3A_76] : memref<10240x32xf32, #tpu.memory_space<vmem_shared>> -> memref<128x32xf32, #tpu.memory_space<vmem_shared>>
      tpu.enqueue_dma source(%arg8 : memref<128x32xf32, #tpu.memory_space<vmem>>) target(%dma_start3A_77 : memref<128x32xf32, #tpu.memory_space<vmem_shared>>) target_semaphore(%run_scoped3A : memref<!tpu.dma_semaphore, #tpu.memory_space<semaphore_mem>>)
      %dma_wait3A = arith.constant 0 : i32
      %dma_wait3A_78 = tpu.memref_slice %arg12[%add3A_23, %dma_wait3A] : memref<10240x32xf32, #tpu.memory_space<vmem_shared>> -> memref<128x32xf32, #tpu.memory_space<vmem_shared>>
      %dma_wait3A_79 = arith.constant 0 : i32
      %dma_wait3A_80 = tpu.memref_slice %arg12[%add3A_23, %dma_wait3A_79] : memref<10240x32xf32, #tpu.memory_space<vmem_shared>> -> memref<128x32xf32, #tpu.memory_space<vmem_shared>>
      tpu.wait_dma2 semaphore(%run_scoped3A : memref<!tpu.dma_semaphore, #tpu.memory_space<semaphore_mem>>) src(%arg8 : memref<128x32xf32, #tpu.memory_space<vmem>>) dst(%dma_wait3A_80 : memref<128x32xf32, #tpu.memory_space<vmem_shared>>)
      tpu.yield
    }) : () -> ()
    %mul3A_24 = arith.constant 640 : i32
    %mul3A_25 = arith.muli %arg1, %mul3A_24 : i32
    %add3A_26 = arith.constant 512 : i32
    %add3A_27 = arith.addi %mul3A_25, %add3A_26 : i32
    "tpu.region"() ({
      %run_scoped3A = tpu.sem_alloc : memref<!tpu.dma_semaphore, #tpu.memory_space<semaphore_mem>>
      %dma_start3A_74 = arith.constant 0 : i32
      %dma_start3A_75 = tpu.memref_slice %arg12[%add3A_27, %dma_start3A_74] : memref<10240x32xf32, #tpu.memory_space<vmem_shared>> -> memref<128x32xf32, #tpu.memory_space<vmem_shared>>
      %dma_start3A_76 = arith.constant 0 : i32
      %dma_start3A_77 = tpu.memref_slice %arg12[%add3A_27, %dma_start3A_76] : memref<10240x32xf32, #tpu.memory_space<vmem_shared>> -> memref<128x32xf32, #tpu.memory_space<vmem_shared>>
      tpu.enqueue_dma source(%arg8 : memref<128x32xf32, #tpu.memory_space<vmem>>) target(%dma_start3A_77 : memref<128x32xf32, #tpu.memory_space<vmem_shared>>) target_semaphore(%run_scoped3A : memref<!tpu.dma_semaphore, #tpu.memory_space<semaphore_mem>>)
      %dma_wait3A = arith.constant 0 : i32
      %dma_wait3A_78 = tpu.memref_slice %arg12[%add3A_27, %dma_wait3A] : memref<10240x32xf32, #tpu.memory_space<vmem_shared>> -> memref<128x32xf32, #tpu.memory_space<vmem_shared>>
      %dma_wait3A_79 = arith.constant 0 : i32
      %dma_wait3A_80 = tpu.memref_slice %arg12[%add3A_27, %dma_wait3A_79] : memref<10240x32xf32, #tpu.memory_space<vmem_shared>> -> memref<128x32xf32, #tpu.memory_space<vmem_shared>>
      tpu.wait_dma2 semaphore(%run_scoped3A : memref<!tpu.dma_semaphore, #tpu.memory_space<semaphore_mem>>) src(%arg8 : memref<128x32xf32, #tpu.memory_space<vmem>>) dst(%dma_wait3A_80 : memref<128x32xf32, #tpu.memory_space<vmem_shared>>)
      tpu.yield
    }) : () -> ()
    %barrier3A = arith.constant 0 : index
    tpu.barrier barrier_id(%barrier3A)
    %mul3A_28 = arith.constant 160 : i32
    %mul3A_29 = arith.muli %add3A, %mul3A_28 : i32
    "tpu.region"() ({
      %run_scoped3A = tpu.sem_alloc : memref<!tpu.dma_semaphore, #tpu.memory_space<semaphore_mem>>
      %dma_start3A_74 = arith.constant 0 : i32
      %dma_start3A_75 = tpu.memref_slice %arg3[%mul3A_29, %dma_start3A_74] : memref<5120x128xi32, #tpu.memory_space<hbm>> -> memref<160x128xi32, #tpu.memory_space<hbm>>
      %dma_start3A_76 = arith.constant 0 : i32
      %dma_start3A_77 = tpu.memref_slice %arg3[%mul3A_29, %dma_start3A_76] : memref<5120x128xi32, #tpu.memory_space<hbm>> -> memref<160x128xi32, #tpu.memory_space<hbm>>
      tpu.enqueue_dma source(%dma_start3A_77 : memref<160x128xi32, #tpu.memory_space<hbm>>) target(%arg6 : memref<160x128xi32, #tpu.memory_space<vmem>>) target_semaphore(%run_scoped3A : memref<!tpu.dma_semaphore, #tpu.memory_space<semaphore_mem>>)
      %dma_wait3A = arith.constant 0 : i32
      %dma_wait3A_78 = tpu.memref_slice %arg3[%mul3A_29, %dma_wait3A] : memref<5120x128xi32, #tpu.memory_space<hbm>> -> memref<160x128xi32, #tpu.memory_space<hbm>>
      %dma_wait3A_79 = arith.constant 0 : i32
      %dma_wait3A_80 = tpu.memref_slice %arg3[%mul3A_29, %dma_wait3A_79] : memref<5120x128xi32, #tpu.memory_space<hbm>> -> memref<160x128xi32, #tpu.memory_space<hbm>>
      tpu.wait_dma2 semaphore(%run_scoped3A : memref<!tpu.dma_semaphore, #tpu.memory_space<semaphore_mem>>) src(%dma_wait3A_80 : memref<160x128xi32, #tpu.memory_space<hbm>>) dst(%arg6 : memref<160x128xi32, #tpu.memory_space<vmem>>)
      tpu.yield
    }) : () -> ()
    %mul3A_30 = arith.constant 160 : i32
    %mul3A_31 = arith.muli %add3A, %mul3A_30 : i32
    "tpu.region"() ({
      %run_scoped3A = tpu.sem_alloc : memref<!tpu.dma_semaphore, #tpu.memory_space<semaphore_mem>>
      %dma_start3A_74 = arith.constant 0 : i32
      %dma_start3A_75 = tpu.memref_slice %arg4[%mul3A_31, %dma_start3A_74] : memref<5120x128xi32, #tpu.memory_space<hbm>> -> memref<160x128xi32, #tpu.memory_space<hbm>>
      %dma_start3A_76 = arith.constant 0 : i32
      %dma_start3A_77 = tpu.memref_slice %arg4[%mul3A_31, %dma_start3A_76] : memref<5120x128xi32, #tpu.memory_space<hbm>> -> memref<160x128xi32, #tpu.memory_space<hbm>>
      tpu.enqueue_dma source(%dma_start3A_77 : memref<160x128xi32, #tpu.memory_space<hbm>>) target(%arg7 : memref<160x128xi32, #tpu.memory_space<vmem>>) target_semaphore(%run_scoped3A : memref<!tpu.dma_semaphore, #tpu.memory_space<semaphore_mem>>)
      %dma_wait3A = arith.constant 0 : i32
      %dma_wait3A_78 = tpu.memref_slice %arg4[%mul3A_31, %dma_wait3A] : memref<5120x128xi32, #tpu.memory_space<hbm>> -> memref<160x128xi32, #tpu.memory_space<hbm>>
      %dma_wait3A_79 = arith.constant 0 : i32
      %dma_wait3A_80 = tpu.memref_slice %arg4[%mul3A_31, %dma_wait3A_79] : memref<5120x128xi32, #tpu.memory_space<hbm>> -> memref<160x128xi32, #tpu.memory_space<hbm>>
      tpu.wait_dma2 semaphore(%run_scoped3A : memref<!tpu.dma_semaphore, #tpu.memory_space<semaphore_mem>>) src(%dma_wait3A_80 : memref<160x128xi32, #tpu.memory_space<hbm>>) dst(%arg7 : memref<160x128xi32, #tpu.memory_space<vmem>>)
      tpu.yield
    }) : () -> ()
    %dma_start3A = arith.constant 0 : i32
    %dma_start3A_32 = arith.constant 0 : i32
    %dma_start3A_33 = tpu.memref_slice %arg6[%dma_start3A, %dma_start3A_32] : memref<160x128xi32, #tpu.memory_space<vmem>> -> memref<1x128xi32, #tpu.memory_space<vmem>>
    %dma_start3A_34 = tpu.memref_squeeze %dma_start3A_33 : memref<1x128xi32, #tpu.memory_space<vmem>> -> memref<128xi32, #tpu.memory_space<vmem>>
    %dma_start3A_35 = arith.constant 0 : i32
    %dma_start3A_36 = arith.constant 0 : i32
    %dma_start3A_37 = tpu.memref_slice %arg2[%dma_start3A_35, %dma_start3A_36] : memref<10240x32xf32, #tpu.memory_space<hbm>> -> memref<10240x32xf32, #tpu.memory_space<hbm>>
    tpu.enqueue_indirect_dma source(%dma_start3A_37 : memref<10240x32xf32, #tpu.memory_space<hbm>>) target(%arg8 : memref<128x32xf32, #tpu.memory_space<vmem>>) offsets(%dma_start3A_34 : memref<128xi32, #tpu.memory_space<vmem>>) semaphore(%arg13 : memref<!tpu.dma_semaphore, #tpu.memory_space<semaphore_mem>>)
    %dma_start3A_38 = arith.constant 1 : i32
    %dma_start3A_39 = arith.constant 0 : i32
    %dma_start3A_40 = tpu.memref_slice %arg6[%dma_start3A_38, %dma_start3A_39] : memref<160x128xi32, #tpu.memory_space<vmem>> -> memref<1x128xi32, #tpu.memory_space<vmem>>
    %dma_start3A_41 = tpu.memref_squeeze %dma_start3A_40 : memref<1x128xi32, #tpu.memory_space<vmem>> -> memref<128xi32, #tpu.memory_space<vmem>>
    %dma_start3A_42 = arith.constant 0 : i32
    %dma_start3A_43 = arith.constant 0 : i32
    %dma_start3A_44 = tpu.memref_slice %arg2[%dma_start3A_42, %dma_start3A_43] : memref<10240x32xf32, #tpu.memory_space<hbm>> -> memref<10240x32xf32, #tpu.memory_space<hbm>>
    tpu.enqueue_indirect_dma source(%dma_start3A_44 : memref<10240x32xf32, #tpu.memory_space<hbm>>) target(%arg9 : memref<128x32xf32, #tpu.memory_space<vmem>>) offsets(%dma_start3A_41 : memref<128xi32, #tpu.memory_space<vmem>>) semaphore(%arg14 : memref<!tpu.dma_semaphore, #tpu.memory_space<semaphore_mem>>)
    %dma_start3A_45 = arith.constant 2 : i32
    %dma_start3A_46 = arith.constant 0 : i32
    %dma_start3A_47 = tpu.memref_slice %arg6[%dma_start3A_45, %dma_start3A_46] : memref<160x128xi32, #tpu.memory_space<vmem>> -> memref<1x128xi32, #tpu.memory_space<vmem>>
    %dma_start3A_48 = tpu.memref_squeeze %dma_start3A_47 : memref<1x128xi32, #tpu.memory_space<vmem>> -> memref<128xi32, #tpu.memory_space<vmem>>
    %dma_start3A_49 = arith.constant 0 : i32
    %dma_start3A_50 = arith.constant 0 : i32
    %dma_start3A_51 = tpu.memref_slice %arg2[%dma_start3A_49, %dma_start3A_50] : memref<10240x32xf32, #tpu.memory_space<hbm>> -> memref<10240x32xf32, #tpu.memory_space<hbm>>
    tpu.enqueue_indirect_dma source(%dma_start3A_51 : memref<10240x32xf32, #tpu.memory_space<hbm>>) target(%arg10 : memref<128x32xf32, #tpu.memory_space<vmem>>) offsets(%dma_start3A_48 : memref<128xi32, #tpu.memory_space<vmem>>) semaphore(%arg15 : memref<!tpu.dma_semaphore, #tpu.memory_space<semaphore_mem>>)
    %dma_start3A_52 = arith.constant 3 : i32
    %dma_start3A_53 = arith.constant 0 : i32
    %dma_start3A_54 = tpu.memref_slice %arg6[%dma_start3A_52, %dma_start3A_53] : memref<160x128xi32, #tpu.memory_space<vmem>> -> memref<1x128xi32, #tpu.memory_space<vmem>>
    %dma_start3A_55 = tpu.memref_squeeze %dma_start3A_54 : memref<1x128xi32, #tpu.memory_space<vmem>> -> memref<128xi32, #tpu.memory_space<vmem>>
    %dma_start3A_56 = arith.constant 0 : i32
    %dma_start3A_57 = arith.constant 0 : i32
    %dma_start3A_58 = tpu.memref_slice %arg2[%dma_start3A_56, %dma_start3A_57] : memref<10240x32xf32, #tpu.memory_space<hbm>> -> memref<10240x32xf32, #tpu.memory_space<hbm>>
    tpu.enqueue_indirect_dma source(%dma_start3A_58 : memref<10240x32xf32, #tpu.memory_space<hbm>>) target(%arg11 : memref<128x32xf32, #tpu.memory_space<vmem>>) offsets(%dma_start3A_55 : memref<128xi32, #tpu.memory_space<vmem>>) semaphore(%arg16 : memref<!tpu.dma_semaphore, #tpu.memory_space<semaphore_mem>>)
    %scan3A_59 = arith.constant 0 : i32
    %scan3A_60 = arith.constant 0 : i32
    %scan3A_61 = arith.constant 40 : i32
    %scan3A_62 = arith.addi %scan3A_60, %scan3A_61 : i32
    %scan3A_63 = arith.constant 1 : i32
    %scan3A_64 = scf.for %scan3A_74 = %scan3A_60 to %scan3A_62 step %scan3A_63 iter_args(%scan3A_75 = %scan3A_59) -> (i32)  : i32 {
      %mul3A_76 = arith.constant 4 : i32
      %mul3A_77 = arith.muli %scan3A_74, %mul3A_76 : i32
      %add3A_78 = arith.constant 0 : i32
      %add3A_79 = arith.addi %mul3A_77, %add3A_78 : i32
      %dma_wait3A = arith.constant 0 : i32
      %dma_wait3A_80 = tpu.memref_slice %arg6[%add3A_79, %dma_wait3A] : memref<160x128xi32, #tpu.memory_space<vmem>> -> memref<1x128xi32, #tpu.memory_space<vmem>>
      %dma_wait3A_81 = tpu.memref_squeeze %dma_wait3A_80 : memref<1x128xi32, #tpu.memory_space<vmem>> -> memref<128xi32, #tpu.memory_space<vmem>>
      %dma_wait3A_82 = arith.constant 0 : i32
      %dma_wait3A_83 = arith.constant 0 : i32
      %dma_wait3A_84 = tpu.memref_slice %arg2[%dma_wait3A_82, %dma_wait3A_83] : memref<10240x32xf32, #tpu.memory_space<hbm>> -> memref<10240x32xf32, #tpu.memory_space<hbm>>
      tpu.wait_indirect_dma semaphore(%arg13 : memref<!tpu.dma_semaphore, #tpu.memory_space<semaphore_mem>>) src(%dma_wait3A_84 : memref<10240x32xf32, #tpu.memory_space<hbm>>) dst(%arg8 : memref<128x32xf32, #tpu.memory_space<vmem>>)
      "tpu.region"() ({
        %run_scoped3A = tpu.sem_alloc : memref<!tpu.dma_semaphore, #tpu.memory_space<semaphore_mem>>
        %dma_start3A_133 = arith.constant 0 : i32
        %dma_start3A_134 = tpu.memref_slice %arg7[%add3A_79, %dma_start3A_133] : memref<160x128xi32, #tpu.memory_space<vmem>> -> memref<1x128xi32, #tpu.memory_space<vmem>>
        %dma_start3A_135 = tpu.memref_squeeze %dma_start3A_134 : memref<1x128xi32, #tpu.memory_space<vmem>> -> memref<128xi32, #tpu.memory_space<vmem>>
        %dma_start3A_136 = arith.constant 0 : i32
        %dma_start3A_137 = arith.constant 0 : i32
        %dma_start3A_138 = tpu.memref_slice %arg12[%dma_start3A_136, %dma_start3A_137] : memref<10240x32xf32, #tpu.memory_space<vmem_shared>> -> memref<10240x32xf32, #tpu.memory_space<vmem_shared>>
        tpu.enqueue_indirect_dma source(%arg8 : memref<128x32xf32, #tpu.memory_space<vmem>>) target(%dma_start3A_138 : memref<10240x32xf32, #tpu.memory_space<vmem_shared>>) offsets(%dma_start3A_135 : memref<128xi32, #tpu.memory_space<vmem>>) semaphore(%run_scoped3A : memref<!tpu.dma_semaphore, #tpu.memory_space<semaphore_mem>>) {add = true}
        %dma_wait3A_139 = arith.constant 0 : i32
        %dma_wait3A_140 = tpu.memref_slice %arg7[%add3A_79, %dma_wait3A_139] : memref<160x128xi32, #tpu.memory_space<vmem>> -> memref<1x128xi32, #tpu.memory_space<vmem>>
        %dma_wait3A_141 = tpu.memref_squeeze %dma_wait3A_140 : memref<1x128xi32, #tpu.memory_space<vmem>> -> memref<128xi32, #tpu.memory_space<vmem>>
        %dma_wait3A_142 = arith.constant 0 : i32
        %dma_wait3A_143 = arith.constant 0 : i32
        %dma_wait3A_144 = tpu.memref_slice %arg12[%dma_wait3A_142, %dma_wait3A_143] : memref<10240x32xf32, #tpu.memory_space<vmem_shared>> -> memref<10240x32xf32, #tpu.memory_space<vmem_shared>>
        tpu.wait_indirect_dma semaphore(%run_scoped3A : memref<!tpu.dma_semaphore, #tpu.memory_space<semaphore_mem>>) src(%arg8 : memref<128x32xf32, #tpu.memory_space<vmem>>) dst(%dma_wait3A_144 : memref<10240x32xf32, #tpu.memory_space<vmem_shared>>)
        tpu.yield
      }) : () -> ()
      %lt3A = arith.constant 39 : i32
      %lt3A_85 = arith.cmpi slt, %scan3A_74, %lt3A : i32
      %convert_element_type3A = arith.extui %lt3A_85 : i1 to i32
      %cond3A = arith.constant 0 : i32
      %cond3A_86 = arith.cmpi ne, %convert_element_type3A, %cond3A : i32
      scf.if %cond3A_86 {
        %add3A_133 = arith.constant 4 : i32
        %add3A_134 = arith.addi %add3A_79, %add3A_133 : i32
        %dma_start3A_135 = arith.constant 0 : i32
        %dma_start3A_136 = tpu.memref_slice %arg6[%add3A_134, %dma_start3A_135] : memref<160x128xi32, #tpu.memory_space<vmem>> -> memref<1x128xi32, #tpu.memory_space<vmem>>
        %dma_start3A_137 = tpu.memref_squeeze %dma_start3A_136 : memref<1x128xi32, #tpu.memory_space<vmem>> -> memref<128xi32, #tpu.memory_space<vmem>>
        %dma_start3A_138 = arith.constant 0 : i32
        %dma_start3A_139 = arith.constant 0 : i32
        %dma_start3A_140 = tpu.memref_slice %arg2[%dma_start3A_138, %dma_start3A_139] : memref<10240x32xf32, #tpu.memory_space<hbm>> -> memref<10240x32xf32, #tpu.memory_space<hbm>>
        tpu.enqueue_indirect_dma source(%dma_start3A_140 : memref<10240x32xf32, #tpu.memory_space<hbm>>) target(%arg8 : memref<128x32xf32, #tpu.memory_space<vmem>>) offsets(%dma_start3A_137 : memref<128xi32, #tpu.memory_space<vmem>>) semaphore(%arg13 : memref<!tpu.dma_semaphore, #tpu.memory_space<semaphore_mem>>)
      } else {
      }
      %mul3A_87 = arith.constant 4 : i32
      %mul3A_88 = arith.muli %scan3A_74, %mul3A_87 : i32
      %add3A_89 = arith.constant 1 : i32
      %add3A_90 = arith.addi %mul3A_88, %add3A_89 : i32
      %dma_wait3A_91 = arith.constant 0 : i32
      %dma_wait3A_92 = tpu.memref_slice %arg6[%add3A_90, %dma_wait3A_91] : memref<160x128xi32, #tpu.memory_space<vmem>> -> memref<1x128xi32, #tpu.memory_space<vmem>>
      %dma_wait3A_93 = tpu.memref_squeeze %dma_wait3A_92 : memref<1x128xi32, #tpu.memory_space<vmem>> -> memref<128xi32, #tpu.memory_space<vmem>>
      %dma_wait3A_94 = arith.constant 0 : i32
      %dma_wait3A_95 = arith.constant 0 : i32
      %dma_wait3A_96 = tpu.memref_slice %arg2[%dma_wait3A_94, %dma_wait3A_95] : memref<10240x32xf32, #tpu.memory_space<hbm>> -> memref<10240x32xf32, #tpu.memory_space<hbm>>
      tpu.wait_indirect_dma semaphore(%arg14 : memref<!tpu.dma_semaphore, #tpu.memory_space<semaphore_mem>>) src(%dma_wait3A_96 : memref<10240x32xf32, #tpu.memory_space<hbm>>) dst(%arg9 : memref<128x32xf32, #tpu.memory_space<vmem>>)
      "tpu.region"() ({
        %run_scoped3A = tpu.sem_alloc : memref<!tpu.dma_semaphore, #tpu.memory_space<semaphore_mem>>
        %dma_start3A_133 = arith.constant 0 : i32
        %dma_start3A_134 = tpu.memref_slice %arg7[%add3A_90, %dma_start3A_133] : memref<160x128xi32, #tpu.memory_space<vmem>> -> memref<1x128xi32, #tpu.memory_space<vmem>>
        %dma_start3A_135 = tpu.memref_squeeze %dma_start3A_134 : memref<1x128xi32, #tpu.memory_space<vmem>> -> memref<128xi32, #tpu.memory_space<vmem>>
        %dma_start3A_136 = arith.constant 0 : i32
        %dma_start3A_137 = arith.constant 0 : i32
        %dma_start3A_138 = tpu.memref_slice %arg12[%dma_start3A_136, %dma_start3A_137] : memref<10240x32xf32, #tpu.memory_space<vmem_shared>> -> memref<10240x32xf32, #tpu.memory_space<vmem_shared>>
        tpu.enqueue_indirect_dma source(%arg9 : memref<128x32xf32, #tpu.memory_space<vmem>>) target(%dma_start3A_138 : memref<10240x32xf32, #tpu.memory_space<vmem_shared>>) offsets(%dma_start3A_135 : memref<128xi32, #tpu.memory_space<vmem>>) semaphore(%run_scoped3A : memref<!tpu.dma_semaphore, #tpu.memory_space<semaphore_mem>>) {add = true}
        %dma_wait3A_139 = arith.constant 0 : i32
        %dma_wait3A_140 = tpu.memref_slice %arg7[%add3A_90, %dma_wait3A_139] : memref<160x128xi32, #tpu.memory_space<vmem>> -> memref<1x128xi32, #tpu.memory_space<vmem>>
        %dma_wait3A_141 = tpu.memref_squeeze %dma_wait3A_140 : memref<1x128xi32, #tpu.memory_space<vmem>> -> memref<128xi32, #tpu.memory_space<vmem>>
        %dma_wait3A_142 = arith.constant 0 : i32
        %dma_wait3A_143 = arith.constant 0 : i32
        %dma_wait3A_144 = tpu.memref_slice %arg12[%dma_wait3A_142, %dma_wait3A_143] : memref<10240x32xf32, #tpu.memory_space<vmem_shared>> -> memref<10240x32xf32, #tpu.memory_space<vmem_shared>>
        tpu.wait_indirect_dma semaphore(%run_scoped3A : memref<!tpu.dma_semaphore, #tpu.memory_space<semaphore_mem>>) src(%arg9 : memref<128x32xf32, #tpu.memory_space<vmem>>) dst(%dma_wait3A_144 : memref<10240x32xf32, #tpu.memory_space<vmem_shared>>)
        tpu.yield
      }) : () -> ()
      %lt3A_97 = arith.constant 39 : i32
      %lt3A_98 = arith.cmpi slt, %scan3A_74, %lt3A_97 : i32
      %convert_element_type3A_99 = arith.extui %lt3A_98 : i1 to i32
      %cond3A_100 = arith.constant 0 : i32
      %cond3A_101 = arith.cmpi ne, %convert_element_type3A_99, %cond3A_100 : i32
      scf.if %cond3A_101 {
        %add3A_133 = arith.constant 4 : i32
        %add3A_134 = arith.addi %add3A_90, %add3A_133 : i32
        %dma_start3A_135 = arith.constant 0 : i32
        %dma_start3A_136 = tpu.memref_slice %arg6[%add3A_134, %dma_start3A_135] : memref<160x128xi32, #tpu.memory_space<vmem>> -> memref<1x128xi32, #tpu.memory_space<vmem>>
        %dma_start3A_137 = tpu.memref_squeeze %dma_start3A_136 : memref<1x128xi32, #tpu.memory_space<vmem>> -> memref<128xi32, #tpu.memory_space<vmem>>
        %dma_start3A_138 = arith.constant 0 : i32
        %dma_start3A_139 = arith.constant 0 : i32
        %dma_start3A_140 = tpu.memref_slice %arg2[%dma_start3A_138, %dma_start3A_139] : memref<10240x32xf32, #tpu.memory_space<hbm>> -> memref<10240x32xf32, #tpu.memory_space<hbm>>
        tpu.enqueue_indirect_dma source(%dma_start3A_140 : memref<10240x32xf32, #tpu.memory_space<hbm>>) target(%arg9 : memref<128x32xf32, #tpu.memory_space<vmem>>) offsets(%dma_start3A_137 : memref<128xi32, #tpu.memory_space<vmem>>) semaphore(%arg14 : memref<!tpu.dma_semaphore, #tpu.memory_space<semaphore_mem>>)
      } else {
      }
      %mul3A_102 = arith.constant 4 : i32
      %mul3A_103 = arith.muli %scan3A_74, %mul3A_102 : i32
      %add3A_104 = arith.constant 2 : i32
      %add3A_105 = arith.addi %mul3A_103, %add3A_104 : i32
      %dma_wait3A_106 = arith.constant 0 : i32
      %dma_wait3A_107 = tpu.memref_slice %arg6[%add3A_105, %dma_wait3A_106] : memref<160x128xi32, #tpu.memory_space<vmem>> -> memref<1x128xi32, #tpu.memory_space<vmem>>
      %dma_wait3A_108 = tpu.memref_squeeze %dma_wait3A_107 : memref<1x128xi32, #tpu.memory_space<vmem>> -> memref<128xi32, #tpu.memory_space<vmem>>
      %dma_wait3A_109 = arith.constant 0 : i32
      %dma_wait3A_110 = arith.constant 0 : i32
      %dma_wait3A_111 = tpu.memref_slice %arg2[%dma_wait3A_109, %dma_wait3A_110] : memref<10240x32xf32, #tpu.memory_space<hbm>> -> memref<10240x32xf32, #tpu.memory_space<hbm>>
      tpu.wait_indirect_dma semaphore(%arg15 : memref<!tpu.dma_semaphore, #tpu.memory_space<semaphore_mem>>) src(%dma_wait3A_111 : memref<10240x32xf32, #tpu.memory_space<hbm>>) dst(%arg10 : memref<128x32xf32, #tpu.memory_space<vmem>>)
      "tpu.region"() ({
        %run_scoped3A = tpu.sem_alloc : memref<!tpu.dma_semaphore, #tpu.memory_space<semaphore_mem>>
        %dma_start3A_133 = arith.constant 0 : i32
        %dma_start3A_134 = tpu.memref_slice %arg7[%add3A_105, %dma_start3A_133] : memref<160x128xi32, #tpu.memory_space<vmem>> -> memref<1x128xi32, #tpu.memory_space<vmem>>
        %dma_start3A_135 = tpu.memref_squeeze %dma_start3A_134 : memref<1x128xi32, #tpu.memory_space<vmem>> -> memref<128xi32, #tpu.memory_space<vmem>>
        %dma_start3A_136 = arith.constant 0 : i32
        %dma_start3A_137 = arith.constant 0 : i32
        %dma_start3A_138 = tpu.memref_slice %arg12[%dma_start3A_136, %dma_start3A_137] : memref<10240x32xf32, #tpu.memory_space<vmem_shared>> -> memref<10240x32xf32, #tpu.memory_space<vmem_shared>>
        tpu.enqueue_indirect_dma source(%arg10 : memref<128x32xf32, #tpu.memory_space<vmem>>) target(%dma_start3A_138 : memref<10240x32xf32, #tpu.memory_space<vmem_shared>>) offsets(%dma_start3A_135 : memref<128xi32, #tpu.memory_space<vmem>>) semaphore(%run_scoped3A : memref<!tpu.dma_semaphore, #tpu.memory_space<semaphore_mem>>) {add = true}
        %dma_wait3A_139 = arith.constant 0 : i32
        %dma_wait3A_140 = tpu.memref_slice %arg7[%add3A_105, %dma_wait3A_139] : memref<160x128xi32, #tpu.memory_space<vmem>> -> memref<1x128xi32, #tpu.memory_space<vmem>>
        %dma_wait3A_141 = tpu.memref_squeeze %dma_wait3A_140 : memref<1x128xi32, #tpu.memory_space<vmem>> -> memref<128xi32, #tpu.memory_space<vmem>>
        %dma_wait3A_142 = arith.constant 0 : i32
        %dma_wait3A_143 = arith.constant 0 : i32
        %dma_wait3A_144 = tpu.memref_slice %arg12[%dma_wait3A_142, %dma_wait3A_143] : memref<10240x32xf32, #tpu.memory_space<vmem_shared>> -> memref<10240x32xf32, #tpu.memory_space<vmem_shared>>
        tpu.wait_indirect_dma semaphore(%run_scoped3A : memref<!tpu.dma_semaphore, #tpu.memory_space<semaphore_mem>>) src(%arg10 : memref<128x32xf32, #tpu.memory_space<vmem>>) dst(%dma_wait3A_144 : memref<10240x32xf32, #tpu.memory_space<vmem_shared>>)
        tpu.yield
      }) : () -> ()
      %lt3A_112 = arith.constant 39 : i32
      %lt3A_113 = arith.cmpi slt, %scan3A_74, %lt3A_112 : i32
      %convert_element_type3A_114 = arith.extui %lt3A_113 : i1 to i32
      %cond3A_115 = arith.constant 0 : i32
      %cond3A_116 = arith.cmpi ne, %convert_element_type3A_114, %cond3A_115 : i32
      scf.if %cond3A_116 {
        %add3A_133 = arith.constant 4 : i32
        %add3A_134 = arith.addi %add3A_105, %add3A_133 : i32
        %dma_start3A_135 = arith.constant 0 : i32
        %dma_start3A_136 = tpu.memref_slice %arg6[%add3A_134, %dma_start3A_135] : memref<160x128xi32, #tpu.memory_space<vmem>> -> memref<1x128xi32, #tpu.memory_space<vmem>>
        %dma_start3A_137 = tpu.memref_squeeze %dma_start3A_136 : memref<1x128xi32, #tpu.memory_space<vmem>> -> memref<128xi32, #tpu.memory_space<vmem>>
        %dma_start3A_138 = arith.constant 0 : i32
        %dma_start3A_139 = arith.constant 0 : i32
        %dma_start3A_140 = tpu.memref_slice %arg2[%dma_start3A_138, %dma_start3A_139] : memref<10240x32xf32, #tpu.memory_space<hbm>> -> memref<10240x32xf32, #tpu.memory_space<hbm>>
        tpu.enqueue_indirect_dma source(%dma_start3A_140 : memref<10240x32xf32, #tpu.memory_space<hbm>>) target(%arg10 : memref<128x32xf32, #tpu.memory_space<vmem>>) offsets(%dma_start3A_137 : memref<128xi32, #tpu.memory_space<vmem>>) semaphore(%arg15 : memref<!tpu.dma_semaphore, #tpu.memory_space<semaphore_mem>>)
      } else {
      }
      %mul3A_117 = arith.constant 4 : i32
      %mul3A_118 = arith.muli %scan3A_74, %mul3A_117 : i32
      %add3A_119 = arith.constant 3 : i32
      %add3A_120 = arith.addi %mul3A_118, %add3A_119 : i32
      %dma_wait3A_121 = arith.constant 0 : i32
      %dma_wait3A_122 = tpu.memref_slice %arg6[%add3A_120, %dma_wait3A_121] : memref<160x128xi32, #tpu.memory_space<vmem>> -> memref<1x128xi32, #tpu.memory_space<vmem>>
      %dma_wait3A_123 = tpu.memref_squeeze %dma_wait3A_122 : memref<1x128xi32, #tpu.memory_space<vmem>> -> memref<128xi32, #tpu.memory_space<vmem>>
      %dma_wait3A_124 = arith.constant 0 : i32
      %dma_wait3A_125 = arith.constant 0 : i32
      %dma_wait3A_126 = tpu.memref_slice %arg2[%dma_wait3A_124, %dma_wait3A_125] : memref<10240x32xf32, #tpu.memory_space<hbm>> -> memref<10240x32xf32, #tpu.memory_space<hbm>>
      tpu.wait_indirect_dma semaphore(%arg16 : memref<!tpu.dma_semaphore, #tpu.memory_space<semaphore_mem>>) src(%dma_wait3A_126 : memref<10240x32xf32, #tpu.memory_space<hbm>>) dst(%arg11 : memref<128x32xf32, #tpu.memory_space<vmem>>)
      "tpu.region"() ({
        %run_scoped3A = tpu.sem_alloc : memref<!tpu.dma_semaphore, #tpu.memory_space<semaphore_mem>>
        %dma_start3A_133 = arith.constant 0 : i32
        %dma_start3A_134 = tpu.memref_slice %arg7[%add3A_120, %dma_start3A_133] : memref<160x128xi32, #tpu.memory_space<vmem>> -> memref<1x128xi32, #tpu.memory_space<vmem>>
        %dma_start3A_135 = tpu.memref_squeeze %dma_start3A_134 : memref<1x128xi32, #tpu.memory_space<vmem>> -> memref<128xi32, #tpu.memory_space<vmem>>
        %dma_start3A_136 = arith.constant 0 : i32
        %dma_start3A_137 = arith.constant 0 : i32
        %dma_start3A_138 = tpu.memref_slice %arg12[%dma_start3A_136, %dma_start3A_137] : memref<10240x32xf32, #tpu.memory_space<vmem_shared>> -> memref<10240x32xf32, #tpu.memory_space<vmem_shared>>
        tpu.enqueue_indirect_dma source(%arg11 : memref<128x32xf32, #tpu.memory_space<vmem>>) target(%dma_start3A_138 : memref<10240x32xf32, #tpu.memory_space<vmem_shared>>) offsets(%dma_start3A_135 : memref<128xi32, #tpu.memory_space<vmem>>) semaphore(%run_scoped3A : memref<!tpu.dma_semaphore, #tpu.memory_space<semaphore_mem>>) {add = true}
        %dma_wait3A_139 = arith.constant 0 : i32
        %dma_wait3A_140 = tpu.memref_slice %arg7[%add3A_120, %dma_wait3A_139] : memref<160x128xi32, #tpu.memory_space<vmem>> -> memref<1x128xi32, #tpu.memory_space<vmem>>
        %dma_wait3A_141 = tpu.memref_squeeze %dma_wait3A_140 : memref<1x128xi32, #tpu.memory_space<vmem>> -> memref<128xi32, #tpu.memory_space<vmem>>
        %dma_wait3A_142 = arith.constant 0 : i32
        %dma_wait3A_143 = arith.constant 0 : i32
        %dma_wait3A_144 = tpu.memref_slice %arg12[%dma_wait3A_142, %dma_wait3A_143] : memref<10240x32xf32, #tpu.memory_space<vmem_shared>> -> memref<10240x32xf32, #tpu.memory_space<vmem_shared>>
        tpu.wait_indirect_dma semaphore(%run_scoped3A : memref<!tpu.dma_semaphore, #tpu.memory_space<semaphore_mem>>) src(%arg11 : memref<128x32xf32, #tpu.memory_space<vmem>>) dst(%dma_wait3A_144 : memref<10240x32xf32, #tpu.memory_space<vmem_shared>>)
        tpu.yield
      }) : () -> ()
      %lt3A_127 = arith.constant 39 : i32
      %lt3A_128 = arith.cmpi slt, %scan3A_74, %lt3A_127 : i32
      %convert_element_type3A_129 = arith.extui %lt3A_128 : i1 to i32
      %cond3A_130 = arith.constant 0 : i32
      %cond3A_131 = arith.cmpi ne, %convert_element_type3A_129, %cond3A_130 : i32
      scf.if %cond3A_131 {
        %add3A_133 = arith.constant 4 : i32
        %add3A_134 = arith.addi %add3A_120, %add3A_133 : i32
        %dma_start3A_135 = arith.constant 0 : i32
        %dma_start3A_136 = tpu.memref_slice %arg6[%add3A_134, %dma_start3A_135] : memref<160x128xi32, #tpu.memory_space<vmem>> -> memref<1x128xi32, #tpu.memory_space<vmem>>
        %dma_start3A_137 = tpu.memref_squeeze %dma_start3A_136 : memref<1x128xi32, #tpu.memory_space<vmem>> -> memref<128xi32, #tpu.memory_space<vmem>>
        %dma_start3A_138 = arith.constant 0 : i32
        %dma_start3A_139 = arith.constant 0 : i32
        %dma_start3A_140 = tpu.memref_slice %arg2[%dma_start3A_138, %dma_start3A_139] : memref<10240x32xf32, #tpu.memory_space<hbm>> -> memref<10240x32xf32, #tpu.memory_space<hbm>>
        tpu.enqueue_indirect_dma source(%dma_start3A_140 : memref<10240x32xf32, #tpu.memory_space<hbm>>) target(%arg11 : memref<128x32xf32, #tpu.memory_space<vmem>>) offsets(%dma_start3A_137 : memref<128xi32, #tpu.memory_space<vmem>>) semaphore(%arg16 : memref<!tpu.dma_semaphore, #tpu.memory_space<semaphore_mem>>)
      } else {
      }
      %scan3A_132 = arith.constant 0 : i32
      scf.yield %scan3A_132 : i32
    }
    %scan3A_65 = arith.constant 40 : i32
    %barrier3A_66 = arith.constant 0 : index
    tpu.barrier barrier_id(%barrier3A_66)
    %mul3A_67 = arith.constant 640 : i32
    %mul3A_68 = arith.muli %arg1, %mul3A_67 : i32
    %mul3A_69 = arith.constant 10240 : i32
    %mul3A_70 = arith.muli %arg0, %mul3A_69 : i32
    %mul3A_71 = arith.constant 640 : i32
    %mul3A_72 = arith.muli %arg1, %mul3A_71 : i32
    %add3A_73 = arith.addi %mul3A_70, %mul3A_72 : i32
    "tpu.region"() ({
      %run_scoped3A = tpu.sem_alloc : memref<!tpu.dma_semaphore, #tpu.memory_space<semaphore_mem>>
      %dma_start3A_74 = arith.constant 0 : i32
      %dma_start3A_75 = tpu.memref_slice %arg5[%add3A_73, %dma_start3A_74] : memref<20480x32xf32, #tpu.memory_space<hbm>> -> memref<640x32xf32, #tpu.memory_space<hbm>>
      %dma_start3A_76 = arith.constant 0 : i32
      %dma_start3A_77 = tpu.memref_slice %arg12[%mul3A_68, %dma_start3A_76] : memref<10240x32xf32, #tpu.memory_space<vmem_shared>> -> memref<640x32xf32, #tpu.memory_space<vmem_shared>>
      tpu.enqueue_dma source(%dma_start3A_77 : memref<640x32xf32, #tpu.memory_space<vmem_shared>>) target(%dma_start3A_75 : memref<640x32xf32, #tpu.memory_space<hbm>>) target_semaphore(%run_scoped3A : memref<!tpu.dma_semaphore, #tpu.memory_space<semaphore_mem>>)
      %dma_wait3A = arith.constant 0 : i32
      %dma_wait3A_78 = tpu.memref_slice %arg5[%add3A_73, %dma_wait3A] : memref<20480x32xf32, #tpu.memory_space<hbm>> -> memref<640x32xf32, #tpu.memory_space<hbm>>
      %dma_wait3A_79 = arith.constant 0 : i32
      %dma_wait3A_80 = tpu.memref_slice %arg12[%mul3A_68, %dma_wait3A_79] : memref<10240x32xf32, #tpu.memory_space<vmem_shared>> -> memref<640x32xf32, #tpu.memory_space<vmem_shared>>
      tpu.wait_dma2 semaphore(%run_scoped3A : memref<!tpu.dma_semaphore, #tpu.memory_space<semaphore_mem>>) src(%dma_wait3A_80 : memref<640x32xf32, #tpu.memory_space<vmem_shared>>) dst(%dma_wait3A_78 : memref<640x32xf32, #tpu.memory_space<hbm>>)
      tpu.yield
    }) : () -> ()
    return
  }
}

#map = affine_map<(d0, d1) -> (0, 0)>
module attributes {stable_mosaic.version = 14 : i64} {
  func.func @agg(%arg0: i32, %arg1: i32, %arg2: memref<10240x32xf32, #tpu.memory_space<hbm>>, %arg3: memref<5120x128xi32, #tpu.memory_space<hbm>>, %arg4: memref<5120x128xi32, #tpu.memory_space<hbm>>, %arg5: memref<20480x32xf32, #tpu.memory_space<hbm>>, %arg6: memref<160x128xi32, #tpu.memory_space<vmem>>, %arg7: memref<160x128xi32, #tpu.memory_space<vmem>>, %arg8: memref<128x32xf32, #tpu.memory_space<vmem>>, %arg9: memref<128x32xf32, #tpu.memory_space<vmem>>, %arg10: memref<128x32xf32, #tpu.memory_space<vmem>>, %arg11: memref<128x32xf32, #tpu.memory_space<vmem>>, %arg12: memref<10240x32xf32, #tpu.memory_space<vmem_shared>>, %arg13: memref<!tpu.dma_semaphore, #tpu.memory_space<semaphore_mem>>, %arg14: memref<!tpu.dma_semaphore, #tpu.memory_space<semaphore_mem>>, %arg15: memref<!tpu.dma_semaphore, #tpu.memory_space<semaphore_mem>>, %arg16: memref<!tpu.dma_semaphore, #tpu.memory_space<semaphore_mem>>) attributes {dimension_semantics = [#tpu.dimension_semantics<core_parallel>, #tpu.dimension_semantics<subcore_parallel>], iteration_bounds = array<i64: 2, 16>, scalar_prefetch = 0 : i64, scratch_operands = 11 : i64, tpu.core_type = #tpu.core_type<sc_vector_subcore>, window_params = [{transform_indices = #map}, {transform_indices = #map}, {transform_indices = #map}, {transform_indices = #map}]} {
    %mul3A = arith.constant 2 : i32
    %mul3A_0 = arith.muli %arg1, %mul3A : i32
    %add3A = arith.addi %mul3A_0, %arg0 : i32
    %broadcast_in_dim3A = arith.constant 0.000000e+00 : f32
    %broadcast_in_dim3A_1 = vector.broadcast %broadcast_in_dim3A : f32 to vector<16xf32>
    %scan3A = arith.constant 0 : i32
    %scan3A_2 = arith.constant 0 : i32
    %scan3A_3 = arith.constant 256 : i32
    %scan3A_4 = arith.addi %scan3A_2, %scan3A_3 : i32
    %scan3A_5 = arith.constant 1 : i32
    %scan3A_6 = scf.for %scan3A_74 = %scan3A_2 to %scan3A_4 step %scan3A_5 iter_args(%scan3A_75 = %scan3A) -> (i32)  : i32 {
      %jit3A = arith.constant 2 : i32
      %div3A = arith.divsi %scan3A_74, %jit3A : i32
      %sign3A = arith.constant 0 : i32
      %sign3A_76 = arith.cmpi sgt, %scan3A_74, %sign3A : i32
      %sign3A_77 = arith.extui %sign3A_76 : i1 to i32
      %sign3A_78 = arith.constant 0 : i32
      %sign3A_79 = arith.cmpi slt, %scan3A_74, %sign3A_78 : i32
      %sign3A_80 = arith.extui %sign3A_79 : i1 to i32
      %sign3A_81 = arith.subi %sign3A_77, %sign3A_80 : i32
      %sign3A_82 = arith.constant 0 : i32
      %sign3A_83 = arith.cmpi sgt, %jit3A, %sign3A_82 : i32
      %sign3A_84 = arith.extui %sign3A_83 : i1 to i32
      %sign3A_85 = arith.constant 0 : i32
      %sign3A_86 = arith.cmpi slt, %jit3A, %sign3A_85 : i32
      %sign3A_87 = arith.extui %sign3A_86 : i1 to i32
      %sign3A_88 = arith.subi %sign3A_84, %sign3A_87 : i32
      %ne3A = arith.cmpi ne, %sign3A_81, %sign3A_88 : i32
      %rem3A = arith.remsi %scan3A_74, %jit3A : i32
      %ne3A_89 = arith.constant 0 : i32
      %ne3A_90 = arith.cmpi ne, %rem3A, %ne3A_89 : i32
      %and3A = arith.andi %ne3A, %ne3A_90 : i1
      %sub3A = arith.constant 1 : i32
      %sub3A_91 = arith.subi %div3A, %sub3A : i32
      %select_n3A = arith.select %and3A, %sub3A_91, %div3A : i32
      %jit3A_92 = arith.constant 2 : i32
      %eq3A = arith.constant 0 : i32
      %eq3A_93 = arith.cmpi eq, %jit3A_92, %eq3A : i32
      %jit3A_94 = arith.constant 1 : i32
      %select_n3A_95 = arith.select %eq3A_93, %jit3A_94, %jit3A_92 : i32
      %rem3A_96 = arith.remsi %scan3A_74, %select_n3A_95 : i32
      %ne3A_97 = arith.constant 0 : i32
      %ne3A_98 = arith.cmpi ne, %rem3A_96, %ne3A_97 : i32
      %lt3A = arith.constant 0 : i32
      %lt3A_99 = arith.cmpi slt, %rem3A_96, %lt3A : i32
      %lt3A_100 = arith.constant 0 : i32
      %lt3A_101 = arith.cmpi slt, %select_n3A_95, %lt3A_100 : i32
      %ne3A_102 = arith.xori %lt3A_99, %lt3A_101 : i1
      %and3A_103 = arith.andi %ne3A_102, %ne3A_98 : i1
      %add3A_104 = arith.addi %rem3A_96, %select_n3A_95 : i32
      %select_n3A_105 = arith.select %and3A_103, %add3A_104, %rem3A_96 : i32
      %mul3A_106 = arith.constant 16 : i32
      %mul3A_107 = arith.muli %select_n3A_105, %mul3A_106 : i32
      %swap3A = arith.index_cast %select_n3A : i32 to index
      %swap3A_108 = arith.index_cast %mul3A_107 : i32 to index
      %swap3A_109 = tpu.vector_load %arg8[%swap3A, %swap3A_108] {strides = array<i32>} : memref<128x32xf32, #tpu.memory_space<vmem>>, vector<1x16xf32>,
      %swap3A_110 = vector.shape_cast %swap3A_109 : vector<1x16xf32> to vector<16xf32>
      %swap3A_111 = vector.shape_cast %broadcast_in_dim3A_1 : vector<16xf32> to vector<1x16xf32>
      tpu.vector_store %arg8[%swap3A, %swap3A_108], %swap3A_111 {strides = array<i32>} : memref<128x32xf32, #tpu.memory_space<vmem>>, vector<1x16xf32>,
      %scan3A_112 = arith.constant 0 : i32
      scf.yield %scan3A_112 : i32
    }
    %scan3A_7 = arith.constant 256 : i32
    %mul3A_8 = arith.constant 640 : i32
    %mul3A_9 = arith.muli %arg1, %mul3A_8 : i32
    %add3A_10 = arith.constant 0 : i32
    %add3A_11 = arith.addi %mul3A_9, %add3A_10 : i32
    "tpu.region"() ({
      %run_scoped3A = tpu.sem_alloc : memref<!tpu.dma_semaphore, #tpu.memory_space<semaphore_mem>>
      %dma_start3A_74 = arith.constant 0 : i32
      %dma_start3A_75 = tpu.memref_slice %arg12[%add3A_11, %dma_start3A_74] : memref<10240x32xf32, #tpu.memory_space<vmem_shared>> -> memref<128x32xf32, #tpu.memory_space<vmem_shared>>
      %dma_start3A_76 = arith.constant 0 : i32
      %dma_start3A_77 = tpu.memref_slice %arg12[%add3A_11, %dma_start3A_76] : memref<10240x32xf32, #tpu.memory_space<vmem_shared>> -> memref<128x32xf32, #tpu.memory_space<vmem_shared>>
      tpu.enqueue_dma source(%arg8 : memref<128x32xf32, #tpu.memory_space<vmem>>) target(%dma_start3A_77 : memref<128x32xf32, #tpu.memory_space<vmem_shared>>) target_semaphore(%run_scoped3A : memref<!tpu.dma_semaphore, #tpu.memory_space<semaphore_mem>>)
      %dma_wait3A = arith.constant 0 : i32
      %dma_wait3A_78 = tpu.memref_slice %arg12[%add3A_11, %dma_wait3A] : memref<10240x32xf32, #tpu.memory_space<vmem_shared>> -> memref<128x32xf32, #tpu.memory_space<vmem_shared>>
      %dma_wait3A_79 = arith.constant 0 : i32
      %dma_wait3A_80 = tpu.memref_slice %arg12[%add3A_11, %dma_wait3A_79] : memref<10240x32xf32, #tpu.memory_space<vmem_shared>> -> memref<128x32xf32, #tpu.memory_space<vmem_shared>>
      tpu.wait_dma2 semaphore(%run_scoped3A : memref<!tpu.dma_semaphore, #tpu.memory_space<semaphore_mem>>) src(%arg8 : memref<128x32xf32, #tpu.memory_space<vmem>>) dst(%dma_wait3A_80 : memref<128x32xf32, #tpu.memory_space<vmem_shared>>)
      tpu.yield
    }) : () -> ()
    %mul3A_12 = arith.constant 640 : i32
    %mul3A_13 = arith.muli %arg1, %mul3A_12 : i32
    %add3A_14 = arith.constant 128 : i32
    %add3A_15 = arith.addi %mul3A_13, %add3A_14 : i32
    "tpu.region"() ({
      %run_scoped3A = tpu.sem_alloc : memref<!tpu.dma_semaphore, #tpu.memory_space<semaphore_mem>>
      %dma_start3A_74 = arith.constant 0 : i32
      %dma_start3A_75 = tpu.memref_slice %arg12[%add3A_15, %dma_start3A_74] : memref<10240x32xf32, #tpu.memory_space<vmem_shared>> -> memref<128x32xf32, #tpu.memory_space<vmem_shared>>
      %dma_start3A_76 = arith.constant 0 : i32
      %dma_start3A_77 = tpu.memref_slice %arg12[%add3A_15, %dma_start3A_76] : memref<10240x32xf32, #tpu.memory_space<vmem_shared>> -> memref<128x32xf32, #tpu.memory_space<vmem_shared>>
      tpu.enqueue_dma source(%arg8 : memref<128x32xf32, #tpu.memory_space<vmem>>) target(%dma_start3A_77 : memref<128x32xf32, #tpu.memory_space<vmem_shared>>) target_semaphore(%run_scoped3A : memref<!tpu.dma_semaphore, #tpu.memory_space<semaphore_mem>>)
      %dma_wait3A = arith.constant 0 : i32
      %dma_wait3A_78 = tpu.memref_slice %arg12[%add3A_15, %dma_wait3A] : memref<10240x32xf32, #tpu.memory_space<vmem_shared>> -> memref<128x32xf32, #tpu.memory_space<vmem_shared>>
      %dma_wait3A_79 = arith.constant 0 : i32
      %dma_wait3A_80 = tpu.memref_slice %arg12[%add3A_15, %dma_wait3A_79] : memref<10240x32xf32, #tpu.memory_space<vmem_shared>> -> memref<128x32xf32, #tpu.memory_space<vmem_shared>>
      tpu.wait_dma2 semaphore(%run_scoped3A : memref<!tpu.dma_semaphore, #tpu.memory_space<semaphore_mem>>) src(%arg8 : memref<128x32xf32, #tpu.memory_space<vmem>>) dst(%dma_wait3A_80 : memref<128x32xf32, #tpu.memory_space<vmem_shared>>)
      tpu.yield
    }) : () -> ()
    %mul3A_16 = arith.constant 640 : i32
    %mul3A_17 = arith.muli %arg1, %mul3A_16 : i32
    %add3A_18 = arith.constant 256 : i32
    %add3A_19 = arith.addi %mul3A_17, %add3A_18 : i32
    "tpu.region"() ({
      %run_scoped3A = tpu.sem_alloc : memref<!tpu.dma_semaphore, #tpu.memory_space<semaphore_mem>>
      %dma_start3A_74 = arith.constant 0 : i32
      %dma_start3A_75 = tpu.memref_slice %arg12[%add3A_19, %dma_start3A_74] : memref<10240x32xf32, #tpu.memory_space<vmem_shared>> -> memref<128x32xf32, #tpu.memory_space<vmem_shared>>
      %dma_start3A_76 = arith.constant 0 : i32
      %dma_start3A_77 = tpu.memref_slice %arg12[%add3A_19, %dma_start3A_76] : memref<10240x32xf32, #tpu.memory_space<vmem_shared>> -> memref<128x32xf32, #tpu.memory_space<vmem_shared>>
      tpu.enqueue_dma source(%arg8 : memref<128x32xf32, #tpu.memory_space<vmem>>) target(%dma_start3A_77 : memref<128x32xf32, #tpu.memory_space<vmem_shared>>) target_semaphore(%run_scoped3A : memref<!tpu.dma_semaphore, #tpu.memory_space<semaphore_mem>>)
      %dma_wait3A = arith.constant 0 : i32
      %dma_wait3A_78 = tpu.memref_slice %arg12[%add3A_19, %dma_wait3A] : memref<10240x32xf32, #tpu.memory_space<vmem_shared>> -> memref<128x32xf32, #tpu.memory_space<vmem_shared>>
      %dma_wait3A_79 = arith.constant 0 : i32
      %dma_wait3A_80 = tpu.memref_slice %arg12[%add3A_19, %dma_wait3A_79] : memref<10240x32xf32, #tpu.memory_space<vmem_shared>> -> memref<128x32xf32, #tpu.memory_space<vmem_shared>>
      tpu.wait_dma2 semaphore(%run_scoped3A : memref<!tpu.dma_semaphore, #tpu.memory_space<semaphore_mem>>) src(%arg8 : memref<128x32xf32, #tpu.memory_space<vmem>>) dst(%dma_wait3A_80 : memref<128x32xf32, #tpu.memory_space<vmem_shared>>)
      tpu.yield
    }) : () -> ()
    %mul3A_20 = arith.constant 640 : i32
    %mul3A_21 = arith.muli %arg1, %mul3A_20 : i32
    %add3A_22 = arith.constant 384 : i32
    %add3A_23 = arith.addi %mul3A_21, %add3A_22 : i32
    "tpu.region"() ({
      %run_scoped3A = tpu.sem_alloc : memref<!tpu.dma_semaphore, #tpu.memory_space<semaphore_mem>>
      %dma_start3A_74 = arith.constant 0 : i32
      %dma_start3A_75 = tpu.memref_slice %arg12[%add3A_23, %dma_start3A_74] : memref<10240x32xf32, #tpu.memory_space<vmem_shared>> -> memref<128x32xf32, #tpu.memory_space<vmem_shared>>
      %dma_start3A_76 = arith.constant 0 : i32
      %dma_start3A_77 = tpu.memref_slice %arg12[%add3A_23, %dma_start3A_76] : memref<10240x32xf32, #tpu.memory_space<vmem_shared>> -> memref<128x32xf32, #tpu.memory_space<vmem_shared>>
      tpu.enqueue_dma source(%arg8 : memref<128x32xf32, #tpu.memory_space<vmem>>) target(%dma_start3A_77 : memref<128x32xf32, #tpu.memory_space<vmem_shared>>) target_semaphore(%run_scoped3A : memref<!tpu.dma_semaphore, #tpu.memory_space<semaphore_mem>>)
      %dma_wait3A = arith.constant 0 : i32
      %dma_wait3A_78 = tpu.memref_slice %arg12[%add3A_23, %dma_wait3A] : memref<10240x32xf32, #tpu.memory_space<vmem_shared>> -> memref<128x32xf32, #tpu.memory_space<vmem_shared>>
      %dma_wait3A_79 = arith.constant 0 : i32
      %dma_wait3A_80 = tpu.memref_slice %arg12[%add3A_23, %dma_wait3A_79] : memref<10240x32xf32, #tpu.memory_space<vmem_shared>> -> memref<128x32xf32, #tpu.memory_space<vmem_shared>>
      tpu.wait_dma2 semaphore(%run_scoped3A : memref<!tpu.dma_semaphore, #tpu.memory_space<semaphore_mem>>) src(%arg8 : memref<128x32xf32, #tpu.memory_space<vmem>>) dst(%dma_wait3A_80 : memref<128x32xf32, #tpu.memory_space<vmem_shared>>)
      tpu.yield
    }) : () -> ()
    %mul3A_24 = arith.constant 640 : i32
    %mul3A_25 = arith.muli %arg1, %mul3A_24 : i32
    %add3A_26 = arith.constant 512 : i32
    %add3A_27 = arith.addi %mul3A_25, %add3A_26 : i32
    "tpu.region"() ({
      %run_scoped3A = tpu.sem_alloc : memref<!tpu.dma_semaphore, #tpu.memory_space<semaphore_mem>>
      %dma_start3A_74 = arith.constant 0 : i32
      %dma_start3A_75 = tpu.memref_slice %arg12[%add3A_27, %dma_start3A_74] : memref<10240x32xf32, #tpu.memory_space<vmem_shared>> -> memref<128x32xf32, #tpu.memory_space<vmem_shared>>
      %dma_start3A_76 = arith.constant 0 : i32
      %dma_start3A_77 = tpu.memref_slice %arg12[%add3A_27, %dma_start3A_76] : memref<10240x32xf32, #tpu.memory_space<vmem_shared>> -> memref<128x32xf32, #tpu.memory_space<vmem_shared>>
      tpu.enqueue_dma source(%arg8 : memref<128x32xf32, #tpu.memory_space<vmem>>) target(%dma_start3A_77 : memref<128x32xf32, #tpu.memory_space<vmem_shared>>) target_semaphore(%run_scoped3A : memref<!tpu.dma_semaphore, #tpu.memory_space<semaphore_mem>>)
      %dma_wait3A = arith.constant 0 : i32
      %dma_wait3A_78 = tpu.memref_slice %arg12[%add3A_27, %dma_wait3A] : memref<10240x32xf32, #tpu.memory_space<vmem_shared>> -> memref<128x32xf32, #tpu.memory_space<vmem_shared>>
      %dma_wait3A_79 = arith.constant 0 : i32
      %dma_wait3A_80 = tpu.memref_slice %arg12[%add3A_27, %dma_wait3A_79] : memref<10240x32xf32, #tpu.memory_space<vmem_shared>> -> memref<128x32xf32, #tpu.memory_space<vmem_shared>>
      tpu.wait_dma2 semaphore(%run_scoped3A : memref<!tpu.dma_semaphore, #tpu.memory_space<semaphore_mem>>) src(%arg8 : memref<128x32xf32, #tpu.memory_space<vmem>>) dst(%dma_wait3A_80 : memref<128x32xf32, #tpu.memory_space<vmem_shared>>)
      tpu.yield
    }) : () -> ()
    %barrier3A = arith.constant 0 : index
    tpu.barrier barrier_id(%barrier3A)
    %mul3A_28 = arith.constant 160 : i32
    %mul3A_29 = arith.muli %add3A, %mul3A_28 : i32
    "tpu.region"() ({
      %run_scoped3A = tpu.sem_alloc : memref<!tpu.dma_semaphore, #tpu.memory_space<semaphore_mem>>
      %dma_start3A_74 = arith.constant 0 : i32
      %dma_start3A_75 = tpu.memref_slice %arg3[%mul3A_29, %dma_start3A_74] : memref<5120x128xi32, #tpu.memory_space<hbm>> -> memref<160x128xi32, #tpu.memory_space<hbm>>
      %dma_start3A_76 = arith.constant 0 : i32
      %dma_start3A_77 = tpu.memref_slice %arg3[%mul3A_29, %dma_start3A_76] : memref<5120x128xi32, #tpu.memory_space<hbm>> -> memref<160x128xi32, #tpu.memory_space<hbm>>
      tpu.enqueue_dma source(%dma_start3A_77 : memref<160x128xi32, #tpu.memory_space<hbm>>) target(%arg6 : memref<160x128xi32, #tpu.memory_space<vmem>>) target_semaphore(%run_scoped3A : memref<!tpu.dma_semaphore, #tpu.memory_space<semaphore_mem>>)
      %dma_wait3A = arith.constant 0 : i32
      %dma_wait3A_78 = tpu.memref_slice %arg3[%mul3A_29, %dma_wait3A] : memref<5120x128xi32, #tpu.memory_space<hbm>> -> memref<160x128xi32, #tpu.memory_space<hbm>>
      %dma_wait3A_79 = arith.constant 0 : i32
      %dma_wait3A_80 = tpu.memref_slice %arg3[%mul3A_29, %dma_wait3A_79] : memref<5120x128xi32, #tpu.memory_space<hbm>> -> memref<160x128xi32, #tpu.memory_space<hbm>>
      tpu.wait_dma2 semaphore(%run_scoped3A : memref<!tpu.dma_semaphore, #tpu.memory_space<semaphore_mem>>) src(%dma_wait3A_80 : memref<160x128xi32, #tpu.memory_space<hbm>>) dst(%arg6 : memref<160x128xi32, #tpu.memory_space<vmem>>)
      tpu.yield
    }) : () -> ()
    %mul3A_30 = arith.constant 160 : i32
    %mul3A_31 = arith.muli %add3A, %mul3A_30 : i32
    "tpu.region"() ({
      %run_scoped3A = tpu.sem_alloc : memref<!tpu.dma_semaphore, #tpu.memory_space<semaphore_mem>>
      %dma_start3A_74 = arith.constant 0 : i32
      %dma_start3A_75 = tpu.memref_slice %arg4[%mul3A_31, %dma_start3A_74] : memref<5120x128xi32, #tpu.memory_space<hbm>> -> memref<160x128xi32, #tpu.memory_space<hbm>>
      %dma_start3A_76 = arith.constant 0 : i32
      %dma_start3A_77 = tpu.memref_slice %arg4[%mul3A_31, %dma_start3A_76] : memref<5120x128xi32, #tpu.memory_space<hbm>> -> memref<160x128xi32, #tpu.memory_space<hbm>>
      tpu.enqueue_dma source(%dma_start3A_77 : memref<160x128xi32, #tpu.memory_space<hbm>>) target(%arg7 : memref<160x128xi32, #tpu.memory_space<vmem>>) target_semaphore(%run_scoped3A : memref<!tpu.dma_semaphore, #tpu.memory_space<semaphore_mem>>)
      %dma_wait3A = arith.constant 0 : i32
      %dma_wait3A_78 = tpu.memref_slice %arg4[%mul3A_31, %dma_wait3A] : memref<5120x128xi32, #tpu.memory_space<hbm>> -> memref<160x128xi32, #tpu.memory_space<hbm>>
      %dma_wait3A_79 = arith.constant 0 : i32
      %dma_wait3A_80 = tpu.memref_slice %arg4[%mul3A_31, %dma_wait3A_79] : memref<5120x128xi32, #tpu.memory_space<hbm>> -> memref<160x128xi32, #tpu.memory_space<hbm>>
      tpu.wait_dma2 semaphore(%run_scoped3A : memref<!tpu.dma_semaphore, #tpu.memory_space<semaphore_mem>>) src(%dma_wait3A_80 : memref<160x128xi32, #tpu.memory_space<hbm>>) dst(%arg7 : memref<160x128xi32, #tpu.memory_space<vmem>>)
      tpu.yield
    }) : () -> ()
    %dma_start3A = arith.constant 0 : i32
    %dma_start3A_32 = arith.constant 0 : i32
    %dma_start3A_33 = tpu.memref_slice %arg6[%dma_start3A, %dma_start3A_32] : memref<160x128xi32, #tpu.memory_space<vmem>> -> memref<1x128xi32, #tpu.memory_space<vmem>>
    %dma_start3A_34 = tpu.memref_squeeze %dma_start3A_33 : memref<1x128xi32, #tpu.memory_space<vmem>> -> memref<128xi32, #tpu.memory_space<vmem>>
    %dma_start3A_35 = arith.constant 0 : i32
    %dma_start3A_36 = arith.constant 0 : i32
    %dma_start3A_37 = tpu.memref_slice %arg2[%dma_start3A_35, %dma_start3A_36] : memref<10240x32xf32, #tpu.memory_space<hbm>> -> memref<10240x32xf32, #tpu.memory_space<hbm>>
    tpu.enqueue_indirect_dma source(%dma_start3A_37 : memref<10240x32xf32, #tpu.memory_space<hbm>>) target(%arg8 : memref<128x32xf32, #tpu.memory_space<vmem>>) offsets(%dma_start3A_34 : memref<128xi32, #tpu.memory_space<vmem>>) semaphore(%arg13 : memref<!tpu.dma_semaphore, #tpu.memory_space<semaphore_mem>>)
    %dma_start3A_38 = arith.constant 1 : i32
    %dma_start3A_39 = arith.constant 0 : i32
    %dma_start3A_40 = tpu.memref_slice %arg6[%dma_start3A_38, %dma_start3A_39] : memref<160x128xi32, #tpu.memory_space<vmem>> -> memref<1x128xi32, #tpu.memory_space<vmem>>
    %dma_start3A_41 = tpu.memref_squeeze %dma_start3A_40 : memref<1x128xi32, #tpu.memory_space<vmem>> -> memref<128xi32, #tpu.memory_space<vmem>>
    %dma_start3A_42 = arith.constant 0 : i32
    %dma_start3A_43 = arith.constant 0 : i32
    %dma_start3A_44 = tpu.memref_slice %arg2[%dma_start3A_42, %dma_start3A_43] : memref<10240x32xf32, #tpu.memory_space<hbm>> -> memref<10240x32xf32, #tpu.memory_space<hbm>>
    tpu.enqueue_indirect_dma source(%dma_start3A_44 : memref<10240x32xf32, #tpu.memory_space<hbm>>) target(%arg9 : memref<128x32xf32, #tpu.memory_space<vmem>>) offsets(%dma_start3A_41 : memref<128xi32, #tpu.memory_space<vmem>>) semaphore(%arg14 : memref<!tpu.dma_semaphore, #tpu.memory_space<semaphore_mem>>)
    %dma_start3A_45 = arith.constant 2 : i32
    %dma_start3A_46 = arith.constant 0 : i32
    %dma_start3A_47 = tpu.memref_slice %arg6[%dma_start3A_45, %dma_start3A_46] : memref<160x128xi32, #tpu.memory_space<vmem>> -> memref<1x128xi32, #tpu.memory_space<vmem>>
    %dma_start3A_48 = tpu.memref_squeeze %dma_start3A_47 : memref<1x128xi32, #tpu.memory_space<vmem>> -> memref<128xi32, #tpu.memory_space<vmem>>
    %dma_start3A_49 = arith.constant 0 : i32
    %dma_start3A_50 = arith.constant 0 : i32
    %dma_start3A_51 = tpu.memref_slice %arg2[%dma_start3A_49, %dma_start3A_50] : memref<10240x32xf32, #tpu.memory_space<hbm>> -> memref<10240x32xf32, #tpu.memory_space<hbm>>
    tpu.enqueue_indirect_dma source(%dma_start3A_51 : memref<10240x32xf32, #tpu.memory_space<hbm>>) target(%arg10 : memref<128x32xf32, #tpu.memory_space<vmem>>) offsets(%dma_start3A_48 : memref<128xi32, #tpu.memory_space<vmem>>) semaphore(%arg15 : memref<!tpu.dma_semaphore, #tpu.memory_space<semaphore_mem>>)
    %dma_start3A_52 = arith.constant 3 : i32
    %dma_start3A_53 = arith.constant 0 : i32
    %dma_start3A_54 = tpu.memref_slice %arg6[%dma_start3A_52, %dma_start3A_53] : memref<160x128xi32, #tpu.memory_space<vmem>> -> memref<1x128xi32, #tpu.memory_space<vmem>>
    %dma_start3A_55 = tpu.memref_squeeze %dma_start3A_54 : memref<1x128xi32, #tpu.memory_space<vmem>> -> memref<128xi32, #tpu.memory_space<vmem>>
    %dma_start3A_56 = arith.constant 0 : i32
    %dma_start3A_57 = arith.constant 0 : i32
    %dma_start3A_58 = tpu.memref_slice %arg2[%dma_start3A_56, %dma_start3A_57] : memref<10240x32xf32, #tpu.memory_space<hbm>> -> memref<10240x32xf32, #tpu.memory_space<hbm>>
    tpu.enqueue_indirect_dma source(%dma_start3A_58 : memref<10240x32xf32, #tpu.memory_space<hbm>>) target(%arg11 : memref<128x32xf32, #tpu.memory_space<vmem>>) offsets(%dma_start3A_55 : memref<128xi32, #tpu.memory_space<vmem>>) semaphore(%arg16 : memref<!tpu.dma_semaphore, #tpu.memory_space<semaphore_mem>>)
    %scan3A_59 = arith.constant 0 : i32
    %scan3A_60 = arith.constant 0 : i32
    %scan3A_61 = arith.constant 40 : i32
    %scan3A_62 = arith.addi %scan3A_60, %scan3A_61 : i32
    %scan3A_63 = arith.constant 1 : i32
    %scan3A_64 = scf.for %scan3A_74 = %scan3A_60 to %scan3A_62 step %scan3A_63 iter_args(%scan3A_75 = %scan3A_59) -> (i32)  : i32 {
      %mul3A_76 = arith.constant 4 : i32
      %mul3A_77 = arith.muli %scan3A_74, %mul3A_76 : i32
      %add3A_78 = arith.constant 0 : i32
      %add3A_79 = arith.addi %mul3A_77, %add3A_78 : i32
      %dma_wait3A = arith.constant 0 : i32
      %dma_wait3A_80 = tpu.memref_slice %arg6[%add3A_79, %dma_wait3A] : memref<160x128xi32, #tpu.memory_space<vmem>> -> memref<1x128xi32, #tpu.memory_space<vmem>>
      %dma_wait3A_81 = tpu.memref_squeeze %dma_wait3A_80 : memref<1x128xi32, #tpu.memory_space<vmem>> -> memref<128xi32, #tpu.memory_space<vmem>>
      %dma_wait3A_82 = arith.constant 0 : i32
      %dma_wait3A_83 = arith.constant 0 : i32
      %dma_wait3A_84 = tpu.memref_slice %arg2[%dma_wait3A_82, %dma_wait3A_83] : memref<10240x32xf32, #tpu.memory_space<hbm>> -> memref<10240x32xf32, #tpu.memory_space<hbm>>
      tpu.wait_indirect_dma semaphore(%arg13 : memref<!tpu.dma_semaphore, #tpu.memory_space<semaphore_mem>>) src(%dma_wait3A_84 : memref<10240x32xf32, #tpu.memory_space<hbm>>) dst(%arg8 : memref<128x32xf32, #tpu.memory_space<vmem>>)
      "tpu.region"() ({
        %run_scoped3A = tpu.sem_alloc : memref<!tpu.dma_semaphore, #tpu.memory_space<semaphore_mem>>
        %dma_start3A_133 = arith.constant 0 : i32
        %dma_start3A_134 = tpu.memref_slice %arg7[%add3A_79, %dma_start3A_133] : memref<160x128xi32, #tpu.memory_space<vmem>> -> memref<1x128xi32, #tpu.memory_space<vmem>>
        %dma_start3A_135 = tpu.memref_squeeze %dma_start3A_134 : memref<1x128xi32, #tpu.memory_space<vmem>> -> memref<128xi32, #tpu.memory_space<vmem>>
        %dma_start3A_136 = arith.constant 0 : i32
        %dma_start3A_137 = arith.constant 0 : i32
        %dma_start3A_138 = tpu.memref_slice %arg12[%dma_start3A_136, %dma_start3A_137] : memref<10240x32xf32, #tpu.memory_space<vmem_shared>> -> memref<10240x32xf32, #tpu.memory_space<vmem_shared>>
        tpu.enqueue_indirect_dma source(%arg8 : memref<128x32xf32, #tpu.memory_space<vmem>>) target(%dma_start3A_138 : memref<10240x32xf32, #tpu.memory_space<vmem_shared>>) offsets(%dma_start3A_135 : memref<128xi32, #tpu.memory_space<vmem>>) semaphore(%run_scoped3A : memref<!tpu.dma_semaphore, #tpu.memory_space<semaphore_mem>>) {add = true}
        %dma_wait3A_139 = arith.constant 0 : i32
        %dma_wait3A_140 = tpu.memref_slice %arg7[%add3A_79, %dma_wait3A_139] : memref<160x128xi32, #tpu.memory_space<vmem>> -> memref<1x128xi32, #tpu.memory_space<vmem>>
        %dma_wait3A_141 = tpu.memref_squeeze %dma_wait3A_140 : memref<1x128xi32, #tpu.memory_space<vmem>> -> memref<128xi32, #tpu.memory_space<vmem>>
        %dma_wait3A_142 = arith.constant 0 : i32
        %dma_wait3A_143 = arith.constant 0 : i32
        %dma_wait3A_144 = tpu.memref_slice %arg12[%dma_wait3A_142, %dma_wait3A_143] : memref<10240x32xf32, #tpu.memory_space<vmem_shared>> -> memref<10240x32xf32, #tpu.memory_space<vmem_shared>>
        tpu.wait_indirect_dma semaphore(%run_scoped3A : memref<!tpu.dma_semaphore, #tpu.memory_space<semaphore_mem>>) src(%arg8 : memref<128x32xf32, #tpu.memory_space<vmem>>) dst(%dma_wait3A_144 : memref<10240x32xf32, #tpu.memory_space<vmem_shared>>)
        tpu.yield
      }) : () -> ()
      %lt3A = arith.constant 39 : i32
      %lt3A_85 = arith.cmpi slt, %scan3A_74, %lt3A : i32
      %convert_element_type3A = arith.extui %lt3A_85 : i1 to i32
      %cond3A = arith.constant 0 : i32
      %cond3A_86 = arith.cmpi ne, %convert_element_type3A, %cond3A : i32
      scf.if %cond3A_86 {
        %add3A_133 = arith.constant 4 : i32
        %add3A_134 = arith.addi %add3A_79, %add3A_133 : i32
        %dma_start3A_135 = arith.constant 0 : i32
        %dma_start3A_136 = tpu.memref_slice %arg6[%add3A_134, %dma_start3A_135] : memref<160x128xi32, #tpu.memory_space<vmem>> -> memref<1x128xi32, #tpu.memory_space<vmem>>
        %dma_start3A_137 = tpu.memref_squeeze %dma_start3A_136 : memref<1x128xi32, #tpu.memory_space<vmem>> -> memref<128xi32, #tpu.memory_space<vmem>>
        %dma_start3A_138 = arith.constant 0 : i32
        %dma_start3A_139 = arith.constant 0 : i32
        %dma_start3A_140 = tpu.memref_slice %arg2[%dma_start3A_138, %dma_start3A_139] : memref<10240x32xf32, #tpu.memory_space<hbm>> -> memref<10240x32xf32, #tpu.memory_space<hbm>>
        tpu.enqueue_indirect_dma source(%dma_start3A_140 : memref<10240x32xf32, #tpu.memory_space<hbm>>) target(%arg8 : memref<128x32xf32, #tpu.memory_space<vmem>>) offsets(%dma_start3A_137 : memref<128xi32, #tpu.memory_space<vmem>>) semaphore(%arg13 : memref<!tpu.dma_semaphore, #tpu.memory_space<semaphore_mem>>)
      } else {
      }
      %mul3A_87 = arith.constant 4 : i32
      %mul3A_88 = arith.muli %scan3A_74, %mul3A_87 : i32
      %add3A_89 = arith.constant 1 : i32
      %add3A_90 = arith.addi %mul3A_88, %add3A_89 : i32
      %dma_wait3A_91 = arith.constant 0 : i32
      %dma_wait3A_92 = tpu.memref_slice %arg6[%add3A_90, %dma_wait3A_91] : memref<160x128xi32, #tpu.memory_space<vmem>> -> memref<1x128xi32, #tpu.memory_space<vmem>>
      %dma_wait3A_93 = tpu.memref_squeeze %dma_wait3A_92 : memref<1x128xi32, #tpu.memory_space<vmem>> -> memref<128xi32, #tpu.memory_space<vmem>>
      %dma_wait3A_94 = arith.constant 0 : i32
      %dma_wait3A_95 = arith.constant 0 : i32
      %dma_wait3A_96 = tpu.memref_slice %arg2[%dma_wait3A_94, %dma_wait3A_95] : memref<10240x32xf32, #tpu.memory_space<hbm>> -> memref<10240x32xf32, #tpu.memory_space<hbm>>
      tpu.wait_indirect_dma semaphore(%arg14 : memref<!tpu.dma_semaphore, #tpu.memory_space<semaphore_mem>>) src(%dma_wait3A_96 : memref<10240x32xf32, #tpu.memory_space<hbm>>) dst(%arg9 : memref<128x32xf32, #tpu.memory_space<vmem>>)
      "tpu.region"() ({
        %run_scoped3A = tpu.sem_alloc : memref<!tpu.dma_semaphore, #tpu.memory_space<semaphore_mem>>
        %dma_start3A_133 = arith.constant 0 : i32
        %dma_start3A_134 = tpu.memref_slice %arg7[%add3A_90, %dma_start3A_133] : memref<160x128xi32, #tpu.memory_space<vmem>> -> memref<1x128xi32, #tpu.memory_space<vmem>>
        %dma_start3A_135 = tpu.memref_squeeze %dma_start3A_134 : memref<1x128xi32, #tpu.memory_space<vmem>> -> memref<128xi32, #tpu.memory_space<vmem>>
        %dma_start3A_136 = arith.constant 0 : i32
        %dma_start3A_137 = arith.constant 0 : i32
        %dma_start3A_138 = tpu.memref_slice %arg12[%dma_start3A_136, %dma_start3A_137] : memref<10240x32xf32, #tpu.memory_space<vmem_shared>> -> memref<10240x32xf32, #tpu.memory_space<vmem_shared>>
        tpu.enqueue_indirect_dma source(%arg9 : memref<128x32xf32, #tpu.memory_space<vmem>>) target(%dma_start3A_138 : memref<10240x32xf32, #tpu.memory_space<vmem_shared>>) offsets(%dma_start3A_135 : memref<128xi32, #tpu.memory_space<vmem>>) semaphore(%run_scoped3A : memref<!tpu.dma_semaphore, #tpu.memory_space<semaphore_mem>>) {add = true}
        %dma_wait3A_139 = arith.constant 0 : i32
        %dma_wait3A_140 = tpu.memref_slice %arg7[%add3A_90, %dma_wait3A_139] : memref<160x128xi32, #tpu.memory_space<vmem>> -> memref<1x128xi32, #tpu.memory_space<vmem>>
        %dma_wait3A_141 = tpu.memref_squeeze %dma_wait3A_140 : memref<1x128xi32, #tpu.memory_space<vmem>> -> memref<128xi32, #tpu.memory_space<vmem>>
        %dma_wait3A_142 = arith.constant 0 : i32
        %dma_wait3A_143 = arith.constant 0 : i32
        %dma_wait3A_144 = tpu.memref_slice %arg12[%dma_wait3A_142, %dma_wait3A_143] : memref<10240x32xf32, #tpu.memory_space<vmem_shared>> -> memref<10240x32xf32, #tpu.memory_space<vmem_shared>>
        tpu.wait_indirect_dma semaphore(%run_scoped3A : memref<!tpu.dma_semaphore, #tpu.memory_space<semaphore_mem>>) src(%arg9 : memref<128x32xf32, #tpu.memory_space<vmem>>) dst(%dma_wait3A_144 : memref<10240x32xf32, #tpu.memory_space<vmem_shared>>)
        tpu.yield
      }) : () -> ()
      %lt3A_97 = arith.constant 39 : i32
      %lt3A_98 = arith.cmpi slt, %scan3A_74, %lt3A_97 : i32
      %convert_element_type3A_99 = arith.extui %lt3A_98 : i1 to i32
      %cond3A_100 = arith.constant 0 : i32
      %cond3A_101 = arith.cmpi ne, %convert_element_type3A_99, %cond3A_100 : i32
      scf.if %cond3A_101 {
        %add3A_133 = arith.constant 4 : i32
        %add3A_134 = arith.addi %add3A_90, %add3A_133 : i32
        %dma_start3A_135 = arith.constant 0 : i32
        %dma_start3A_136 = tpu.memref_slice %arg6[%add3A_134, %dma_start3A_135] : memref<160x128xi32, #tpu.memory_space<vmem>> -> memref<1x128xi32, #tpu.memory_space<vmem>>
        %dma_start3A_137 = tpu.memref_squeeze %dma_start3A_136 : memref<1x128xi32, #tpu.memory_space<vmem>> -> memref<128xi32, #tpu.memory_space<vmem>>
        %dma_start3A_138 = arith.constant 0 : i32
        %dma_start3A_139 = arith.constant 0 : i32
        %dma_start3A_140 = tpu.memref_slice %arg2[%dma_start3A_138, %dma_start3A_139] : memref<10240x32xf32, #tpu.memory_space<hbm>> -> memref<10240x32xf32, #tpu.memory_space<hbm>>
        tpu.enqueue_indirect_dma source(%dma_start3A_140 : memref<10240x32xf32, #tpu.memory_space<hbm>>) target(%arg9 : memref<128x32xf32, #tpu.memory_space<vmem>>) offsets(%dma_start3A_137 : memref<128xi32, #tpu.memory_space<vmem>>) semaphore(%arg14 : memref<!tpu.dma_semaphore, #tpu.memory_space<semaphore_mem>>)
      } else {
      }
      %mul3A_102 = arith.constant 4 : i32
      %mul3A_103 = arith.muli %scan3A_74, %mul3A_102 : i32
      %add3A_104 = arith.constant 2 : i32
      %add3A_105 = arith.addi %mul3A_103, %add3A_104 : i32
      %dma_wait3A_106 = arith.constant 0 : i32
      %dma_wait3A_107 = tpu.memref_slice %arg6[%add3A_105, %dma_wait3A_106] : memref<160x128xi32, #tpu.memory_space<vmem>> -> memref<1x128xi32, #tpu.memory_space<vmem>>
      %dma_wait3A_108 = tpu.memref_squeeze %dma_wait3A_107 : memref<1x128xi32, #tpu.memory_space<vmem>> -> memref<128xi32, #tpu.memory_space<vmem>>
      %dma_wait3A_109 = arith.constant 0 : i32
      %dma_wait3A_110 = arith.constant 0 : i32
      %dma_wait3A_111 = tpu.memref_slice %arg2[%dma_wait3A_109, %dma_wait3A_110] : memref<10240x32xf32, #tpu.memory_space<hbm>> -> memref<10240x32xf32, #tpu.memory_space<hbm>>
      tpu.wait_indirect_dma semaphore(%arg15 : memref<!tpu.dma_semaphore, #tpu.memory_space<semaphore_mem>>) src(%dma_wait3A_111 : memref<10240x32xf32, #tpu.memory_space<hbm>>) dst(%arg10 : memref<128x32xf32, #tpu.memory_space<vmem>>)
      "tpu.region"() ({
        %run_scoped3A = tpu.sem_alloc : memref<!tpu.dma_semaphore, #tpu.memory_space<semaphore_mem>>
        %dma_start3A_133 = arith.constant 0 : i32
        %dma_start3A_134 = tpu.memref_slice %arg7[%add3A_105, %dma_start3A_133] : memref<160x128xi32, #tpu.memory_space<vmem>> -> memref<1x128xi32, #tpu.memory_space<vmem>>
        %dma_start3A_135 = tpu.memref_squeeze %dma_start3A_134 : memref<1x128xi32, #tpu.memory_space<vmem>> -> memref<128xi32, #tpu.memory_space<vmem>>
        %dma_start3A_136 = arith.constant 0 : i32
        %dma_start3A_137 = arith.constant 0 : i32
        %dma_start3A_138 = tpu.memref_slice %arg12[%dma_start3A_136, %dma_start3A_137] : memref<10240x32xf32, #tpu.memory_space<vmem_shared>> -> memref<10240x32xf32, #tpu.memory_space<vmem_shared>>
        tpu.enqueue_indirect_dma source(%arg10 : memref<128x32xf32, #tpu.memory_space<vmem>>) target(%dma_start3A_138 : memref<10240x32xf32, #tpu.memory_space<vmem_shared>>) offsets(%dma_start3A_135 : memref<128xi32, #tpu.memory_space<vmem>>) semaphore(%run_scoped3A : memref<!tpu.dma_semaphore, #tpu.memory_space<semaphore_mem>>) {add = true}
        %dma_wait3A_139 = arith.constant 0 : i32
        %dma_wait3A_140 = tpu.memref_slice %arg7[%add3A_105, %dma_wait3A_139] : memref<160x128xi32, #tpu.memory_space<vmem>> -> memref<1x128xi32, #tpu.memory_space<vmem>>
        %dma_wait3A_141 = tpu.memref_squeeze %dma_wait3A_140 : memref<1x128xi32, #tpu.memory_space<vmem>> -> memref<128xi32, #tpu.memory_space<vmem>>
        %dma_wait3A_142 = arith.constant 0 : i32
        %dma_wait3A_143 = arith.constant 0 : i32
        %dma_wait3A_144 = tpu.memref_slice %arg12[%dma_wait3A_142, %dma_wait3A_143] : memref<10240x32xf32, #tpu.memory_space<vmem_shared>> -> memref<10240x32xf32, #tpu.memory_space<vmem_shared>>
        tpu.wait_indirect_dma semaphore(%run_scoped3A : memref<!tpu.dma_semaphore, #tpu.memory_space<semaphore_mem>>) src(%arg10 : memref<128x32xf32, #tpu.memory_space<vmem>>) dst(%dma_wait3A_144 : memref<10240x32xf32, #tpu.memory_space<vmem_shared>>)
        tpu.yield
      }) : () -> ()
      %lt3A_112 = arith.constant 39 : i32
      %lt3A_113 = arith.cmpi slt, %scan3A_74, %lt3A_112 : i32
      %convert_element_type3A_114 = arith.extui %lt3A_113 : i1 to i32
      %cond3A_115 = arith.constant 0 : i32
      %cond3A_116 = arith.cmpi ne, %convert_element_type3A_114, %cond3A_115 : i32
      scf.if %cond3A_116 {
        %add3A_133 = arith.constant 4 : i32
        %add3A_134 = arith.addi %add3A_105, %add3A_133 : i32
        %dma_start3A_135 = arith.constant 0 : i32
        %dma_start3A_136 = tpu.memref_slice %arg6[%add3A_134, %dma_start3A_135] : memref<160x128xi32, #tpu.memory_space<vmem>> -> memref<1x128xi32, #tpu.memory_space<vmem>>
        %dma_start3A_137 = tpu.memref_squeeze %dma_start3A_136 : memref<1x128xi32, #tpu.memory_space<vmem>> -> memref<128xi32, #tpu.memory_space<vmem>>
        %dma_start3A_138 = arith.constant 0 : i32
        %dma_start3A_139 = arith.constant 0 : i32
        %dma_start3A_140 = tpu.memref_slice %arg2[%dma_start3A_138, %dma_start3A_139] : memref<10240x32xf32, #tpu.memory_space<hbm>> -> memref<10240x32xf32, #tpu.memory_space<hbm>>
        tpu.enqueue_indirect_dma source(%dma_start3A_140 : memref<10240x32xf32, #tpu.memory_space<hbm>>) target(%arg10 : memref<128x32xf32, #tpu.memory_space<vmem>>) offsets(%dma_start3A_137 : memref<128xi32, #tpu.memory_space<vmem>>) semaphore(%arg15 : memref<!tpu.dma_semaphore, #tpu.memory_space<semaphore_mem>>)
      } else {
      }
      %mul3A_117 = arith.constant 4 : i32
      %mul3A_118 = arith.muli %scan3A_74, %mul3A_117 : i32
      %add3A_119 = arith.constant 3 : i32
      %add3A_120 = arith.addi %mul3A_118, %add3A_119 : i32
      %dma_wait3A_121 = arith.constant 0 : i32
      %dma_wait3A_122 = tpu.memref_slice %arg6[%add3A_120, %dma_wait3A_121] : memref<160x128xi32, #tpu.memory_space<vmem>> -> memref<1x128xi32, #tpu.memory_space<vmem>>
      %dma_wait3A_123 = tpu.memref_squeeze %dma_wait3A_122 : memref<1x128xi32, #tpu.memory_space<vmem>> -> memref<128xi32, #tpu.memory_space<vmem>>
      %dma_wait3A_124 = arith.constant 0 : i32
      %dma_wait3A_125 = arith.constant 0 : i32
      %dma_wait3A_126 = tpu.memref_slice %arg2[%dma_wait3A_124, %dma_wait3A_125] : memref<10240x32xf32, #tpu.memory_space<hbm>> -> memref<10240x32xf32, #tpu.memory_space<hbm>>
      tpu.wait_indirect_dma semaphore(%arg16 : memref<!tpu.dma_semaphore, #tpu.memory_space<semaphore_mem>>) src(%dma_wait3A_126 : memref<10240x32xf32, #tpu.memory_space<hbm>>) dst(%arg11 : memref<128x32xf32, #tpu.memory_space<vmem>>)
      "tpu.region"() ({
        %run_scoped3A = tpu.sem_alloc : memref<!tpu.dma_semaphore, #tpu.memory_space<semaphore_mem>>
        %dma_start3A_133 = arith.constant 0 : i32
        %dma_start3A_134 = tpu.memref_slice %arg7[%add3A_120, %dma_start3A_133] : memref<160x128xi32, #tpu.memory_space<vmem>> -> memref<1x128xi32, #tpu.memory_space<vmem>>
        %dma_start3A_135 = tpu.memref_squeeze %dma_start3A_134 : memref<1x128xi32, #tpu.memory_space<vmem>> -> memref<128xi32, #tpu.memory_space<vmem>>
        %dma_start3A_136 = arith.constant 0 : i32
        %dma_start3A_137 = arith.constant 0 : i32
        %dma_start3A_138 = tpu.memref_slice %arg12[%dma_start3A_136, %dma_start3A_137] : memref<10240x32xf32, #tpu.memory_space<vmem_shared>> -> memref<10240x32xf32, #tpu.memory_space<vmem_shared>>
        tpu.enqueue_indirect_dma source(%arg11 : memref<128x32xf32, #tpu.memory_space<vmem>>) target(%dma_start3A_138 : memref<10240x32xf32, #tpu.memory_space<vmem_shared>>) offsets(%dma_start3A_135 : memref<128xi32, #tpu.memory_space<vmem>>) semaphore(%run_scoped3A : memref<!tpu.dma_semaphore, #tpu.memory_space<semaphore_mem>>) {add = true}
        %dma_wait3A_139 = arith.constant 0 : i32
        %dma_wait3A_140 = tpu.memref_slice %arg7[%add3A_120, %dma_wait3A_139] : memref<160x128xi32, #tpu.memory_space<vmem>> -> memref<1x128xi32, #tpu.memory_space<vmem>>
        %dma_wait3A_141 = tpu.memref_squeeze %dma_wait3A_140 : memref<1x128xi32, #tpu.memory_space<vmem>> -> memref<128xi32, #tpu.memory_space<vmem>>
        %dma_wait3A_142 = arith.constant 0 : i32
        %dma_wait3A_143 = arith.constant 0 : i32
        %dma_wait3A_144 = tpu.memref_slice %arg12[%dma_wait3A_142, %dma_wait3A_143] : memref<10240x32xf32, #tpu.memory_space<vmem_shared>> -> memref<10240x32xf32, #tpu.memory_space<vmem_shared>>
        tpu.wait_indirect_dma semaphore(%run_scoped3A : memref<!tpu.dma_semaphore, #tpu.memory_space<semaphore_mem>>) src(%arg11 : memref<128x32xf32, #tpu.memory_space<vmem>>) dst(%dma_wait3A_144 : memref<10240x32xf32, #tpu.memory_space<vmem_shared>>)
        tpu.yield
      }) : () -> ()
      %lt3A_127 = arith.constant 39 : i32
      %lt3A_128 = arith.cmpi slt, %scan3A_74, %lt3A_127 : i32
      %convert_element_type3A_129 = arith.extui %lt3A_128 : i1 to i32
      %cond3A_130 = arith.constant 0 : i32
      %cond3A_131 = arith.cmpi ne, %convert_element_type3A_129, %cond3A_130 : i32
      scf.if %cond3A_131 {
        %add3A_133 = arith.constant 4 : i32
        %add3A_134 = arith.addi %add3A_120, %add3A_133 : i32
        %dma_start3A_135 = arith.constant 0 : i32
        %dma_start3A_136 = tpu.memref_slice %arg6[%add3A_134, %dma_start3A_135] : memref<160x128xi32, #tpu.memory_space<vmem>> -> memref<1x128xi32, #tpu.memory_space<vmem>>
        %dma_start3A_137 = tpu.memref_squeeze %dma_start3A_136 : memref<1x128xi32, #tpu.memory_space<vmem>> -> memref<128xi32, #tpu.memory_space<vmem>>
        %dma_start3A_138 = arith.constant 0 : i32
        %dma_start3A_139 = arith.constant 0 : i32
        %dma_start3A_140 = tpu.memref_slice %arg2[%dma_start3A_138, %dma_start3A_139] : memref<10240x32xf32, #tpu.memory_space<hbm>> -> memref<10240x32xf32, #tpu.memory_space<hbm>>
        tpu.enqueue_indirect_dma source(%dma_start3A_140 : memref<10240x32xf32, #tpu.memory_space<hbm>>) target(%arg11 : memref<128x32xf32, #tpu.memory_space<vmem>>) offsets(%dma_start3A_137 : memref<128xi32, #tpu.memory_space<vmem>>) semaphore(%arg16 : memref<!tpu.dma_semaphore, #tpu.memory_space<semaphore_mem>>)
      } else {
      }
      %scan3A_132 = arith.constant 0 : i32
      scf.yield %scan3A_132 : i32
    }
    %scan3A_65 = arith.constant 40 : i32
    %barrier3A_66 = arith.constant 0 : index
    tpu.barrier barrier_id(%barrier3A_66)
    %mul3A_67 = arith.constant 640 : i32
    %mul3A_68 = arith.muli %arg1, %mul3A_67 : i32
    %mul3A_69 = arith.constant 10240 : i32
    %mul3A_70 = arith.muli %arg0, %mul3A_69 : i32
    %mul3A_71 = arith.constant 640 : i32
    %mul3A_72 = arith.muli %arg1, %mul3A_71 : i32
    %add3A_73 = arith.addi %mul3A_70, %mul3A_72 : i32
    "tpu.region"() ({
      %run_scoped3A = tpu.sem_alloc : memref<!tpu.dma_semaphore, #tpu.memory_space<semaphore_mem>>
      %dma_start3A_74 = arith.constant 0 : i32
      %dma_start3A_75 = tpu.memref_slice %arg5[%add3A_73, %dma_start3A_74] : memref<20480x32xf32, #tpu.memory_space<hbm>> -> memref<640x32xf32, #tpu.memory_space<hbm>>
      %dma_start3A_76 = arith.constant 0 : i32
      %dma_start3A_77 = tpu.memref_slice %arg12[%mul3A_68, %dma_start3A_76] : memref<10240x32xf32, #tpu.memory_space<vmem_shared>> -> memref<640x32xf32, #tpu.memory_space<vmem_shared>>
      tpu.enqueue_dma source(%dma_start3A_77 : memref<640x32xf32, #tpu.memory_space<vmem_shared>>) target(%dma_start3A_75 : memref<640x32xf32, #tpu.memory_space<hbm>>) target_semaphore(%run_scoped3A : memref<!tpu.dma_semaphore, #tpu.memory_space<semaphore_mem>>)
      %dma_wait3A = arith.constant 0 : i32
      %dma_wait3A_78 = tpu.memref_slice %arg5[%add3A_73, %dma_wait3A] : memref<20480x32xf32, #tpu.memory_space<hbm>> -> memref<640x32xf32, #tpu.memory_space<hbm>>
      %dma_wait3A_79 = arith.constant 0 : i32
      %dma_wait3A_80 = tpu.memref_slice %arg12[%mul3A_68, %dma_wait3A_79] : memref<10240x32xf32, #tpu.memory_space<vmem_shared>> -> memref<640x32xf32, #tpu.memory_space<vmem_shared>>
      tpu.wait_dma2 semaphore(%run_scoped3A : memref<!tpu.dma_semaphore, #tpu.memory_space<semaphore_mem>>) src(%dma_wait3A_80 : memref<640x32xf32, #tpu.memory_space<vmem_shared>>) dst(%dma_wait3A_78 : memref<640x32xf32, #tpu.memory_space<hbm>>)
      tpu.yield
    }) : () -> ()
    return
  }
}

#map = affine_map<(d0, d1) -> (0, 0)>
#map1 = affine_map<(d0, d1) -> (0)>
module attributes {stable_mosaic.version = 14 : i64} {
  func.func @cnt(%arg0: i32, %arg1: i32, %arg2: memref<5120x128xi32, #tpu.memory_space<hbm>>, %arg3: memref<20480xf32, #tpu.memory_space<hbm>>, %arg4: memref<160x128xi32, #tpu.memory_space<vmem>>, %arg5: memref<128xf32, #tpu.memory_space<vmem>>, %arg6: memref<10240xf32, #tpu.memory_space<vmem_shared>>) attributes {dimension_semantics = [#tpu.dimension_semantics<core_parallel>, #tpu.dimension_semantics<subcore_parallel>], iteration_bounds = array<i64: 2, 16>, scalar_prefetch = 0 : i64, scratch_operands = 3 : i64, tpu.core_type = #tpu.core_type<sc_vector_subcore>, window_params = [{transform_indices = #map}, {transform_indices = #map1}]} {
    %mul3A = arith.constant 2 : i32
    %mul3A_0 = arith.muli %arg1, %mul3A : i32
    %add3A = arith.addi %mul3A_0, %arg0 : i32
    %broadcast_in_dim3A = arith.constant 0.000000e+00 : f32
    %broadcast_in_dim3A_1 = vector.broadcast %broadcast_in_dim3A : f32 to vector<16xf32>
    %swap3A = arith.constant 0 : index
    %swap3A_2 = tpu.vector_load %arg5[%swap3A] {strides = array<i32>} : memref<128xf32, #tpu.memory_space<vmem>>, vector<16xf32>,
    %swap3A_3 = vector.shape_cast %swap3A_2 : vector<16xf32> to vector<16xf32>
    %swap3A_4 = vector.shape_cast %broadcast_in_dim3A_1 : vector<16xf32> to vector<16xf32>
    tpu.vector_store %arg5[%swap3A], %swap3A_4 {strides = array<i32>} : memref<128xf32, #tpu.memory_space<vmem>>, vector<16xf32>,
    %swap3A_5 = arith.constant 16 : index
    %swap3A_6 = tpu.vector_load %arg5[%swap3A_5] {strides = array<i32>} : memref<128xf32, #tpu.memory_space<vmem>>, vector<16xf32>,
    %swap3A_7 = vector.shape_cast %swap3A_6 : vector<16xf32> to vector<16xf32>
    %swap3A_8 = vector.shape_cast %broadcast_in_dim3A_1 : vector<16xf32> to vector<16xf32>
    tpu.vector_store %arg5[%swap3A_5], %swap3A_8 {strides = array<i32>} : memref<128xf32, #tpu.memory_space<vmem>>, vector<16xf32>,
    %swap3A_9 = arith.constant 32 : index
    %swap3A_10 = tpu.vector_load %arg5[%swap3A_9] {strides = array<i32>} : memref<128xf32, #tpu.memory_space<vmem>>, vector<16xf32>,
    %swap3A_11 = vector.shape_cast %swap3A_10 : vector<16xf32> to vector<16xf32>
    %swap3A_12 = vector.shape_cast %broadcast_in_dim3A_1 : vector<16xf32> to vector<16xf32>
    tpu.vector_store %arg5[%swap3A_9], %swap3A_12 {strides = array<i32>} : memref<128xf32, #tpu.memory_space<vmem>>, vector<16xf32>,
    %swap3A_13 = arith.constant 48 : index
    %swap3A_14 = tpu.vector_load %arg5[%swap3A_13] {strides = array<i32>} : memref<128xf32, #tpu.memory_space<vmem>>, vector<16xf32>,
    %swap3A_15 = vector.shape_cast %swap3A_14 : vector<16xf32> to vector<16xf32>
    %swap3A_16 = vector.shape_cast %broadcast_in_dim3A_1 : vector<16xf32> to vector<16xf32>
    tpu.vector_store %arg5[%swap3A_13], %swap3A_16 {strides = array<i32>} : memref<128xf32, #tpu.memory_space<vmem>>, vector<16xf32>,
    %swap3A_17 = arith.constant 64 : index
    %swap3A_18 = tpu.vector_load %arg5[%swap3A_17] {strides = array<i32>} : memref<128xf32, #tpu.memory_space<vmem>>, vector<16xf32>,
    %swap3A_19 = vector.shape_cast %swap3A_18 : vector<16xf32> to vector<16xf32>
    %swap3A_20 = vector.shape_cast %broadcast_in_dim3A_1 : vector<16xf32> to vector<16xf32>
    tpu.vector_store %arg5[%swap3A_17], %swap3A_20 {strides = array<i32>} : memref<128xf32, #tpu.memory_space<vmem>>, vector<16xf32>,
    %swap3A_21 = arith.constant 80 : index
    %swap3A_22 = tpu.vector_load %arg5[%swap3A_21] {strides = array<i32>} : memref<128xf32, #tpu.memory_space<vmem>>, vector<16xf32>,
    %swap3A_23 = vector.shape_cast %swap3A_22 : vector<16xf32> to vector<16xf32>
    %swap3A_24 = vector.shape_cast %broadcast_in_dim3A_1 : vector<16xf32> to vector<16xf32>
    tpu.vector_store %arg5[%swap3A_21], %swap3A_24 {strides = array<i32>} : memref<128xf32, #tpu.memory_space<vmem>>, vector<16xf32>,
    %swap3A_25 = arith.constant 96 : index
    %swap3A_26 = tpu.vector_load %arg5[%swap3A_25] {strides = array<i32>} : memref<128xf32, #tpu.memory_space<vmem>>, vector<16xf32>,
    %swap3A_27 = vector.shape_cast %swap3A_26 : vector<16xf32> to vector<16xf32>
    %swap3A_28 = vector.shape_cast %broadcast_in_dim3A_1 : vector<16xf32> to vector<16xf32>
    tpu.vector_store %arg5[%swap3A_25], %swap3A_28 {strides = array<i32>} : memref<128xf32, #tpu.memory_space<vmem>>, vector<16xf32>,
    %swap3A_29 = arith.constant 112 : index
    %swap3A_30 = tpu.vector_load %arg5[%swap3A_29] {strides = array<i32>} : memref<128xf32, #tpu.memory_space<vmem>>, vector<16xf32>,
    %swap3A_31 = vector.shape_cast %swap3A_30 : vector<16xf32> to vector<16xf32>
    %swap3A_32 = vector.shape_cast %broadcast_in_dim3A_1 : vector<16xf32> to vector<16xf32>
    tpu.vector_store %arg5[%swap3A_29], %swap3A_32 {strides = array<i32>} : memref<128xf32, #tpu.memory_space<vmem>>, vector<16xf32>,
    %mul3A_33 = arith.constant 640 : i32
    %mul3A_34 = arith.muli %arg1, %mul3A_33 : i32
    %add3A_35 = arith.constant 0 : i32
    %add3A_36 = arith.addi %mul3A_34, %add3A_35 : i32
    "tpu.region"() ({
      %run_scoped3A = tpu.sem_alloc : memref<!tpu.dma_semaphore, #tpu.memory_space<semaphore_mem>>
      %dma_start3A = tpu.memref_slice %arg6[%add3A_36] : memref<10240xf32, #tpu.memory_space<vmem_shared>> -> memref<128xf32, #tpu.memory_space<vmem_shared>>
      %dma_start3A_103 = tpu.memref_slice %arg6[%add3A_36] : memref<10240xf32, #tpu.memory_space<vmem_shared>> -> memref<128xf32, #tpu.memory_space<vmem_shared>>
      tpu.enqueue_dma source(%arg5 : memref<128xf32, #tpu.memory_space<vmem>>) target(%dma_start3A_103 : memref<128xf32, #tpu.memory_space<vmem_shared>>) target_semaphore(%run_scoped3A : memref<!tpu.dma_semaphore, #tpu.memory_space<semaphore_mem>>)
      %dma_wait3A = tpu.memref_slice %arg6[%add3A_36] : memref<10240xf32, #tpu.memory_space<vmem_shared>> -> memref<128xf32, #tpu.memory_space<vmem_shared>>
      %dma_wait3A_104 = tpu.memref_slice %arg6[%add3A_36] : memref<10240xf32, #tpu.memory_space<vmem_shared>> -> memref<128xf32, #tpu.memory_space<vmem_shared>>
      tpu.wait_dma2 semaphore(%run_scoped3A : memref<!tpu.dma_semaphore, #tpu.memory_space<semaphore_mem>>) src(%arg5 : memref<128xf32, #tpu.memory_space<vmem>>) dst(%dma_wait3A_104 : memref<128xf32, #tpu.memory_space<vmem_shared>>)
      tpu.yield
    }) : () -> ()
    %mul3A_37 = arith.constant 640 : i32
    %mul3A_38 = arith.muli %arg1, %mul3A_37 : i32
    %add3A_39 = arith.constant 128 : i32
    %add3A_40 = arith.addi %mul3A_38, %add3A_39 : i32
    "tpu.region"() ({
      %run_scoped3A = tpu.sem_alloc : memref<!tpu.dma_semaphore, #tpu.memory_space<semaphore_mem>>
      %dma_start3A = tpu.memref_slice %arg6[%add3A_40] : memref<10240xf32, #tpu.memory_space<vmem_shared>> -> memref<128xf32, #tpu.memory_space<vmem_shared>>
      %dma_start3A_103 = tpu.memref_slice %arg6[%add3A_40] : memref<10240xf32, #tpu.memory_space<vmem_shared>> -> memref<128xf32, #tpu.memory_space<vmem_shared>>
      tpu.enqueue_dma source(%arg5 : memref<128xf32, #tpu.memory_space<vmem>>) target(%dma_start3A_103 : memref<128xf32, #tpu.memory_space<vmem_shared>>) target_semaphore(%run_scoped3A : memref<!tpu.dma_semaphore, #tpu.memory_space<semaphore_mem>>)
      %dma_wait3A = tpu.memref_slice %arg6[%add3A_40] : memref<10240xf32, #tpu.memory_space<vmem_shared>> -> memref<128xf32, #tpu.memory_space<vmem_shared>>
      %dma_wait3A_104 = tpu.memref_slice %arg6[%add3A_40] : memref<10240xf32, #tpu.memory_space<vmem_shared>> -> memref<128xf32, #tpu.memory_space<vmem_shared>>
      tpu.wait_dma2 semaphore(%run_scoped3A : memref<!tpu.dma_semaphore, #tpu.memory_space<semaphore_mem>>) src(%arg5 : memref<128xf32, #tpu.memory_space<vmem>>) dst(%dma_wait3A_104 : memref<128xf32, #tpu.memory_space<vmem_shared>>)
      tpu.yield
    }) : () -> ()
    %mul3A_41 = arith.constant 640 : i32
    %mul3A_42 = arith.muli %arg1, %mul3A_41 : i32
    %add3A_43 = arith.constant 256 : i32
    %add3A_44 = arith.addi %mul3A_42, %add3A_43 : i32
    "tpu.region"() ({
      %run_scoped3A = tpu.sem_alloc : memref<!tpu.dma_semaphore, #tpu.memory_space<semaphore_mem>>
      %dma_start3A = tpu.memref_slice %arg6[%add3A_44] : memref<10240xf32, #tpu.memory_space<vmem_shared>> -> memref<128xf32, #tpu.memory_space<vmem_shared>>
      %dma_start3A_103 = tpu.memref_slice %arg6[%add3A_44] : memref<10240xf32, #tpu.memory_space<vmem_shared>> -> memref<128xf32, #tpu.memory_space<vmem_shared>>
      tpu.enqueue_dma source(%arg5 : memref<128xf32, #tpu.memory_space<vmem>>) target(%dma_start3A_103 : memref<128xf32, #tpu.memory_space<vmem_shared>>) target_semaphore(%run_scoped3A : memref<!tpu.dma_semaphore, #tpu.memory_space<semaphore_mem>>)
      %dma_wait3A = tpu.memref_slice %arg6[%add3A_44] : memref<10240xf32, #tpu.memory_space<vmem_shared>> -> memref<128xf32, #tpu.memory_space<vmem_shared>>
      %dma_wait3A_104 = tpu.memref_slice %arg6[%add3A_44] : memref<10240xf32, #tpu.memory_space<vmem_shared>> -> memref<128xf32, #tpu.memory_space<vmem_shared>>
      tpu.wait_dma2 semaphore(%run_scoped3A : memref<!tpu.dma_semaphore, #tpu.memory_space<semaphore_mem>>) src(%arg5 : memref<128xf32, #tpu.memory_space<vmem>>) dst(%dma_wait3A_104 : memref<128xf32, #tpu.memory_space<vmem_shared>>)
      tpu.yield
    }) : () -> ()
    %mul3A_45 = arith.constant 640 : i32
    %mul3A_46 = arith.muli %arg1, %mul3A_45 : i32
    %add3A_47 = arith.constant 384 : i32
    %add3A_48 = arith.addi %mul3A_46, %add3A_47 : i32
    "tpu.region"() ({
      %run_scoped3A = tpu.sem_alloc : memref<!tpu.dma_semaphore, #tpu.memory_space<semaphore_mem>>
      %dma_start3A = tpu.memref_slice %arg6[%add3A_48] : memref<10240xf32, #tpu.memory_space<vmem_shared>> -> memref<128xf32, #tpu.memory_space<vmem_shared>>
      %dma_start3A_103 = tpu.memref_slice %arg6[%add3A_48] : memref<10240xf32, #tpu.memory_space<vmem_shared>> -> memref<128xf32, #tpu.memory_space<vmem_shared>>
      tpu.enqueue_dma source(%arg5 : memref<128xf32, #tpu.memory_space<vmem>>) target(%dma_start3A_103 : memref<128xf32, #tpu.memory_space<vmem_shared>>) target_semaphore(%run_scoped3A : memref<!tpu.dma_semaphore, #tpu.memory_space<semaphore_mem>>)
      %dma_wait3A = tpu.memref_slice %arg6[%add3A_48] : memref<10240xf32, #tpu.memory_space<vmem_shared>> -> memref<128xf32, #tpu.memory_space<vmem_shared>>
      %dma_wait3A_104 = tpu.memref_slice %arg6[%add3A_48] : memref<10240xf32, #tpu.memory_space<vmem_shared>> -> memref<128xf32, #tpu.memory_space<vmem_shared>>
      tpu.wait_dma2 semaphore(%run_scoped3A : memref<!tpu.dma_semaphore, #tpu.memory_space<semaphore_mem>>) src(%arg5 : memref<128xf32, #tpu.memory_space<vmem>>) dst(%dma_wait3A_104 : memref<128xf32, #tpu.memory_space<vmem_shared>>)
      tpu.yield
    }) : () -> ()
    %mul3A_49 = arith.constant 640 : i32
    %mul3A_50 = arith.muli %arg1, %mul3A_49 : i32
    %add3A_51 = arith.constant 512 : i32
    %add3A_52 = arith.addi %mul3A_50, %add3A_51 : i32
    "tpu.region"() ({
      %run_scoped3A = tpu.sem_alloc : memref<!tpu.dma_semaphore, #tpu.memory_space<semaphore_mem>>
      %dma_start3A = tpu.memref_slice %arg6[%add3A_52] : memref<10240xf32, #tpu.memory_space<vmem_shared>> -> memref<128xf32, #tpu.memory_space<vmem_shared>>
      %dma_start3A_103 = tpu.memref_slice %arg6[%add3A_52] : memref<10240xf32, #tpu.memory_space<vmem_shared>> -> memref<128xf32, #tpu.memory_space<vmem_shared>>
      tpu.enqueue_dma source(%arg5 : memref<128xf32, #tpu.memory_space<vmem>>) target(%dma_start3A_103 : memref<128xf32, #tpu.memory_space<vmem_shared>>) target_semaphore(%run_scoped3A : memref<!tpu.dma_semaphore, #tpu.memory_space<semaphore_mem>>)
      %dma_wait3A = tpu.memref_slice %arg6[%add3A_52] : memref<10240xf32, #tpu.memory_space<vmem_shared>> -> memref<128xf32, #tpu.memory_space<vmem_shared>>
      %dma_wait3A_104 = tpu.memref_slice %arg6[%add3A_52] : memref<10240xf32, #tpu.memory_space<vmem_shared>> -> memref<128xf32, #tpu.memory_space<vmem_shared>>
      tpu.wait_dma2 semaphore(%run_scoped3A : memref<!tpu.dma_semaphore, #tpu.memory_space<semaphore_mem>>) src(%arg5 : memref<128xf32, #tpu.memory_space<vmem>>) dst(%dma_wait3A_104 : memref<128xf32, #tpu.memory_space<vmem_shared>>)
      tpu.yield
    }) : () -> ()
    %barrier3A = arith.constant 0 : index
    tpu.barrier barrier_id(%barrier3A)
    %broadcast_in_dim3A_53 = arith.constant 1.000000e+00 : f32
    %broadcast_in_dim3A_54 = vector.broadcast %broadcast_in_dim3A_53 : f32 to vector<16xf32>
    %swap3A_55 = arith.constant 0 : index
    %swap3A_56 = tpu.vector_load %arg5[%swap3A_55] {strides = array<i32>} : memref<128xf32, #tpu.memory_space<vmem>>, vector<16xf32>,
    %swap3A_57 = vector.shape_cast %swap3A_56 : vector<16xf32> to vector<16xf32>
    %swap3A_58 = vector.shape_cast %broadcast_in_dim3A_54 : vector<16xf32> to vector<16xf32>
    tpu.vector_store %arg5[%swap3A_55], %swap3A_58 {strides = array<i32>} : memref<128xf32, #tpu.memory_space<vmem>>, vector<16xf32>,
    %swap3A_59 = arith.constant 16 : index
    %swap3A_60 = tpu.vector_load %arg5[%swap3A_59] {strides = array<i32>} : memref<128xf32, #tpu.memory_space<vmem>>, vector<16xf32>,
    %swap3A_61 = vector.shape_cast %swap3A_60 : vector<16xf32> to vector<16xf32>
    %swap3A_62 = vector.shape_cast %broadcast_in_dim3A_54 : vector<16xf32> to vector<16xf32>
    tpu.vector_store %arg5[%swap3A_59], %swap3A_62 {strides = array<i32>} : memref<128xf32, #tpu.memory_space<vmem>>, vector<16xf32>,
    %swap3A_63 = arith.constant 32 : index
    %swap3A_64 = tpu.vector_load %arg5[%swap3A_63] {strides = array<i32>} : memref<128xf32, #tpu.memory_space<vmem>>, vector<16xf32>,
    %swap3A_65 = vector.shape_cast %swap3A_64 : vector<16xf32> to vector<16xf32>
    %swap3A_66 = vector.shape_cast %broadcast_in_dim3A_54 : vector<16xf32> to vector<16xf32>
    tpu.vector_store %arg5[%swap3A_63], %swap3A_66 {strides = array<i32>} : memref<128xf32, #tpu.memory_space<vmem>>, vector<16xf32>,
    %swap3A_67 = arith.constant 48 : index
    %swap3A_68 = tpu.vector_load %arg5[%swap3A_67] {strides = array<i32>} : memref<128xf32, #tpu.memory_space<vmem>>, vector<16xf32>,
    %swap3A_69 = vector.shape_cast %swap3A_68 : vector<16xf32> to vector<16xf32>
    %swap3A_70 = vector.shape_cast %broadcast_in_dim3A_54 : vector<16xf32> to vector<16xf32>
    tpu.vector_store %arg5[%swap3A_67], %swap3A_70 {strides = array<i32>} : memref<128xf32, #tpu.memory_space<vmem>>, vector<16xf32>,
    %swap3A_71 = arith.constant 64 : index
    %swap3A_72 = tpu.vector_load %arg5[%swap3A_71] {strides = array<i32>} : memref<128xf32, #tpu.memory_space<vmem>>, vector<16xf32>,
    %swap3A_73 = vector.shape_cast %swap3A_72 : vector<16xf32> to vector<16xf32>
    %swap3A_74 = vector.shape_cast %broadcast_in_dim3A_54 : vector<16xf32> to vector<16xf32>
    tpu.vector_store %arg5[%swap3A_71], %swap3A_74 {strides = array<i32>} : memref<128xf32, #tpu.memory_space<vmem>>, vector<16xf32>,
    %swap3A_75 = arith.constant 80 : index
    %swap3A_76 = tpu.vector_load %arg5[%swap3A_75] {strides = array<i32>} : memref<128xf32, #tpu.memory_space<vmem>>, vector<16xf32>,
    %swap3A_77 = vector.shape_cast %swap3A_76 : vector<16xf32> to vector<16xf32>
    %swap3A_78 = vector.shape_cast %broadcast_in_dim3A_54 : vector<16xf32> to vector<16xf32>
    tpu.vector_store %arg5[%swap3A_75], %swap3A_78 {strides = array<i32>} : memref<128xf32, #tpu.memory_space<vmem>>, vector<16xf32>,
    %swap3A_79 = arith.constant 96 : index
    %swap3A_80 = tpu.vector_load %arg5[%swap3A_79] {strides = array<i32>} : memref<128xf32, #tpu.memory_space<vmem>>, vector<16xf32>,
    %swap3A_81 = vector.shape_cast %swap3A_80 : vector<16xf32> to vector<16xf32>
    %swap3A_82 = vector.shape_cast %broadcast_in_dim3A_54 : vector<16xf32> to vector<16xf32>
    tpu.vector_store %arg5[%swap3A_79], %swap3A_82 {strides = array<i32>} : memref<128xf32, #tpu.memory_space<vmem>>, vector<16xf32>,
    %swap3A_83 = arith.constant 112 : index
    %swap3A_84 = tpu.vector_load %arg5[%swap3A_83] {strides = array<i32>} : memref<128xf32, #tpu.memory_space<vmem>>, vector<16xf32>,
    %swap3A_85 = vector.shape_cast %swap3A_84 : vector<16xf32> to vector<16xf32>
    %swap3A_86 = vector.shape_cast %broadcast_in_dim3A_54 : vector<16xf32> to vector<16xf32>
    tpu.vector_store %arg5[%swap3A_83], %swap3A_86 {strides = array<i32>} : memref<128xf32, #tpu.memory_space<vmem>>, vector<16xf32>,
    %mul3A_87 = arith.constant 160 : i32
    %mul3A_88 = arith.muli %add3A, %mul3A_87 : i32
    "tpu.region"() ({
      %run_scoped3A = tpu.sem_alloc : memref<!tpu.dma_semaphore, #tpu.memory_space<semaphore_mem>>
      %dma_start3A = arith.constant 0 : i32
      %dma_start3A_103 = tpu.memref_slice %arg2[%mul3A_88, %dma_start3A] : memref<5120x128xi32, #tpu.memory_space<hbm>> -> memref<160x128xi32, #tpu.memory_space<hbm>>
      %dma_start3A_104 = arith.constant 0 : i32
      %dma_start3A_105 = tpu.memref_slice %arg2[%mul3A_88, %dma_start3A_104] : memref<5120x128xi32, #tpu.memory_space<hbm>> -> memref<160x128xi32, #tpu.memory_space<hbm>>
      tpu.enqueue_dma source(%dma_start3A_105 : memref<160x128xi32, #tpu.memory_space<hbm>>) target(%arg4 : memref<160x128xi32, #tpu.memory_space<vmem>>) target_semaphore(%run_scoped3A : memref<!tpu.dma_semaphore, #tpu.memory_space<semaphore_mem>>)
      %dma_wait3A = arith.constant 0 : i32
      %dma_wait3A_106 = tpu.memref_slice %arg2[%mul3A_88, %dma_wait3A] : memref<5120x128xi32, #tpu.memory_space<hbm>> -> memref<160x128xi32, #tpu.memory_space<hbm>>
      %dma_wait3A_107 = arith.constant 0 : i32
      %dma_wait3A_108 = tpu.memref_slice %arg2[%mul3A_88, %dma_wait3A_107] : memref<5120x128xi32, #tpu.memory_space<hbm>> -> memref<160x128xi32, #tpu.memory_space<hbm>>
      tpu.wait_dma2 semaphore(%run_scoped3A : memref<!tpu.dma_semaphore, #tpu.memory_space<semaphore_mem>>) src(%dma_wait3A_108 : memref<160x128xi32, #tpu.memory_space<hbm>>) dst(%arg4 : memref<160x128xi32, #tpu.memory_space<vmem>>)
      tpu.yield
    }) : () -> ()
    %scan3A = arith.constant 0 : i32
    %scan3A_89 = arith.constant 0 : i32
    %scan3A_90 = arith.constant 160 : i32
    %scan3A_91 = arith.addi %scan3A_89, %scan3A_90 : i32
    %scan3A_92 = arith.constant 1 : i32
    %scan3A_93 = scf.for %scan3A_103 = %scan3A_89 to %scan3A_91 step %scan3A_92 iter_args(%scan3A_104 = %scan3A) -> (i32)  : i32 {
      "tpu.region"() ({
        %run_scoped3A = tpu.sem_alloc : memref<!tpu.dma_semaphore, #tpu.memory_space<semaphore_mem>>
        %dma_start3A = arith.constant 0 : i32
        %dma_start3A_106 = tpu.memref_slice %arg4[%scan3A_103, %dma_start3A] : memref<160x128xi32, #tpu.memory_space<vmem>> -> memref<1x128xi32, #tpu.memory_space<vmem>>
        %dma_start3A_107 = tpu.memref_squeeze %dma_start3A_106 : memref<1x128xi32, #tpu.memory_space<vmem>> -> memref<128xi32, #tpu.memory_space<vmem>>
        %dma_start3A_108 = arith.constant 0 : i32
        %dma_start3A_109 = tpu.memref_slice %arg6[%dma_start3A_108] : memref<10240xf32, #tpu.memory_space<vmem_shared>> -> memref<10240xf32, #tpu.memory_space<vmem_shared>>
        tpu.enqueue_indirect_dma source(%arg5 : memref<128xf32, #tpu.memory_space<vmem>>) target(%dma_start3A_109 : memref<10240xf32, #tpu.memory_space<vmem_shared>>) offsets(%dma_start3A_107 : memref<128xi32, #tpu.memory_space<vmem>>) semaphore(%run_scoped3A : memref<!tpu.dma_semaphore, #tpu.memory_space<semaphore_mem>>) {add = true}
        %dma_wait3A = arith.constant 0 : i32
        %dma_wait3A_110 = tpu.memref_slice %arg4[%scan3A_103, %dma_wait3A] : memref<160x128xi32, #tpu.memory_space<vmem>> -> memref<1x128xi32, #tpu.memory_space<vmem>>
        %dma_wait3A_111 = tpu.memref_squeeze %dma_wait3A_110 : memref<1x128xi32, #tpu.memory_space<vmem>> -> memref<128xi32, #tpu.memory_space<vmem>>
        %dma_wait3A_112 = arith.constant 0 : i32
        %dma_wait3A_113 = tpu.memref_slice %arg6[%dma_wait3A_112] : memref<10240xf32, #tpu.memory_space<vmem_shared>> -> memref<10240xf32, #tpu.memory_space<vmem_shared>>
        tpu.wait_indirect_dma semaphore(%run_scoped3A : memref<!tpu.dma_semaphore, #tpu.memory_space<semaphore_mem>>) src(%arg5 : memref<128xf32, #tpu.memory_space<vmem>>) dst(%dma_wait3A_113 : memref<10240xf32, #tpu.memory_space<vmem_shared>>)
        tpu.yield
      }) : () -> ()
      %scan3A_105 = arith.constant 0 : i32
      scf.yield %scan3A_105 : i32
    }
    %scan3A_94 = arith.constant 160 : i32
    %barrier3A_95 = arith.constant 0 : index
    tpu.barrier barrier_id(%barrier3A_95)
    %mul3A_96 = arith.constant 640 : i32
    %mul3A_97 = arith.muli %arg1, %mul3A_96 : i32
    %mul3A_98 = arith.constant 10240 : i32
    %mul3A_99 = arith.muli %arg0, %mul3A_98 : i32
    %mul3A_100 = arith.constant 640 : i32
    %mul3A_101 = arith.muli %arg1, %mul3A_100 : i32
    %add3A_102 = arith.addi %mul3A_99, %mul3A_101 : i32
    "tpu.region"() ({
      %run_scoped3A = tpu.sem_alloc : memref<!tpu.dma_semaphore, #tpu.memory_space<semaphore_mem>>
      %dma_start3A = tpu.memref_slice %arg3[%add3A_102] : memref<20480xf32, #tpu.memory_space<hbm>> -> memref<640xf32, #tpu.memory_space<hbm>>
      %dma_start3A_103 = tpu.memref_slice %arg6[%mul3A_97] : memref<10240xf32, #tpu.memory_space<vmem_shared>> -> memref<640xf32, #tpu.memory_space<vmem_shared>>
      tpu.enqueue_dma source(%dma_start3A_103 : memref<640xf32, #tpu.memory_space<vmem_shared>>) target(%dma_start3A : memref<640xf32, #tpu.memory_space<hbm>>) target_semaphore(%run_scoped3A : memref<!tpu.dma_semaphore, #tpu.memory_space<semaphore_mem>>)
      %dma_wait3A = tpu.memref_slice %arg3[%add3A_102] : memref<20480xf32, #tpu.memory_space<hbm>> -> memref<640xf32, #tpu.memory_space<hbm>>
      %dma_wait3A_104 = tpu.memref_slice %arg6[%mul3A_97] : memref<10240xf32, #tpu.memory_space<vmem_shared>> -> memref<640xf32, #tpu.memory_space<vmem_shared>>
      tpu.wait_dma2 semaphore(%run_scoped3A : memref<!tpu.dma_semaphore, #tpu.memory_space<semaphore_mem>>) src(%dma_wait3A_104 : memref<640xf32, #tpu.memory_space<vmem_shared>>) dst(%dma_wait3A : memref<640xf32, #tpu.memory_space<hbm>>)
      tpu.yield
    }) : () -> ()
    return
  }
}

#map = affine_map<(d0, d1) -> (0, 0)>
module attributes {stable_mosaic.version = 14 : i64} {
  func.func @agg(%arg0: i32, %arg1: i32, %arg2: memref<10240x32xf32, #tpu.memory_space<hbm>>, %arg3: memref<5120x128xi32, #tpu.memory_space<hbm>>, %arg4: memref<5120x128xi32, #tpu.memory_space<hbm>>, %arg5: memref<20480x32xf32, #tpu.memory_space<hbm>>, %arg6: memref<160x128xi32, #tpu.memory_space<vmem>>, %arg7: memref<160x128xi32, #tpu.memory_space<vmem>>, %arg8: memref<128x32xf32, #tpu.memory_space<vmem>>, %arg9: memref<128x32xf32, #tpu.memory_space<vmem>>, %arg10: memref<128x32xf32, #tpu.memory_space<vmem>>, %arg11: memref<128x32xf32, #tpu.memory_space<vmem>>, %arg12: memref<10240x32xf32, #tpu.memory_space<vmem_shared>>, %arg13: memref<!tpu.dma_semaphore, #tpu.memory_space<semaphore_mem>>, %arg14: memref<!tpu.dma_semaphore, #tpu.memory_space<semaphore_mem>>, %arg15: memref<!tpu.dma_semaphore, #tpu.memory_space<semaphore_mem>>, %arg16: memref<!tpu.dma_semaphore, #tpu.memory_space<semaphore_mem>>) attributes {dimension_semantics = [#tpu.dimension_semantics<core_parallel>, #tpu.dimension_semantics<subcore_parallel>], iteration_bounds = array<i64: 2, 16>, scalar_prefetch = 0 : i64, scratch_operands = 11 : i64, tpu.core_type = #tpu.core_type<sc_vector_subcore>, window_params = [{transform_indices = #map}, {transform_indices = #map}, {transform_indices = #map}, {transform_indices = #map}]} {
    %mul3A = arith.constant 2 : i32
    %mul3A_0 = arith.muli %arg1, %mul3A : i32
    %add3A = arith.addi %mul3A_0, %arg0 : i32
    %broadcast_in_dim3A = arith.constant 0.000000e+00 : f32
    %broadcast_in_dim3A_1 = vector.broadcast %broadcast_in_dim3A : f32 to vector<16xf32>
    %scan3A = arith.constant 0 : i32
    %scan3A_2 = arith.constant 0 : i32
    %scan3A_3 = arith.constant 256 : i32
    %scan3A_4 = arith.addi %scan3A_2, %scan3A_3 : i32
    %scan3A_5 = arith.constant 1 : i32
    %scan3A_6 = scf.for %scan3A_74 = %scan3A_2 to %scan3A_4 step %scan3A_5 iter_args(%scan3A_75 = %scan3A) -> (i32)  : i32 {
      %jit3A = arith.constant 2 : i32
      %div3A = arith.divsi %scan3A_74, %jit3A : i32
      %sign3A = arith.constant 0 : i32
      %sign3A_76 = arith.cmpi sgt, %scan3A_74, %sign3A : i32
      %sign3A_77 = arith.extui %sign3A_76 : i1 to i32
      %sign3A_78 = arith.constant 0 : i32
      %sign3A_79 = arith.cmpi slt, %scan3A_74, %sign3A_78 : i32
      %sign3A_80 = arith.extui %sign3A_79 : i1 to i32
      %sign3A_81 = arith.subi %sign3A_77, %sign3A_80 : i32
      %sign3A_82 = arith.constant 0 : i32
      %sign3A_83 = arith.cmpi sgt, %jit3A, %sign3A_82 : i32
      %sign3A_84 = arith.extui %sign3A_83 : i1 to i32
      %sign3A_85 = arith.constant 0 : i32
      %sign3A_86 = arith.cmpi slt, %jit3A, %sign3A_85 : i32
      %sign3A_87 = arith.extui %sign3A_86 : i1 to i32
      %sign3A_88 = arith.subi %sign3A_84, %sign3A_87 : i32
      %ne3A = arith.cmpi ne, %sign3A_81, %sign3A_88 : i32
      %rem3A = arith.remsi %scan3A_74, %jit3A : i32
      %ne3A_89 = arith.constant 0 : i32
      %ne3A_90 = arith.cmpi ne, %rem3A, %ne3A_89 : i32
      %and3A = arith.andi %ne3A, %ne3A_90 : i1
      %sub3A = arith.constant 1 : i32
      %sub3A_91 = arith.subi %div3A, %sub3A : i32
      %select_n3A = arith.select %and3A, %sub3A_91, %div3A : i32
      %jit3A_92 = arith.constant 2 : i32
      %eq3A = arith.constant 0 : i32
      %eq3A_93 = arith.cmpi eq, %jit3A_92, %eq3A : i32
      %jit3A_94 = arith.constant 1 : i32
      %select_n3A_95 = arith.select %eq3A_93, %jit3A_94, %jit3A_92 : i32
      %rem3A_96 = arith.remsi %scan3A_74, %select_n3A_95 : i32
      %ne3A_97 = arith.constant 0 : i32
      %ne3A_98 = arith.cmpi ne, %rem3A_96, %ne3A_97 : i32
      %lt3A = arith.constant 0 : i32
      %lt3A_99 = arith.cmpi slt, %rem3A_96, %lt3A : i32
      %lt3A_100 = arith.constant 0 : i32
      %lt3A_101 = arith.cmpi slt, %select_n3A_95, %lt3A_100 : i32
      %ne3A_102 = arith.xori %lt3A_99, %lt3A_101 : i1
      %and3A_103 = arith.andi %ne3A_102, %ne3A_98 : i1
      %add3A_104 = arith.addi %rem3A_96, %select_n3A_95 : i32
      %select_n3A_105 = arith.select %and3A_103, %add3A_104, %rem3A_96 : i32
      %mul3A_106 = arith.constant 16 : i32
      %mul3A_107 = arith.muli %select_n3A_105, %mul3A_106 : i32
      %swap3A = arith.index_cast %select_n3A : i32 to index
      %swap3A_108 = arith.index_cast %mul3A_107 : i32 to index
      %swap3A_109 = tpu.vector_load %arg8[%swap3A, %swap3A_108] {strides = array<i32>} : memref<128x32xf32, #tpu.memory_space<vmem>>, vector<1x16xf32>,
      %swap3A_110 = vector.shape_cast %swap3A_109 : vector<1x16xf32> to vector<16xf32>
      %swap3A_111 = vector.shape_cast %broadcast_in_dim3A_1 : vector<16xf32> to vector<1x16xf32>
      tpu.vector_store %arg8[%swap3A, %swap3A_108], %swap3A_111 {strides = array<i32>} : memref<128x32xf32, #tpu.memory_space<vmem>>, vector<1x16xf32>,
      %scan3A_112 = arith.constant 0 : i32
      scf.yield %scan3A_112 : i32
    }
    %scan3A_7 = arith.constant 256 : i32
    %mul3A_8 = arith.constant 640 : i32
    %mul3A_9 = arith.muli %arg1, %mul3A_8 : i32
    %add3A_10 = arith.constant 0 : i32
    %add3A_11 = arith.addi %mul3A_9, %add3A_10 : i32
    "tpu.region"() ({
      %run_scoped3A = tpu.sem_alloc : memref<!tpu.dma_semaphore, #tpu.memory_space<semaphore_mem>>
      %dma_start3A_74 = arith.constant 0 : i32
      %dma_start3A_75 = tpu.memref_slice %arg12[%add3A_11, %dma_start3A_74] : memref<10240x32xf32, #tpu.memory_space<vmem_shared>> -> memref<128x32xf32, #tpu.memory_space<vmem_shared>>
      %dma_start3A_76 = arith.constant 0 : i32
      %dma_start3A_77 = tpu.memref_slice %arg12[%add3A_11, %dma_start3A_76] : memref<10240x32xf32, #tpu.memory_space<vmem_shared>> -> memref<128x32xf32, #tpu.memory_space<vmem_shared>>
      tpu.enqueue_dma source(%arg8 : memref<128x32xf32, #tpu.memory_space<vmem>>) target(%dma_start3A_77 : memref<128x32xf32, #tpu.memory_space<vmem_shared>>) target_semaphore(%run_scoped3A : memref<!tpu.dma_semaphore, #tpu.memory_space<semaphore_mem>>)
      %dma_wait3A = arith.constant 0 : i32
      %dma_wait3A_78 = tpu.memref_slice %arg12[%add3A_11, %dma_wait3A] : memref<10240x32xf32, #tpu.memory_space<vmem_shared>> -> memref<128x32xf32, #tpu.memory_space<vmem_shared>>
      %dma_wait3A_79 = arith.constant 0 : i32
      %dma_wait3A_80 = tpu.memref_slice %arg12[%add3A_11, %dma_wait3A_79] : memref<10240x32xf32, #tpu.memory_space<vmem_shared>> -> memref<128x32xf32, #tpu.memory_space<vmem_shared>>
      tpu.wait_dma2 semaphore(%run_scoped3A : memref<!tpu.dma_semaphore, #tpu.memory_space<semaphore_mem>>) src(%arg8 : memref<128x32xf32, #tpu.memory_space<vmem>>) dst(%dma_wait3A_80 : memref<128x32xf32, #tpu.memory_space<vmem_shared>>)
      tpu.yield
    }) : () -> ()
    %mul3A_12 = arith.constant 640 : i32
    %mul3A_13 = arith.muli %arg1, %mul3A_12 : i32
    %add3A_14 = arith.constant 128 : i32
    %add3A_15 = arith.addi %mul3A_13, %add3A_14 : i32
    "tpu.region"() ({
      %run_scoped3A = tpu.sem_alloc : memref<!tpu.dma_semaphore, #tpu.memory_space<semaphore_mem>>
      %dma_start3A_74 = arith.constant 0 : i32
      %dma_start3A_75 = tpu.memref_slice %arg12[%add3A_15, %dma_start3A_74] : memref<10240x32xf32, #tpu.memory_space<vmem_shared>> -> memref<128x32xf32, #tpu.memory_space<vmem_shared>>
      %dma_start3A_76 = arith.constant 0 : i32
      %dma_start3A_77 = tpu.memref_slice %arg12[%add3A_15, %dma_start3A_76] : memref<10240x32xf32, #tpu.memory_space<vmem_shared>> -> memref<128x32xf32, #tpu.memory_space<vmem_shared>>
      tpu.enqueue_dma source(%arg8 : memref<128x32xf32, #tpu.memory_space<vmem>>) target(%dma_start3A_77 : memref<128x32xf32, #tpu.memory_space<vmem_shared>>) target_semaphore(%run_scoped3A : memref<!tpu.dma_semaphore, #tpu.memory_space<semaphore_mem>>)
      %dma_wait3A = arith.constant 0 : i32
      %dma_wait3A_78 = tpu.memref_slice %arg12[%add3A_15, %dma_wait3A] : memref<10240x32xf32, #tpu.memory_space<vmem_shared>> -> memref<128x32xf32, #tpu.memory_space<vmem_shared>>
      %dma_wait3A_79 = arith.constant 0 : i32
      %dma_wait3A_80 = tpu.memref_slice %arg12[%add3A_15, %dma_wait3A_79] : memref<10240x32xf32, #tpu.memory_space<vmem_shared>> -> memref<128x32xf32, #tpu.memory_space<vmem_shared>>
      tpu.wait_dma2 semaphore(%run_scoped3A : memref<!tpu.dma_semaphore, #tpu.memory_space<semaphore_mem>>) src(%arg8 : memref<128x32xf32, #tpu.memory_space<vmem>>) dst(%dma_wait3A_80 : memref<128x32xf32, #tpu.memory_space<vmem_shared>>)
      tpu.yield
    }) : () -> ()
    %mul3A_16 = arith.constant 640 : i32
    %mul3A_17 = arith.muli %arg1, %mul3A_16 : i32
    %add3A_18 = arith.constant 256 : i32
    %add3A_19 = arith.addi %mul3A_17, %add3A_18 : i32
    "tpu.region"() ({
      %run_scoped3A = tpu.sem_alloc : memref<!tpu.dma_semaphore, #tpu.memory_space<semaphore_mem>>
      %dma_start3A_74 = arith.constant 0 : i32
      %dma_start3A_75 = tpu.memref_slice %arg12[%add3A_19, %dma_start3A_74] : memref<10240x32xf32, #tpu.memory_space<vmem_shared>> -> memref<128x32xf32, #tpu.memory_space<vmem_shared>>
      %dma_start3A_76 = arith.constant 0 : i32
      %dma_start3A_77 = tpu.memref_slice %arg12[%add3A_19, %dma_start3A_76] : memref<10240x32xf32, #tpu.memory_space<vmem_shared>> -> memref<128x32xf32, #tpu.memory_space<vmem_shared>>
      tpu.enqueue_dma source(%arg8 : memref<128x32xf32, #tpu.memory_space<vmem>>) target(%dma_start3A_77 : memref<128x32xf32, #tpu.memory_space<vmem_shared>>) target_semaphore(%run_scoped3A : memref<!tpu.dma_semaphore, #tpu.memory_space<semaphore_mem>>)
      %dma_wait3A = arith.constant 0 : i32
      %dma_wait3A_78 = tpu.memref_slice %arg12[%add3A_19, %dma_wait3A] : memref<10240x32xf32, #tpu.memory_space<vmem_shared>> -> memref<128x32xf32, #tpu.memory_space<vmem_shared>>
      %dma_wait3A_79 = arith.constant 0 : i32
      %dma_wait3A_80 = tpu.memref_slice %arg12[%add3A_19, %dma_wait3A_79] : memref<10240x32xf32, #tpu.memory_space<vmem_shared>> -> memref<128x32xf32, #tpu.memory_space<vmem_shared>>
      tpu.wait_dma2 semaphore(%run_scoped3A : memref<!tpu.dma_semaphore, #tpu.memory_space<semaphore_mem>>) src(%arg8 : memref<128x32xf32, #tpu.memory_space<vmem>>) dst(%dma_wait3A_80 : memref<128x32xf32, #tpu.memory_space<vmem_shared>>)
      tpu.yield
    }) : () -> ()
    %mul3A_20 = arith.constant 640 : i32
    %mul3A_21 = arith.muli %arg1, %mul3A_20 : i32
    %add3A_22 = arith.constant 384 : i32
    %add3A_23 = arith.addi %mul3A_21, %add3A_22 : i32
    "tpu.region"() ({
      %run_scoped3A = tpu.sem_alloc : memref<!tpu.dma_semaphore, #tpu.memory_space<semaphore_mem>>
      %dma_start3A_74 = arith.constant 0 : i32
      %dma_start3A_75 = tpu.memref_slice %arg12[%add3A_23, %dma_start3A_74] : memref<10240x32xf32, #tpu.memory_space<vmem_shared>> -> memref<128x32xf32, #tpu.memory_space<vmem_shared>>
      %dma_start3A_76 = arith.constant 0 : i32
      %dma_start3A_77 = tpu.memref_slice %arg12[%add3A_23, %dma_start3A_76] : memref<10240x32xf32, #tpu.memory_space<vmem_shared>> -> memref<128x32xf32, #tpu.memory_space<vmem_shared>>
      tpu.enqueue_dma source(%arg8 : memref<128x32xf32, #tpu.memory_space<vmem>>) target(%dma_start3A_77 : memref<128x32xf32, #tpu.memory_space<vmem_shared>>) target_semaphore(%run_scoped3A : memref<!tpu.dma_semaphore, #tpu.memory_space<semaphore_mem>>)
      %dma_wait3A = arith.constant 0 : i32
      %dma_wait3A_78 = tpu.memref_slice %arg12[%add3A_23, %dma_wait3A] : memref<10240x32xf32, #tpu.memory_space<vmem_shared>> -> memref<128x32xf32, #tpu.memory_space<vmem_shared>>
      %dma_wait3A_79 = arith.constant 0 : i32
      %dma_wait3A_80 = tpu.memref_slice %arg12[%add3A_23, %dma_wait3A_79] : memref<10240x32xf32, #tpu.memory_space<vmem_shared>> -> memref<128x32xf32, #tpu.memory_space<vmem_shared>>
      tpu.wait_dma2 semaphore(%run_scoped3A : memref<!tpu.dma_semaphore, #tpu.memory_space<semaphore_mem>>) src(%arg8 : memref<128x32xf32, #tpu.memory_space<vmem>>) dst(%dma_wait3A_80 : memref<128x32xf32, #tpu.memory_space<vmem_shared>>)
      tpu.yield
    }) : () -> ()
    %mul3A_24 = arith.constant 640 : i32
    %mul3A_25 = arith.muli %arg1, %mul3A_24 : i32
    %add3A_26 = arith.constant 512 : i32
    %add3A_27 = arith.addi %mul3A_25, %add3A_26 : i32
    "tpu.region"() ({
      %run_scoped3A = tpu.sem_alloc : memref<!tpu.dma_semaphore, #tpu.memory_space<semaphore_mem>>
      %dma_start3A_74 = arith.constant 0 : i32
      %dma_start3A_75 = tpu.memref_slice %arg12[%add3A_27, %dma_start3A_74] : memref<10240x32xf32, #tpu.memory_space<vmem_shared>> -> memref<128x32xf32, #tpu.memory_space<vmem_shared>>
      %dma_start3A_76 = arith.constant 0 : i32
      %dma_start3A_77 = tpu.memref_slice %arg12[%add3A_27, %dma_start3A_76] : memref<10240x32xf32, #tpu.memory_space<vmem_shared>> -> memref<128x32xf32, #tpu.memory_space<vmem_shared>>
      tpu.enqueue_dma source(%arg8 : memref<128x32xf32, #tpu.memory_space<vmem>>) target(%dma_start3A_77 : memref<128x32xf32, #tpu.memory_space<vmem_shared>>) target_semaphore(%run_scoped3A : memref<!tpu.dma_semaphore, #tpu.memory_space<semaphore_mem>>)
      %dma_wait3A = arith.constant 0 : i32
      %dma_wait3A_78 = tpu.memref_slice %arg12[%add3A_27, %dma_wait3A] : memref<10240x32xf32, #tpu.memory_space<vmem_shared>> -> memref<128x32xf32, #tpu.memory_space<vmem_shared>>
      %dma_wait3A_79 = arith.constant 0 : i32
      %dma_wait3A_80 = tpu.memref_slice %arg12[%add3A_27, %dma_wait3A_79] : memref<10240x32xf32, #tpu.memory_space<vmem_shared>> -> memref<128x32xf32, #tpu.memory_space<vmem_shared>>
      tpu.wait_dma2 semaphore(%run_scoped3A : memref<!tpu.dma_semaphore, #tpu.memory_space<semaphore_mem>>) src(%arg8 : memref<128x32xf32, #tpu.memory_space<vmem>>) dst(%dma_wait3A_80 : memref<128x32xf32, #tpu.memory_space<vmem_shared>>)
      tpu.yield
    }) : () -> ()
    %barrier3A = arith.constant 0 : index
    tpu.barrier barrier_id(%barrier3A)
    %mul3A_28 = arith.constant 160 : i32
    %mul3A_29 = arith.muli %add3A, %mul3A_28 : i32
    "tpu.region"() ({
      %run_scoped3A = tpu.sem_alloc : memref<!tpu.dma_semaphore, #tpu.memory_space<semaphore_mem>>
      %dma_start3A_74 = arith.constant 0 : i32
      %dma_start3A_75 = tpu.memref_slice %arg3[%mul3A_29, %dma_start3A_74] : memref<5120x128xi32, #tpu.memory_space<hbm>> -> memref<160x128xi32, #tpu.memory_space<hbm>>
      %dma_start3A_76 = arith.constant 0 : i32
      %dma_start3A_77 = tpu.memref_slice %arg3[%mul3A_29, %dma_start3A_76] : memref<5120x128xi32, #tpu.memory_space<hbm>> -> memref<160x128xi32, #tpu.memory_space<hbm>>
      tpu.enqueue_dma source(%dma_start3A_77 : memref<160x128xi32, #tpu.memory_space<hbm>>) target(%arg6 : memref<160x128xi32, #tpu.memory_space<vmem>>) target_semaphore(%run_scoped3A : memref<!tpu.dma_semaphore, #tpu.memory_space<semaphore_mem>>)
      %dma_wait3A = arith.constant 0 : i32
      %dma_wait3A_78 = tpu.memref_slice %arg3[%mul3A_29, %dma_wait3A] : memref<5120x128xi32, #tpu.memory_space<hbm>> -> memref<160x128xi32, #tpu.memory_space<hbm>>
      %dma_wait3A_79 = arith.constant 0 : i32
      %dma_wait3A_80 = tpu.memref_slice %arg3[%mul3A_29, %dma_wait3A_79] : memref<5120x128xi32, #tpu.memory_space<hbm>> -> memref<160x128xi32, #tpu.memory_space<hbm>>
      tpu.wait_dma2 semaphore(%run_scoped3A : memref<!tpu.dma_semaphore, #tpu.memory_space<semaphore_mem>>) src(%dma_wait3A_80 : memref<160x128xi32, #tpu.memory_space<hbm>>) dst(%arg6 : memref<160x128xi32, #tpu.memory_space<vmem>>)
      tpu.yield
    }) : () -> ()
    %mul3A_30 = arith.constant 160 : i32
    %mul3A_31 = arith.muli %add3A, %mul3A_30 : i32
    "tpu.region"() ({
      %run_scoped3A = tpu.sem_alloc : memref<!tpu.dma_semaphore, #tpu.memory_space<semaphore_mem>>
      %dma_start3A_74 = arith.constant 0 : i32
      %dma_start3A_75 = tpu.memref_slice %arg4[%mul3A_31, %dma_start3A_74] : memref<5120x128xi32, #tpu.memory_space<hbm>> -> memref<160x128xi32, #tpu.memory_space<hbm>>
      %dma_start3A_76 = arith.constant 0 : i32
      %dma_start3A_77 = tpu.memref_slice %arg4[%mul3A_31, %dma_start3A_76] : memref<5120x128xi32, #tpu.memory_space<hbm>> -> memref<160x128xi32, #tpu.memory_space<hbm>>
      tpu.enqueue_dma source(%dma_start3A_77 : memref<160x128xi32, #tpu.memory_space<hbm>>) target(%arg7 : memref<160x128xi32, #tpu.memory_space<vmem>>) target_semaphore(%run_scoped3A : memref<!tpu.dma_semaphore, #tpu.memory_space<semaphore_mem>>)
      %dma_wait3A = arith.constant 0 : i32
      %dma_wait3A_78 = tpu.memref_slice %arg4[%mul3A_31, %dma_wait3A] : memref<5120x128xi32, #tpu.memory_space<hbm>> -> memref<160x128xi32, #tpu.memory_space<hbm>>
      %dma_wait3A_79 = arith.constant 0 : i32
      %dma_wait3A_80 = tpu.memref_slice %arg4[%mul3A_31, %dma_wait3A_79] : memref<5120x128xi32, #tpu.memory_space<hbm>> -> memref<160x128xi32, #tpu.memory_space<hbm>>
      tpu.wait_dma2 semaphore(%run_scoped3A : memref<!tpu.dma_semaphore, #tpu.memory_space<semaphore_mem>>) src(%dma_wait3A_80 : memref<160x128xi32, #tpu.memory_space<hbm>>) dst(%arg7 : memref<160x128xi32, #tpu.memory_space<vmem>>)
      tpu.yield
    }) : () -> ()
    %dma_start3A = arith.constant 0 : i32
    %dma_start3A_32 = arith.constant 0 : i32
    %dma_start3A_33 = tpu.memref_slice %arg6[%dma_start3A, %dma_start3A_32] : memref<160x128xi32, #tpu.memory_space<vmem>> -> memref<1x128xi32, #tpu.memory_space<vmem>>
    %dma_start3A_34 = tpu.memref_squeeze %dma_start3A_33 : memref<1x128xi32, #tpu.memory_space<vmem>> -> memref<128xi32, #tpu.memory_space<vmem>>
    %dma_start3A_35 = arith.constant 0 : i32
    %dma_start3A_36 = arith.constant 0 : i32
    %dma_start3A_37 = tpu.memref_slice %arg2[%dma_start3A_35, %dma_start3A_36] : memref<10240x32xf32, #tpu.memory_space<hbm>> -> memref<10240x32xf32, #tpu.memory_space<hbm>>
    tpu.enqueue_indirect_dma source(%dma_start3A_37 : memref<10240x32xf32, #tpu.memory_space<hbm>>) target(%arg8 : memref<128x32xf32, #tpu.memory_space<vmem>>) offsets(%dma_start3A_34 : memref<128xi32, #tpu.memory_space<vmem>>) semaphore(%arg13 : memref<!tpu.dma_semaphore, #tpu.memory_space<semaphore_mem>>)
    %dma_start3A_38 = arith.constant 1 : i32
    %dma_start3A_39 = arith.constant 0 : i32
    %dma_start3A_40 = tpu.memref_slice %arg6[%dma_start3A_38, %dma_start3A_39] : memref<160x128xi32, #tpu.memory_space<vmem>> -> memref<1x128xi32, #tpu.memory_space<vmem>>
    %dma_start3A_41 = tpu.memref_squeeze %dma_start3A_40 : memref<1x128xi32, #tpu.memory_space<vmem>> -> memref<128xi32, #tpu.memory_space<vmem>>
    %dma_start3A_42 = arith.constant 0 : i32
    %dma_start3A_43 = arith.constant 0 : i32
    %dma_start3A_44 = tpu.memref_slice %arg2[%dma_start3A_42, %dma_start3A_43] : memref<10240x32xf32, #tpu.memory_space<hbm>> -> memref<10240x32xf32, #tpu.memory_space<hbm>>
    tpu.enqueue_indirect_dma source(%dma_start3A_44 : memref<10240x32xf32, #tpu.memory_space<hbm>>) target(%arg9 : memref<128x32xf32, #tpu.memory_space<vmem>>) offsets(%dma_start3A_41 : memref<128xi32, #tpu.memory_space<vmem>>) semaphore(%arg14 : memref<!tpu.dma_semaphore, #tpu.memory_space<semaphore_mem>>)
    %dma_start3A_45 = arith.constant 2 : i32
    %dma_start3A_46 = arith.constant 0 : i32
    %dma_start3A_47 = tpu.memref_slice %arg6[%dma_start3A_45, %dma_start3A_46] : memref<160x128xi32, #tpu.memory_space<vmem>> -> memref<1x128xi32, #tpu.memory_space<vmem>>
    %dma_start3A_48 = tpu.memref_squeeze %dma_start3A_47 : memref<1x128xi32, #tpu.memory_space<vmem>> -> memref<128xi32, #tpu.memory_space<vmem>>
    %dma_start3A_49 = arith.constant 0 : i32
    %dma_start3A_50 = arith.constant 0 : i32
    %dma_start3A_51 = tpu.memref_slice %arg2[%dma_start3A_49, %dma_start3A_50] : memref<10240x32xf32, #tpu.memory_space<hbm>> -> memref<10240x32xf32, #tpu.memory_space<hbm>>
    tpu.enqueue_indirect_dma source(%dma_start3A_51 : memref<10240x32xf32, #tpu.memory_space<hbm>>) target(%arg10 : memref<128x32xf32, #tpu.memory_space<vmem>>) offsets(%dma_start3A_48 : memref<128xi32, #tpu.memory_space<vmem>>) semaphore(%arg15 : memref<!tpu.dma_semaphore, #tpu.memory_space<semaphore_mem>>)
    %dma_start3A_52 = arith.constant 3 : i32
    %dma_start3A_53 = arith.constant 0 : i32
    %dma_start3A_54 = tpu.memref_slice %arg6[%dma_start3A_52, %dma_start3A_53] : memref<160x128xi32, #tpu.memory_space<vmem>> -> memref<1x128xi32, #tpu.memory_space<vmem>>
    %dma_start3A_55 = tpu.memref_squeeze %dma_start3A_54 : memref<1x128xi32, #tpu.memory_space<vmem>> -> memref<128xi32, #tpu.memory_space<vmem>>
    %dma_start3A_56 = arith.constant 0 : i32
    %dma_start3A_57 = arith.constant 0 : i32
    %dma_start3A_58 = tpu.memref_slice %arg2[%dma_start3A_56, %dma_start3A_57] : memref<10240x32xf32, #tpu.memory_space<hbm>> -> memref<10240x32xf32, #tpu.memory_space<hbm>>
    tpu.enqueue_indirect_dma source(%dma_start3A_58 : memref<10240x32xf32, #tpu.memory_space<hbm>>) target(%arg11 : memref<128x32xf32, #tpu.memory_space<vmem>>) offsets(%dma_start3A_55 : memref<128xi32, #tpu.memory_space<vmem>>) semaphore(%arg16 : memref<!tpu.dma_semaphore, #tpu.memory_space<semaphore_mem>>)
    %scan3A_59 = arith.constant 0 : i32
    %scan3A_60 = arith.constant 0 : i32
    %scan3A_61 = arith.constant 40 : i32
    %scan3A_62 = arith.addi %scan3A_60, %scan3A_61 : i32
    %scan3A_63 = arith.constant 1 : i32
    %scan3A_64 = scf.for %scan3A_74 = %scan3A_60 to %scan3A_62 step %scan3A_63 iter_args(%scan3A_75 = %scan3A_59) -> (i32)  : i32 {
      %mul3A_76 = arith.constant 4 : i32
      %mul3A_77 = arith.muli %scan3A_74, %mul3A_76 : i32
      %add3A_78 = arith.constant 0 : i32
      %add3A_79 = arith.addi %mul3A_77, %add3A_78 : i32
      %dma_wait3A = arith.constant 0 : i32
      %dma_wait3A_80 = tpu.memref_slice %arg6[%add3A_79, %dma_wait3A] : memref<160x128xi32, #tpu.memory_space<vmem>> -> memref<1x128xi32, #tpu.memory_space<vmem>>
      %dma_wait3A_81 = tpu.memref_squeeze %dma_wait3A_80 : memref<1x128xi32, #tpu.memory_space<vmem>> -> memref<128xi32, #tpu.memory_space<vmem>>
      %dma_wait3A_82 = arith.constant 0 : i32
      %dma_wait3A_83 = arith.constant 0 : i32
      %dma_wait3A_84 = tpu.memref_slice %arg2[%dma_wait3A_82, %dma_wait3A_83] : memref<10240x32xf32, #tpu.memory_space<hbm>> -> memref<10240x32xf32, #tpu.memory_space<hbm>>
      tpu.wait_indirect_dma semaphore(%arg13 : memref<!tpu.dma_semaphore, #tpu.memory_space<semaphore_mem>>) src(%dma_wait3A_84 : memref<10240x32xf32, #tpu.memory_space<hbm>>) dst(%arg8 : memref<128x32xf32, #tpu.memory_space<vmem>>)
      "tpu.region"() ({
        %run_scoped3A = tpu.sem_alloc : memref<!tpu.dma_semaphore, #tpu.memory_space<semaphore_mem>>
        %dma_start3A_133 = arith.constant 0 : i32
        %dma_start3A_134 = tpu.memref_slice %arg7[%add3A_79, %dma_start3A_133] : memref<160x128xi32, #tpu.memory_space<vmem>> -> memref<1x128xi32, #tpu.memory_space<vmem>>
        %dma_start3A_135 = tpu.memref_squeeze %dma_start3A_134 : memref<1x128xi32, #tpu.memory_space<vmem>> -> memref<128xi32, #tpu.memory_space<vmem>>
        %dma_start3A_136 = arith.constant 0 : i32
        %dma_start3A_137 = arith.constant 0 : i32
        %dma_start3A_138 = tpu.memref_slice %arg12[%dma_start3A_136, %dma_start3A_137] : memref<10240x32xf32, #tpu.memory_space<vmem_shared>> -> memref<10240x32xf32, #tpu.memory_space<vmem_shared>>
        tpu.enqueue_indirect_dma source(%arg8 : memref<128x32xf32, #tpu.memory_space<vmem>>) target(%dma_start3A_138 : memref<10240x32xf32, #tpu.memory_space<vmem_shared>>) offsets(%dma_start3A_135 : memref<128xi32, #tpu.memory_space<vmem>>) semaphore(%run_scoped3A : memref<!tpu.dma_semaphore, #tpu.memory_space<semaphore_mem>>) {add = true}
        %dma_wait3A_139 = arith.constant 0 : i32
        %dma_wait3A_140 = tpu.memref_slice %arg7[%add3A_79, %dma_wait3A_139] : memref<160x128xi32, #tpu.memory_space<vmem>> -> memref<1x128xi32, #tpu.memory_space<vmem>>
        %dma_wait3A_141 = tpu.memref_squeeze %dma_wait3A_140 : memref<1x128xi32, #tpu.memory_space<vmem>> -> memref<128xi32, #tpu.memory_space<vmem>>
        %dma_wait3A_142 = arith.constant 0 : i32
        %dma_wait3A_143 = arith.constant 0 : i32
        %dma_wait3A_144 = tpu.memref_slice %arg12[%dma_wait3A_142, %dma_wait3A_143] : memref<10240x32xf32, #tpu.memory_space<vmem_shared>> -> memref<10240x32xf32, #tpu.memory_space<vmem_shared>>
        tpu.wait_indirect_dma semaphore(%run_scoped3A : memref<!tpu.dma_semaphore, #tpu.memory_space<semaphore_mem>>) src(%arg8 : memref<128x32xf32, #tpu.memory_space<vmem>>) dst(%dma_wait3A_144 : memref<10240x32xf32, #tpu.memory_space<vmem_shared>>)
        tpu.yield
      }) : () -> ()
      %lt3A = arith.constant 39 : i32
      %lt3A_85 = arith.cmpi slt, %scan3A_74, %lt3A : i32
      %convert_element_type3A = arith.extui %lt3A_85 : i1 to i32
      %cond3A = arith.constant 0 : i32
      %cond3A_86 = arith.cmpi ne, %convert_element_type3A, %cond3A : i32
      scf.if %cond3A_86 {
        %add3A_133 = arith.constant 4 : i32
        %add3A_134 = arith.addi %add3A_79, %add3A_133 : i32
        %dma_start3A_135 = arith.constant 0 : i32
        %dma_start3A_136 = tpu.memref_slice %arg6[%add3A_134, %dma_start3A_135] : memref<160x128xi32, #tpu.memory_space<vmem>> -> memref<1x128xi32, #tpu.memory_space<vmem>>
        %dma_start3A_137 = tpu.memref_squeeze %dma_start3A_136 : memref<1x128xi32, #tpu.memory_space<vmem>> -> memref<128xi32, #tpu.memory_space<vmem>>
        %dma_start3A_138 = arith.constant 0 : i32
        %dma_start3A_139 = arith.constant 0 : i32
        %dma_start3A_140 = tpu.memref_slice %arg2[%dma_start3A_138, %dma_start3A_139] : memref<10240x32xf32, #tpu.memory_space<hbm>> -> memref<10240x32xf32, #tpu.memory_space<hbm>>
        tpu.enqueue_indirect_dma source(%dma_start3A_140 : memref<10240x32xf32, #tpu.memory_space<hbm>>) target(%arg8 : memref<128x32xf32, #tpu.memory_space<vmem>>) offsets(%dma_start3A_137 : memref<128xi32, #tpu.memory_space<vmem>>) semaphore(%arg13 : memref<!tpu.dma_semaphore, #tpu.memory_space<semaphore_mem>>)
      } else {
      }
      %mul3A_87 = arith.constant 4 : i32
      %mul3A_88 = arith.muli %scan3A_74, %mul3A_87 : i32
      %add3A_89 = arith.constant 1 : i32
      %add3A_90 = arith.addi %mul3A_88, %add3A_89 : i32
      %dma_wait3A_91 = arith.constant 0 : i32
      %dma_wait3A_92 = tpu.memref_slice %arg6[%add3A_90, %dma_wait3A_91] : memref<160x128xi32, #tpu.memory_space<vmem>> -> memref<1x128xi32, #tpu.memory_space<vmem>>
      %dma_wait3A_93 = tpu.memref_squeeze %dma_wait3A_92 : memref<1x128xi32, #tpu.memory_space<vmem>> -> memref<128xi32, #tpu.memory_space<vmem>>
      %dma_wait3A_94 = arith.constant 0 : i32
      %dma_wait3A_95 = arith.constant 0 : i32
      %dma_wait3A_96 = tpu.memref_slice %arg2[%dma_wait3A_94, %dma_wait3A_95] : memref<10240x32xf32, #tpu.memory_space<hbm>> -> memref<10240x32xf32, #tpu.memory_space<hbm>>
      tpu.wait_indirect_dma semaphore(%arg14 : memref<!tpu.dma_semaphore, #tpu.memory_space<semaphore_mem>>) src(%dma_wait3A_96 : memref<10240x32xf32, #tpu.memory_space<hbm>>) dst(%arg9 : memref<128x32xf32, #tpu.memory_space<vmem>>)
      "tpu.region"() ({
        %run_scoped3A = tpu.sem_alloc : memref<!tpu.dma_semaphore, #tpu.memory_space<semaphore_mem>>
        %dma_start3A_133 = arith.constant 0 : i32
        %dma_start3A_134 = tpu.memref_slice %arg7[%add3A_90, %dma_start3A_133] : memref<160x128xi32, #tpu.memory_space<vmem>> -> memref<1x128xi32, #tpu.memory_space<vmem>>
        %dma_start3A_135 = tpu.memref_squeeze %dma_start3A_134 : memref<1x128xi32, #tpu.memory_space<vmem>> -> memref<128xi32, #tpu.memory_space<vmem>>
        %dma_start3A_136 = arith.constant 0 : i32
        %dma_start3A_137 = arith.constant 0 : i32
        %dma_start3A_138 = tpu.memref_slice %arg12[%dma_start3A_136, %dma_start3A_137] : memref<10240x32xf32, #tpu.memory_space<vmem_shared>> -> memref<10240x32xf32, #tpu.memory_space<vmem_shared>>
        tpu.enqueue_indirect_dma source(%arg9 : memref<128x32xf32, #tpu.memory_space<vmem>>) target(%dma_start3A_138 : memref<10240x32xf32, #tpu.memory_space<vmem_shared>>) offsets(%dma_start3A_135 : memref<128xi32, #tpu.memory_space<vmem>>) semaphore(%run_scoped3A : memref<!tpu.dma_semaphore, #tpu.memory_space<semaphore_mem>>) {add = true}
        %dma_wait3A_139 = arith.constant 0 : i32
        %dma_wait3A_140 = tpu.memref_slice %arg7[%add3A_90, %dma_wait3A_139] : memref<160x128xi32, #tpu.memory_space<vmem>> -> memref<1x128xi32, #tpu.memory_space<vmem>>
        %dma_wait3A_141 = tpu.memref_squeeze %dma_wait3A_140 : memref<1x128xi32, #tpu.memory_space<vmem>> -> memref<128xi32, #tpu.memory_space<vmem>>
        %dma_wait3A_142 = arith.constant 0 : i32
        %dma_wait3A_143 = arith.constant 0 : i32
        %dma_wait3A_144 = tpu.memref_slice %arg12[%dma_wait3A_142, %dma_wait3A_143] : memref<10240x32xf32, #tpu.memory_space<vmem_shared>> -> memref<10240x32xf32, #tpu.memory_space<vmem_shared>>
        tpu.wait_indirect_dma semaphore(%run_scoped3A : memref<!tpu.dma_semaphore, #tpu.memory_space<semaphore_mem>>) src(%arg9 : memref<128x32xf32, #tpu.memory_space<vmem>>) dst(%dma_wait3A_144 : memref<10240x32xf32, #tpu.memory_space<vmem_shared>>)
        tpu.yield
      }) : () -> ()
      %lt3A_97 = arith.constant 39 : i32
      %lt3A_98 = arith.cmpi slt, %scan3A_74, %lt3A_97 : i32
      %convert_element_type3A_99 = arith.extui %lt3A_98 : i1 to i32
      %cond3A_100 = arith.constant 0 : i32
      %cond3A_101 = arith.cmpi ne, %convert_element_type3A_99, %cond3A_100 : i32
      scf.if %cond3A_101 {
        %add3A_133 = arith.constant 4 : i32
        %add3A_134 = arith.addi %add3A_90, %add3A_133 : i32
        %dma_start3A_135 = arith.constant 0 : i32
        %dma_start3A_136 = tpu.memref_slice %arg6[%add3A_134, %dma_start3A_135] : memref<160x128xi32, #tpu.memory_space<vmem>> -> memref<1x128xi32, #tpu.memory_space<vmem>>
        %dma_start3A_137 = tpu.memref_squeeze %dma_start3A_136 : memref<1x128xi32, #tpu.memory_space<vmem>> -> memref<128xi32, #tpu.memory_space<vmem>>
        %dma_start3A_138 = arith.constant 0 : i32
        %dma_start3A_139 = arith.constant 0 : i32
        %dma_start3A_140 = tpu.memref_slice %arg2[%dma_start3A_138, %dma_start3A_139] : memref<10240x32xf32, #tpu.memory_space<hbm>> -> memref<10240x32xf32, #tpu.memory_space<hbm>>
        tpu.enqueue_indirect_dma source(%dma_start3A_140 : memref<10240x32xf32, #tpu.memory_space<hbm>>) target(%arg9 : memref<128x32xf32, #tpu.memory_space<vmem>>) offsets(%dma_start3A_137 : memref<128xi32, #tpu.memory_space<vmem>>) semaphore(%arg14 : memref<!tpu.dma_semaphore, #tpu.memory_space<semaphore_mem>>)
      } else {
      }
      %mul3A_102 = arith.constant 4 : i32
      %mul3A_103 = arith.muli %scan3A_74, %mul3A_102 : i32
      %add3A_104 = arith.constant 2 : i32
      %add3A_105 = arith.addi %mul3A_103, %add3A_104 : i32
      %dma_wait3A_106 = arith.constant 0 : i32
      %dma_wait3A_107 = tpu.memref_slice %arg6[%add3A_105, %dma_wait3A_106] : memref<160x128xi32, #tpu.memory_space<vmem>> -> memref<1x128xi32, #tpu.memory_space<vmem>>
      %dma_wait3A_108 = tpu.memref_squeeze %dma_wait3A_107 : memref<1x128xi32, #tpu.memory_space<vmem>> -> memref<128xi32, #tpu.memory_space<vmem>>
      %dma_wait3A_109 = arith.constant 0 : i32
      %dma_wait3A_110 = arith.constant 0 : i32
      %dma_wait3A_111 = tpu.memref_slice %arg2[%dma_wait3A_109, %dma_wait3A_110] : memref<10240x32xf32, #tpu.memory_space<hbm>> -> memref<10240x32xf32, #tpu.memory_space<hbm>>
      tpu.wait_indirect_dma semaphore(%arg15 : memref<!tpu.dma_semaphore, #tpu.memory_space<semaphore_mem>>) src(%dma_wait3A_111 : memref<10240x32xf32, #tpu.memory_space<hbm>>) dst(%arg10 : memref<128x32xf32, #tpu.memory_space<vmem>>)
      "tpu.region"() ({
        %run_scoped3A = tpu.sem_alloc : memref<!tpu.dma_semaphore, #tpu.memory_space<semaphore_mem>>
        %dma_start3A_133 = arith.constant 0 : i32
        %dma_start3A_134 = tpu.memref_slice %arg7[%add3A_105, %dma_start3A_133] : memref<160x128xi32, #tpu.memory_space<vmem>> -> memref<1x128xi32, #tpu.memory_space<vmem>>
        %dma_start3A_135 = tpu.memref_squeeze %dma_start3A_134 : memref<1x128xi32, #tpu.memory_space<vmem>> -> memref<128xi32, #tpu.memory_space<vmem>>
        %dma_start3A_136 = arith.constant 0 : i32
        %dma_start3A_137 = arith.constant 0 : i32
        %dma_start3A_138 = tpu.memref_slice %arg12[%dma_start3A_136, %dma_start3A_137] : memref<10240x32xf32, #tpu.memory_space<vmem_shared>> -> memref<10240x32xf32, #tpu.memory_space<vmem_shared>>
        tpu.enqueue_indirect_dma source(%arg10 : memref<128x32xf32, #tpu.memory_space<vmem>>) target(%dma_start3A_138 : memref<10240x32xf32, #tpu.memory_space<vmem_shared>>) offsets(%dma_start3A_135 : memref<128xi32, #tpu.memory_space<vmem>>) semaphore(%run_scoped3A : memref<!tpu.dma_semaphore, #tpu.memory_space<semaphore_mem>>) {add = true}
        %dma_wait3A_139 = arith.constant 0 : i32
        %dma_wait3A_140 = tpu.memref_slice %arg7[%add3A_105, %dma_wait3A_139] : memref<160x128xi32, #tpu.memory_space<vmem>> -> memref<1x128xi32, #tpu.memory_space<vmem>>
        %dma_wait3A_141 = tpu.memref_squeeze %dma_wait3A_140 : memref<1x128xi32, #tpu.memory_space<vmem>> -> memref<128xi32, #tpu.memory_space<vmem>>
        %dma_wait3A_142 = arith.constant 0 : i32
        %dma_wait3A_143 = arith.constant 0 : i32
        %dma_wait3A_144 = tpu.memref_slice %arg12[%dma_wait3A_142, %dma_wait3A_143] : memref<10240x32xf32, #tpu.memory_space<vmem_shared>> -> memref<10240x32xf32, #tpu.memory_space<vmem_shared>>
        tpu.wait_indirect_dma semaphore(%run_scoped3A : memref<!tpu.dma_semaphore, #tpu.memory_space<semaphore_mem>>) src(%arg10 : memref<128x32xf32, #tpu.memory_space<vmem>>) dst(%dma_wait3A_144 : memref<10240x32xf32, #tpu.memory_space<vmem_shared>>)
        tpu.yield
      }) : () -> ()
      %lt3A_112 = arith.constant 39 : i32
      %lt3A_113 = arith.cmpi slt, %scan3A_74, %lt3A_112 : i32
      %convert_element_type3A_114 = arith.extui %lt3A_113 : i1 to i32
      %cond3A_115 = arith.constant 0 : i32
      %cond3A_116 = arith.cmpi ne, %convert_element_type3A_114, %cond3A_115 : i32
      scf.if %cond3A_116 {
        %add3A_133 = arith.constant 4 : i32
        %add3A_134 = arith.addi %add3A_105, %add3A_133 : i32
        %dma_start3A_135 = arith.constant 0 : i32
        %dma_start3A_136 = tpu.memref_slice %arg6[%add3A_134, %dma_start3A_135] : memref<160x128xi32, #tpu.memory_space<vmem>> -> memref<1x128xi32, #tpu.memory_space<vmem>>
        %dma_start3A_137 = tpu.memref_squeeze %dma_start3A_136 : memref<1x128xi32, #tpu.memory_space<vmem>> -> memref<128xi32, #tpu.memory_space<vmem>>
        %dma_start3A_138 = arith.constant 0 : i32
        %dma_start3A_139 = arith.constant 0 : i32
        %dma_start3A_140 = tpu.memref_slice %arg2[%dma_start3A_138, %dma_start3A_139] : memref<10240x32xf32, #tpu.memory_space<hbm>> -> memref<10240x32xf32, #tpu.memory_space<hbm>>
        tpu.enqueue_indirect_dma source(%dma_start3A_140 : memref<10240x32xf32, #tpu.memory_space<hbm>>) target(%arg10 : memref<128x32xf32, #tpu.memory_space<vmem>>) offsets(%dma_start3A_137 : memref<128xi32, #tpu.memory_space<vmem>>) semaphore(%arg15 : memref<!tpu.dma_semaphore, #tpu.memory_space<semaphore_mem>>)
      } else {
      }
      %mul3A_117 = arith.constant 4 : i32
      %mul3A_118 = arith.muli %scan3A_74, %mul3A_117 : i32
      %add3A_119 = arith.constant 3 : i32
      %add3A_120 = arith.addi %mul3A_118, %add3A_119 : i32
      %dma_wait3A_121 = arith.constant 0 : i32
      %dma_wait3A_122 = tpu.memref_slice %arg6[%add3A_120, %dma_wait3A_121] : memref<160x128xi32, #tpu.memory_space<vmem>> -> memref<1x128xi32, #tpu.memory_space<vmem>>
      %dma_wait3A_123 = tpu.memref_squeeze %dma_wait3A_122 : memref<1x128xi32, #tpu.memory_space<vmem>> -> memref<128xi32, #tpu.memory_space<vmem>>
      %dma_wait3A_124 = arith.constant 0 : i32
      %dma_wait3A_125 = arith.constant 0 : i32
      %dma_wait3A_126 = tpu.memref_slice %arg2[%dma_wait3A_124, %dma_wait3A_125] : memref<10240x32xf32, #tpu.memory_space<hbm>> -> memref<10240x32xf32, #tpu.memory_space<hbm>>
      tpu.wait_indirect_dma semaphore(%arg16 : memref<!tpu.dma_semaphore, #tpu.memory_space<semaphore_mem>>) src(%dma_wait3A_126 : memref<10240x32xf32, #tpu.memory_space<hbm>>) dst(%arg11 : memref<128x32xf32, #tpu.memory_space<vmem>>)
      "tpu.region"() ({
        %run_scoped3A = tpu.sem_alloc : memref<!tpu.dma_semaphore, #tpu.memory_space<semaphore_mem>>
        %dma_start3A_133 = arith.constant 0 : i32
        %dma_start3A_134 = tpu.memref_slice %arg7[%add3A_120, %dma_start3A_133] : memref<160x128xi32, #tpu.memory_space<vmem>> -> memref<1x128xi32, #tpu.memory_space<vmem>>
        %dma_start3A_135 = tpu.memref_squeeze %dma_start3A_134 : memref<1x128xi32, #tpu.memory_space<vmem>> -> memref<128xi32, #tpu.memory_space<vmem>>
        %dma_start3A_136 = arith.constant 0 : i32
        %dma_start3A_137 = arith.constant 0 : i32
        %dma_start3A_138 = tpu.memref_slice %arg12[%dma_start3A_136, %dma_start3A_137] : memref<10240x32xf32, #tpu.memory_space<vmem_shared>> -> memref<10240x32xf32, #tpu.memory_space<vmem_shared>>
        tpu.enqueue_indirect_dma source(%arg11 : memref<128x32xf32, #tpu.memory_space<vmem>>) target(%dma_start3A_138 : memref<10240x32xf32, #tpu.memory_space<vmem_shared>>) offsets(%dma_start3A_135 : memref<128xi32, #tpu.memory_space<vmem>>) semaphore(%run_scoped3A : memref<!tpu.dma_semaphore, #tpu.memory_space<semaphore_mem>>) {add = true}
        %dma_wait3A_139 = arith.constant 0 : i32
        %dma_wait3A_140 = tpu.memref_slice %arg7[%add3A_120, %dma_wait3A_139] : memref<160x128xi32, #tpu.memory_space<vmem>> -> memref<1x128xi32, #tpu.memory_space<vmem>>
        %dma_wait3A_141 = tpu.memref_squeeze %dma_wait3A_140 : memref<1x128xi32, #tpu.memory_space<vmem>> -> memref<128xi32, #tpu.memory_space<vmem>>
        %dma_wait3A_142 = arith.constant 0 : i32
        %dma_wait3A_143 = arith.constant 0 : i32
        %dma_wait3A_144 = tpu.memref_slice %arg12[%dma_wait3A_142, %dma_wait3A_143] : memref<10240x32xf32, #tpu.memory_space<vmem_shared>> -> memref<10240x32xf32, #tpu.memory_space<vmem_shared>>
        tpu.wait_indirect_dma semaphore(%run_scoped3A : memref<!tpu.dma_semaphore, #tpu.memory_space<semaphore_mem>>) src(%arg11 : memref<128x32xf32, #tpu.memory_space<vmem>>) dst(%dma_wait3A_144 : memref<10240x32xf32, #tpu.memory_space<vmem_shared>>)
        tpu.yield
      }) : () -> ()
      %lt3A_127 = arith.constant 39 : i32
      %lt3A_128 = arith.cmpi slt, %scan3A_74, %lt3A_127 : i32
      %convert_element_type3A_129 = arith.extui %lt3A_128 : i1 to i32
      %cond3A_130 = arith.constant 0 : i32
      %cond3A_131 = arith.cmpi ne, %convert_element_type3A_129, %cond3A_130 : i32
      scf.if %cond3A_131 {
        %add3A_133 = arith.constant 4 : i32
        %add3A_134 = arith.addi %add3A_120, %add3A_133 : i32
        %dma_start3A_135 = arith.constant 0 : i32
        %dma_start3A_136 = tpu.memref_slice %arg6[%add3A_134, %dma_start3A_135] : memref<160x128xi32, #tpu.memory_space<vmem>> -> memref<1x128xi32, #tpu.memory_space<vmem>>
        %dma_start3A_137 = tpu.memref_squeeze %dma_start3A_136 : memref<1x128xi32, #tpu.memory_space<vmem>> -> memref<128xi32, #tpu.memory_space<vmem>>
        %dma_start3A_138 = arith.constant 0 : i32
        %dma_start3A_139 = arith.constant 0 : i32
        %dma_start3A_140 = tpu.memref_slice %arg2[%dma_start3A_138, %dma_start3A_139] : memref<10240x32xf32, #tpu.memory_space<hbm>> -> memref<10240x32xf32, #tpu.memory_space<hbm>>
        tpu.enqueue_indirect_dma source(%dma_start3A_140 : memref<10240x32xf32, #tpu.memory_space<hbm>>) target(%arg11 : memref<128x32xf32, #tpu.memory_space<vmem>>) offsets(%dma_start3A_137 : memref<128xi32, #tpu.memory_space<vmem>>) semaphore(%arg16 : memref<!tpu.dma_semaphore, #tpu.memory_space<semaphore_mem>>)
      } else {
      }
      %scan3A_132 = arith.constant 0 : i32
      scf.yield %scan3A_132 : i32
    }
    %scan3A_65 = arith.constant 40 : i32
    %barrier3A_66 = arith.constant 0 : index
    tpu.barrier barrier_id(%barrier3A_66)
    %mul3A_67 = arith.constant 640 : i32
    %mul3A_68 = arith.muli %arg1, %mul3A_67 : i32
    %mul3A_69 = arith.constant 10240 : i32
    %mul3A_70 = arith.muli %arg0, %mul3A_69 : i32
    %mul3A_71 = arith.constant 640 : i32
    %mul3A_72 = arith.muli %arg1, %mul3A_71 : i32
    %add3A_73 = arith.addi %mul3A_70, %mul3A_72 : i32
    "tpu.region"() ({
      %run_scoped3A = tpu.sem_alloc : memref<!tpu.dma_semaphore, #tpu.memory_space<semaphore_mem>>
      %dma_start3A_74 = arith.constant 0 : i32
      %dma_start3A_75 = tpu.memref_slice %arg5[%add3A_73, %dma_start3A_74] : memref<20480x32xf32, #tpu.memory_space<hbm>> -> memref<640x32xf32, #tpu.memory_space<hbm>>
      %dma_start3A_76 = arith.constant 0 : i32
      %dma_start3A_77 = tpu.memref_slice %arg12[%mul3A_68, %dma_start3A_76] : memref<10240x32xf32, #tpu.memory_space<vmem_shared>> -> memref<640x32xf32, #tpu.memory_space<vmem_shared>>
      tpu.enqueue_dma source(%dma_start3A_77 : memref<640x32xf32, #tpu.memory_space<vmem_shared>>) target(%dma_start3A_75 : memref<640x32xf32, #tpu.memory_space<hbm>>) target_semaphore(%run_scoped3A : memref<!tpu.dma_semaphore, #tpu.memory_space<semaphore_mem>>)
      %dma_wait3A = arith.constant 0 : i32
      %dma_wait3A_78 = tpu.memref_slice %arg5[%add3A_73, %dma_wait3A] : memref<20480x32xf32, #tpu.memory_space<hbm>> -> memref<640x32xf32, #tpu.memory_space<hbm>>
      %dma_wait3A_79 = arith.constant 0 : i32
      %dma_wait3A_80 = tpu.memref_slice %arg12[%mul3A_68, %dma_wait3A_79] : memref<10240x32xf32, #tpu.memory_space<vmem_shared>> -> memref<640x32xf32, #tpu.memory_space<vmem_shared>>
      tpu.wait_dma2 semaphore(%run_scoped3A : memref<!tpu.dma_semaphore, #tpu.memory_space<semaphore_mem>>) src(%dma_wait3A_80 : memref<640x32xf32, #tpu.memory_space<vmem_shared>>) dst(%dma_wait3A_78 : memref<640x32xf32, #tpu.memory_space<hbm>>)
      tpu.yield
    }) : () -> ()
    return
  }
}

#map = affine_map<(d0, d1) -> (0, 0)>
module attributes {stable_mosaic.version = 14 : i64} {
  func.func @agg(%arg0: i32, %arg1: i32, %arg2: memref<10240x32xf32, #tpu.memory_space<hbm>>, %arg3: memref<5120x128xi32, #tpu.memory_space<hbm>>, %arg4: memref<5120x128xi32, #tpu.memory_space<hbm>>, %arg5: memref<20480x32xf32, #tpu.memory_space<hbm>>, %arg6: memref<160x128xi32, #tpu.memory_space<vmem>>, %arg7: memref<160x128xi32, #tpu.memory_space<vmem>>, %arg8: memref<128x32xf32, #tpu.memory_space<vmem>>, %arg9: memref<128x32xf32, #tpu.memory_space<vmem>>, %arg10: memref<128x32xf32, #tpu.memory_space<vmem>>, %arg11: memref<128x32xf32, #tpu.memory_space<vmem>>, %arg12: memref<10240x32xf32, #tpu.memory_space<vmem_shared>>, %arg13: memref<!tpu.dma_semaphore, #tpu.memory_space<semaphore_mem>>, %arg14: memref<!tpu.dma_semaphore, #tpu.memory_space<semaphore_mem>>, %arg15: memref<!tpu.dma_semaphore, #tpu.memory_space<semaphore_mem>>, %arg16: memref<!tpu.dma_semaphore, #tpu.memory_space<semaphore_mem>>) attributes {dimension_semantics = [#tpu.dimension_semantics<core_parallel>, #tpu.dimension_semantics<subcore_parallel>], iteration_bounds = array<i64: 2, 16>, scalar_prefetch = 0 : i64, scratch_operands = 11 : i64, tpu.core_type = #tpu.core_type<sc_vector_subcore>, window_params = [{transform_indices = #map}, {transform_indices = #map}, {transform_indices = #map}, {transform_indices = #map}]} {
    %mul3A = arith.constant 2 : i32
    %mul3A_0 = arith.muli %arg1, %mul3A : i32
    %add3A = arith.addi %mul3A_0, %arg0 : i32
    %broadcast_in_dim3A = arith.constant 0.000000e+00 : f32
    %broadcast_in_dim3A_1 = vector.broadcast %broadcast_in_dim3A : f32 to vector<16xf32>
    %scan3A = arith.constant 0 : i32
    %scan3A_2 = arith.constant 0 : i32
    %scan3A_3 = arith.constant 256 : i32
    %scan3A_4 = arith.addi %scan3A_2, %scan3A_3 : i32
    %scan3A_5 = arith.constant 1 : i32
    %scan3A_6 = scf.for %scan3A_74 = %scan3A_2 to %scan3A_4 step %scan3A_5 iter_args(%scan3A_75 = %scan3A) -> (i32)  : i32 {
      %jit3A = arith.constant 2 : i32
      %div3A = arith.divsi %scan3A_74, %jit3A : i32
      %sign3A = arith.constant 0 : i32
      %sign3A_76 = arith.cmpi sgt, %scan3A_74, %sign3A : i32
      %sign3A_77 = arith.extui %sign3A_76 : i1 to i32
      %sign3A_78 = arith.constant 0 : i32
      %sign3A_79 = arith.cmpi slt, %scan3A_74, %sign3A_78 : i32
      %sign3A_80 = arith.extui %sign3A_79 : i1 to i32
      %sign3A_81 = arith.subi %sign3A_77, %sign3A_80 : i32
      %sign3A_82 = arith.constant 0 : i32
      %sign3A_83 = arith.cmpi sgt, %jit3A, %sign3A_82 : i32
      %sign3A_84 = arith.extui %sign3A_83 : i1 to i32
      %sign3A_85 = arith.constant 0 : i32
      %sign3A_86 = arith.cmpi slt, %jit3A, %sign3A_85 : i32
      %sign3A_87 = arith.extui %sign3A_86 : i1 to i32
      %sign3A_88 = arith.subi %sign3A_84, %sign3A_87 : i32
      %ne3A = arith.cmpi ne, %sign3A_81, %sign3A_88 : i32
      %rem3A = arith.remsi %scan3A_74, %jit3A : i32
      %ne3A_89 = arith.constant 0 : i32
      %ne3A_90 = arith.cmpi ne, %rem3A, %ne3A_89 : i32
      %and3A = arith.andi %ne3A, %ne3A_90 : i1
      %sub3A = arith.constant 1 : i32
      %sub3A_91 = arith.subi %div3A, %sub3A : i32
      %select_n3A = arith.select %and3A, %sub3A_91, %div3A : i32
      %jit3A_92 = arith.constant 2 : i32
      %eq3A = arith.constant 0 : i32
      %eq3A_93 = arith.cmpi eq, %jit3A_92, %eq3A : i32
      %jit3A_94 = arith.constant 1 : i32
      %select_n3A_95 = arith.select %eq3A_93, %jit3A_94, %jit3A_92 : i32
      %rem3A_96 = arith.remsi %scan3A_74, %select_n3A_95 : i32
      %ne3A_97 = arith.constant 0 : i32
      %ne3A_98 = arith.cmpi ne, %rem3A_96, %ne3A_97 : i32
      %lt3A = arith.constant 0 : i32
      %lt3A_99 = arith.cmpi slt, %rem3A_96, %lt3A : i32
      %lt3A_100 = arith.constant 0 : i32
      %lt3A_101 = arith.cmpi slt, %select_n3A_95, %lt3A_100 : i32
      %ne3A_102 = arith.xori %lt3A_99, %lt3A_101 : i1
      %and3A_103 = arith.andi %ne3A_102, %ne3A_98 : i1
      %add3A_104 = arith.addi %rem3A_96, %select_n3A_95 : i32
      %select_n3A_105 = arith.select %and3A_103, %add3A_104, %rem3A_96 : i32
      %mul3A_106 = arith.constant 16 : i32
      %mul3A_107 = arith.muli %select_n3A_105, %mul3A_106 : i32
      %swap3A = arith.index_cast %select_n3A : i32 to index
      %swap3A_108 = arith.index_cast %mul3A_107 : i32 to index
      %swap3A_109 = tpu.vector_load %arg8[%swap3A, %swap3A_108] {strides = array<i32>} : memref<128x32xf32, #tpu.memory_space<vmem>>, vector<1x16xf32>,
      %swap3A_110 = vector.shape_cast %swap3A_109 : vector<1x16xf32> to vector<16xf32>
      %swap3A_111 = vector.shape_cast %broadcast_in_dim3A_1 : vector<16xf32> to vector<1x16xf32>
      tpu.vector_store %arg8[%swap3A, %swap3A_108], %swap3A_111 {strides = array<i32>} : memref<128x32xf32, #tpu.memory_space<vmem>>, vector<1x16xf32>,
      %scan3A_112 = arith.constant 0 : i32
      scf.yield %scan3A_112 : i32
    }
    %scan3A_7 = arith.constant 256 : i32
    %mul3A_8 = arith.constant 640 : i32
    %mul3A_9 = arith.muli %arg1, %mul3A_8 : i32
    %add3A_10 = arith.constant 0 : i32
    %add3A_11 = arith.addi %mul3A_9, %add3A_10 : i32
    "tpu.region"() ({
      %run_scoped3A = tpu.sem_alloc : memref<!tpu.dma_semaphore, #tpu.memory_space<semaphore_mem>>
      %dma_start3A_74 = arith.constant 0 : i32
      %dma_start3A_75 = tpu.memref_slice %arg12[%add3A_11, %dma_start3A_74] : memref<10240x32xf32, #tpu.memory_space<vmem_shared>> -> memref<128x32xf32, #tpu.memory_space<vmem_shared>>
      %dma_start3A_76 = arith.constant 0 : i32
      %dma_start3A_77 = tpu.memref_slice %arg12[%add3A_11, %dma_start3A_76] : memref<10240x32xf32, #tpu.memory_space<vmem_shared>> -> memref<128x32xf32, #tpu.memory_space<vmem_shared>>
      tpu.enqueue_dma source(%arg8 : memref<128x32xf32, #tpu.memory_space<vmem>>) target(%dma_start3A_77 : memref<128x32xf32, #tpu.memory_space<vmem_shared>>) target_semaphore(%run_scoped3A : memref<!tpu.dma_semaphore, #tpu.memory_space<semaphore_mem>>)
      %dma_wait3A = arith.constant 0 : i32
      %dma_wait3A_78 = tpu.memref_slice %arg12[%add3A_11, %dma_wait3A] : memref<10240x32xf32, #tpu.memory_space<vmem_shared>> -> memref<128x32xf32, #tpu.memory_space<vmem_shared>>
      %dma_wait3A_79 = arith.constant 0 : i32
      %dma_wait3A_80 = tpu.memref_slice %arg12[%add3A_11, %dma_wait3A_79] : memref<10240x32xf32, #tpu.memory_space<vmem_shared>> -> memref<128x32xf32, #tpu.memory_space<vmem_shared>>
      tpu.wait_dma2 semaphore(%run_scoped3A : memref<!tpu.dma_semaphore, #tpu.memory_space<semaphore_mem>>) src(%arg8 : memref<128x32xf32, #tpu.memory_space<vmem>>) dst(%dma_wait3A_80 : memref<128x32xf32, #tpu.memory_space<vmem_shared>>)
      tpu.yield
    }) : () -> ()
    %mul3A_12 = arith.constant 640 : i32
    %mul3A_13 = arith.muli %arg1, %mul3A_12 : i32
    %add3A_14 = arith.constant 128 : i32
    %add3A_15 = arith.addi %mul3A_13, %add3A_14 : i32
    "tpu.region"() ({
      %run_scoped3A = tpu.sem_alloc : memref<!tpu.dma_semaphore, #tpu.memory_space<semaphore_mem>>
      %dma_start3A_74 = arith.constant 0 : i32
      %dma_start3A_75 = tpu.memref_slice %arg12[%add3A_15, %dma_start3A_74] : memref<10240x32xf32, #tpu.memory_space<vmem_shared>> -> memref<128x32xf32, #tpu.memory_space<vmem_shared>>
      %dma_start3A_76 = arith.constant 0 : i32
      %dma_start3A_77 = tpu.memref_slice %arg12[%add3A_15, %dma_start3A_76] : memref<10240x32xf32, #tpu.memory_space<vmem_shared>> -> memref<128x32xf32, #tpu.memory_space<vmem_shared>>
      tpu.enqueue_dma source(%arg8 : memref<128x32xf32, #tpu.memory_space<vmem>>) target(%dma_start3A_77 : memref<128x32xf32, #tpu.memory_space<vmem_shared>>) target_semaphore(%run_scoped3A : memref<!tpu.dma_semaphore, #tpu.memory_space<semaphore_mem>>)
      %dma_wait3A = arith.constant 0 : i32
      %dma_wait3A_78 = tpu.memref_slice %arg12[%add3A_15, %dma_wait3A] : memref<10240x32xf32, #tpu.memory_space<vmem_shared>> -> memref<128x32xf32, #tpu.memory_space<vmem_shared>>
      %dma_wait3A_79 = arith.constant 0 : i32
      %dma_wait3A_80 = tpu.memref_slice %arg12[%add3A_15, %dma_wait3A_79] : memref<10240x32xf32, #tpu.memory_space<vmem_shared>> -> memref<128x32xf32, #tpu.memory_space<vmem_shared>>
      tpu.wait_dma2 semaphore(%run_scoped3A : memref<!tpu.dma_semaphore, #tpu.memory_space<semaphore_mem>>) src(%arg8 : memref<128x32xf32, #tpu.memory_space<vmem>>) dst(%dma_wait3A_80 : memref<128x32xf32, #tpu.memory_space<vmem_shared>>)
      tpu.yield
    }) : () -> ()
    %mul3A_16 = arith.constant 640 : i32
    %mul3A_17 = arith.muli %arg1, %mul3A_16 : i32
    %add3A_18 = arith.constant 256 : i32
    %add3A_19 = arith.addi %mul3A_17, %add3A_18 : i32
    "tpu.region"() ({
      %run_scoped3A = tpu.sem_alloc : memref<!tpu.dma_semaphore, #tpu.memory_space<semaphore_mem>>
      %dma_start3A_74 = arith.constant 0 : i32
      %dma_start3A_75 = tpu.memref_slice %arg12[%add3A_19, %dma_start3A_74] : memref<10240x32xf32, #tpu.memory_space<vmem_shared>> -> memref<128x32xf32, #tpu.memory_space<vmem_shared>>
      %dma_start3A_76 = arith.constant 0 : i32
      %dma_start3A_77 = tpu.memref_slice %arg12[%add3A_19, %dma_start3A_76] : memref<10240x32xf32, #tpu.memory_space<vmem_shared>> -> memref<128x32xf32, #tpu.memory_space<vmem_shared>>
      tpu.enqueue_dma source(%arg8 : memref<128x32xf32, #tpu.memory_space<vmem>>) target(%dma_start3A_77 : memref<128x32xf32, #tpu.memory_space<vmem_shared>>) target_semaphore(%run_scoped3A : memref<!tpu.dma_semaphore, #tpu.memory_space<semaphore_mem>>)
      %dma_wait3A = arith.constant 0 : i32
      %dma_wait3A_78 = tpu.memref_slice %arg12[%add3A_19, %dma_wait3A] : memref<10240x32xf32, #tpu.memory_space<vmem_shared>> -> memref<128x32xf32, #tpu.memory_space<vmem_shared>>
      %dma_wait3A_79 = arith.constant 0 : i32
      %dma_wait3A_80 = tpu.memref_slice %arg12[%add3A_19, %dma_wait3A_79] : memref<10240x32xf32, #tpu.memory_space<vmem_shared>> -> memref<128x32xf32, #tpu.memory_space<vmem_shared>>
      tpu.wait_dma2 semaphore(%run_scoped3A : memref<!tpu.dma_semaphore, #tpu.memory_space<semaphore_mem>>) src(%arg8 : memref<128x32xf32, #tpu.memory_space<vmem>>) dst(%dma_wait3A_80 : memref<128x32xf32, #tpu.memory_space<vmem_shared>>)
      tpu.yield
    }) : () -> ()
    %mul3A_20 = arith.constant 640 : i32
    %mul3A_21 = arith.muli %arg1, %mul3A_20 : i32
    %add3A_22 = arith.constant 384 : i32
    %add3A_23 = arith.addi %mul3A_21, %add3A_22 : i32
    "tpu.region"() ({
      %run_scoped3A = tpu.sem_alloc : memref<!tpu.dma_semaphore, #tpu.memory_space<semaphore_mem>>
      %dma_start3A_74 = arith.constant 0 : i32
      %dma_start3A_75 = tpu.memref_slice %arg12[%add3A_23, %dma_start3A_74] : memref<10240x32xf32, #tpu.memory_space<vmem_shared>> -> memref<128x32xf32, #tpu.memory_space<vmem_shared>>
      %dma_start3A_76 = arith.constant 0 : i32
      %dma_start3A_77 = tpu.memref_slice %arg12[%add3A_23, %dma_start3A_76] : memref<10240x32xf32, #tpu.memory_space<vmem_shared>> -> memref<128x32xf32, #tpu.memory_space<vmem_shared>>
      tpu.enqueue_dma source(%arg8 : memref<128x32xf32, #tpu.memory_space<vmem>>) target(%dma_start3A_77 : memref<128x32xf32, #tpu.memory_space<vmem_shared>>) target_semaphore(%run_scoped3A : memref<!tpu.dma_semaphore, #tpu.memory_space<semaphore_mem>>)
      %dma_wait3A = arith.constant 0 : i32
      %dma_wait3A_78 = tpu.memref_slice %arg12[%add3A_23, %dma_wait3A] : memref<10240x32xf32, #tpu.memory_space<vmem_shared>> -> memref<128x32xf32, #tpu.memory_space<vmem_shared>>
      %dma_wait3A_79 = arith.constant 0 : i32
      %dma_wait3A_80 = tpu.memref_slice %arg12[%add3A_23, %dma_wait3A_79] : memref<10240x32xf32, #tpu.memory_space<vmem_shared>> -> memref<128x32xf32, #tpu.memory_space<vmem_shared>>
      tpu.wait_dma2 semaphore(%run_scoped3A : memref<!tpu.dma_semaphore, #tpu.memory_space<semaphore_mem>>) src(%arg8 : memref<128x32xf32, #tpu.memory_space<vmem>>) dst(%dma_wait3A_80 : memref<128x32xf32, #tpu.memory_space<vmem_shared>>)
      tpu.yield
    }) : () -> ()
    %mul3A_24 = arith.constant 640 : i32
    %mul3A_25 = arith.muli %arg1, %mul3A_24 : i32
    %add3A_26 = arith.constant 512 : i32
    %add3A_27 = arith.addi %mul3A_25, %add3A_26 : i32
    "tpu.region"() ({
      %run_scoped3A = tpu.sem_alloc : memref<!tpu.dma_semaphore, #tpu.memory_space<semaphore_mem>>
      %dma_start3A_74 = arith.constant 0 : i32
      %dma_start3A_75 = tpu.memref_slice %arg12[%add3A_27, %dma_start3A_74] : memref<10240x32xf32, #tpu.memory_space<vmem_shared>> -> memref<128x32xf32, #tpu.memory_space<vmem_shared>>
      %dma_start3A_76 = arith.constant 0 : i32
      %dma_start3A_77 = tpu.memref_slice %arg12[%add3A_27, %dma_start3A_76] : memref<10240x32xf32, #tpu.memory_space<vmem_shared>> -> memref<128x32xf32, #tpu.memory_space<vmem_shared>>
      tpu.enqueue_dma source(%arg8 : memref<128x32xf32, #tpu.memory_space<vmem>>) target(%dma_start3A_77 : memref<128x32xf32, #tpu.memory_space<vmem_shared>>) target_semaphore(%run_scoped3A : memref<!tpu.dma_semaphore, #tpu.memory_space<semaphore_mem>>)
      %dma_wait3A = arith.constant 0 : i32
      %dma_wait3A_78 = tpu.memref_slice %arg12[%add3A_27, %dma_wait3A] : memref<10240x32xf32, #tpu.memory_space<vmem_shared>> -> memref<128x32xf32, #tpu.memory_space<vmem_shared>>
      %dma_wait3A_79 = arith.constant 0 : i32
      %dma_wait3A_80 = tpu.memref_slice %arg12[%add3A_27, %dma_wait3A_79] : memref<10240x32xf32, #tpu.memory_space<vmem_shared>> -> memref<128x32xf32, #tpu.memory_space<vmem_shared>>
      tpu.wait_dma2 semaphore(%run_scoped3A : memref<!tpu.dma_semaphore, #tpu.memory_space<semaphore_mem>>) src(%arg8 : memref<128x32xf32, #tpu.memory_space<vmem>>) dst(%dma_wait3A_80 : memref<128x32xf32, #tpu.memory_space<vmem_shared>>)
      tpu.yield
    }) : () -> ()
    %barrier3A = arith.constant 0 : index
    tpu.barrier barrier_id(%barrier3A)
    %mul3A_28 = arith.constant 160 : i32
    %mul3A_29 = arith.muli %add3A, %mul3A_28 : i32
    "tpu.region"() ({
      %run_scoped3A = tpu.sem_alloc : memref<!tpu.dma_semaphore, #tpu.memory_space<semaphore_mem>>
      %dma_start3A_74 = arith.constant 0 : i32
      %dma_start3A_75 = tpu.memref_slice %arg3[%mul3A_29, %dma_start3A_74] : memref<5120x128xi32, #tpu.memory_space<hbm>> -> memref<160x128xi32, #tpu.memory_space<hbm>>
      %dma_start3A_76 = arith.constant 0 : i32
      %dma_start3A_77 = tpu.memref_slice %arg3[%mul3A_29, %dma_start3A_76] : memref<5120x128xi32, #tpu.memory_space<hbm>> -> memref<160x128xi32, #tpu.memory_space<hbm>>
      tpu.enqueue_dma source(%dma_start3A_77 : memref<160x128xi32, #tpu.memory_space<hbm>>) target(%arg6 : memref<160x128xi32, #tpu.memory_space<vmem>>) target_semaphore(%run_scoped3A : memref<!tpu.dma_semaphore, #tpu.memory_space<semaphore_mem>>)
      %dma_wait3A = arith.constant 0 : i32
      %dma_wait3A_78 = tpu.memref_slice %arg3[%mul3A_29, %dma_wait3A] : memref<5120x128xi32, #tpu.memory_space<hbm>> -> memref<160x128xi32, #tpu.memory_space<hbm>>
      %dma_wait3A_79 = arith.constant 0 : i32
      %dma_wait3A_80 = tpu.memref_slice %arg3[%mul3A_29, %dma_wait3A_79] : memref<5120x128xi32, #tpu.memory_space<hbm>> -> memref<160x128xi32, #tpu.memory_space<hbm>>
      tpu.wait_dma2 semaphore(%run_scoped3A : memref<!tpu.dma_semaphore, #tpu.memory_space<semaphore_mem>>) src(%dma_wait3A_80 : memref<160x128xi32, #tpu.memory_space<hbm>>) dst(%arg6 : memref<160x128xi32, #tpu.memory_space<vmem>>)
      tpu.yield
    }) : () -> ()
    %mul3A_30 = arith.constant 160 : i32
    %mul3A_31 = arith.muli %add3A, %mul3A_30 : i32
    "tpu.region"() ({
      %run_scoped3A = tpu.sem_alloc : memref<!tpu.dma_semaphore, #tpu.memory_space<semaphore_mem>>
      %dma_start3A_74 = arith.constant 0 : i32
      %dma_start3A_75 = tpu.memref_slice %arg4[%mul3A_31, %dma_start3A_74] : memref<5120x128xi32, #tpu.memory_space<hbm>> -> memref<160x128xi32, #tpu.memory_space<hbm>>
      %dma_start3A_76 = arith.constant 0 : i32
      %dma_start3A_77 = tpu.memref_slice %arg4[%mul3A_31, %dma_start3A_76] : memref<5120x128xi32, #tpu.memory_space<hbm>> -> memref<160x128xi32, #tpu.memory_space<hbm>>
      tpu.enqueue_dma source(%dma_start3A_77 : memref<160x128xi32, #tpu.memory_space<hbm>>) target(%arg7 : memref<160x128xi32, #tpu.memory_space<vmem>>) target_semaphore(%run_scoped3A : memref<!tpu.dma_semaphore, #tpu.memory_space<semaphore_mem>>)
      %dma_wait3A = arith.constant 0 : i32
      %dma_wait3A_78 = tpu.memref_slice %arg4[%mul3A_31, %dma_wait3A] : memref<5120x128xi32, #tpu.memory_space<hbm>> -> memref<160x128xi32, #tpu.memory_space<hbm>>
      %dma_wait3A_79 = arith.constant 0 : i32
      %dma_wait3A_80 = tpu.memref_slice %arg4[%mul3A_31, %dma_wait3A_79] : memref<5120x128xi32, #tpu.memory_space<hbm>> -> memref<160x128xi32, #tpu.memory_space<hbm>>
      tpu.wait_dma2 semaphore(%run_scoped3A : memref<!tpu.dma_semaphore, #tpu.memory_space<semaphore_mem>>) src(%dma_wait3A_80 : memref<160x128xi32, #tpu.memory_space<hbm>>) dst(%arg7 : memref<160x128xi32, #tpu.memory_space<vmem>>)
      tpu.yield
    }) : () -> ()
    %dma_start3A = arith.constant 0 : i32
    %dma_start3A_32 = arith.constant 0 : i32
    %dma_start3A_33 = tpu.memref_slice %arg6[%dma_start3A, %dma_start3A_32] : memref<160x128xi32, #tpu.memory_space<vmem>> -> memref<1x128xi32, #tpu.memory_space<vmem>>
    %dma_start3A_34 = tpu.memref_squeeze %dma_start3A_33 : memref<1x128xi32, #tpu.memory_space<vmem>> -> memref<128xi32, #tpu.memory_space<vmem>>
    %dma_start3A_35 = arith.constant 0 : i32
    %dma_start3A_36 = arith.constant 0 : i32
    %dma_start3A_37 = tpu.memref_slice %arg2[%dma_start3A_35, %dma_start3A_36] : memref<10240x32xf32, #tpu.memory_space<hbm>> -> memref<10240x32xf32, #tpu.memory_space<hbm>>
    tpu.enqueue_indirect_dma source(%dma_start3A_37 : memref<10240x32xf32, #tpu.memory_space<hbm>>) target(%arg8 : memref<128x32xf32, #tpu.memory_space<vmem>>) offsets(%dma_start3A_34 : memref<128xi32, #tpu.memory_space<vmem>>) semaphore(%arg13 : memref<!tpu.dma_semaphore, #tpu.memory_space<semaphore_mem>>)
    %dma_start3A_38 = arith.constant 1 : i32
    %dma_start3A_39 = arith.constant 0 : i32
    %dma_start3A_40 = tpu.memref_slice %arg6[%dma_start3A_38, %dma_start3A_39] : memref<160x128xi32, #tpu.memory_space<vmem>> -> memref<1x128xi32, #tpu.memory_space<vmem>>
    %dma_start3A_41 = tpu.memref_squeeze %dma_start3A_40 : memref<1x128xi32, #tpu.memory_space<vmem>> -> memref<128xi32, #tpu.memory_space<vmem>>
    %dma_start3A_42 = arith.constant 0 : i32
    %dma_start3A_43 = arith.constant 0 : i32
    %dma_start3A_44 = tpu.memref_slice %arg2[%dma_start3A_42, %dma_start3A_43] : memref<10240x32xf32, #tpu.memory_space<hbm>> -> memref<10240x32xf32, #tpu.memory_space<hbm>>
    tpu.enqueue_indirect_dma source(%dma_start3A_44 : memref<10240x32xf32, #tpu.memory_space<hbm>>) target(%arg9 : memref<128x32xf32, #tpu.memory_space<vmem>>) offsets(%dma_start3A_41 : memref<128xi32, #tpu.memory_space<vmem>>) semaphore(%arg14 : memref<!tpu.dma_semaphore, #tpu.memory_space<semaphore_mem>>)
    %dma_start3A_45 = arith.constant 2 : i32
    %dma_start3A_46 = arith.constant 0 : i32
    %dma_start3A_47 = tpu.memref_slice %arg6[%dma_start3A_45, %dma_start3A_46] : memref<160x128xi32, #tpu.memory_space<vmem>> -> memref<1x128xi32, #tpu.memory_space<vmem>>
    %dma_start3A_48 = tpu.memref_squeeze %dma_start3A_47 : memref<1x128xi32, #tpu.memory_space<vmem>> -> memref<128xi32, #tpu.memory_space<vmem>>
    %dma_start3A_49 = arith.constant 0 : i32
    %dma_start3A_50 = arith.constant 0 : i32
    %dma_start3A_51 = tpu.memref_slice %arg2[%dma_start3A_49, %dma_start3A_50] : memref<10240x32xf32, #tpu.memory_space<hbm>> -> memref<10240x32xf32, #tpu.memory_space<hbm>>
    tpu.enqueue_indirect_dma source(%dma_start3A_51 : memref<10240x32xf32, #tpu.memory_space<hbm>>) target(%arg10 : memref<128x32xf32, #tpu.memory_space<vmem>>) offsets(%dma_start3A_48 : memref<128xi32, #tpu.memory_space<vmem>>) semaphore(%arg15 : memref<!tpu.dma_semaphore, #tpu.memory_space<semaphore_mem>>)
    %dma_start3A_52 = arith.constant 3 : i32
    %dma_start3A_53 = arith.constant 0 : i32
    %dma_start3A_54 = tpu.memref_slice %arg6[%dma_start3A_52, %dma_start3A_53] : memref<160x128xi32, #tpu.memory_space<vmem>> -> memref<1x128xi32, #tpu.memory_space<vmem>>
    %dma_start3A_55 = tpu.memref_squeeze %dma_start3A_54 : memref<1x128xi32, #tpu.memory_space<vmem>> -> memref<128xi32, #tpu.memory_space<vmem>>
    %dma_start3A_56 = arith.constant 0 : i32
    %dma_start3A_57 = arith.constant 0 : i32
    %dma_start3A_58 = tpu.memref_slice %arg2[%dma_start3A_56, %dma_start3A_57] : memref<10240x32xf32, #tpu.memory_space<hbm>> -> memref<10240x32xf32, #tpu.memory_space<hbm>>
    tpu.enqueue_indirect_dma source(%dma_start3A_58 : memref<10240x32xf32, #tpu.memory_space<hbm>>) target(%arg11 : memref<128x32xf32, #tpu.memory_space<vmem>>) offsets(%dma_start3A_55 : memref<128xi32, #tpu.memory_space<vmem>>) semaphore(%arg16 : memref<!tpu.dma_semaphore, #tpu.memory_space<semaphore_mem>>)
    %scan3A_59 = arith.constant 0 : i32
    %scan3A_60 = arith.constant 0 : i32
    %scan3A_61 = arith.constant 40 : i32
    %scan3A_62 = arith.addi %scan3A_60, %scan3A_61 : i32
    %scan3A_63 = arith.constant 1 : i32
    %scan3A_64 = scf.for %scan3A_74 = %scan3A_60 to %scan3A_62 step %scan3A_63 iter_args(%scan3A_75 = %scan3A_59) -> (i32)  : i32 {
      %mul3A_76 = arith.constant 4 : i32
      %mul3A_77 = arith.muli %scan3A_74, %mul3A_76 : i32
      %add3A_78 = arith.constant 0 : i32
      %add3A_79 = arith.addi %mul3A_77, %add3A_78 : i32
      %dma_wait3A = arith.constant 0 : i32
      %dma_wait3A_80 = tpu.memref_slice %arg6[%add3A_79, %dma_wait3A] : memref<160x128xi32, #tpu.memory_space<vmem>> -> memref<1x128xi32, #tpu.memory_space<vmem>>
      %dma_wait3A_81 = tpu.memref_squeeze %dma_wait3A_80 : memref<1x128xi32, #tpu.memory_space<vmem>> -> memref<128xi32, #tpu.memory_space<vmem>>
      %dma_wait3A_82 = arith.constant 0 : i32
      %dma_wait3A_83 = arith.constant 0 : i32
      %dma_wait3A_84 = tpu.memref_slice %arg2[%dma_wait3A_82, %dma_wait3A_83] : memref<10240x32xf32, #tpu.memory_space<hbm>> -> memref<10240x32xf32, #tpu.memory_space<hbm>>
      tpu.wait_indirect_dma semaphore(%arg13 : memref<!tpu.dma_semaphore, #tpu.memory_space<semaphore_mem>>) src(%dma_wait3A_84 : memref<10240x32xf32, #tpu.memory_space<hbm>>) dst(%arg8 : memref<128x32xf32, #tpu.memory_space<vmem>>)
      "tpu.region"() ({
        %run_scoped3A = tpu.sem_alloc : memref<!tpu.dma_semaphore, #tpu.memory_space<semaphore_mem>>
        %dma_start3A_133 = arith.constant 0 : i32
        %dma_start3A_134 = tpu.memref_slice %arg7[%add3A_79, %dma_start3A_133] : memref<160x128xi32, #tpu.memory_space<vmem>> -> memref<1x128xi32, #tpu.memory_space<vmem>>
        %dma_start3A_135 = tpu.memref_squeeze %dma_start3A_134 : memref<1x128xi32, #tpu.memory_space<vmem>> -> memref<128xi32, #tpu.memory_space<vmem>>
        %dma_start3A_136 = arith.constant 0 : i32
        %dma_start3A_137 = arith.constant 0 : i32
        %dma_start3A_138 = tpu.memref_slice %arg12[%dma_start3A_136, %dma_start3A_137] : memref<10240x32xf32, #tpu.memory_space<vmem_shared>> -> memref<10240x32xf32, #tpu.memory_space<vmem_shared>>
        tpu.enqueue_indirect_dma source(%arg8 : memref<128x32xf32, #tpu.memory_space<vmem>>) target(%dma_start3A_138 : memref<10240x32xf32, #tpu.memory_space<vmem_shared>>) offsets(%dma_start3A_135 : memref<128xi32, #tpu.memory_space<vmem>>) semaphore(%run_scoped3A : memref<!tpu.dma_semaphore, #tpu.memory_space<semaphore_mem>>) {add = true}
        %dma_wait3A_139 = arith.constant 0 : i32
        %dma_wait3A_140 = tpu.memref_slice %arg7[%add3A_79, %dma_wait3A_139] : memref<160x128xi32, #tpu.memory_space<vmem>> -> memref<1x128xi32, #tpu.memory_space<vmem>>
        %dma_wait3A_141 = tpu.memref_squeeze %dma_wait3A_140 : memref<1x128xi32, #tpu.memory_space<vmem>> -> memref<128xi32, #tpu.memory_space<vmem>>
        %dma_wait3A_142 = arith.constant 0 : i32
        %dma_wait3A_143 = arith.constant 0 : i32
        %dma_wait3A_144 = tpu.memref_slice %arg12[%dma_wait3A_142, %dma_wait3A_143] : memref<10240x32xf32, #tpu.memory_space<vmem_shared>> -> memref<10240x32xf32, #tpu.memory_space<vmem_shared>>
        tpu.wait_indirect_dma semaphore(%run_scoped3A : memref<!tpu.dma_semaphore, #tpu.memory_space<semaphore_mem>>) src(%arg8 : memref<128x32xf32, #tpu.memory_space<vmem>>) dst(%dma_wait3A_144 : memref<10240x32xf32, #tpu.memory_space<vmem_shared>>)
        tpu.yield
      }) : () -> ()
      %lt3A = arith.constant 39 : i32
      %lt3A_85 = arith.cmpi slt, %scan3A_74, %lt3A : i32
      %convert_element_type3A = arith.extui %lt3A_85 : i1 to i32
      %cond3A = arith.constant 0 : i32
      %cond3A_86 = arith.cmpi ne, %convert_element_type3A, %cond3A : i32
      scf.if %cond3A_86 {
        %add3A_133 = arith.constant 4 : i32
        %add3A_134 = arith.addi %add3A_79, %add3A_133 : i32
        %dma_start3A_135 = arith.constant 0 : i32
        %dma_start3A_136 = tpu.memref_slice %arg6[%add3A_134, %dma_start3A_135] : memref<160x128xi32, #tpu.memory_space<vmem>> -> memref<1x128xi32, #tpu.memory_space<vmem>>
        %dma_start3A_137 = tpu.memref_squeeze %dma_start3A_136 : memref<1x128xi32, #tpu.memory_space<vmem>> -> memref<128xi32, #tpu.memory_space<vmem>>
        %dma_start3A_138 = arith.constant 0 : i32
        %dma_start3A_139 = arith.constant 0 : i32
        %dma_start3A_140 = tpu.memref_slice %arg2[%dma_start3A_138, %dma_start3A_139] : memref<10240x32xf32, #tpu.memory_space<hbm>> -> memref<10240x32xf32, #tpu.memory_space<hbm>>
        tpu.enqueue_indirect_dma source(%dma_start3A_140 : memref<10240x32xf32, #tpu.memory_space<hbm>>) target(%arg8 : memref<128x32xf32, #tpu.memory_space<vmem>>) offsets(%dma_start3A_137 : memref<128xi32, #tpu.memory_space<vmem>>) semaphore(%arg13 : memref<!tpu.dma_semaphore, #tpu.memory_space<semaphore_mem>>)
      } else {
      }
      %mul3A_87 = arith.constant 4 : i32
      %mul3A_88 = arith.muli %scan3A_74, %mul3A_87 : i32
      %add3A_89 = arith.constant 1 : i32
      %add3A_90 = arith.addi %mul3A_88, %add3A_89 : i32
      %dma_wait3A_91 = arith.constant 0 : i32
      %dma_wait3A_92 = tpu.memref_slice %arg6[%add3A_90, %dma_wait3A_91] : memref<160x128xi32, #tpu.memory_space<vmem>> -> memref<1x128xi32, #tpu.memory_space<vmem>>
      %dma_wait3A_93 = tpu.memref_squeeze %dma_wait3A_92 : memref<1x128xi32, #tpu.memory_space<vmem>> -> memref<128xi32, #tpu.memory_space<vmem>>
      %dma_wait3A_94 = arith.constant 0 : i32
      %dma_wait3A_95 = arith.constant 0 : i32
      %dma_wait3A_96 = tpu.memref_slice %arg2[%dma_wait3A_94, %dma_wait3A_95] : memref<10240x32xf32, #tpu.memory_space<hbm>> -> memref<10240x32xf32, #tpu.memory_space<hbm>>
      tpu.wait_indirect_dma semaphore(%arg14 : memref<!tpu.dma_semaphore, #tpu.memory_space<semaphore_mem>>) src(%dma_wait3A_96 : memref<10240x32xf32, #tpu.memory_space<hbm>>) dst(%arg9 : memref<128x32xf32, #tpu.memory_space<vmem>>)
      "tpu.region"() ({
        %run_scoped3A = tpu.sem_alloc : memref<!tpu.dma_semaphore, #tpu.memory_space<semaphore_mem>>
        %dma_start3A_133 = arith.constant 0 : i32
        %dma_start3A_134 = tpu.memref_slice %arg7[%add3A_90, %dma_start3A_133] : memref<160x128xi32, #tpu.memory_space<vmem>> -> memref<1x128xi32, #tpu.memory_space<vmem>>
        %dma_start3A_135 = tpu.memref_squeeze %dma_start3A_134 : memref<1x128xi32, #tpu.memory_space<vmem>> -> memref<128xi32, #tpu.memory_space<vmem>>
        %dma_start3A_136 = arith.constant 0 : i32
        %dma_start3A_137 = arith.constant 0 : i32
        %dma_start3A_138 = tpu.memref_slice %arg12[%dma_start3A_136, %dma_start3A_137] : memref<10240x32xf32, #tpu.memory_space<vmem_shared>> -> memref<10240x32xf32, #tpu.memory_space<vmem_shared>>
        tpu.enqueue_indirect_dma source(%arg9 : memref<128x32xf32, #tpu.memory_space<vmem>>) target(%dma_start3A_138 : memref<10240x32xf32, #tpu.memory_space<vmem_shared>>) offsets(%dma_start3A_135 : memref<128xi32, #tpu.memory_space<vmem>>) semaphore(%run_scoped3A : memref<!tpu.dma_semaphore, #tpu.memory_space<semaphore_mem>>) {add = true}
        %dma_wait3A_139 = arith.constant 0 : i32
        %dma_wait3A_140 = tpu.memref_slice %arg7[%add3A_90, %dma_wait3A_139] : memref<160x128xi32, #tpu.memory_space<vmem>> -> memref<1x128xi32, #tpu.memory_space<vmem>>
        %dma_wait3A_141 = tpu.memref_squeeze %dma_wait3A_140 : memref<1x128xi32, #tpu.memory_space<vmem>> -> memref<128xi32, #tpu.memory_space<vmem>>
        %dma_wait3A_142 = arith.constant 0 : i32
        %dma_wait3A_143 = arith.constant 0 : i32
        %dma_wait3A_144 = tpu.memref_slice %arg12[%dma_wait3A_142, %dma_wait3A_143] : memref<10240x32xf32, #tpu.memory_space<vmem_shared>> -> memref<10240x32xf32, #tpu.memory_space<vmem_shared>>
        tpu.wait_indirect_dma semaphore(%run_scoped3A : memref<!tpu.dma_semaphore, #tpu.memory_space<semaphore_mem>>) src(%arg9 : memref<128x32xf32, #tpu.memory_space<vmem>>) dst(%dma_wait3A_144 : memref<10240x32xf32, #tpu.memory_space<vmem_shared>>)
        tpu.yield
      }) : () -> ()
      %lt3A_97 = arith.constant 39 : i32
      %lt3A_98 = arith.cmpi slt, %scan3A_74, %lt3A_97 : i32
      %convert_element_type3A_99 = arith.extui %lt3A_98 : i1 to i32
      %cond3A_100 = arith.constant 0 : i32
      %cond3A_101 = arith.cmpi ne, %convert_element_type3A_99, %cond3A_100 : i32
      scf.if %cond3A_101 {
        %add3A_133 = arith.constant 4 : i32
        %add3A_134 = arith.addi %add3A_90, %add3A_133 : i32
        %dma_start3A_135 = arith.constant 0 : i32
        %dma_start3A_136 = tpu.memref_slice %arg6[%add3A_134, %dma_start3A_135] : memref<160x128xi32, #tpu.memory_space<vmem>> -> memref<1x128xi32, #tpu.memory_space<vmem>>
        %dma_start3A_137 = tpu.memref_squeeze %dma_start3A_136 : memref<1x128xi32, #tpu.memory_space<vmem>> -> memref<128xi32, #tpu.memory_space<vmem>>
        %dma_start3A_138 = arith.constant 0 : i32
        %dma_start3A_139 = arith.constant 0 : i32
        %dma_start3A_140 = tpu.memref_slice %arg2[%dma_start3A_138, %dma_start3A_139] : memref<10240x32xf32, #tpu.memory_space<hbm>> -> memref<10240x32xf32, #tpu.memory_space<hbm>>
        tpu.enqueue_indirect_dma source(%dma_start3A_140 : memref<10240x32xf32, #tpu.memory_space<hbm>>) target(%arg9 : memref<128x32xf32, #tpu.memory_space<vmem>>) offsets(%dma_start3A_137 : memref<128xi32, #tpu.memory_space<vmem>>) semaphore(%arg14 : memref<!tpu.dma_semaphore, #tpu.memory_space<semaphore_mem>>)
      } else {
      }
      %mul3A_102 = arith.constant 4 : i32
      %mul3A_103 = arith.muli %scan3A_74, %mul3A_102 : i32
      %add3A_104 = arith.constant 2 : i32
      %add3A_105 = arith.addi %mul3A_103, %add3A_104 : i32
      %dma_wait3A_106 = arith.constant 0 : i32
      %dma_wait3A_107 = tpu.memref_slice %arg6[%add3A_105, %dma_wait3A_106] : memref<160x128xi32, #tpu.memory_space<vmem>> -> memref<1x128xi32, #tpu.memory_space<vmem>>
      %dma_wait3A_108 = tpu.memref_squeeze %dma_wait3A_107 : memref<1x128xi32, #tpu.memory_space<vmem>> -> memref<128xi32, #tpu.memory_space<vmem>>
      %dma_wait3A_109 = arith.constant 0 : i32
      %dma_wait3A_110 = arith.constant 0 : i32
      %dma_wait3A_111 = tpu.memref_slice %arg2[%dma_wait3A_109, %dma_wait3A_110] : memref<10240x32xf32, #tpu.memory_space<hbm>> -> memref<10240x32xf32, #tpu.memory_space<hbm>>
      tpu.wait_indirect_dma semaphore(%arg15 : memref<!tpu.dma_semaphore, #tpu.memory_space<semaphore_mem>>) src(%dma_wait3A_111 : memref<10240x32xf32, #tpu.memory_space<hbm>>) dst(%arg10 : memref<128x32xf32, #tpu.memory_space<vmem>>)
      "tpu.region"() ({
        %run_scoped3A = tpu.sem_alloc : memref<!tpu.dma_semaphore, #tpu.memory_space<semaphore_mem>>
        %dma_start3A_133 = arith.constant 0 : i32
        %dma_start3A_134 = tpu.memref_slice %arg7[%add3A_105, %dma_start3A_133] : memref<160x128xi32, #tpu.memory_space<vmem>> -> memref<1x128xi32, #tpu.memory_space<vmem>>
        %dma_start3A_135 = tpu.memref_squeeze %dma_start3A_134 : memref<1x128xi32, #tpu.memory_space<vmem>> -> memref<128xi32, #tpu.memory_space<vmem>>
        %dma_start3A_136 = arith.constant 0 : i32
        %dma_start3A_137 = arith.constant 0 : i32
        %dma_start3A_138 = tpu.memref_slice %arg12[%dma_start3A_136, %dma_start3A_137] : memref<10240x32xf32, #tpu.memory_space<vmem_shared>> -> memref<10240x32xf32, #tpu.memory_space<vmem_shared>>
        tpu.enqueue_indirect_dma source(%arg10 : memref<128x32xf32, #tpu.memory_space<vmem>>) target(%dma_start3A_138 : memref<10240x32xf32, #tpu.memory_space<vmem_shared>>) offsets(%dma_start3A_135 : memref<128xi32, #tpu.memory_space<vmem>>) semaphore(%run_scoped3A : memref<!tpu.dma_semaphore, #tpu.memory_space<semaphore_mem>>) {add = true}
        %dma_wait3A_139 = arith.constant 0 : i32
        %dma_wait3A_140 = tpu.memref_slice %arg7[%add3A_105, %dma_wait3A_139] : memref<160x128xi32, #tpu.memory_space<vmem>> -> memref<1x128xi32, #tpu.memory_space<vmem>>
        %dma_wait3A_141 = tpu.memref_squeeze %dma_wait3A_140 : memref<1x128xi32, #tpu.memory_space<vmem>> -> memref<128xi32, #tpu.memory_space<vmem>>
        %dma_wait3A_142 = arith.constant 0 : i32
        %dma_wait3A_143 = arith.constant 0 : i32
        %dma_wait3A_144 = tpu.memref_slice %arg12[%dma_wait3A_142, %dma_wait3A_143] : memref<10240x32xf32, #tpu.memory_space<vmem_shared>> -> memref<10240x32xf32, #tpu.memory_space<vmem_shared>>
        tpu.wait_indirect_dma semaphore(%run_scoped3A : memref<!tpu.dma_semaphore, #tpu.memory_space<semaphore_mem>>) src(%arg10 : memref<128x32xf32, #tpu.memory_space<vmem>>) dst(%dma_wait3A_144 : memref<10240x32xf32, #tpu.memory_space<vmem_shared>>)
        tpu.yield
      }) : () -> ()
      %lt3A_112 = arith.constant 39 : i32
      %lt3A_113 = arith.cmpi slt, %scan3A_74, %lt3A_112 : i32
      %convert_element_type3A_114 = arith.extui %lt3A_113 : i1 to i32
      %cond3A_115 = arith.constant 0 : i32
      %cond3A_116 = arith.cmpi ne, %convert_element_type3A_114, %cond3A_115 : i32
      scf.if %cond3A_116 {
        %add3A_133 = arith.constant 4 : i32
        %add3A_134 = arith.addi %add3A_105, %add3A_133 : i32
        %dma_start3A_135 = arith.constant 0 : i32
        %dma_start3A_136 = tpu.memref_slice %arg6[%add3A_134, %dma_start3A_135] : memref<160x128xi32, #tpu.memory_space<vmem>> -> memref<1x128xi32, #tpu.memory_space<vmem>>
        %dma_start3A_137 = tpu.memref_squeeze %dma_start3A_136 : memref<1x128xi32, #tpu.memory_space<vmem>> -> memref<128xi32, #tpu.memory_space<vmem>>
        %dma_start3A_138 = arith.constant 0 : i32
        %dma_start3A_139 = arith.constant 0 : i32
        %dma_start3A_140 = tpu.memref_slice %arg2[%dma_start3A_138, %dma_start3A_139] : memref<10240x32xf32, #tpu.memory_space<hbm>> -> memref<10240x32xf32, #tpu.memory_space<hbm>>
        tpu.enqueue_indirect_dma source(%dma_start3A_140 : memref<10240x32xf32, #tpu.memory_space<hbm>>) target(%arg10 : memref<128x32xf32, #tpu.memory_space<vmem>>) offsets(%dma_start3A_137 : memref<128xi32, #tpu.memory_space<vmem>>) semaphore(%arg15 : memref<!tpu.dma_semaphore, #tpu.memory_space<semaphore_mem>>)
      } else {
      }
      %mul3A_117 = arith.constant 4 : i32
      %mul3A_118 = arith.muli %scan3A_74, %mul3A_117 : i32
      %add3A_119 = arith.constant 3 : i32
      %add3A_120 = arith.addi %mul3A_118, %add3A_119 : i32
      %dma_wait3A_121 = arith.constant 0 : i32
      %dma_wait3A_122 = tpu.memref_slice %arg6[%add3A_120, %dma_wait3A_121] : memref<160x128xi32, #tpu.memory_space<vmem>> -> memref<1x128xi32, #tpu.memory_space<vmem>>
      %dma_wait3A_123 = tpu.memref_squeeze %dma_wait3A_122 : memref<1x128xi32, #tpu.memory_space<vmem>> -> memref<128xi32, #tpu.memory_space<vmem>>
      %dma_wait3A_124 = arith.constant 0 : i32
      %dma_wait3A_125 = arith.constant 0 : i32
      %dma_wait3A_126 = tpu.memref_slice %arg2[%dma_wait3A_124, %dma_wait3A_125] : memref<10240x32xf32, #tpu.memory_space<hbm>> -> memref<10240x32xf32, #tpu.memory_space<hbm>>
      tpu.wait_indirect_dma semaphore(%arg16 : memref<!tpu.dma_semaphore, #tpu.memory_space<semaphore_mem>>) src(%dma_wait3A_126 : memref<10240x32xf32, #tpu.memory_space<hbm>>) dst(%arg11 : memref<128x32xf32, #tpu.memory_space<vmem>>)
      "tpu.region"() ({
        %run_scoped3A = tpu.sem_alloc : memref<!tpu.dma_semaphore, #tpu.memory_space<semaphore_mem>>
        %dma_start3A_133 = arith.constant 0 : i32
        %dma_start3A_134 = tpu.memref_slice %arg7[%add3A_120, %dma_start3A_133] : memref<160x128xi32, #tpu.memory_space<vmem>> -> memref<1x128xi32, #tpu.memory_space<vmem>>
        %dma_start3A_135 = tpu.memref_squeeze %dma_start3A_134 : memref<1x128xi32, #tpu.memory_space<vmem>> -> memref<128xi32, #tpu.memory_space<vmem>>
        %dma_start3A_136 = arith.constant 0 : i32
        %dma_start3A_137 = arith.constant 0 : i32
        %dma_start3A_138 = tpu.memref_slice %arg12[%dma_start3A_136, %dma_start3A_137] : memref<10240x32xf32, #tpu.memory_space<vmem_shared>> -> memref<10240x32xf32, #tpu.memory_space<vmem_shared>>
        tpu.enqueue_indirect_dma source(%arg11 : memref<128x32xf32, #tpu.memory_space<vmem>>) target(%dma_start3A_138 : memref<10240x32xf32, #tpu.memory_space<vmem_shared>>) offsets(%dma_start3A_135 : memref<128xi32, #tpu.memory_space<vmem>>) semaphore(%run_scoped3A : memref<!tpu.dma_semaphore, #tpu.memory_space<semaphore_mem>>) {add = true}
        %dma_wait3A_139 = arith.constant 0 : i32
        %dma_wait3A_140 = tpu.memref_slice %arg7[%add3A_120, %dma_wait3A_139] : memref<160x128xi32, #tpu.memory_space<vmem>> -> memref<1x128xi32, #tpu.memory_space<vmem>>
        %dma_wait3A_141 = tpu.memref_squeeze %dma_wait3A_140 : memref<1x128xi32, #tpu.memory_space<vmem>> -> memref<128xi32, #tpu.memory_space<vmem>>
        %dma_wait3A_142 = arith.constant 0 : i32
        %dma_wait3A_143 = arith.constant 0 : i32
        %dma_wait3A_144 = tpu.memref_slice %arg12[%dma_wait3A_142, %dma_wait3A_143] : memref<10240x32xf32, #tpu.memory_space<vmem_shared>> -> memref<10240x32xf32, #tpu.memory_space<vmem_shared>>
        tpu.wait_indirect_dma semaphore(%run_scoped3A : memref<!tpu.dma_semaphore, #tpu.memory_space<semaphore_mem>>) src(%arg11 : memref<128x32xf32, #tpu.memory_space<vmem>>) dst(%dma_wait3A_144 : memref<10240x32xf32, #tpu.memory_space<vmem_shared>>)
        tpu.yield
      }) : () -> ()
      %lt3A_127 = arith.constant 39 : i32
      %lt3A_128 = arith.cmpi slt, %scan3A_74, %lt3A_127 : i32
      %convert_element_type3A_129 = arith.extui %lt3A_128 : i1 to i32
      %cond3A_130 = arith.constant 0 : i32
      %cond3A_131 = arith.cmpi ne, %convert_element_type3A_129, %cond3A_130 : i32
      scf.if %cond3A_131 {
        %add3A_133 = arith.constant 4 : i32
        %add3A_134 = arith.addi %add3A_120, %add3A_133 : i32
        %dma_start3A_135 = arith.constant 0 : i32
        %dma_start3A_136 = tpu.memref_slice %arg6[%add3A_134, %dma_start3A_135] : memref<160x128xi32, #tpu.memory_space<vmem>> -> memref<1x128xi32, #tpu.memory_space<vmem>>
        %dma_start3A_137 = tpu.memref_squeeze %dma_start3A_136 : memref<1x128xi32, #tpu.memory_space<vmem>> -> memref<128xi32, #tpu.memory_space<vmem>>
        %dma_start3A_138 = arith.constant 0 : i32
        %dma_start3A_139 = arith.constant 0 : i32
        %dma_start3A_140 = tpu.memref_slice %arg2[%dma_start3A_138, %dma_start3A_139] : memref<10240x32xf32, #tpu.memory_space<hbm>> -> memref<10240x32xf32, #tpu.memory_space<hbm>>
        tpu.enqueue_indirect_dma source(%dma_start3A_140 : memref<10240x32xf32, #tpu.memory_space<hbm>>) target(%arg11 : memref<128x32xf32, #tpu.memory_space<vmem>>) offsets(%dma_start3A_137 : memref<128xi32, #tpu.memory_space<vmem>>) semaphore(%arg16 : memref<!tpu.dma_semaphore, #tpu.memory_space<semaphore_mem>>)
      } else {
      }
      %scan3A_132 = arith.constant 0 : i32
      scf.yield %scan3A_132 : i32
    }
    %scan3A_65 = arith.constant 40 : i32
    %barrier3A_66 = arith.constant 0 : index
    tpu.barrier barrier_id(%barrier3A_66)
    %mul3A_67 = arith.constant 640 : i32
    %mul3A_68 = arith.muli %arg1, %mul3A_67 : i32
    %mul3A_69 = arith.constant 10240 : i32
    %mul3A_70 = arith.muli %arg0, %mul3A_69 : i32
    %mul3A_71 = arith.constant 640 : i32
    %mul3A_72 = arith.muli %arg1, %mul3A_71 : i32
    %add3A_73 = arith.addi %mul3A_70, %mul3A_72 : i32
    "tpu.region"() ({
      %run_scoped3A = tpu.sem_alloc : memref<!tpu.dma_semaphore, #tpu.memory_space<semaphore_mem>>
      %dma_start3A_74 = arith.constant 0 : i32
      %dma_start3A_75 = tpu.memref_slice %arg5[%add3A_73, %dma_start3A_74] : memref<20480x32xf32, #tpu.memory_space<hbm>> -> memref<640x32xf32, #tpu.memory_space<hbm>>
      %dma_start3A_76 = arith.constant 0 : i32
      %dma_start3A_77 = tpu.memref_slice %arg12[%mul3A_68, %dma_start3A_76] : memref<10240x32xf32, #tpu.memory_space<vmem_shared>> -> memref<640x32xf32, #tpu.memory_space<vmem_shared>>
      tpu.enqueue_dma source(%dma_start3A_77 : memref<640x32xf32, #tpu.memory_space<vmem_shared>>) target(%dma_start3A_75 : memref<640x32xf32, #tpu.memory_space<hbm>>) target_semaphore(%run_scoped3A : memref<!tpu.dma_semaphore, #tpu.memory_space<semaphore_mem>>)
      %dma_wait3A = arith.constant 0 : i32
      %dma_wait3A_78 = tpu.memref_slice %arg5[%add3A_73, %dma_wait3A] : memref<20480x32xf32, #tpu.memory_space<hbm>> -> memref<640x32xf32, #tpu.memory_space<hbm>>
      %dma_wait3A_79 = arith.constant 0 : i32
      %dma_wait3A_80 = tpu.memref_slice %arg12[%mul3A_68, %dma_wait3A_79] : memref<10240x32xf32, #tpu.memory_space<vmem_shared>> -> memref<640x32xf32, #tpu.memory_space<vmem_shared>>
      tpu.wait_dma2 semaphore(%run_scoped3A : memref<!tpu.dma_semaphore, #tpu.memory_space<semaphore_mem>>) src(%dma_wait3A_80 : memref<640x32xf32, #tpu.memory_space<vmem_shared>>) dst(%dma_wait3A_78 : memref<640x32xf32, #tpu.memory_space<hbm>>)
      tpu.yield
    }) : () -> ()
    return
  }
}

#map = affine_map<(d0, d1) -> (0, 0)>
module attributes {stable_mosaic.version = 14 : i64} {
  func.func @agg(%arg0: i32, %arg1: i32, %arg2: memref<10240x32xf32, #tpu.memory_space<hbm>>, %arg3: memref<5120x128xi32, #tpu.memory_space<hbm>>, %arg4: memref<5120x128xi32, #tpu.memory_space<hbm>>, %arg5: memref<20480x32xf32, #tpu.memory_space<hbm>>, %arg6: memref<160x128xi32, #tpu.memory_space<vmem>>, %arg7: memref<160x128xi32, #tpu.memory_space<vmem>>, %arg8: memref<128x32xf32, #tpu.memory_space<vmem>>, %arg9: memref<128x32xf32, #tpu.memory_space<vmem>>, %arg10: memref<128x32xf32, #tpu.memory_space<vmem>>, %arg11: memref<128x32xf32, #tpu.memory_space<vmem>>, %arg12: memref<10240x32xf32, #tpu.memory_space<vmem_shared>>, %arg13: memref<!tpu.dma_semaphore, #tpu.memory_space<semaphore_mem>>, %arg14: memref<!tpu.dma_semaphore, #tpu.memory_space<semaphore_mem>>, %arg15: memref<!tpu.dma_semaphore, #tpu.memory_space<semaphore_mem>>, %arg16: memref<!tpu.dma_semaphore, #tpu.memory_space<semaphore_mem>>) attributes {dimension_semantics = [#tpu.dimension_semantics<core_parallel>, #tpu.dimension_semantics<subcore_parallel>], iteration_bounds = array<i64: 2, 16>, scalar_prefetch = 0 : i64, scratch_operands = 11 : i64, tpu.core_type = #tpu.core_type<sc_vector_subcore>, window_params = [{transform_indices = #map}, {transform_indices = #map}, {transform_indices = #map}, {transform_indices = #map}]} {
    %mul3A = arith.constant 2 : i32
    %mul3A_0 = arith.muli %arg1, %mul3A : i32
    %add3A = arith.addi %mul3A_0, %arg0 : i32
    %broadcast_in_dim3A = arith.constant 0.000000e+00 : f32
    %broadcast_in_dim3A_1 = vector.broadcast %broadcast_in_dim3A : f32 to vector<16xf32>
    %scan3A = arith.constant 0 : i32
    %scan3A_2 = arith.constant 0 : i32
    %scan3A_3 = arith.constant 256 : i32
    %scan3A_4 = arith.addi %scan3A_2, %scan3A_3 : i32
    %scan3A_5 = arith.constant 1 : i32
    %scan3A_6 = scf.for %scan3A_74 = %scan3A_2 to %scan3A_4 step %scan3A_5 iter_args(%scan3A_75 = %scan3A) -> (i32)  : i32 {
      %jit3A = arith.constant 2 : i32
      %div3A = arith.divsi %scan3A_74, %jit3A : i32
      %sign3A = arith.constant 0 : i32
      %sign3A_76 = arith.cmpi sgt, %scan3A_74, %sign3A : i32
      %sign3A_77 = arith.extui %sign3A_76 : i1 to i32
      %sign3A_78 = arith.constant 0 : i32
      %sign3A_79 = arith.cmpi slt, %scan3A_74, %sign3A_78 : i32
      %sign3A_80 = arith.extui %sign3A_79 : i1 to i32
      %sign3A_81 = arith.subi %sign3A_77, %sign3A_80 : i32
      %sign3A_82 = arith.constant 0 : i32
      %sign3A_83 = arith.cmpi sgt, %jit3A, %sign3A_82 : i32
      %sign3A_84 = arith.extui %sign3A_83 : i1 to i32
      %sign3A_85 = arith.constant 0 : i32
      %sign3A_86 = arith.cmpi slt, %jit3A, %sign3A_85 : i32
      %sign3A_87 = arith.extui %sign3A_86 : i1 to i32
      %sign3A_88 = arith.subi %sign3A_84, %sign3A_87 : i32
      %ne3A = arith.cmpi ne, %sign3A_81, %sign3A_88 : i32
      %rem3A = arith.remsi %scan3A_74, %jit3A : i32
      %ne3A_89 = arith.constant 0 : i32
      %ne3A_90 = arith.cmpi ne, %rem3A, %ne3A_89 : i32
      %and3A = arith.andi %ne3A, %ne3A_90 : i1
      %sub3A = arith.constant 1 : i32
      %sub3A_91 = arith.subi %div3A, %sub3A : i32
      %select_n3A = arith.select %and3A, %sub3A_91, %div3A : i32
      %jit3A_92 = arith.constant 2 : i32
      %eq3A = arith.constant 0 : i32
      %eq3A_93 = arith.cmpi eq, %jit3A_92, %eq3A : i32
      %jit3A_94 = arith.constant 1 : i32
      %select_n3A_95 = arith.select %eq3A_93, %jit3A_94, %jit3A_92 : i32
      %rem3A_96 = arith.remsi %scan3A_74, %select_n3A_95 : i32
      %ne3A_97 = arith.constant 0 : i32
      %ne3A_98 = arith.cmpi ne, %rem3A_96, %ne3A_97 : i32
      %lt3A = arith.constant 0 : i32
      %lt3A_99 = arith.cmpi slt, %rem3A_96, %lt3A : i32
      %lt3A_100 = arith.constant 0 : i32
      %lt3A_101 = arith.cmpi slt, %select_n3A_95, %lt3A_100 : i32
      %ne3A_102 = arith.xori %lt3A_99, %lt3A_101 : i1
      %and3A_103 = arith.andi %ne3A_102, %ne3A_98 : i1
      %add3A_104 = arith.addi %rem3A_96, %select_n3A_95 : i32
      %select_n3A_105 = arith.select %and3A_103, %add3A_104, %rem3A_96 : i32
      %mul3A_106 = arith.constant 16 : i32
      %mul3A_107 = arith.muli %select_n3A_105, %mul3A_106 : i32
      %swap3A = arith.index_cast %select_n3A : i32 to index
      %swap3A_108 = arith.index_cast %mul3A_107 : i32 to index
      %swap3A_109 = tpu.vector_load %arg8[%swap3A, %swap3A_108] {strides = array<i32>} : memref<128x32xf32, #tpu.memory_space<vmem>>, vector<1x16xf32>,
      %swap3A_110 = vector.shape_cast %swap3A_109 : vector<1x16xf32> to vector<16xf32>
      %swap3A_111 = vector.shape_cast %broadcast_in_dim3A_1 : vector<16xf32> to vector<1x16xf32>
      tpu.vector_store %arg8[%swap3A, %swap3A_108], %swap3A_111 {strides = array<i32>} : memref<128x32xf32, #tpu.memory_space<vmem>>, vector<1x16xf32>,
      %scan3A_112 = arith.constant 0 : i32
      scf.yield %scan3A_112 : i32
    }
    %scan3A_7 = arith.constant 256 : i32
    %mul3A_8 = arith.constant 640 : i32
    %mul3A_9 = arith.muli %arg1, %mul3A_8 : i32
    %add3A_10 = arith.constant 0 : i32
    %add3A_11 = arith.addi %mul3A_9, %add3A_10 : i32
    "tpu.region"() ({
      %run_scoped3A = tpu.sem_alloc : memref<!tpu.dma_semaphore, #tpu.memory_space<semaphore_mem>>
      %dma_start3A_74 = arith.constant 0 : i32
      %dma_start3A_75 = tpu.memref_slice %arg12[%add3A_11, %dma_start3A_74] : memref<10240x32xf32, #tpu.memory_space<vmem_shared>> -> memref<128x32xf32, #tpu.memory_space<vmem_shared>>
      %dma_start3A_76 = arith.constant 0 : i32
      %dma_start3A_77 = tpu.memref_slice %arg12[%add3A_11, %dma_start3A_76] : memref<10240x32xf32, #tpu.memory_space<vmem_shared>> -> memref<128x32xf32, #tpu.memory_space<vmem_shared>>
      tpu.enqueue_dma source(%arg8 : memref<128x32xf32, #tpu.memory_space<vmem>>) target(%dma_start3A_77 : memref<128x32xf32, #tpu.memory_space<vmem_shared>>) target_semaphore(%run_scoped3A : memref<!tpu.dma_semaphore, #tpu.memory_space<semaphore_mem>>)
      %dma_wait3A = arith.constant 0 : i32
      %dma_wait3A_78 = tpu.memref_slice %arg12[%add3A_11, %dma_wait3A] : memref<10240x32xf32, #tpu.memory_space<vmem_shared>> -> memref<128x32xf32, #tpu.memory_space<vmem_shared>>
      %dma_wait3A_79 = arith.constant 0 : i32
      %dma_wait3A_80 = tpu.memref_slice %arg12[%add3A_11, %dma_wait3A_79] : memref<10240x32xf32, #tpu.memory_space<vmem_shared>> -> memref<128x32xf32, #tpu.memory_space<vmem_shared>>
      tpu.wait_dma2 semaphore(%run_scoped3A : memref<!tpu.dma_semaphore, #tpu.memory_space<semaphore_mem>>) src(%arg8 : memref<128x32xf32, #tpu.memory_space<vmem>>) dst(%dma_wait3A_80 : memref<128x32xf32, #tpu.memory_space<vmem_shared>>)
      tpu.yield
    }) : () -> ()
    %mul3A_12 = arith.constant 640 : i32
    %mul3A_13 = arith.muli %arg1, %mul3A_12 : i32
    %add3A_14 = arith.constant 128 : i32
    %add3A_15 = arith.addi %mul3A_13, %add3A_14 : i32
    "tpu.region"() ({
      %run_scoped3A = tpu.sem_alloc : memref<!tpu.dma_semaphore, #tpu.memory_space<semaphore_mem>>
      %dma_start3A_74 = arith.constant 0 : i32
      %dma_start3A_75 = tpu.memref_slice %arg12[%add3A_15, %dma_start3A_74] : memref<10240x32xf32, #tpu.memory_space<vmem_shared>> -> memref<128x32xf32, #tpu.memory_space<vmem_shared>>
      %dma_start3A_76 = arith.constant 0 : i32
      %dma_start3A_77 = tpu.memref_slice %arg12[%add3A_15, %dma_start3A_76] : memref<10240x32xf32, #tpu.memory_space<vmem_shared>> -> memref<128x32xf32, #tpu.memory_space<vmem_shared>>
      tpu.enqueue_dma source(%arg8 : memref<128x32xf32, #tpu.memory_space<vmem>>) target(%dma_start3A_77 : memref<128x32xf32, #tpu.memory_space<vmem_shared>>) target_semaphore(%run_scoped3A : memref<!tpu.dma_semaphore, #tpu.memory_space<semaphore_mem>>)
      %dma_wait3A = arith.constant 0 : i32
      %dma_wait3A_78 = tpu.memref_slice %arg12[%add3A_15, %dma_wait3A] : memref<10240x32xf32, #tpu.memory_space<vmem_shared>> -> memref<128x32xf32, #tpu.memory_space<vmem_shared>>
      %dma_wait3A_79 = arith.constant 0 : i32
      %dma_wait3A_80 = tpu.memref_slice %arg12[%add3A_15, %dma_wait3A_79] : memref<10240x32xf32, #tpu.memory_space<vmem_shared>> -> memref<128x32xf32, #tpu.memory_space<vmem_shared>>
      tpu.wait_dma2 semaphore(%run_scoped3A : memref<!tpu.dma_semaphore, #tpu.memory_space<semaphore_mem>>) src(%arg8 : memref<128x32xf32, #tpu.memory_space<vmem>>) dst(%dma_wait3A_80 : memref<128x32xf32, #tpu.memory_space<vmem_shared>>)
      tpu.yield
    }) : () -> ()
    %mul3A_16 = arith.constant 640 : i32
    %mul3A_17 = arith.muli %arg1, %mul3A_16 : i32
    %add3A_18 = arith.constant 256 : i32
    %add3A_19 = arith.addi %mul3A_17, %add3A_18 : i32
    "tpu.region"() ({
      %run_scoped3A = tpu.sem_alloc : memref<!tpu.dma_semaphore, #tpu.memory_space<semaphore_mem>>
      %dma_start3A_74 = arith.constant 0 : i32
      %dma_start3A_75 = tpu.memref_slice %arg12[%add3A_19, %dma_start3A_74] : memref<10240x32xf32, #tpu.memory_space<vmem_shared>> -> memref<128x32xf32, #tpu.memory_space<vmem_shared>>
      %dma_start3A_76 = arith.constant 0 : i32
      %dma_start3A_77 = tpu.memref_slice %arg12[%add3A_19, %dma_start3A_76] : memref<10240x32xf32, #tpu.memory_space<vmem_shared>> -> memref<128x32xf32, #tpu.memory_space<vmem_shared>>
      tpu.enqueue_dma source(%arg8 : memref<128x32xf32, #tpu.memory_space<vmem>>) target(%dma_start3A_77 : memref<128x32xf32, #tpu.memory_space<vmem_shared>>) target_semaphore(%run_scoped3A : memref<!tpu.dma_semaphore, #tpu.memory_space<semaphore_mem>>)
      %dma_wait3A = arith.constant 0 : i32
      %dma_wait3A_78 = tpu.memref_slice %arg12[%add3A_19, %dma_wait3A] : memref<10240x32xf32, #tpu.memory_space<vmem_shared>> -> memref<128x32xf32, #tpu.memory_space<vmem_shared>>
      %dma_wait3A_79 = arith.constant 0 : i32
      %dma_wait3A_80 = tpu.memref_slice %arg12[%add3A_19, %dma_wait3A_79] : memref<10240x32xf32, #tpu.memory_space<vmem_shared>> -> memref<128x32xf32, #tpu.memory_space<vmem_shared>>
      tpu.wait_dma2 semaphore(%run_scoped3A : memref<!tpu.dma_semaphore, #tpu.memory_space<semaphore_mem>>) src(%arg8 : memref<128x32xf32, #tpu.memory_space<vmem>>) dst(%dma_wait3A_80 : memref<128x32xf32, #tpu.memory_space<vmem_shared>>)
      tpu.yield
    }) : () -> ()
    %mul3A_20 = arith.constant 640 : i32
    %mul3A_21 = arith.muli %arg1, %mul3A_20 : i32
    %add3A_22 = arith.constant 384 : i32
    %add3A_23 = arith.addi %mul3A_21, %add3A_22 : i32
    "tpu.region"() ({
      %run_scoped3A = tpu.sem_alloc : memref<!tpu.dma_semaphore, #tpu.memory_space<semaphore_mem>>
      %dma_start3A_74 = arith.constant 0 : i32
      %dma_start3A_75 = tpu.memref_slice %arg12[%add3A_23, %dma_start3A_74] : memref<10240x32xf32, #tpu.memory_space<vmem_shared>> -> memref<128x32xf32, #tpu.memory_space<vmem_shared>>
      %dma_start3A_76 = arith.constant 0 : i32
      %dma_start3A_77 = tpu.memref_slice %arg12[%add3A_23, %dma_start3A_76] : memref<10240x32xf32, #tpu.memory_space<vmem_shared>> -> memref<128x32xf32, #tpu.memory_space<vmem_shared>>
      tpu.enqueue_dma source(%arg8 : memref<128x32xf32, #tpu.memory_space<vmem>>) target(%dma_start3A_77 : memref<128x32xf32, #tpu.memory_space<vmem_shared>>) target_semaphore(%run_scoped3A : memref<!tpu.dma_semaphore, #tpu.memory_space<semaphore_mem>>)
      %dma_wait3A = arith.constant 0 : i32
      %dma_wait3A_78 = tpu.memref_slice %arg12[%add3A_23, %dma_wait3A] : memref<10240x32xf32, #tpu.memory_space<vmem_shared>> -> memref<128x32xf32, #tpu.memory_space<vmem_shared>>
      %dma_wait3A_79 = arith.constant 0 : i32
      %dma_wait3A_80 = tpu.memref_slice %arg12[%add3A_23, %dma_wait3A_79] : memref<10240x32xf32, #tpu.memory_space<vmem_shared>> -> memref<128x32xf32, #tpu.memory_space<vmem_shared>>
      tpu.wait_dma2 semaphore(%run_scoped3A : memref<!tpu.dma_semaphore, #tpu.memory_space<semaphore_mem>>) src(%arg8 : memref<128x32xf32, #tpu.memory_space<vmem>>) dst(%dma_wait3A_80 : memref<128x32xf32, #tpu.memory_space<vmem_shared>>)
      tpu.yield
    }) : () -> ()
    %mul3A_24 = arith.constant 640 : i32
    %mul3A_25 = arith.muli %arg1, %mul3A_24 : i32
    %add3A_26 = arith.constant 512 : i32
    %add3A_27 = arith.addi %mul3A_25, %add3A_26 : i32
    "tpu.region"() ({
      %run_scoped3A = tpu.sem_alloc : memref<!tpu.dma_semaphore, #tpu.memory_space<semaphore_mem>>
      %dma_start3A_74 = arith.constant 0 : i32
      %dma_start3A_75 = tpu.memref_slice %arg12[%add3A_27, %dma_start3A_74] : memref<10240x32xf32, #tpu.memory_space<vmem_shared>> -> memref<128x32xf32, #tpu.memory_space<vmem_shared>>
      %dma_start3A_76 = arith.constant 0 : i32
      %dma_start3A_77 = tpu.memref_slice %arg12[%add3A_27, %dma_start3A_76] : memref<10240x32xf32, #tpu.memory_space<vmem_shared>> -> memref<128x32xf32, #tpu.memory_space<vmem_shared>>
      tpu.enqueue_dma source(%arg8 : memref<128x32xf32, #tpu.memory_space<vmem>>) target(%dma_start3A_77 : memref<128x32xf32, #tpu.memory_space<vmem_shared>>) target_semaphore(%run_scoped3A : memref<!tpu.dma_semaphore, #tpu.memory_space<semaphore_mem>>)
      %dma_wait3A = arith.constant 0 : i32
      %dma_wait3A_78 = tpu.memref_slice %arg12[%add3A_27, %dma_wait3A] : memref<10240x32xf32, #tpu.memory_space<vmem_shared>> -> memref<128x32xf32, #tpu.memory_space<vmem_shared>>
      %dma_wait3A_79 = arith.constant 0 : i32
      %dma_wait3A_80 = tpu.memref_slice %arg12[%add3A_27, %dma_wait3A_79] : memref<10240x32xf32, #tpu.memory_space<vmem_shared>> -> memref<128x32xf32, #tpu.memory_space<vmem_shared>>
      tpu.wait_dma2 semaphore(%run_scoped3A : memref<!tpu.dma_semaphore, #tpu.memory_space<semaphore_mem>>) src(%arg8 : memref<128x32xf32, #tpu.memory_space<vmem>>) dst(%dma_wait3A_80 : memref<128x32xf32, #tpu.memory_space<vmem_shared>>)
      tpu.yield
    }) : () -> ()
    %barrier3A = arith.constant 0 : index
    tpu.barrier barrier_id(%barrier3A)
    %mul3A_28 = arith.constant 160 : i32
    %mul3A_29 = arith.muli %add3A, %mul3A_28 : i32
    "tpu.region"() ({
      %run_scoped3A = tpu.sem_alloc : memref<!tpu.dma_semaphore, #tpu.memory_space<semaphore_mem>>
      %dma_start3A_74 = arith.constant 0 : i32
      %dma_start3A_75 = tpu.memref_slice %arg3[%mul3A_29, %dma_start3A_74] : memref<5120x128xi32, #tpu.memory_space<hbm>> -> memref<160x128xi32, #tpu.memory_space<hbm>>
      %dma_start3A_76 = arith.constant 0 : i32
      %dma_start3A_77 = tpu.memref_slice %arg3[%mul3A_29, %dma_start3A_76] : memref<5120x128xi32, #tpu.memory_space<hbm>> -> memref<160x128xi32, #tpu.memory_space<hbm>>
      tpu.enqueue_dma source(%dma_start3A_77 : memref<160x128xi32, #tpu.memory_space<hbm>>) target(%arg6 : memref<160x128xi32, #tpu.memory_space<vmem>>) target_semaphore(%run_scoped3A : memref<!tpu.dma_semaphore, #tpu.memory_space<semaphore_mem>>)
      %dma_wait3A = arith.constant 0 : i32
      %dma_wait3A_78 = tpu.memref_slice %arg3[%mul3A_29, %dma_wait3A] : memref<5120x128xi32, #tpu.memory_space<hbm>> -> memref<160x128xi32, #tpu.memory_space<hbm>>
      %dma_wait3A_79 = arith.constant 0 : i32
      %dma_wait3A_80 = tpu.memref_slice %arg3[%mul3A_29, %dma_wait3A_79] : memref<5120x128xi32, #tpu.memory_space<hbm>> -> memref<160x128xi32, #tpu.memory_space<hbm>>
      tpu.wait_dma2 semaphore(%run_scoped3A : memref<!tpu.dma_semaphore, #tpu.memory_space<semaphore_mem>>) src(%dma_wait3A_80 : memref<160x128xi32, #tpu.memory_space<hbm>>) dst(%arg6 : memref<160x128xi32, #tpu.memory_space<vmem>>)
      tpu.yield
    }) : () -> ()
    %mul3A_30 = arith.constant 160 : i32
    %mul3A_31 = arith.muli %add3A, %mul3A_30 : i32
    "tpu.region"() ({
      %run_scoped3A = tpu.sem_alloc : memref<!tpu.dma_semaphore, #tpu.memory_space<semaphore_mem>>
      %dma_start3A_74 = arith.constant 0 : i32
      %dma_start3A_75 = tpu.memref_slice %arg4[%mul3A_31, %dma_start3A_74] : memref<5120x128xi32, #tpu.memory_space<hbm>> -> memref<160x128xi32, #tpu.memory_space<hbm>>
      %dma_start3A_76 = arith.constant 0 : i32
      %dma_start3A_77 = tpu.memref_slice %arg4[%mul3A_31, %dma_start3A_76] : memref<5120x128xi32, #tpu.memory_space<hbm>> -> memref<160x128xi32, #tpu.memory_space<hbm>>
      tpu.enqueue_dma source(%dma_start3A_77 : memref<160x128xi32, #tpu.memory_space<hbm>>) target(%arg7 : memref<160x128xi32, #tpu.memory_space<vmem>>) target_semaphore(%run_scoped3A : memref<!tpu.dma_semaphore, #tpu.memory_space<semaphore_mem>>)
      %dma_wait3A = arith.constant 0 : i32
      %dma_wait3A_78 = tpu.memref_slice %arg4[%mul3A_31, %dma_wait3A] : memref<5120x128xi32, #tpu.memory_space<hbm>> -> memref<160x128xi32, #tpu.memory_space<hbm>>
      %dma_wait3A_79 = arith.constant 0 : i32
      %dma_wait3A_80 = tpu.memref_slice %arg4[%mul3A_31, %dma_wait3A_79] : memref<5120x128xi32, #tpu.memory_space<hbm>> -> memref<160x128xi32, #tpu.memory_space<hbm>>
      tpu.wait_dma2 semaphore(%run_scoped3A : memref<!tpu.dma_semaphore, #tpu.memory_space<semaphore_mem>>) src(%dma_wait3A_80 : memref<160x128xi32, #tpu.memory_space<hbm>>) dst(%arg7 : memref<160x128xi32, #tpu.memory_space<vmem>>)
      tpu.yield
    }) : () -> ()
    %dma_start3A = arith.constant 0 : i32
    %dma_start3A_32 = arith.constant 0 : i32
    %dma_start3A_33 = tpu.memref_slice %arg6[%dma_start3A, %dma_start3A_32] : memref<160x128xi32, #tpu.memory_space<vmem>> -> memref<1x128xi32, #tpu.memory_space<vmem>>
    %dma_start3A_34 = tpu.memref_squeeze %dma_start3A_33 : memref<1x128xi32, #tpu.memory_space<vmem>> -> memref<128xi32, #tpu.memory_space<vmem>>
    %dma_start3A_35 = arith.constant 0 : i32
    %dma_start3A_36 = arith.constant 0 : i32
    %dma_start3A_37 = tpu.memref_slice %arg2[%dma_start3A_35, %dma_start3A_36] : memref<10240x32xf32, #tpu.memory_space<hbm>> -> memref<10240x32xf32, #tpu.memory_space<hbm>>
    tpu.enqueue_indirect_dma source(%dma_start3A_37 : memref<10240x32xf32, #tpu.memory_space<hbm>>) target(%arg8 : memref<128x32xf32, #tpu.memory_space<vmem>>) offsets(%dma_start3A_34 : memref<128xi32, #tpu.memory_space<vmem>>) semaphore(%arg13 : memref<!tpu.dma_semaphore, #tpu.memory_space<semaphore_mem>>)
    %dma_start3A_38 = arith.constant 1 : i32
    %dma_start3A_39 = arith.constant 0 : i32
    %dma_start3A_40 = tpu.memref_slice %arg6[%dma_start3A_38, %dma_start3A_39] : memref<160x128xi32, #tpu.memory_space<vmem>> -> memref<1x128xi32, #tpu.memory_space<vmem>>
    %dma_start3A_41 = tpu.memref_squeeze %dma_start3A_40 : memref<1x128xi32, #tpu.memory_space<vmem>> -> memref<128xi32, #tpu.memory_space<vmem>>
    %dma_start3A_42 = arith.constant 0 : i32
    %dma_start3A_43 = arith.constant 0 : i32
    %dma_start3A_44 = tpu.memref_slice %arg2[%dma_start3A_42, %dma_start3A_43] : memref<10240x32xf32, #tpu.memory_space<hbm>> -> memref<10240x32xf32, #tpu.memory_space<hbm>>
    tpu.enqueue_indirect_dma source(%dma_start3A_44 : memref<10240x32xf32, #tpu.memory_space<hbm>>) target(%arg9 : memref<128x32xf32, #tpu.memory_space<vmem>>) offsets(%dma_start3A_41 : memref<128xi32, #tpu.memory_space<vmem>>) semaphore(%arg14 : memref<!tpu.dma_semaphore, #tpu.memory_space<semaphore_mem>>)
    %dma_start3A_45 = arith.constant 2 : i32
    %dma_start3A_46 = arith.constant 0 : i32
    %dma_start3A_47 = tpu.memref_slice %arg6[%dma_start3A_45, %dma_start3A_46] : memref<160x128xi32, #tpu.memory_space<vmem>> -> memref<1x128xi32, #tpu.memory_space<vmem>>
    %dma_start3A_48 = tpu.memref_squeeze %dma_start3A_47 : memref<1x128xi32, #tpu.memory_space<vmem>> -> memref<128xi32, #tpu.memory_space<vmem>>
    %dma_start3A_49 = arith.constant 0 : i32
    %dma_start3A_50 = arith.constant 0 : i32
    %dma_start3A_51 = tpu.memref_slice %arg2[%dma_start3A_49, %dma_start3A_50] : memref<10240x32xf32, #tpu.memory_space<hbm>> -> memref<10240x32xf32, #tpu.memory_space<hbm>>
    tpu.enqueue_indirect_dma source(%dma_start3A_51 : memref<10240x32xf32, #tpu.memory_space<hbm>>) target(%arg10 : memref<128x32xf32, #tpu.memory_space<vmem>>) offsets(%dma_start3A_48 : memref<128xi32, #tpu.memory_space<vmem>>) semaphore(%arg15 : memref<!tpu.dma_semaphore, #tpu.memory_space<semaphore_mem>>)
    %dma_start3A_52 = arith.constant 3 : i32
    %dma_start3A_53 = arith.constant 0 : i32
    %dma_start3A_54 = tpu.memref_slice %arg6[%dma_start3A_52, %dma_start3A_53] : memref<160x128xi32, #tpu.memory_space<vmem>> -> memref<1x128xi32, #tpu.memory_space<vmem>>
    %dma_start3A_55 = tpu.memref_squeeze %dma_start3A_54 : memref<1x128xi32, #tpu.memory_space<vmem>> -> memref<128xi32, #tpu.memory_space<vmem>>
    %dma_start3A_56 = arith.constant 0 : i32
    %dma_start3A_57 = arith.constant 0 : i32
    %dma_start3A_58 = tpu.memref_slice %arg2[%dma_start3A_56, %dma_start3A_57] : memref<10240x32xf32, #tpu.memory_space<hbm>> -> memref<10240x32xf32, #tpu.memory_space<hbm>>
    tpu.enqueue_indirect_dma source(%dma_start3A_58 : memref<10240x32xf32, #tpu.memory_space<hbm>>) target(%arg11 : memref<128x32xf32, #tpu.memory_space<vmem>>) offsets(%dma_start3A_55 : memref<128xi32, #tpu.memory_space<vmem>>) semaphore(%arg16 : memref<!tpu.dma_semaphore, #tpu.memory_space<semaphore_mem>>)
    %scan3A_59 = arith.constant 0 : i32
    %scan3A_60 = arith.constant 0 : i32
    %scan3A_61 = arith.constant 40 : i32
    %scan3A_62 = arith.addi %scan3A_60, %scan3A_61 : i32
    %scan3A_63 = arith.constant 1 : i32
    %scan3A_64 = scf.for %scan3A_74 = %scan3A_60 to %scan3A_62 step %scan3A_63 iter_args(%scan3A_75 = %scan3A_59) -> (i32)  : i32 {
      %mul3A_76 = arith.constant 4 : i32
      %mul3A_77 = arith.muli %scan3A_74, %mul3A_76 : i32
      %add3A_78 = arith.constant 0 : i32
      %add3A_79 = arith.addi %mul3A_77, %add3A_78 : i32
      %dma_wait3A = arith.constant 0 : i32
      %dma_wait3A_80 = tpu.memref_slice %arg6[%add3A_79, %dma_wait3A] : memref<160x128xi32, #tpu.memory_space<vmem>> -> memref<1x128xi32, #tpu.memory_space<vmem>>
      %dma_wait3A_81 = tpu.memref_squeeze %dma_wait3A_80 : memref<1x128xi32, #tpu.memory_space<vmem>> -> memref<128xi32, #tpu.memory_space<vmem>>
      %dma_wait3A_82 = arith.constant 0 : i32
      %dma_wait3A_83 = arith.constant 0 : i32
      %dma_wait3A_84 = tpu.memref_slice %arg2[%dma_wait3A_82, %dma_wait3A_83] : memref<10240x32xf32, #tpu.memory_space<hbm>> -> memref<10240x32xf32, #tpu.memory_space<hbm>>
      tpu.wait_indirect_dma semaphore(%arg13 : memref<!tpu.dma_semaphore, #tpu.memory_space<semaphore_mem>>) src(%dma_wait3A_84 : memref<10240x32xf32, #tpu.memory_space<hbm>>) dst(%arg8 : memref<128x32xf32, #tpu.memory_space<vmem>>)
      "tpu.region"() ({
        %run_scoped3A = tpu.sem_alloc : memref<!tpu.dma_semaphore, #tpu.memory_space<semaphore_mem>>
        %dma_start3A_133 = arith.constant 0 : i32
        %dma_start3A_134 = tpu.memref_slice %arg7[%add3A_79, %dma_start3A_133] : memref<160x128xi32, #tpu.memory_space<vmem>> -> memref<1x128xi32, #tpu.memory_space<vmem>>
        %dma_start3A_135 = tpu.memref_squeeze %dma_start3A_134 : memref<1x128xi32, #tpu.memory_space<vmem>> -> memref<128xi32, #tpu.memory_space<vmem>>
        %dma_start3A_136 = arith.constant 0 : i32
        %dma_start3A_137 = arith.constant 0 : i32
        %dma_start3A_138 = tpu.memref_slice %arg12[%dma_start3A_136, %dma_start3A_137] : memref<10240x32xf32, #tpu.memory_space<vmem_shared>> -> memref<10240x32xf32, #tpu.memory_space<vmem_shared>>
        tpu.enqueue_indirect_dma source(%arg8 : memref<128x32xf32, #tpu.memory_space<vmem>>) target(%dma_start3A_138 : memref<10240x32xf32, #tpu.memory_space<vmem_shared>>) offsets(%dma_start3A_135 : memref<128xi32, #tpu.memory_space<vmem>>) semaphore(%run_scoped3A : memref<!tpu.dma_semaphore, #tpu.memory_space<semaphore_mem>>) {add = true}
        %dma_wait3A_139 = arith.constant 0 : i32
        %dma_wait3A_140 = tpu.memref_slice %arg7[%add3A_79, %dma_wait3A_139] : memref<160x128xi32, #tpu.memory_space<vmem>> -> memref<1x128xi32, #tpu.memory_space<vmem>>
        %dma_wait3A_141 = tpu.memref_squeeze %dma_wait3A_140 : memref<1x128xi32, #tpu.memory_space<vmem>> -> memref<128xi32, #tpu.memory_space<vmem>>
        %dma_wait3A_142 = arith.constant 0 : i32
        %dma_wait3A_143 = arith.constant 0 : i32
        %dma_wait3A_144 = tpu.memref_slice %arg12[%dma_wait3A_142, %dma_wait3A_143] : memref<10240x32xf32, #tpu.memory_space<vmem_shared>> -> memref<10240x32xf32, #tpu.memory_space<vmem_shared>>
        tpu.wait_indirect_dma semaphore(%run_scoped3A : memref<!tpu.dma_semaphore, #tpu.memory_space<semaphore_mem>>) src(%arg8 : memref<128x32xf32, #tpu.memory_space<vmem>>) dst(%dma_wait3A_144 : memref<10240x32xf32, #tpu.memory_space<vmem_shared>>)
        tpu.yield
      }) : () -> ()
      %lt3A = arith.constant 39 : i32
      %lt3A_85 = arith.cmpi slt, %scan3A_74, %lt3A : i32
      %convert_element_type3A = arith.extui %lt3A_85 : i1 to i32
      %cond3A = arith.constant 0 : i32
      %cond3A_86 = arith.cmpi ne, %convert_element_type3A, %cond3A : i32
      scf.if %cond3A_86 {
        %add3A_133 = arith.constant 4 : i32
        %add3A_134 = arith.addi %add3A_79, %add3A_133 : i32
        %dma_start3A_135 = arith.constant 0 : i32
        %dma_start3A_136 = tpu.memref_slice %arg6[%add3A_134, %dma_start3A_135] : memref<160x128xi32, #tpu.memory_space<vmem>> -> memref<1x128xi32, #tpu.memory_space<vmem>>
        %dma_start3A_137 = tpu.memref_squeeze %dma_start3A_136 : memref<1x128xi32, #tpu.memory_space<vmem>> -> memref<128xi32, #tpu.memory_space<vmem>>
        %dma_start3A_138 = arith.constant 0 : i32
        %dma_start3A_139 = arith.constant 0 : i32
        %dma_start3A_140 = tpu.memref_slice %arg2[%dma_start3A_138, %dma_start3A_139] : memref<10240x32xf32, #tpu.memory_space<hbm>> -> memref<10240x32xf32, #tpu.memory_space<hbm>>
        tpu.enqueue_indirect_dma source(%dma_start3A_140 : memref<10240x32xf32, #tpu.memory_space<hbm>>) target(%arg8 : memref<128x32xf32, #tpu.memory_space<vmem>>) offsets(%dma_start3A_137 : memref<128xi32, #tpu.memory_space<vmem>>) semaphore(%arg13 : memref<!tpu.dma_semaphore, #tpu.memory_space<semaphore_mem>>)
      } else {
      }
      %mul3A_87 = arith.constant 4 : i32
      %mul3A_88 = arith.muli %scan3A_74, %mul3A_87 : i32
      %add3A_89 = arith.constant 1 : i32
      %add3A_90 = arith.addi %mul3A_88, %add3A_89 : i32
      %dma_wait3A_91 = arith.constant 0 : i32
      %dma_wait3A_92 = tpu.memref_slice %arg6[%add3A_90, %dma_wait3A_91] : memref<160x128xi32, #tpu.memory_space<vmem>> -> memref<1x128xi32, #tpu.memory_space<vmem>>
      %dma_wait3A_93 = tpu.memref_squeeze %dma_wait3A_92 : memref<1x128xi32, #tpu.memory_space<vmem>> -> memref<128xi32, #tpu.memory_space<vmem>>
      %dma_wait3A_94 = arith.constant 0 : i32
      %dma_wait3A_95 = arith.constant 0 : i32
      %dma_wait3A_96 = tpu.memref_slice %arg2[%dma_wait3A_94, %dma_wait3A_95] : memref<10240x32xf32, #tpu.memory_space<hbm>> -> memref<10240x32xf32, #tpu.memory_space<hbm>>
      tpu.wait_indirect_dma semaphore(%arg14 : memref<!tpu.dma_semaphore, #tpu.memory_space<semaphore_mem>>) src(%dma_wait3A_96 : memref<10240x32xf32, #tpu.memory_space<hbm>>) dst(%arg9 : memref<128x32xf32, #tpu.memory_space<vmem>>)
      "tpu.region"() ({
        %run_scoped3A = tpu.sem_alloc : memref<!tpu.dma_semaphore, #tpu.memory_space<semaphore_mem>>
        %dma_start3A_133 = arith.constant 0 : i32
        %dma_start3A_134 = tpu.memref_slice %arg7[%add3A_90, %dma_start3A_133] : memref<160x128xi32, #tpu.memory_space<vmem>> -> memref<1x128xi32, #tpu.memory_space<vmem>>
        %dma_start3A_135 = tpu.memref_squeeze %dma_start3A_134 : memref<1x128xi32, #tpu.memory_space<vmem>> -> memref<128xi32, #tpu.memory_space<vmem>>
        %dma_start3A_136 = arith.constant 0 : i32
        %dma_start3A_137 = arith.constant 0 : i32
        %dma_start3A_138 = tpu.memref_slice %arg12[%dma_start3A_136, %dma_start3A_137] : memref<10240x32xf32, #tpu.memory_space<vmem_shared>> -> memref<10240x32xf32, #tpu.memory_space<vmem_shared>>
        tpu.enqueue_indirect_dma source(%arg9 : memref<128x32xf32, #tpu.memory_space<vmem>>) target(%dma_start3A_138 : memref<10240x32xf32, #tpu.memory_space<vmem_shared>>) offsets(%dma_start3A_135 : memref<128xi32, #tpu.memory_space<vmem>>) semaphore(%run_scoped3A : memref<!tpu.dma_semaphore, #tpu.memory_space<semaphore_mem>>) {add = true}
        %dma_wait3A_139 = arith.constant 0 : i32
        %dma_wait3A_140 = tpu.memref_slice %arg7[%add3A_90, %dma_wait3A_139] : memref<160x128xi32, #tpu.memory_space<vmem>> -> memref<1x128xi32, #tpu.memory_space<vmem>>
        %dma_wait3A_141 = tpu.memref_squeeze %dma_wait3A_140 : memref<1x128xi32, #tpu.memory_space<vmem>> -> memref<128xi32, #tpu.memory_space<vmem>>
        %dma_wait3A_142 = arith.constant 0 : i32
        %dma_wait3A_143 = arith.constant 0 : i32
        %dma_wait3A_144 = tpu.memref_slice %arg12[%dma_wait3A_142, %dma_wait3A_143] : memref<10240x32xf32, #tpu.memory_space<vmem_shared>> -> memref<10240x32xf32, #tpu.memory_space<vmem_shared>>
        tpu.wait_indirect_dma semaphore(%run_scoped3A : memref<!tpu.dma_semaphore, #tpu.memory_space<semaphore_mem>>) src(%arg9 : memref<128x32xf32, #tpu.memory_space<vmem>>) dst(%dma_wait3A_144 : memref<10240x32xf32, #tpu.memory_space<vmem_shared>>)
        tpu.yield
      }) : () -> ()
      %lt3A_97 = arith.constant 39 : i32
      %lt3A_98 = arith.cmpi slt, %scan3A_74, %lt3A_97 : i32
      %convert_element_type3A_99 = arith.extui %lt3A_98 : i1 to i32
      %cond3A_100 = arith.constant 0 : i32
      %cond3A_101 = arith.cmpi ne, %convert_element_type3A_99, %cond3A_100 : i32
      scf.if %cond3A_101 {
        %add3A_133 = arith.constant 4 : i32
        %add3A_134 = arith.addi %add3A_90, %add3A_133 : i32
        %dma_start3A_135 = arith.constant 0 : i32
        %dma_start3A_136 = tpu.memref_slice %arg6[%add3A_134, %dma_start3A_135] : memref<160x128xi32, #tpu.memory_space<vmem>> -> memref<1x128xi32, #tpu.memory_space<vmem>>
        %dma_start3A_137 = tpu.memref_squeeze %dma_start3A_136 : memref<1x128xi32, #tpu.memory_space<vmem>> -> memref<128xi32, #tpu.memory_space<vmem>>
        %dma_start3A_138 = arith.constant 0 : i32
        %dma_start3A_139 = arith.constant 0 : i32
        %dma_start3A_140 = tpu.memref_slice %arg2[%dma_start3A_138, %dma_start3A_139] : memref<10240x32xf32, #tpu.memory_space<hbm>> -> memref<10240x32xf32, #tpu.memory_space<hbm>>
        tpu.enqueue_indirect_dma source(%dma_start3A_140 : memref<10240x32xf32, #tpu.memory_space<hbm>>) target(%arg9 : memref<128x32xf32, #tpu.memory_space<vmem>>) offsets(%dma_start3A_137 : memref<128xi32, #tpu.memory_space<vmem>>) semaphore(%arg14 : memref<!tpu.dma_semaphore, #tpu.memory_space<semaphore_mem>>)
      } else {
      }
      %mul3A_102 = arith.constant 4 : i32
      %mul3A_103 = arith.muli %scan3A_74, %mul3A_102 : i32
      %add3A_104 = arith.constant 2 : i32
      %add3A_105 = arith.addi %mul3A_103, %add3A_104 : i32
      %dma_wait3A_106 = arith.constant 0 : i32
      %dma_wait3A_107 = tpu.memref_slice %arg6[%add3A_105, %dma_wait3A_106] : memref<160x128xi32, #tpu.memory_space<vmem>> -> memref<1x128xi32, #tpu.memory_space<vmem>>
      %dma_wait3A_108 = tpu.memref_squeeze %dma_wait3A_107 : memref<1x128xi32, #tpu.memory_space<vmem>> -> memref<128xi32, #tpu.memory_space<vmem>>
      %dma_wait3A_109 = arith.constant 0 : i32
      %dma_wait3A_110 = arith.constant 0 : i32
      %dma_wait3A_111 = tpu.memref_slice %arg2[%dma_wait3A_109, %dma_wait3A_110] : memref<10240x32xf32, #tpu.memory_space<hbm>> -> memref<10240x32xf32, #tpu.memory_space<hbm>>
      tpu.wait_indirect_dma semaphore(%arg15 : memref<!tpu.dma_semaphore, #tpu.memory_space<semaphore_mem>>) src(%dma_wait3A_111 : memref<10240x32xf32, #tpu.memory_space<hbm>>) dst(%arg10 : memref<128x32xf32, #tpu.memory_space<vmem>>)
      "tpu.region"() ({
        %run_scoped3A = tpu.sem_alloc : memref<!tpu.dma_semaphore, #tpu.memory_space<semaphore_mem>>
        %dma_start3A_133 = arith.constant 0 : i32
        %dma_start3A_134 = tpu.memref_slice %arg7[%add3A_105, %dma_start3A_133] : memref<160x128xi32, #tpu.memory_space<vmem>> -> memref<1x128xi32, #tpu.memory_space<vmem>>
        %dma_start3A_135 = tpu.memref_squeeze %dma_start3A_134 : memref<1x128xi32, #tpu.memory_space<vmem>> -> memref<128xi32, #tpu.memory_space<vmem>>
        %dma_start3A_136 = arith.constant 0 : i32
        %dma_start3A_137 = arith.constant 0 : i32
        %dma_start3A_138 = tpu.memref_slice %arg12[%dma_start3A_136, %dma_start3A_137] : memref<10240x32xf32, #tpu.memory_space<vmem_shared>> -> memref<10240x32xf32, #tpu.memory_space<vmem_shared>>
        tpu.enqueue_indirect_dma source(%arg10 : memref<128x32xf32, #tpu.memory_space<vmem>>) target(%dma_start3A_138 : memref<10240x32xf32, #tpu.memory_space<vmem_shared>>) offsets(%dma_start3A_135 : memref<128xi32, #tpu.memory_space<vmem>>) semaphore(%run_scoped3A : memref<!tpu.dma_semaphore, #tpu.memory_space<semaphore_mem>>) {add = true}
        %dma_wait3A_139 = arith.constant 0 : i32
        %dma_wait3A_140 = tpu.memref_slice %arg7[%add3A_105, %dma_wait3A_139] : memref<160x128xi32, #tpu.memory_space<vmem>> -> memref<1x128xi32, #tpu.memory_space<vmem>>
        %dma_wait3A_141 = tpu.memref_squeeze %dma_wait3A_140 : memref<1x128xi32, #tpu.memory_space<vmem>> -> memref<128xi32, #tpu.memory_space<vmem>>
        %dma_wait3A_142 = arith.constant 0 : i32
        %dma_wait3A_143 = arith.constant 0 : i32
        %dma_wait3A_144 = tpu.memref_slice %arg12[%dma_wait3A_142, %dma_wait3A_143] : memref<10240x32xf32, #tpu.memory_space<vmem_shared>> -> memref<10240x32xf32, #tpu.memory_space<vmem_shared>>
        tpu.wait_indirect_dma semaphore(%run_scoped3A : memref<!tpu.dma_semaphore, #tpu.memory_space<semaphore_mem>>) src(%arg10 : memref<128x32xf32, #tpu.memory_space<vmem>>) dst(%dma_wait3A_144 : memref<10240x32xf32, #tpu.memory_space<vmem_shared>>)
        tpu.yield
      }) : () -> ()
      %lt3A_112 = arith.constant 39 : i32
      %lt3A_113 = arith.cmpi slt, %scan3A_74, %lt3A_112 : i32
      %convert_element_type3A_114 = arith.extui %lt3A_113 : i1 to i32
      %cond3A_115 = arith.constant 0 : i32
      %cond3A_116 = arith.cmpi ne, %convert_element_type3A_114, %cond3A_115 : i32
      scf.if %cond3A_116 {
        %add3A_133 = arith.constant 4 : i32
        %add3A_134 = arith.addi %add3A_105, %add3A_133 : i32
        %dma_start3A_135 = arith.constant 0 : i32
        %dma_start3A_136 = tpu.memref_slice %arg6[%add3A_134, %dma_start3A_135] : memref<160x128xi32, #tpu.memory_space<vmem>> -> memref<1x128xi32, #tpu.memory_space<vmem>>
        %dma_start3A_137 = tpu.memref_squeeze %dma_start3A_136 : memref<1x128xi32, #tpu.memory_space<vmem>> -> memref<128xi32, #tpu.memory_space<vmem>>
        %dma_start3A_138 = arith.constant 0 : i32
        %dma_start3A_139 = arith.constant 0 : i32
        %dma_start3A_140 = tpu.memref_slice %arg2[%dma_start3A_138, %dma_start3A_139] : memref<10240x32xf32, #tpu.memory_space<hbm>> -> memref<10240x32xf32, #tpu.memory_space<hbm>>
        tpu.enqueue_indirect_dma source(%dma_start3A_140 : memref<10240x32xf32, #tpu.memory_space<hbm>>) target(%arg10 : memref<128x32xf32, #tpu.memory_space<vmem>>) offsets(%dma_start3A_137 : memref<128xi32, #tpu.memory_space<vmem>>) semaphore(%arg15 : memref<!tpu.dma_semaphore, #tpu.memory_space<semaphore_mem>>)
      } else {
      }
      %mul3A_117 = arith.constant 4 : i32
      %mul3A_118 = arith.muli %scan3A_74, %mul3A_117 : i32
      %add3A_119 = arith.constant 3 : i32
      %add3A_120 = arith.addi %mul3A_118, %add3A_119 : i32
      %dma_wait3A_121 = arith.constant 0 : i32
      %dma_wait3A_122 = tpu.memref_slice %arg6[%add3A_120, %dma_wait3A_121] : memref<160x128xi32, #tpu.memory_space<vmem>> -> memref<1x128xi32, #tpu.memory_space<vmem>>
      %dma_wait3A_123 = tpu.memref_squeeze %dma_wait3A_122 : memref<1x128xi32, #tpu.memory_space<vmem>> -> memref<128xi32, #tpu.memory_space<vmem>>
      %dma_wait3A_124 = arith.constant 0 : i32
      %dma_wait3A_125 = arith.constant 0 : i32
      %dma_wait3A_126 = tpu.memref_slice %arg2[%dma_wait3A_124, %dma_wait3A_125] : memref<10240x32xf32, #tpu.memory_space<hbm>> -> memref<10240x32xf32, #tpu.memory_space<hbm>>
      tpu.wait_indirect_dma semaphore(%arg16 : memref<!tpu.dma_semaphore, #tpu.memory_space<semaphore_mem>>) src(%dma_wait3A_126 : memref<10240x32xf32, #tpu.memory_space<hbm>>) dst(%arg11 : memref<128x32xf32, #tpu.memory_space<vmem>>)
      "tpu.region"() ({
        %run_scoped3A = tpu.sem_alloc : memref<!tpu.dma_semaphore, #tpu.memory_space<semaphore_mem>>
        %dma_start3A_133 = arith.constant 0 : i32
        %dma_start3A_134 = tpu.memref_slice %arg7[%add3A_120, %dma_start3A_133] : memref<160x128xi32, #tpu.memory_space<vmem>> -> memref<1x128xi32, #tpu.memory_space<vmem>>
        %dma_start3A_135 = tpu.memref_squeeze %dma_start3A_134 : memref<1x128xi32, #tpu.memory_space<vmem>> -> memref<128xi32, #tpu.memory_space<vmem>>
        %dma_start3A_136 = arith.constant 0 : i32
        %dma_start3A_137 = arith.constant 0 : i32
        %dma_start3A_138 = tpu.memref_slice %arg12[%dma_start3A_136, %dma_start3A_137] : memref<10240x32xf32, #tpu.memory_space<vmem_shared>> -> memref<10240x32xf32, #tpu.memory_space<vmem_shared>>
        tpu.enqueue_indirect_dma source(%arg11 : memref<128x32xf32, #tpu.memory_space<vmem>>) target(%dma_start3A_138 : memref<10240x32xf32, #tpu.memory_space<vmem_shared>>) offsets(%dma_start3A_135 : memref<128xi32, #tpu.memory_space<vmem>>) semaphore(%run_scoped3A : memref<!tpu.dma_semaphore, #tpu.memory_space<semaphore_mem>>) {add = true}
        %dma_wait3A_139 = arith.constant 0 : i32
        %dma_wait3A_140 = tpu.memref_slice %arg7[%add3A_120, %dma_wait3A_139] : memref<160x128xi32, #tpu.memory_space<vmem>> -> memref<1x128xi32, #tpu.memory_space<vmem>>
        %dma_wait3A_141 = tpu.memref_squeeze %dma_wait3A_140 : memref<1x128xi32, #tpu.memory_space<vmem>> -> memref<128xi32, #tpu.memory_space<vmem>>
        %dma_wait3A_142 = arith.constant 0 : i32
        %dma_wait3A_143 = arith.constant 0 : i32
        %dma_wait3A_144 = tpu.memref_slice %arg12[%dma_wait3A_142, %dma_wait3A_143] : memref<10240x32xf32, #tpu.memory_space<vmem_shared>> -> memref<10240x32xf32, #tpu.memory_space<vmem_shared>>
        tpu.wait_indirect_dma semaphore(%run_scoped3A : memref<!tpu.dma_semaphore, #tpu.memory_space<semaphore_mem>>) src(%arg11 : memref<128x32xf32, #tpu.memory_space<vmem>>) dst(%dma_wait3A_144 : memref<10240x32xf32, #tpu.memory_space<vmem_shared>>)
        tpu.yield
      }) : () -> ()
      %lt3A_127 = arith.constant 39 : i32
      %lt3A_128 = arith.cmpi slt, %scan3A_74, %lt3A_127 : i32
      %convert_element_type3A_129 = arith.extui %lt3A_128 : i1 to i32
      %cond3A_130 = arith.constant 0 : i32
      %cond3A_131 = arith.cmpi ne, %convert_element_type3A_129, %cond3A_130 : i32
      scf.if %cond3A_131 {
        %add3A_133 = arith.constant 4 : i32
        %add3A_134 = arith.addi %add3A_120, %add3A_133 : i32
        %dma_start3A_135 = arith.constant 0 : i32
        %dma_start3A_136 = tpu.memref_slice %arg6[%add3A_134, %dma_start3A_135] : memref<160x128xi32, #tpu.memory_space<vmem>> -> memref<1x128xi32, #tpu.memory_space<vmem>>
        %dma_start3A_137 = tpu.memref_squeeze %dma_start3A_136 : memref<1x128xi32, #tpu.memory_space<vmem>> -> memref<128xi32, #tpu.memory_space<vmem>>
        %dma_start3A_138 = arith.constant 0 : i32
        %dma_start3A_139 = arith.constant 0 : i32
        %dma_start3A_140 = tpu.memref_slice %arg2[%dma_start3A_138, %dma_start3A_139] : memref<10240x32xf32, #tpu.memory_space<hbm>> -> memref<10240x32xf32, #tpu.memory_space<hbm>>
        tpu.enqueue_indirect_dma source(%dma_start3A_140 : memref<10240x32xf32, #tpu.memory_space<hbm>>) target(%arg11 : memref<128x32xf32, #tpu.memory_space<vmem>>) offsets(%dma_start3A_137 : memref<128xi32, #tpu.memory_space<vmem>>) semaphore(%arg16 : memref<!tpu.dma_semaphore, #tpu.memory_space<semaphore_mem>>)
      } else {
      }
      %scan3A_132 = arith.constant 0 : i32
      scf.yield %scan3A_132 : i32
    }
    %scan3A_65 = arith.constant 40 : i32
    %barrier3A_66 = arith.constant 0 : index
    tpu.barrier barrier_id(%barrier3A_66)
    %mul3A_67 = arith.constant 640 : i32
    %mul3A_68 = arith.muli %arg1, %mul3A_67 : i32
    %mul3A_69 = arith.constant 10240 : i32
    %mul3A_70 = arith.muli %arg0, %mul3A_69 : i32
    %mul3A_71 = arith.constant 640 : i32
    %mul3A_72 = arith.muli %arg1, %mul3A_71 : i32
    %add3A_73 = arith.addi %mul3A_70, %mul3A_72 : i32
    "tpu.region"() ({
      %run_scoped3A = tpu.sem_alloc : memref<!tpu.dma_semaphore, #tpu.memory_space<semaphore_mem>>
      %dma_start3A_74 = arith.constant 0 : i32
      %dma_start3A_75 = tpu.memref_slice %arg5[%add3A_73, %dma_start3A_74] : memref<20480x32xf32, #tpu.memory_space<hbm>> -> memref<640x32xf32, #tpu.memory_space<hbm>>
      %dma_start3A_76 = arith.constant 0 : i32
      %dma_start3A_77 = tpu.memref_slice %arg12[%mul3A_68, %dma_start3A_76] : memref<10240x32xf32, #tpu.memory_space<vmem_shared>> -> memref<640x32xf32, #tpu.memory_space<vmem_shared>>
      tpu.enqueue_dma source(%dma_start3A_77 : memref<640x32xf32, #tpu.memory_space<vmem_shared>>) target(%dma_start3A_75 : memref<640x32xf32, #tpu.memory_space<hbm>>) target_semaphore(%run_scoped3A : memref<!tpu.dma_semaphore, #tpu.memory_space<semaphore_mem>>)
      %dma_wait3A = arith.constant 0 : i32
      %dma_wait3A_78 = tpu.memref_slice %arg5[%add3A_73, %dma_wait3A] : memref<20480x32xf32, #tpu.memory_space<hbm>> -> memref<640x32xf32, #tpu.memory_space<hbm>>
      %dma_wait3A_79 = arith.constant 0 : i32
      %dma_wait3A_80 = tpu.memref_slice %arg12[%mul3A_68, %dma_wait3A_79] : memref<10240x32xf32, #tpu.memory_space<vmem_shared>> -> memref<640x32xf32, #tpu.memory_space<vmem_shared>>
      tpu.wait_dma2 semaphore(%run_scoped3A : memref<!tpu.dma_semaphore, #tpu.memory_space<semaphore_mem>>) src(%dma_wait3A_80 : memref<640x32xf32, #tpu.memory_space<vmem_shared>>) dst(%dma_wait3A_78 : memref<640x32xf32, #tpu.memory_space<hbm>>)
      tpu.yield
    }) : () -> ()
    return
  }
}

module attributes {stable_mosaic.version = 14 : i64} {
  func.func @_tc_transform0(%arg0: memref<10240x128xf32, #tpu.memory_space<vmem>>, %arg1: memref<32x128xf32, #tpu.memory_space<vmem>>, %arg2: memref<32x128xf32, #tpu.memory_space<vmem>>, %arg3: memref<10240x32xf32, #tpu.memory_space<vmem>>, %arg4: memref<10240x32xf32, #tpu.memory_space<vmem>>) attributes {dimension_semantics = [], scalar_prefetch = 0 : i64, scratch_operands = 0 : i64, tpu.core_type = #tpu.core_type<tc>} {
    %get3A = arith.constant 0 : index
    %get3A_0 = arith.constant 0 : index
    %get3A_1 = vector.load %arg0[%get3A, %get3A_0] : memref<10240x128xf32, #tpu.memory_space<vmem>>, vector<10240x128xf32>
    %get3A_2 = arith.constant 0 : index
    %get3A_3 = arith.constant 0 : index
    %get3A_4 = vector.load %arg1[%get3A_2, %get3A_3] : memref<32x128xf32, #tpu.memory_space<vmem>>, vector<32x128xf32>
    %dot_general3A = arith.constant dense<0.000000e+00> : vector<10240x32xf32>
    %dot_general3A_5 = tpu.matmul %get3A_1, %get3A_4, %dot_general3A {dimension_numbers = #tpu.dot_dimension_numbers<[1], [1], [0], [0], [0, 0, 1, 0], [], []>, transpose_lhs_hint = false} : vector<10240x128xf32>, vector<32x128xf32>, vector<10240x32xf32> -> vector<10240x32xf32>
    %swap3A = arith.constant 0 : index
    %swap3A_6 = arith.constant 0 : index
    %swap3A_7 = vector.load %arg3[%swap3A, %swap3A_6] : memref<10240x32xf32, #tpu.memory_space<vmem>>, vector<10240x32xf32>
    tpu.vector_store %arg3[%swap3A, %swap3A_6], %dot_general3A_5 {strides = array<i32>} : memref<10240x32xf32, #tpu.memory_space<vmem>>, vector<10240x32xf32>,
    %get3A_8 = arith.constant 0 : index
    %get3A_9 = arith.constant 0 : index
    %get3A_10 = vector.load %arg2[%get3A_8, %get3A_9] : memref<32x128xf32, #tpu.memory_space<vmem>>, vector<32x128xf32>
    %dot_general3A_11 = arith.constant dense<0.000000e+00> : vector<10240x32xf32>
    %dot_general3A_12 = tpu.matmul %get3A_1, %get3A_10, %dot_general3A_11 {dimension_numbers = #tpu.dot_dimension_numbers<[1], [1], [0], [0], [0, 0, 1, 0], [], []>, transpose_lhs_hint = false} : vector<10240x128xf32>, vector<32x128xf32>, vector<10240x32xf32> -> vector<10240x32xf32>
    %swap3A_13 = arith.constant 0 : index
    %swap3A_14 = arith.constant 0 : index
    %swap3A_15 = vector.load %arg4[%swap3A_13, %swap3A_14] : memref<10240x32xf32, #tpu.memory_space<vmem>>, vector<10240x32xf32>
    tpu.vector_store %arg4[%swap3A_13, %swap3A_14], %dot_general3A_12 {strides = array<i32>} : memref<10240x32xf32, #tpu.memory_space<vmem>>, vector<10240x32xf32>,
    return
  }
}

module attributes {stable_mosaic.version = 14 : i64} {
  func.func @body(%arg0: memref<20480x32xf32, #tpu.memory_space<vmem>>, %arg1: memref<20480x1xf32, #tpu.memory_space<vmem>>, %arg2: memref<10240x32xf32, #tpu.memory_space<vmem>>, %arg3: memref<10240x128xf32, #tpu.memory_space<vmem>>, %arg4: memref<1x32xf32, #tpu.memory_space<vmem>>, %arg5: memref<32x32xf32, #tpu.memory_space<vmem>>, %arg6: memref<32x32xf32, #tpu.memory_space<vmem>>, %arg7: memref<10240x32xf32, #tpu.memory_space<vmem>>, %arg8: memref<10240x32xf32, #tpu.memory_space<vmem>>, %arg9: memref<10240x32xf32, #tpu.memory_space<vmem>>) attributes {dimension_semantics = [], scalar_prefetch = 0 : i64, scratch_operands = 0 : i64, tpu.core_type = #tpu.core_type<tc>} {
    %get3A = arith.constant 0 : index
    %get3A_0 = arith.constant 0 : index
    %get3A_1 = vector.load %arg0[%get3A, %get3A_0] : memref<20480x32xf32, #tpu.memory_space<vmem>>, vector<10240x32xf32>
    %get3A_2 = arith.constant 10240 : index
    %get3A_3 = arith.constant 0 : index
    %get3A_4 = vector.load %arg0[%get3A_2, %get3A_3] : memref<20480x32xf32, #tpu.memory_space<vmem>>, vector<10240x32xf32>
    %add3A = arith.addf %get3A_1, %get3A_4 : vector<10240x32xf32>
    %get3A_5 = arith.constant 0 : index
    %get3A_6 = arith.constant 0 : index
    %get3A_7 = vector.load %arg1[%get3A_5, %get3A_6] : memref<20480x1xf32, #tpu.memory_space<vmem>>, vector<10240x1xf32>
    %get3A_8 = arith.constant 10240 : index
    %get3A_9 = arith.constant 0 : index
    %get3A_10 = vector.load %arg1[%get3A_8, %get3A_9] : memref<20480x1xf32, #tpu.memory_space<vmem>>, vector<10240x1xf32>
    %add3A_11 = arith.addf %get3A_7, %get3A_10 : vector<10240x1xf32>
    %max3A = arith.constant 1.000000e+00 : f32
    %max3A_12 = vector.broadcast %max3A : f32 to vector<10240x1xf32>
    %max3A_13 = arith.maximumf %add3A_11, %max3A_12 : vector<10240x1xf32>
    %div3A = arith.constant 1.000000e+00 : f32
    %div3A_14 = vector.broadcast %div3A : f32 to vector<10240x1xf32>
    %div3A_15 = arith.divf %div3A_14, %max3A_13 : vector<10240x1xf32>
    %mul3A = vector.broadcast %div3A_15 : vector<10240x1xf32> to vector<10240x32xf32>
    %mul3A_16 = arith.mulf %add3A, %mul3A : vector<10240x32xf32>
    %get3A_17 = arith.constant 0 : index
    %get3A_18 = arith.constant 0 : index
    %get3A_19 = vector.load %arg4[%get3A_17, %get3A_18] : memref<1x32xf32, #tpu.memory_space<vmem>>, vector<1x32xf32>
    %add3A_20 = vector.broadcast %get3A_19 : vector<1x32xf32> to vector<10240x32xf32>
    %add3A_21 = arith.addf %mul3A_16, %add3A_20 : vector<10240x32xf32>
    %get3A_22 = arith.constant 0 : index
    %get3A_23 = arith.constant 0 : index
    %get3A_24 = vector.load %arg2[%get3A_22, %get3A_23] : memref<10240x32xf32, #tpu.memory_space<vmem>>, vector<10240x32xf32>
    %add3A_25 = arith.addf %add3A_21, %get3A_24 : vector<10240x32xf32>
    %max3A_26 = arith.constant 0.000000e+00 : f32
    %max3A_27 = vector.broadcast %max3A_26 : f32 to vector<10240x32xf32>
    %max3A_28 = arith.maximumf %add3A_25, %max3A_27 : vector<10240x32xf32>
    %swap3A = arith.constant 0 : index
    %swap3A_29 = arith.constant 0 : index
    %swap3A_30 = vector.load %arg7[%swap3A, %swap3A_29] : memref<10240x32xf32, #tpu.memory_space<vmem>>, vector<10240x32xf32>
    tpu.vector_store %arg7[%swap3A, %swap3A_29], %max3A_28 {strides = array<i32>} : memref<10240x32xf32, #tpu.memory_space<vmem>>, vector<10240x32xf32>,
    %get3A_31 = arith.constant 0 : index
    %get3A_32 = arith.constant 0 : index
    %get3A_33 = vector.load %arg5[%get3A_31, %get3A_32] : memref<32x32xf32, #tpu.memory_space<vmem>>, vector<32x32xf32>
    %dot_general3A = arith.constant dense<0.000000e+00> : vector<10240x32xf32>
    %dot_general3A_34 = tpu.matmul %max3A_28, %get3A_33, %dot_general3A {dimension_numbers = #tpu.dot_dimension_numbers<[1], [1], [0], [0], [0, 0, 1, 0], [], []>, transpose_lhs_hint = false} : vector<10240x32xf32>, vector<32x32xf32>, vector<10240x32xf32> -> vector<10240x32xf32>
    %swap3A_35 = arith.constant 0 : index
    %swap3A_36 = arith.constant 0 : index
    %swap3A_37 = vector.load %arg8[%swap3A_35, %swap3A_36] : memref<10240x32xf32, #tpu.memory_space<vmem>>, vector<10240x32xf32>
    tpu.vector_store %arg8[%swap3A_35, %swap3A_36], %dot_general3A_34 {strides = array<i32>} : memref<10240x32xf32, #tpu.memory_space<vmem>>, vector<10240x32xf32>,
    %get3A_38 = arith.constant 0 : index
    %get3A_39 = arith.constant 0 : index
    %get3A_40 = vector.load %arg6[%get3A_38, %get3A_39] : memref<32x32xf32, #tpu.memory_space<vmem>>, vector<32x32xf32>
    %dot_general3A_41 = arith.constant dense<0.000000e+00> : vector<10240x32xf32>
    %dot_general3A_42 = tpu.matmul %max3A_28, %get3A_40, %dot_general3A_41 {dimension_numbers = #tpu.dot_dimension_numbers<[1], [1], [0], [0], [0, 0, 1, 0], [], []>, transpose_lhs_hint = false} : vector<10240x32xf32>, vector<32x32xf32>, vector<10240x32xf32> -> vector<10240x32xf32>
    %swap3A_43 = arith.constant 0 : index
    %swap3A_44 = arith.constant 0 : index
    %swap3A_45 = vector.load %arg9[%swap3A_43, %swap3A_44] : memref<10240x32xf32, #tpu.memory_space<vmem>>, vector<10240x32xf32>
    tpu.vector_store %arg9[%swap3A_43, %swap3A_44], %dot_general3A_42 {strides = array<i32>} : memref<10240x32xf32, #tpu.memory_space<vmem>>, vector<10240x32xf32>,
    return
  }
}

module attributes {stable_mosaic.version = 14 : i64} {
  func.func @body(%arg0: memref<20480x32xf32, #tpu.memory_space<vmem>>, %arg1: memref<20480x1xf32, #tpu.memory_space<vmem>>, %arg2: memref<10240x32xf32, #tpu.memory_space<vmem>>, %arg3: memref<10240x32xf32, #tpu.memory_space<vmem>>, %arg4: memref<1x32xf32, #tpu.memory_space<vmem>>, %arg5: memref<32x32xf32, #tpu.memory_space<vmem>>, %arg6: memref<32x32xf32, #tpu.memory_space<vmem>>, %arg7: memref<10240x32xf32, #tpu.memory_space<vmem>>, %arg8: memref<10240x32xf32, #tpu.memory_space<vmem>>, %arg9: memref<10240x32xf32, #tpu.memory_space<vmem>>) attributes {dimension_semantics = [], scalar_prefetch = 0 : i64, scratch_operands = 0 : i64, tpu.core_type = #tpu.core_type<tc>} {
    %get3A = arith.constant 0 : index
    %get3A_0 = arith.constant 0 : index
    %get3A_1 = vector.load %arg0[%get3A, %get3A_0] : memref<20480x32xf32, #tpu.memory_space<vmem>>, vector<10240x32xf32>
    %get3A_2 = arith.constant 10240 : index
    %get3A_3 = arith.constant 0 : index
    %get3A_4 = vector.load %arg0[%get3A_2, %get3A_3] : memref<20480x32xf32, #tpu.memory_space<vmem>>, vector<10240x32xf32>
    %add3A = arith.addf %get3A_1, %get3A_4 : vector<10240x32xf32>
    %get3A_5 = arith.constant 0 : index
    %get3A_6 = arith.constant 0 : index
    %get3A_7 = vector.load %arg1[%get3A_5, %get3A_6] : memref<20480x1xf32, #tpu.memory_space<vmem>>, vector<10240x1xf32>
    %get3A_8 = arith.constant 10240 : index
    %get3A_9 = arith.constant 0 : index
    %get3A_10 = vector.load %arg1[%get3A_8, %get3A_9] : memref<20480x1xf32, #tpu.memory_space<vmem>>, vector<10240x1xf32>
    %add3A_11 = arith.addf %get3A_7, %get3A_10 : vector<10240x1xf32>
    %max3A = arith.constant 1.000000e+00 : f32
    %max3A_12 = vector.broadcast %max3A : f32 to vector<10240x1xf32>
    %max3A_13 = arith.maximumf %add3A_11, %max3A_12 : vector<10240x1xf32>
    %div3A = arith.constant 1.000000e+00 : f32
    %div3A_14 = vector.broadcast %div3A : f32 to vector<10240x1xf32>
    %div3A_15 = arith.divf %div3A_14, %max3A_13 : vector<10240x1xf32>
    %mul3A = vector.broadcast %div3A_15 : vector<10240x1xf32> to vector<10240x32xf32>
    %mul3A_16 = arith.mulf %add3A, %mul3A : vector<10240x32xf32>
    %get3A_17 = arith.constant 0 : index
    %get3A_18 = arith.constant 0 : index
    %get3A_19 = vector.load %arg4[%get3A_17, %get3A_18] : memref<1x32xf32, #tpu.memory_space<vmem>>, vector<1x32xf32>
    %add3A_20 = vector.broadcast %get3A_19 : vector<1x32xf32> to vector<10240x32xf32>
    %add3A_21 = arith.addf %mul3A_16, %add3A_20 : vector<10240x32xf32>
    %get3A_22 = arith.constant 0 : index
    %get3A_23 = arith.constant 0 : index
    %get3A_24 = vector.load %arg2[%get3A_22, %get3A_23] : memref<10240x32xf32, #tpu.memory_space<vmem>>, vector<10240x32xf32>
    %add3A_25 = arith.addf %add3A_21, %get3A_24 : vector<10240x32xf32>
    %get3A_26 = arith.constant 0 : index
    %get3A_27 = arith.constant 0 : index
    %get3A_28 = vector.load %arg3[%get3A_26, %get3A_27] : memref<10240x32xf32, #tpu.memory_space<vmem>>, vector<10240x32xf32>
    %add3A_29 = arith.addf %add3A_25, %get3A_28 : vector<10240x32xf32>
    %max3A_30 = arith.constant 0.000000e+00 : f32
    %max3A_31 = vector.broadcast %max3A_30 : f32 to vector<10240x32xf32>
    %max3A_32 = arith.maximumf %add3A_29, %max3A_31 : vector<10240x32xf32>
    %swap3A = arith.constant 0 : index
    %swap3A_33 = arith.constant 0 : index
    %swap3A_34 = vector.load %arg7[%swap3A, %swap3A_33] : memref<10240x32xf32, #tpu.memory_space<vmem>>, vector<10240x32xf32>
    tpu.vector_store %arg7[%swap3A, %swap3A_33], %max3A_32 {strides = array<i32>} : memref<10240x32xf32, #tpu.memory_space<vmem>>, vector<10240x32xf32>,
    %get3A_35 = arith.constant 0 : index
    %get3A_36 = arith.constant 0 : index
    %get3A_37 = vector.load %arg5[%get3A_35, %get3A_36] : memref<32x32xf32, #tpu.memory_space<vmem>>, vector<32x32xf32>
    %dot_general3A = arith.constant dense<0.000000e+00> : vector<10240x32xf32>
    %dot_general3A_38 = tpu.matmul %max3A_32, %get3A_37, %dot_general3A {dimension_numbers = #tpu.dot_dimension_numbers<[1], [1], [0], [0], [0, 0, 1, 0], [], []>, transpose_lhs_hint = false} : vector<10240x32xf32>, vector<32x32xf32>, vector<10240x32xf32> -> vector<10240x32xf32>
    %swap3A_39 = arith.constant 0 : index
    %swap3A_40 = arith.constant 0 : index
    %swap3A_41 = vector.load %arg8[%swap3A_39, %swap3A_40] : memref<10240x32xf32, #tpu.memory_space<vmem>>, vector<10240x32xf32>
    tpu.vector_store %arg8[%swap3A_39, %swap3A_40], %dot_general3A_38 {strides = array<i32>} : memref<10240x32xf32, #tpu.memory_space<vmem>>, vector<10240x32xf32>,
    %get3A_42 = arith.constant 0 : index
    %get3A_43 = arith.constant 0 : index
    %get3A_44 = vector.load %arg6[%get3A_42, %get3A_43] : memref<32x32xf32, #tpu.memory_space<vmem>>, vector<32x32xf32>
    %dot_general3A_45 = arith.constant dense<0.000000e+00> : vector<10240x32xf32>
    %dot_general3A_46 = tpu.matmul %max3A_32, %get3A_44, %dot_general3A_45 {dimension_numbers = #tpu.dot_dimension_numbers<[1], [1], [0], [0], [0, 0, 1, 0], [], []>, transpose_lhs_hint = false} : vector<10240x32xf32>, vector<32x32xf32>, vector<10240x32xf32> -> vector<10240x32xf32>
    %swap3A_47 = arith.constant 0 : index
    %swap3A_48 = arith.constant 0 : index
    %swap3A_49 = vector.load %arg9[%swap3A_47, %swap3A_48] : memref<10240x32xf32, #tpu.memory_space<vmem>>, vector<10240x32xf32>
    tpu.vector_store %arg9[%swap3A_47, %swap3A_48], %dot_general3A_46 {strides = array<i32>} : memref<10240x32xf32, #tpu.memory_space<vmem>>, vector<10240x32xf32>,
    return
  }
}

module attributes {stable_mosaic.version = 14 : i64} {
  func.func @body(%arg0: memref<20480x32xf32, #tpu.memory_space<vmem>>, %arg1: memref<20480x1xf32, #tpu.memory_space<vmem>>, %arg2: memref<10240x32xf32, #tpu.memory_space<vmem>>, %arg3: memref<10240x32xf32, #tpu.memory_space<vmem>>, %arg4: memref<1x32xf32, #tpu.memory_space<vmem>>, %arg5: memref<32x32xf32, #tpu.memory_space<vmem>>, %arg6: memref<32x32xf32, #tpu.memory_space<vmem>>, %arg7: memref<10240x32xf32, #tpu.memory_space<vmem>>, %arg8: memref<10240x32xf32, #tpu.memory_space<vmem>>, %arg9: memref<10240x32xf32, #tpu.memory_space<vmem>>) attributes {dimension_semantics = [], scalar_prefetch = 0 : i64, scratch_operands = 0 : i64, tpu.core_type = #tpu.core_type<tc>} {
    %get3A = arith.constant 0 : index
    %get3A_0 = arith.constant 0 : index
    %get3A_1 = vector.load %arg0[%get3A, %get3A_0] : memref<20480x32xf32, #tpu.memory_space<vmem>>, vector<10240x32xf32>
    %get3A_2 = arith.constant 10240 : index
    %get3A_3 = arith.constant 0 : index
    %get3A_4 = vector.load %arg0[%get3A_2, %get3A_3] : memref<20480x32xf32, #tpu.memory_space<vmem>>, vector<10240x32xf32>
    %add3A = arith.addf %get3A_1, %get3A_4 : vector<10240x32xf32>
    %get3A_5 = arith.constant 0 : index
    %get3A_6 = arith.constant 0 : index
    %get3A_7 = vector.load %arg1[%get3A_5, %get3A_6] : memref<20480x1xf32, #tpu.memory_space<vmem>>, vector<10240x1xf32>
    %get3A_8 = arith.constant 10240 : index
    %get3A_9 = arith.constant 0 : index
    %get3A_10 = vector.load %arg1[%get3A_8, %get3A_9] : memref<20480x1xf32, #tpu.memory_space<vmem>>, vector<10240x1xf32>
    %add3A_11 = arith.addf %get3A_7, %get3A_10 : vector<10240x1xf32>
    %max3A = arith.constant 1.000000e+00 : f32
    %max3A_12 = vector.broadcast %max3A : f32 to vector<10240x1xf32>
    %max3A_13 = arith.maximumf %add3A_11, %max3A_12 : vector<10240x1xf32>
    %div3A = arith.constant 1.000000e+00 : f32
    %div3A_14 = vector.broadcast %div3A : f32 to vector<10240x1xf32>
    %div3A_15 = arith.divf %div3A_14, %max3A_13 : vector<10240x1xf32>
    %mul3A = vector.broadcast %div3A_15 : vector<10240x1xf32> to vector<10240x32xf32>
    %mul3A_16 = arith.mulf %add3A, %mul3A : vector<10240x32xf32>
    %get3A_17 = arith.constant 0 : index
    %get3A_18 = arith.constant 0 : index
    %get3A_19 = vector.load %arg4[%get3A_17, %get3A_18] : memref<1x32xf32, #tpu.memory_space<vmem>>, vector<1x32xf32>
    %add3A_20 = vector.broadcast %get3A_19 : vector<1x32xf32> to vector<10240x32xf32>
    %add3A_21 = arith.addf %mul3A_16, %add3A_20 : vector<10240x32xf32>
    %get3A_22 = arith.constant 0 : index
    %get3A_23 = arith.constant 0 : index
    %get3A_24 = vector.load %arg2[%get3A_22, %get3A_23] : memref<10240x32xf32, #tpu.memory_space<vmem>>, vector<10240x32xf32>
    %add3A_25 = arith.addf %add3A_21, %get3A_24 : vector<10240x32xf32>
    %get3A_26 = arith.constant 0 : index
    %get3A_27 = arith.constant 0 : index
    %get3A_28 = vector.load %arg3[%get3A_26, %get3A_27] : memref<10240x32xf32, #tpu.memory_space<vmem>>, vector<10240x32xf32>
    %add3A_29 = arith.addf %add3A_25, %get3A_28 : vector<10240x32xf32>
    %max3A_30 = arith.constant 0.000000e+00 : f32
    %max3A_31 = vector.broadcast %max3A_30 : f32 to vector<10240x32xf32>
    %max3A_32 = arith.maximumf %add3A_29, %max3A_31 : vector<10240x32xf32>
    %swap3A = arith.constant 0 : index
    %swap3A_33 = arith.constant 0 : index
    %swap3A_34 = vector.load %arg7[%swap3A, %swap3A_33] : memref<10240x32xf32, #tpu.memory_space<vmem>>, vector<10240x32xf32>
    tpu.vector_store %arg7[%swap3A, %swap3A_33], %max3A_32 {strides = array<i32>} : memref<10240x32xf32, #tpu.memory_space<vmem>>, vector<10240x32xf32>,
    %get3A_35 = arith.constant 0 : index
    %get3A_36 = arith.constant 0 : index
    %get3A_37 = vector.load %arg5[%get3A_35, %get3A_36] : memref<32x32xf32, #tpu.memory_space<vmem>>, vector<32x32xf32>
    %dot_general3A = arith.constant dense<0.000000e+00> : vector<10240x32xf32>
    %dot_general3A_38 = tpu.matmul %max3A_32, %get3A_37, %dot_general3A {dimension_numbers = #tpu.dot_dimension_numbers<[1], [1], [0], [0], [0, 0, 1, 0], [], []>, transpose_lhs_hint = false} : vector<10240x32xf32>, vector<32x32xf32>, vector<10240x32xf32> -> vector<10240x32xf32>
    %swap3A_39 = arith.constant 0 : index
    %swap3A_40 = arith.constant 0 : index
    %swap3A_41 = vector.load %arg8[%swap3A_39, %swap3A_40] : memref<10240x32xf32, #tpu.memory_space<vmem>>, vector<10240x32xf32>
    tpu.vector_store %arg8[%swap3A_39, %swap3A_40], %dot_general3A_38 {strides = array<i32>} : memref<10240x32xf32, #tpu.memory_space<vmem>>, vector<10240x32xf32>,
    %get3A_42 = arith.constant 0 : index
    %get3A_43 = arith.constant 0 : index
    %get3A_44 = vector.load %arg6[%get3A_42, %get3A_43] : memref<32x32xf32, #tpu.memory_space<vmem>>, vector<32x32xf32>
    %dot_general3A_45 = arith.constant dense<0.000000e+00> : vector<10240x32xf32>
    %dot_general3A_46 = tpu.matmul %max3A_32, %get3A_44, %dot_general3A_45 {dimension_numbers = #tpu.dot_dimension_numbers<[1], [1], [0], [0], [0, 0, 1, 0], [], []>, transpose_lhs_hint = false} : vector<10240x32xf32>, vector<32x32xf32>, vector<10240x32xf32> -> vector<10240x32xf32>
    %swap3A_47 = arith.constant 0 : index
    %swap3A_48 = arith.constant 0 : index
    %swap3A_49 = vector.load %arg9[%swap3A_47, %swap3A_48] : memref<10240x32xf32, #tpu.memory_space<vmem>>, vector<10240x32xf32>
    tpu.vector_store %arg9[%swap3A_47, %swap3A_48], %dot_general3A_46 {strides = array<i32>} : memref<10240x32xf32, #tpu.memory_space<vmem>>, vector<10240x32xf32>,
    return
  }
}

module attributes {stable_mosaic.version = 14 : i64} {
  func.func @_tc_combine_final(%arg0: memref<20480x32xf32, #tpu.memory_space<vmem>>, %arg1: memref<20480x1xf32, #tpu.memory_space<vmem>>, %arg2: memref<10240x32xf32, #tpu.memory_space<vmem>>, %arg3: memref<1x32xf32, #tpu.memory_space<vmem>>, %arg4: memref<10240x32xf32, #tpu.memory_space<vmem>>) attributes {dimension_semantics = [], scalar_prefetch = 0 : i64, scratch_operands = 0 : i64, tpu.core_type = #tpu.core_type<tc>} {
    %get3A = arith.constant 0 : index
    %get3A_0 = arith.constant 0 : index
    %get3A_1 = vector.load %arg0[%get3A, %get3A_0] : memref<20480x32xf32, #tpu.memory_space<vmem>>, vector<10240x32xf32>
    %get3A_2 = arith.constant 10240 : index
    %get3A_3 = arith.constant 0 : index
    %get3A_4 = vector.load %arg0[%get3A_2, %get3A_3] : memref<20480x32xf32, #tpu.memory_space<vmem>>, vector<10240x32xf32>
    %add3A = arith.addf %get3A_1, %get3A_4 : vector<10240x32xf32>
    %get3A_5 = arith.constant 0 : index
    %get3A_6 = arith.constant 0 : index
    %get3A_7 = vector.load %arg1[%get3A_5, %get3A_6] : memref<20480x1xf32, #tpu.memory_space<vmem>>, vector<10240x1xf32>
    %get3A_8 = arith.constant 10240 : index
    %get3A_9 = arith.constant 0 : index
    %get3A_10 = vector.load %arg1[%get3A_8, %get3A_9] : memref<20480x1xf32, #tpu.memory_space<vmem>>, vector<10240x1xf32>
    %add3A_11 = arith.addf %get3A_7, %get3A_10 : vector<10240x1xf32>
    %max3A = arith.constant 1.000000e+00 : f32
    %max3A_12 = vector.broadcast %max3A : f32 to vector<10240x1xf32>
    %max3A_13 = arith.maximumf %add3A_11, %max3A_12 : vector<10240x1xf32>
    %div3A = arith.constant 1.000000e+00 : f32
    %div3A_14 = vector.broadcast %div3A : f32 to vector<10240x1xf32>
    %div3A_15 = arith.divf %div3A_14, %max3A_13 : vector<10240x1xf32>
    %mul3A = vector.broadcast %div3A_15 : vector<10240x1xf32> to vector<10240x32xf32>
    %mul3A_16 = arith.mulf %add3A, %mul3A : vector<10240x32xf32>
    %get3A_17 = arith.constant 0 : index
    %get3A_18 = arith.constant 0 : index
    %get3A_19 = vector.load %arg3[%get3A_17, %get3A_18] : memref<1x32xf32, #tpu.memory_space<vmem>>, vector<1x32xf32>
    %add3A_20 = vector.broadcast %get3A_19 : vector<1x32xf32> to vector<10240x32xf32>
    %add3A_21 = arith.addf %mul3A_16, %add3A_20 : vector<10240x32xf32>
    %get3A_22 = arith.constant 0 : index
    %get3A_23 = arith.constant 0 : index
    %get3A_24 = vector.load %arg2[%get3A_22, %get3A_23] : memref<10240x32xf32, #tpu.memory_space<vmem>>, vector<10240x32xf32>
    %add3A_25 = arith.addf %add3A_21, %get3A_24 : vector<10240x32xf32>
    %swap3A = arith.constant 0 : index
    %swap3A_26 = arith.constant 0 : index
    %swap3A_27 = vector.load %arg4[%swap3A, %swap3A_26] : memref<10240x32xf32, #tpu.memory_space<vmem>>, vector<10240x32xf32>
    tpu.vector_store %arg4[%swap3A, %swap3A_26], %add3A_25 {strides = array<i32>} : memref<10240x32xf32, #tpu.memory_space<vmem>>, vector<10240x32xf32>,
    return
  }
}

</mosaic_0001>

<sc_bundles>
// kernel: kernel.14.cloned.1.call-start
scs
__scs_entry_jumppad:
0x0: {  	(pc) =	sbr.rel $0x88, $3  }
0x1: {  	(tag) =	ssettag $0x0;
	lr =	simm.s32 $0x1  }
0x2: {  	[smem:$0x3F90] =	sst lr;
	_ =	strace $0xD0000000  }
0x3: {  	_ = 	snop  }
0x4: {  	_ = 	snop  }
0x5: {  	_ = 	snop  }
0x6: {  	_ = 	snop  }
0x7: {  	_ = 	snop  }
__scs_overlays_trampoline_lowered:
0x8: {  	[smem:$0x3F9F] =	sst s0  }
0x9: {  	[smem:$0x3FA0] =	sst s1  }
0xa: {  	[smem:$0x3FA1] =	sst s2  }
0xb: {  	[smem:$0x3FA2] =	sst s3  }
0xc: {  	[smem:$0x3FA3] =	sst s4  }
0xd: {  	[smem:$0x3FA4] =	sst s5  }
0xe: {  	[smem:$0x3FA5] =	sst s6  }
0xf: {  	[smem:$0x3FA6] =	sst s7  }
0x10: {  	[smem:$0x3FA7] =	sst s8  }
0x11: {  	[smem:$0x3FA8] =	sst s9;
	s0 =	simm.s32 @!p0 $0x0  }
0x12: {  	s1 =	sld [smem:$0x3F8E];
	s0 =	simm.s32 @p0 $0x1  }
0x13: {  	[smem:$0x3FA9] =	sst s0;
	s0 =	simm.s32 @!p1 $0x0  }
0x14: {  	s2 =	sld [smem:$0x3F8D];
	s0 =	simm.s32 @p1 $0x1  }
0x15: {  	[smem:$0x3FAA] =	sst s0;
	s0 =	simm.s32 @!p2 $0x0  }
0x16: {  	s3 =	sld [smem:$0x3FDB];
	s0 =	simm.s32 @p2 $0x1  }
0x17: {  	s4 =	simm.s32 $0x1BF5;
	[smem:$0x3FAC] =	sst s0  }
0x18: {  	s0 =	sld [smem:$0x3F8F];
	_ =	swait.ge [sflag:s4], $0x0  }
0x19: {  	s7 =	sld [smem:$0x3F90]  }
0x1a: {  	s8 =	sadd.s32 $0xFFFFE003, lr  }
0x1b: {  	s9 =	sadd.s32 $0xFFFFFEF7, lr;
	s5 =	simm.s32 $0xFFFFFFFF;
	p2 =	slt.u32 s8, $0xFFFFF086  }
0x1c: {  	p1 =	slt.u32 s9, $0xF7A;
	s5 =	simm.s32 @!p2 $0x0  }
0x1d: {  	s5 =	simm.s32 @p1 $0x1;
	p0 =	seq.s32 s7, s2  }
0x1e: {  	s7 =	smul.u32 @!p0 $0xF7A, s2;
	p2 =	seq.s32 @!p0 s5, $0x0  }
0x1f: {  	s9 =	smul.u32 $0xF7A, s1;
	s8 =	simm.s32 @!p0 $0x1BF5;
	p2 =	por !p2, p0  }
0x20: {  	[sflag:s8] =	ssyncset.s32 @!p0 $0xFFFFF086;
	s6 =	sadd.s32 @!p0 s3, s7;
	s7 =	simm.s32 @!p0 $0x108  }
0x21: {  	s3 =	sadd.s32 s3, s9;
	s6 =	sadd.s32 @!p0 $0x88, s6;
	s7 =	simm.s32 @p2 $0x1082  }
0x22: {  	[simem:s7], [sflag:s8] =	dma.local @!p0 [hbm:s6], $0xF7A  }
0x23: {  	s9 =	sor.u32 $0xD0000000, s2;
	s6 =	simm.s32 $0x108;
	_ =	swait.ge @!p0 [sflag:s8], $0x0  }
0x24: {  	s3 =	sadd.s32 $0x88, s3;
	s6 =	simm.s32 @!p1 $0x1082;
	[sflag:s4] =	ssyncset.s32 $0xFFFFF086  }
0x25: {  	[simem:s6], [sflag:s4] =	dma.local [hbm:s3], $0xF7A  }
0x26: {  	[smem:$0x3F90] =	sst s1;
	(tag) =	ssettag s2;
	_ =	strace s9  }
0x27: {  	s1 =	sld [smem:$0x3FA0]  }
0x28: {  	s2 =	sld [smem:$0x3FA1]  }
0x29: {  	s4 =	sld [smem:$0x3FA3]  }
0x2a: {  	p0 =	seq.s32 s5, $0x0;
	s5 =	sld [smem:$0x3FA4]  }
0x2b: {  	s6 =	sld [smem:$0x3FA5]  }
0x2c: {  	s7 =	sld [smem:$0x3FA6]  }
0x2d: {  	s3 =	simm.s32 $0x108;
	s8 =	sld [smem:$0x3FA7]  }
0x2e: {  	s3 =	simm.s32 @!p0 $0x1082;
	s9 =	sld [smem:$0x3FA8]  }
0x2f: {  	lr =	sadd.s32 s0, s3;
	s0 =	sld [smem:$0x3F9F]  }
0x30: {  	s3 =	sld [smem:$0x3FA2]  }
0x31: {  	[smem:$0x3FAB] =	sst s10  }
0x32: {  	s10 =	sld [smem:$0x3FA9];
	_ =	sdelay $0x3  }
0x33: {  	p0 =	seq.s32 s10, $0x1;
	s10 =	sld [smem:$0x3FAB];
	_ =	sdelay $0x3  }
0x34: {  	[smem:$0x3FAB] =	sst s10  }
0x35: {  	s10 =	sld [smem:$0x3FAA];
	_ =	sdelay $0x3  }
0x36: {  	p1 =	seq.s32 s10, $0x1;
	s10 =	sld [smem:$0x3FAB];
	_ =	sdelay $0x3  }
0x37: {  	[smem:$0x3FAB] =	sst s10  }
0x38: {  	s10 =	sld [smem:$0x3FAC]  }
0x39: {  	_ = 	snop;
	(pc) =	sbr.ind lr, $3  }
0x3a: {  	_ = 	snop  }
0x3b: {  	_ = 	snop  }
0x3c: {  	p2 =	seq.s32 s10, $0x1;
	s10 =	sld [smem:$0x3FAB]  }
0x3d: {  	_ =	shalt  }
0x3e: {  	_ =	shalt  }
0x3f: {  	_ =	shalt  }
0x40: {  	_ =	shalt  }
0x41: {  	_ =	shalt  }
0x42: {  	_ =	shalt  }
0x43: {  	_ =	shalt  }
0x44: {  	_ =	shalt  }
0x45: {  	_ =	shalt  }
0x46: {  	_ =	shalt  }
0x47: {  	_ =	shalt  }
0x48: {  	_ =	shalt  }
0x49: {  	_ =	shalt  }
0x4a: {  	_ =	shalt  }
0x4b: {  	_ =	shalt  }
0x4c: {  	_ =	shalt  }
0x4d: {  	_ =	shalt  }
0x4e: {  	_ =	shalt  }
0x4f: {  	_ =	shalt  }
0x50: {  	_ =	shalt  }
0x51: {  	_ =	shalt  }
0x52: {  	_ =	shalt  }
0x53: {  	_ =	shalt  }
0x54: {  	_ =	shalt  }
0x55: {  	_ =	shalt  }
0x56: {  	_ =	shalt  }
0x57: {  	_ =	shalt  }
0x58: {  	_ =	shalt  }
0x59: {  	_ =	shalt  }
0x5a: {  	_ =	shalt  }
0x5b: {  	_ =	shalt  }
0x5c: {  	_ =	shalt  }
0x5d: {  	_ =	shalt  }
0x5e: {  	_ =	shalt  }
0x5f: {  	_ =	shalt  }
0x60: {  	_ =	shalt  }
0x61: {  	_ =	shalt  }
0x62: {  	_ =	shalt  }
0x63: {  	_ =	shalt  }
0x64: {  	_ =	shalt  }
0x65: {  	_ =	shalt  }
0x66: {  	_ =	shalt  }
0x67: {  	_ =	shalt  }
0x68: {  	_ =	shalt  }
0x69: {  	_ =	shalt  }
0x6a: {  	_ =	shalt  }
0x6b: {  	_ =	shalt  }
0x6c: {  	_ =	shalt  }
0x6d: {  	_ =	shalt  }
0x6e: {  	_ =	shalt  }
0x6f: {  	_ =	shalt  }
0x70: {  	_ =	shalt  }
0x71: {  	_ =	shalt  }
0x72: {  	_ =	shalt  }
0x73: {  	_ =	shalt  }
0x74: {  	_ =	shalt  }
0x75: {  	_ =	shalt  }
0x76: {  	_ =	shalt  }
0x77: {  	_ =	shalt  }
0x78: {  	_ =	shalt  }
0x79: {  	_ =	shalt  }
0x7a: {  	_ =	shalt  }
0x7b: {  	_ =	shalt  }
0x7c: {  	_ =	shalt  }
0x7d: {  	_ =	shalt  }
0x7e: {  	_ =	shalt  }
0x7f: {  	_ =	shalt  }
0x80: {  	_ =	shalt  }
0x81: {  	_ =	shalt  }
0x82: {  	_ =	shalt  }
0x83: {  	_ =	shalt  }
0x84: {  	_ =	shalt  }
0x85: {  	_ =	shalt  }
0x86: {  	_ =	shalt  }
0x87: {  	_ =	shalt  }
.Lfunc_end0:
.L_simem_size_0:
called_computation_lowered:
.L_overlay_start_0:
0x88: {  	s2 =	sld [smem:$0x3FD9]  }
0x89: {  	s3 =	sld [smem:$0x3FFE];
	_ =	sdelay $0x1  }
0x8a: {  	s1 =	srdreg.scid  }
0x8b: {  	s0 =	sand.u32 $0x1, s1  }
0x8c: {  	s17 =	sshll.u32 s0, $0xA;
	s2 =	sadd.s32 s3, s2  }
0x8d: {  	s2 =	sadd.s32 s2, s17  }
0x8e: {  	[smem:$0x3FB7] =	sst s2  }
0x8f: {  	_ = 	snop  }
0x90: {  	s2 =	sld [smem:$0x3FD0];
	(tm) =	ssettm $0x1  }
0x91: {  	s18 =	sld [smem:$0x3FFB];
	_ =	sdelay $0x3  }
0x92: {  	_ =	strace s18  }
0x93: {  	s3 =	sld [smem:$0x3FFC];
	_ =	sdelay $0x3  }
0x94: {  	_ =	strace s3  }
0x95: {  	s3 =	sld [smem:$0x3FFD];
	_ =	sdelay $0x3  }
0x96: {  	_ =	strace s3  }
0x97: {  	_ =	strace $0x8FFFFFFF  }
0x98: {  	s19 =	sld [smem:$0x3FDB];
	_ =	sdelay $0x1  }
0x99: {  	s4 =	simm.s32 $_scs_section_size  }
0x9a: {  	s5 =	simm.s32 $_size__tile_overlayer_lowered;
	s6 =	simm.s32 $_tile_overlayer_lowered  }
0x9b: {  	s22 =	simm.s32 $0x1BFF;
	s21 =	sshll.u32 s6, $0x1;
	s3 =	sadd.s32 s4, s19  }
0x9c: {  	s7 =	simm.s32 $0x0;
	s20 =	sshll.u32 s5, $0x1;
	s5 =	sadd.s32 s21, s3  }
0x9d: {  	[timem:s7], [sflag:s22] =	dma.local [hbm:s5], s20  }
0x9e: {  	_ =	swait.ge [sflag:s22], s20  }
0x9f: {  	s4 =	ssub.s32 $0x0, s20;
	[sflag:s22] =	ssyncset.done $0x0  }
0xa0: {  	[sflag:s22] =	ssyncadd.s32 s4;
	_ =	sdelay $0x1  }
0xa1: {  	s23 =	simm.s32 $0x1B8B  }
0xa2: {  	_ =	swait.ge [sflag:s23], $0x1  }
0xa3: {  	[sflag:s23] =	ssyncset.done $0x0  }
0xa4: {  	s25 =	simm.s32 $0x1B8E;
	s24 =	sld [smem:$0x3FFE];
	[sflag:s23] =	ssyncadd.s32 $0xFFFFFFFF  }
0xa5: {  	s26 =	simm.s32 $execute0_lowered;
	[smem:$0x3FD2] =	sst s25  }
0xa6: {  	s5 =	sshll.u32 s26, $0x1;
	_ =	strace $0x80000046;
	[dreg:$0x1] =	wrdreg $0xFFFFFFFF  }
0xa7: {  	s28 =	simm.s32 $_size_execute0_lowered;
	s3 =	sadd.s32 s3, s5;
	[dreg:$0x0] =	wrdreg $0x0  }
0xa8: {  	s5 =	sshll.u32 s28, $0x1;
	[dreg:$0x2] =	wrdreg s3  }
0xa9: {  	[dreg:$0x3] =	wrdreg s5  }
0xaa: {  	[dreg:$0x4] =	wrdreg $0xC0  }
0xab: {  	_ =	task [dreg:s7], $0x5FFFF  }
0xac: {  	[dreg:$0x1] =	wrdreg $0xFFFFFFFF  }
0xad: {  	[dreg:$0x0] =	wrdreg $0x60  }
0xae: {  	[dreg:$0x2] =	wrdreg s24  }
0xaf: {  	[dreg:$0x3] =	wrdreg s2  }
0xb0: {  	[dreg:$0x4] =	wrdreg $0x50800  }
0xb1: {  	[dreg:$0x5] =	wrdreg $0x9  }
0xb2: {  	_ =	task.clear_ibuf [dreg:s7], $0x6FFFF;
	_ =	strace $0x90000046  }
0xb3: {  	s29 =	simm.s32 $0x9;
	_ =	strace $0x80000048  }
0xb4: {  	_ =	swait.ge [sflag:s29], $0x1  }
0xb5: {  	[sflag:s29] =	ssyncadd.s32 $0xFFFFFFFF  }
0xb6: {  	_ =	strace $0x90000048  }
0xb7: {  	_ =	sfence  }
0xb8: {  	s30 =	sld [smem:$0x0];
	_ =	sdelay $0x2  }
0xb9: {  	s31 =	sshll.u32 s1, $0xD;
	s1 =	sshrl.u32 s1, $0x2  }
0xba: {  	s3 =	sand.u32 $0x4000, s31;
	s1 =	sadd.s32 s1, s30  }
0xbb: {  	s0 =	sor.u32 s3, s0;
	s1 =	sshll.u32 s1, $0x11  }
0xbc: {  	s0 =	sor.u32 s1, s0  }
0xbd: {  	s0 =	sadd.s32 $0x8F2B, s0  }
0xbe: {  	[sflag:s0] =	ssyncadd.remote.s32 $0x1  }
0xbf: {  	_ =	sfence.sel $0xFFFF  }
0xc0: {  	[dreg:$0x0] =	wrdreg $0xFFFFFFFF;
	(pc) =	sbr.abs _section_cstart, $3  }
0xc1: {  	[dreg:$0x1] =	wrdreg $0xFFFFFFFF  }
0xc2: {  	_ =	task.clear_ibuf [dreg:s7], $0x2FFFF;
	_ =	strace $0x9FFFFFFF  }
0xc3: {  	(tm) =	ssettm $0x7FFFFFFF  }
tec
execute0_lowered:
.L_overlay_start_1:
0x0: {  	(tag) =	ssettag $0x1  }
0x1: {  	s5 =	rddreg [dreg:$0x0]  }
0x2: {  	s10 =	rddreg [dreg:$0x1]  }
0x3: {  	s2 =	rddreg [dreg:$0x2]  }
0x4: {  	s0 =	rddreg [dreg:$0x3]  }
0x5: {  	s4 =	srdreg.scid;
	s1 =	stileid.u32  }
0x6: {  	s3 =	simm.s32 $0x0;
	s14 =	simm.s32 $0x80;
	s17 =	simm.s32 $0x0  }
0x7: {  	s6 =	sand.u32 $0x1, s4;
	s31 =	sshll.u32 s1, $0x1;
	[smem:$0x7FF] =	sst s3  }
0x8: {  	s8 =	smul.u32 $0x280, s1;
	s15 =	sshll.u32 s1, $0x6;
	s4 =	sor.u32 s6, s31  }
0x9: {  	_ =	strace $0x80000047;
	s9 =	ssub.s32 $0x2, s6;
	s12 =	smul.u32 $0x2800, s6  }
0xa: {  	s7 =	smul.u32 $0xA00, s4;
	s11 =	sshrl.u32 s9, $0x1;
	s4 =	sadd.s32 s8, s2  }
0xb: {  	s15 =	sor.u32 $0x1C01, s15;
	s11 =	ssub.s32 s9, s11;
	s6 =	sadd.s32 $0x100, s4  }
0xc: {  	s12 =	sadd.s32 s8, s12;
	s8 =	sadd.s32 $0x200, s4;
	s16 =	sshrl.u32 s4, $0x3  }
0xd: {  	s13 =	sadd.s32 s7, s5;
	s5 =	sadd.s32 $0x80, s4;
	s7 =	sadd.s32 $0x180, s4  }
0xe: {  	s12 =	sshrl.u32 s12, $0x3;
	s11 =	smax.u32 s11, $0x1;
	s9 =	sadd.s32 $0x5200, s13  }
0xf: {  	v0 =	vimm.f32 $0.0e+00;
	v1 =	vimm.f32 $1.000000000e+00;
	s10 =	sadd.s32 s10, s12;
	s12 =	simm.s32 $0x5000;
	s13 =	simm.s32 $0x1  }
.LBB2_1:
0x10: {  	[tilespmem:$0x5000] =	vst v0  }
0x11: {  	[tilespmem:$0x5010] =	vst v0  }
0x12: {  	[tilespmem:$0x5020] =	vst v0  }
0x13: {  	[tilespmem:$0x5030] =	vst v0  }
0x14: {  	[tilespmem:$0x5040] =	vst v0  }
0x15: {  	[tilespmem:$0x5050] =	vst v0  }
0x16: {  	[tilespmem:$0x5060] =	vst v0  }
0x17: {  	[tilespmem:$0x5070] =	vst v0  }
0x18: {  	[spmem:s4] =	stream.linear.scatter [tilespmem:s12], [sflag:$0x1], $0x80, $0x38;
	[tilespmem:$0x5300] =	vst v63  }
0x19: {  	_ =	swait.ge [sflag:s13], $0x80  }
0x1a: {  	[sflag:s13] =	ssyncset.done $0x0  }
0x1b: {  	[sflag:s13] =	ssyncadd.s32 $0xFFFFFF80  }
0x1c: {  	[spmem:s5] =	stream.linear.scatter [tilespmem:s12], [sflag:$0x1], $0x80, $0x38;
	[tilespmem:$0x5300] =	vst v63  }
0x1d: {  	_ =	swait.ge [sflag:s13], $0x80  }
0x1e: {  	[sflag:s13] =	ssyncset.done $0x0  }
0x1f: {  	[sflag:s13] =	ssyncadd.s32 $0xFFFFFF80  }
0x20: {  	[spmem:s6] =	stream.linear.scatter [tilespmem:s12], [sflag:$0x1], $0x80, $0x38;
	[tilespmem:$0x5300] =	vst v63  }
0x21: {  	_ =	swait.ge [sflag:s13], $0x80  }
0x22: {  	[sflag:s13] =	ssyncset.done $0x0  }
0x23: {  	[sflag:s13] =	ssyncadd.s32 $0xFFFFFF80  }
0x24: {  	[spmem:s7] =	stream.linear.scatter [tilespmem:s12], [sflag:$0x1], $0x80, $0x38;
	[tilespmem:$0x5300] =	vst v63  }
0x25: {  	_ =	swait.ge [sflag:s13], $0x80  }
0x26: {  	[sflag:s13] =	ssyncset.done $0x0  }
0x27: {  	[sflag:s13] =	ssyncadd.s32 $0xFFFFFF80  }
0x28: {  	[spmem:s8] =	stream.linear.scatter [tilespmem:s12], [sflag:$0x1], $0x80, $0x38;
	[tilespmem:$0x5300] =	vst v63  }
0x29: {  	_ =	swait.ge [sflag:s13], $0x80  }
0x2a: {  	[sflag:s13] =	ssyncset.done $0x0  }
0x2b: {  	[sflag:s13] =	ssyncadd.s32 $0xFFFFFF80  }
0x2c: {  	[bflag:$0x0] =	sbarrier.arrive $0xFFFF  }
0x2d: {  	[tilespmem:$0x5000] =	vst v1  }
0x2e: {  	[tilespmem:$0x5010] =	vst v1  }
0x2f: {  	[tilespmem:$0x5020] =	vst v1  }
0x30: {  	[tilespmem:$0x5030] =	vst v1  }
0x31: {  	[tilespmem:$0x5040] =	vst v1  }
0x32: {  	[tilespmem:$0x5050] =	vst v1  }
0x33: {  	[tilespmem:$0x5060] =	vst v1  }
0x34: {  	[tilespmem:$0x5070] =	vst v1  }
0x35: {  	[tilespmem:s3], [sflag:$0x1] =	stream.linear.gather [hbm4b:s9+s3], $0x5000, $0x38;
	[tilespmem:$0x5300] =	vst v63  }
0x36: {  	_ =	swait.ge [sflag:s13], $0x5000  }
0x37: {  	[sflag:s13] =	ssyncset.done $0x0  }
0x38: {  	s18 =	simm.s32 $0x0;
	[sflag:s13] =	ssyncadd.s32 $0xFFFFB000  }
0x39: {  	[spmem:s2] =	stream.indirect.scatter.add.f32 [tilespmem:s12], [sflag:$0x1], $0x1, s18, s14, $0xb8;
	[tilespmem:$0x5300] =	vst v63  }
0x3a: {  	_ =	swait.ge [sflag:s13], $0x80  }
0x3b: {  	s18 =	simm.s32 $0x200;
	[sflag:s13] =	ssyncset.done $0x0  }
.LBB2_2:
0x3c: {  	s19 =	sshra.s32 s18, $0x2;
	[sflag:s13] =	ssyncadd.s32 $0xFFFFFF80;
	p0 =	sne.s32 s18, $0x13E00  }
0x3d: {  	[spmem:s2] =	stream.indirect.scatter.add.f32 [tilespmem:s12], [sflag:$0x1], $0x1, s19, s14, $0xb8;
	[tilespmem:$0x5300] =	vst v63  }
.Ltmp0:
0x3e: {  	_ = 	snop;
	(pc) =	sbr.rel @p0 .LBB2_2-.Ltmp0, $4  }
0x3f: {  	_ = 	snop  }
0x40: {  	s18 =	sadd.s32 $0x200, s18  }
0x41: {  	_ =	swait.ge [sflag:s13], $0x80  }
0x42: {  	[sflag:s13] =	ssyncset.done $0x0  }
0x43: {  	s17 =	sadd.s32 $0x1, s17  }
0x44: {  	[sflag:s13] =	ssyncadd.s32 $0xFFFFFF80;
	p0 =	sne.s32 s17, s11  }
.Ltmp1:
0x45: {  	[bflag:$0x0] =	sbarrier.arrive $0xFFFF;
	(pc) =	sbr.rel @p0 .LBB2_1-.Ltmp1, $4  }
0x46: {  	[hbm:s10], [sflag:s15] =	dma.local [spmem:s16], $0x50  }
0x47: {  	_ =	swait.ge [sflag:s13], $0x50  }
0x48: {  	[sflag:s13] =	ssyncset.done $0x0  }
0x49: {  	[sflag:s13] =	ssyncadd.s32 $0xFFFFFFB0  }
0x4a: {  	_ =	sfence.sel $0x180000  }
0x4b: {  	[bflag:$0x0] =	sbarrier.arrive $0xFFFF  }
0x4c: {  	p0 =	sne.s32 s1, $0x0;
	_ =	strace $0x90000047  }
0x4d: {  	s0 =	sadd.s32 @!p0 $0x100000, s0;
	[bflag:$0x2] =	sbarrier.arrive $0xFFFF  }
0x4e: {  	[sflag:s0] =	ssyncadd.tile.s32 @!p0 $0x1;
	_ =	shalt  }
.Lfunc_end2:
_tile_overlayer_lowered:
.L_overlay_start_2:
0x4f: {  	(tag) =	ssettag $0x2  }
0x50: {  	s0 =	rddreg [dreg:$0x0];
	s2 =	stileid.u32  }
0x51: {  	s1 =	rddreg [dreg:$0x1];
	p0 =	sne.s32 s2, $0x0  }
0x52: {  	s3 =	rddreg [dreg:$0x2];
	[bflag:$0x3] =	sbarrier.arrive $0xFFFF;
	s2 =	simm.s32 @!p0 $0x1C01  }
0x53: {  	[timem:s3], [sflag:s2] =	dma.local @!p0 [hbm:s0], s1  }
0x54: {  	s0 =	simm.s32 @!p0 $0x1  }
0x55: {  	_ =	swait.ge @!p0 [sflag:s0], s1  }
0x56: {  	s1 =	ssub.s32 @!p0 $0x0, s1;
	[sflag:s0] =	ssyncset.done @!p0 $0x0  }
0x57: {  	[sflag:s0] =	ssyncadd.s32 @!p0 s1  }
0x58: {  	[bflag:$0x3] =	sbarrier.arrive $0xFFFF  }
0x59: {  	_ =	shalt  }

// kernel: kernel.17.cloned.1.call-start
scs
__scs_entry_jumppad:
0x0: {  	(pc) =	sbr.rel $0x88, $3  }
0x1: {  	(tag) =	ssettag $0x0;
	lr =	simm.s32 $0x1  }
0x2: {  	[smem:$0x3F90] =	sst lr;
	_ =	strace $0xD0000000  }
0x3: {  	_ = 	snop  }
0x4: {  	_ = 	snop  }
0x5: {  	_ = 	snop  }
0x6: {  	_ = 	snop  }
0x7: {  	_ = 	snop  }
__scs_overlays_trampoline_lowered:
0x8: {  	[smem:$0x3F9F] =	sst s0  }
0x9: {  	[smem:$0x3FA0] =	sst s1  }
0xa: {  	[smem:$0x3FA1] =	sst s2  }
0xb: {  	[smem:$0x3FA2] =	sst s3  }
0xc: {  	[smem:$0x3FA3] =	sst s4  }
0xd: {  	[smem:$0x3FA4] =	sst s5  }
0xe: {  	[smem:$0x3FA5] =	sst s6  }
0xf: {  	[smem:$0x3FA6] =	sst s7  }
0x10: {  	[smem:$0x3FA7] =	sst s8  }
0x11: {  	[smem:$0x3FA8] =	sst s9;
	s0 =	simm.s32 @!p0 $0x0  }
0x12: {  	s1 =	sld [smem:$0x3F8E];
	s0 =	simm.s32 @p0 $0x1  }
0x13: {  	[smem:$0x3FA9] =	sst s0;
	s0 =	simm.s32 @!p1 $0x0  }
0x14: {  	s2 =	sld [smem:$0x3F8D];
	s0 =	simm.s32 @p1 $0x1  }
0x15: {  	[smem:$0x3FAA] =	sst s0;
	s0 =	simm.s32 @!p2 $0x0  }
0x16: {  	s3 =	sld [smem:$0x3FDB];
	s0 =	simm.s32 @p2 $0x1  }
0x17: {  	s4 =	simm.s32 $0x1BF5;
	[smem:$0x3FAC] =	sst s0  }
0x18: {  	s0 =	sld [smem:$0x3F8F];
	_ =	swait.ge [sflag:s4], $0x0  }
0x19: {  	s7 =	sld [smem:$0x3F90]  }
0x1a: {  	s8 =	sadd.s32 $0xFFFFE003, lr  }
0x1b: {  	s9 =	sadd.s32 $0xFFFFFEF7, lr;
	s5 =	simm.s32 $0xFFFFFFFF;
	p2 =	slt.u32 s8, $0xFFFFF086  }
0x1c: {  	p1 =	slt.u32 s9, $0xF7A;
	s5 =	simm.s32 @!p2 $0x0  }
0x1d: {  	s5 =	simm.s32 @p1 $0x1;
	p0 =	seq.s32 s7, s2  }
0x1e: {  	s7 =	smul.u32 @!p0 $0xF7A, s2;
	p2 =	seq.s32 @!p0 s5, $0x0  }
0x1f: {  	s9 =	smul.u32 $0xF7A, s1;
	s8 =	simm.s32 @!p0 $0x1BF5;
	p2 =	por !p2, p0  }
0x20: {  	[sflag:s8] =	ssyncset.s32 @!p0 $0xFFFFF086;
	s6 =	sadd.s32 @!p0 s3, s7;
	s7 =	simm.s32 @!p0 $0x108  }
0x21: {  	s3 =	sadd.s32 s3, s9;
	s6 =	sadd.s32 @!p0 $0x88, s6;
	s7 =	simm.s32 @p2 $0x1082  }
0x22: {  	[simem:s7], [sflag:s8] =	dma.local @!p0 [hbm:s6], $0xF7A  }
0x23: {  	s9 =	sor.u32 $0xD0000000, s2;
	s6 =	simm.s32 $0x108;
	_ =	swait.ge @!p0 [sflag:s8], $0x0  }
0x24: {  	s3 =	sadd.s32 $0x88, s3;
	s6 =	simm.s32 @!p1 $0x1082;
	[sflag:s4] =	ssyncset.s32 $0xFFFFF086  }
0x25: {  	[simem:s6], [sflag:s4] =	dma.local [hbm:s3], $0xF7A  }
0x26: {  	[smem:$0x3F90] =	sst s1;
	(tag) =	ssettag s2;
	_ =	strace s9  }
0x27: {  	s1 =	sld [smem:$0x3FA0]  }
0x28: {  	s2 =	sld [smem:$0x3FA1]  }
0x29: {  	s4 =	sld [smem:$0x3FA3]  }
0x2a: {  	p0 =	seq.s32 s5, $0x0;
	s5 =	sld [smem:$0x3FA4]  }
0x2b: {  	s6 =	sld [smem:$0x3FA5]  }
0x2c: {  	s7 =	sld [smem:$0x3FA6]  }
0x2d: {  	s3 =	simm.s32 $0x108;
	s8 =	sld [smem:$0x3FA7]  }
0x2e: {  	s3 =	simm.s32 @!p0 $0x1082;
	s9 =	sld [smem:$0x3FA8]  }
0x2f: {  	lr =	sadd.s32 s0, s3;
	s0 =	sld [smem:$0x3F9F]  }
0x30: {  	s3 =	sld [smem:$0x3FA2]  }
0x31: {  	[smem:$0x3FAB] =	sst s10  }
0x32: {  	s10 =	sld [smem:$0x3FA9];
	_ =	sdelay $0x3  }
0x33: {  	p0 =	seq.s32 s10, $0x1;
	s10 =	sld [smem:$0x3FAB];
	_ =	sdelay $0x3  }
0x34: {  	[smem:$0x3FAB] =	sst s10  }
0x35: {  	s10 =	sld [smem:$0x3FAA];
	_ =	sdelay $0x3  }
0x36: {  	p1 =	seq.s32 s10, $0x1;
	s10 =	sld [smem:$0x3FAB];
	_ =	sdelay $0x3  }
0x37: {  	[smem:$0x3FAB] =	sst s10  }
0x38: {  	s10 =	sld [smem:$0x3FAC]  }
0x39: {  	_ = 	snop;
	(pc) =	sbr.ind lr, $3  }
0x3a: {  	_ = 	snop  }
0x3b: {  	_ = 	snop  }
0x3c: {  	p2 =	seq.s32 s10, $0x1;
	s10 =	sld [smem:$0x3FAB]  }
0x3d: {  	_ =	shalt  }
0x3e: {  	_ =	shalt  }
0x3f: {  	_ =	shalt  }
0x40: {  	_ =	shalt  }
0x41: {  	_ =	shalt  }
0x42: {  	_ =	shalt  }
0x43: {  	_ =	shalt  }
0x44: {  	_ =	shalt  }
0x45: {  	_ =	shalt  }
0x46: {  	_ =	shalt  }
0x47: {  	_ =	shalt  }
0x48: {  	_ =	shalt  }
0x49: {  	_ =	shalt  }
0x4a: {  	_ =	shalt  }
0x4b: {  	_ =	shalt  }
0x4c: {  	_ =	shalt  }
0x4d: {  	_ =	shalt  }
0x4e: {  	_ =	shalt  }
0x4f: {  	_ =	shalt  }
0x50: {  	_ =	shalt  }
0x51: {  	_ =	shalt  }
0x52: {  	_ =	shalt  }
0x53: {  	_ =	shalt  }
0x54: {  	_ =	shalt  }
0x55: {  	_ =	shalt  }
0x56: {  	_ =	shalt  }
0x57: {  	_ =	shalt  }
0x58: {  	_ =	shalt  }
0x59: {  	_ =	shalt  }
0x5a: {  	_ =	shalt  }
0x5b: {  	_ =	shalt  }
0x5c: {  	_ =	shalt  }
0x5d: {  	_ =	shalt  }
0x5e: {  	_ =	shalt  }
0x5f: {  	_ =	shalt  }
0x60: {  	_ =	shalt  }
0x61: {  	_ =	shalt  }
0x62: {  	_ =	shalt  }
0x63: {  	_ =	shalt  }
0x64: {  	_ =	shalt  }
0x65: {  	_ =	shalt  }
0x66: {  	_ =	shalt  }
0x67: {  	_ =	shalt  }
0x68: {  	_ =	shalt  }
0x69: {  	_ =	shalt  }
0x6a: {  	_ =	shalt  }
0x6b: {  	_ =	shalt  }
0x6c: {  	_ =	shalt  }
0x6d: {  	_ =	shalt  }
0x6e: {  	_ =	shalt  }
0x6f: {  	_ =	shalt  }
0x70: {  	_ =	shalt  }
0x71: {  	_ =	shalt  }
0x72: {  	_ =	shalt  }
0x73: {  	_ =	shalt  }
0x74: {  	_ =	shalt  }
0x75: {  	_ =	shalt  }
0x76: {  	_ =	shalt  }
0x77: {  	_ =	shalt  }
0x78: {  	_ =	shalt  }
0x79: {  	_ =	shalt  }
0x7a: {  	_ =	shalt  }
0x7b: {  	_ =	shalt  }
0x7c: {  	_ =	shalt  }
0x7d: {  	_ =	shalt  }
0x7e: {  	_ =	shalt  }
0x7f: {  	_ =	shalt  }
0x80: {  	_ =	shalt  }
0x81: {  	_ =	shalt  }
0x82: {  	_ =	shalt  }
0x83: {  	_ =	shalt  }
0x84: {  	_ =	shalt  }
0x85: {  	_ =	shalt  }
0x86: {  	_ =	shalt  }
0x87: {  	_ =	shalt  }
.Lfunc_end0:
.L_simem_size_0:
called_computation.1_lowered:
.L_overlay_start_0:
0x88: {  	s2 =	sld [smem:$0x3FD9]  }
0x89: {  	s3 =	sld [smem:$0x3FFE];
	_ =	sdelay $0x1  }
0x8a: {  	s1 =	srdreg.scid  }
0x8b: {  	s0 =	sand.u32 $0x1, s1  }
0x8c: {  	s17 =	sshll.u32 s0, $0xA;
	s2 =	sadd.s32 s3, s2  }
0x8d: {  	s2 =	sadd.s32 s2, s17  }
0x8e: {  	[smem:$0x3FB7] =	sst s2  }
0x8f: {  	_ = 	snop  }
0x90: {  	(tm) =	ssettm $0x1  }
0x91: {  	s18 =	sld [smem:$0x3FFB];
	_ =	sdelay $0x3  }
0x92: {  	_ =	strace s18  }
0x93: {  	s2 =	sld [smem:$0x3FFC];
	_ =	sdelay $0x3  }
0x94: {  	_ =	strace s2  }
0x95: {  	s2 =	sld [smem:$0x3FFD];
	_ =	sdelay $0x3  }
0x96: {  	_ =	strace s2  }
0x97: {  	_ =	strace $0x8FFFFFFF  }
0x98: {  	s19 =	sld [smem:$0x3FDB];
	_ =	sdelay $0x1  }
0x99: {  	s20 =	simm.s32 $_scs_section_size  }
0x9a: {  	s4 =	simm.s32 $_size__tile_overlayer_lowered;
	s5 =	simm.s32 $_tile_overlayer_lowered  }
0x9b: {  	s6 =	simm.s32 $0x1BFF;
	s21 =	sshll.u32 s5, $0x1;
	s3 =	sadd.s32 s20, s19  }
0x9c: {  	s22 =	simm.s32 $0x0;
	s4 =	sshll.u32 s4, $0x1;
	s5 =	sadd.s32 s21, s3  }
0x9d: {  	[timem:s22], [sflag:s6] =	dma.local [hbm:s5], s4  }
0x9e: {  	_ =	swait.ge [sflag:s6], s4  }
0x9f: {  	s4 =	ssub.s32 $0x0, s4;
	[sflag:s6] =	ssyncset.done $0x0  }
0xa0: {  	[sflag:s6] =	ssyncadd.s32 s4;
	_ =	sdelay $0x1  }
0xa1: {  	s23 =	simm.s32 $0x1B8B  }
0xa2: {  	_ =	swait.ge [sflag:s23], $0x1  }
0xa3: {  	[sflag:s23] =	ssyncset.done $0x0  }
0xa4: {  	[sflag:s23] =	ssyncadd.s32 $0xFFFFFFFF  }
0xa5: {  	s4 =	sld [smem:$0x0]  }
0xa6: {  	s5 =	sand.u32 $0xFFFFFFFE, s1  }
0xa7: {  	p0 =	sne.s32 s1, s5  }
0xa8: {  	s5 =	sshll.u32 @p0 s5, $0xE  }
0xa9: {  	s5 =	sadd.s32 @p0 $0x11B8D, s5;
	s6 =	sshll.u32 @p0 s4, $0x11  }
0xaa: {  	s5 =	sor.u32 @p0 s6, s5  }
0xab: {  	[sflag:s5] =	ssyncadd.remote.s32 @p0 $0x1;
	_ =	sdelay $0x1  }
0xac: {  	s5 =	simm.s32 @p0 $0x1B8D  }
0xad: {  	_ =	swait.eq @p0 [sflag:s5], $0x1  }
0xae: {  	[sflag:s5] =	ssyncadd.s32 @p0 $0xFFFFFFFF  }
0xaf: {  	s6 =	sshll.u32 @!p0 s1, $0xE  }
0xb0: {  	s6 =	sor.u32 @!p0 $0x4000, s6;
	s5 =	simm.s32 @!p0 $0x1B8D  }
0xb1: {  	s4 =	sshll.u32 @!p0 s4, $0x11;
	s6 =	sadd.s32 @!p0 $0x11B8D, s6;
	_ =	swait.eq @!p0 [sflag:s5], $0x1  }
0xb2: {  	s4 =	sor.u32 @!p0 s4, s6;
	[sflag:s5] =	ssyncadd.s32 @!p0 $0xFFFFFFFF  }
0xb3: {  	s25 =	simm.s32 $0x1B8E;
	s24 =	sld [smem:$0x3FFE];
	[sflag:s4] =	ssyncadd.remote.s32 @!p0 $0x1  }
0xb4: {  	s26 =	simm.s32 $execute0_lowered;
	[smem:$0x3FD2] =	sst s25  }
0xb5: {  	s5 =	sshll.u32 s26, $0x1;
	_ =	strace $0x80000049;
	[dreg:$0x1] =	wrdreg $0xFFFFFFFF  }
0xb6: {  	s28 =	simm.s32 $_size_execute0_lowered;
	s3 =	sadd.s32 s3, s5;
	[dreg:$0x0] =	wrdreg $0x0  }
0xb7: {  	s5 =	sshll.u32 s28, $0x1;
	[dreg:$0x2] =	wrdreg s3  }
0xb8: {  	[dreg:$0x3] =	wrdreg s5  }
0xb9: {  	[dreg:$0x4] =	wrdreg $0xC0  }
0xba: {  	_ =	task [dreg:s22], $0x5FFFF  }
0xbb: {  	[dreg:$0x1] =	wrdreg $0xFFFFFFFF  }
0xbc: {  	[dreg:$0x0] =	wrdreg $0x60  }
0xbd: {  	[dreg:$0x2] =	wrdreg s24  }
0xbe: {  	[dreg:$0x3] =	wrdreg $0xE0000  }
0xbf: {  	[dreg:$0x4] =	wrdreg $0xA  }
0xc0: {  	_ =	task.clear_ibuf [dreg:s22], $0x5FFFF;
	_ =	strace $0x90000049  }
0xc1: {  	s29 =	simm.s32 $0xA;
	_ =	strace $0x8000004B  }
0xc2: {  	_ =	swait.ge [sflag:s29], $0x1  }
0xc3: {  	[sflag:s29] =	ssyncadd.s32 $0xFFFFFFFF  }
0xc4: {  	_ =	strace $0x9000004B  }
0xc5: {  	_ =	sfence  }
0xc6: {  	s30 =	sld [smem:$0x0];
	_ =	sdelay $0x2  }
0xc7: {  	s31 =	sshll.u32 s1, $0xD;
	s1 =	sshrl.u32 s1, $0x2  }
0xc8: {  	s4 =	sand.u32 $0x4000, s31;
	s1 =	sadd.s32 s1, s30  }
0xc9: {  	s0 =	sor.u32 s4, s0;
	s1 =	sshll.u32 s1, $0x11  }
0xca: {  	s0 =	sor.u32 s1, s0  }
0xcb: {  	s0 =	sadd.s32 $0x8F2B, s0  }
0xcc: {  	[sflag:s0] =	ssyncadd.remote.s32 $0x1  }
0xcd: {  	_ =	sfence.sel $0xFFFF  }
0xce: {  	[dreg:$0x0] =	wrdreg $0xFFFFFFFF;
	(pc) =	sbr.abs _section_cstart, $3  }
0xcf: {  	[dreg:$0x1] =	wrdreg $0xFFFFFFFF  }
0xd0: {  	_ =	task.clear_ibuf [dreg:s22], $0x2FFFF;
	_ =	strace $0x9FFFFFFF  }
0xd1: {  	(tm) =	ssettm $0x7FFFFFFF  }
tec
execute0_lowered:
.L_overlay_start_1:
0x0: {  	(tag) =	ssettag $0x1  }
0x1: {  	s0 =	srdreg.scid;
	s5 =	rddreg [dreg:$0x0]  }
0x2: {  	s4 =	stileid.u32;
	s2 =	rddreg [dreg:$0x1]  }
0x3: {  	s3 =	simm.s32 $0x0;
	s14 =	simm.s32 $0xA000;
	s15 =	simm.s32 $0x5  }
0x4: {  	s17 =	simm.s32 $0x80;
	s18 =	simm.s32 $0xB000;
	s20 =	simm.s32 $0xC000  }
0x5: {  	s22 =	simm.s32 $0xD000;
	s23 =	simm.s32 $0x1;
	s24 =	simm.s32 $0x2  }
0x6: {  	s28 =	simm.s32 $0x9E00;
	s29 =	simm.s32 $0x9E80;
	s30 =	simm.s32 $0x9F00  }
0x7: {  	s31 =	simm.s32 $0x9F80;
	s0 =	sand.u32 $0x1, s0;
	s6 =	smul.u32 $0xA00, s4  }
0x8: {  	s1 =	sshll.u32 s4, $0x1;
	[smem:$0x7FF] =	sst s3;
	s8 =	smul.u32 $0x14000, s4  }
0x9: {  	s4 =	sadd.s32 $0x41200, s5;
	s1 =	sor.u32 s0, s1;
	s7 =	smul.u32 $0xA000, s0  }
0xa: {  	_ =	strace $0x8000004A;
	s0 =	ssub.s32 $0x2, s0;
	s1 =	smul.u32 $0xA00, s1  }
0xb: {  	s25 =	sshrl.u32 s8, $0x2;
	s26 =	sshrl.u32 s0, $0x1;
	s6 =	sadd.s32 s6, s7  }
0xc: {  	s0 =	ssub.s32 s0, s26;
	s26 =	simm.s32 $0x4;
	s1 =	sadd.s32 s1, s5  }
0xd: {  	s12 =	sadd.s32 s6, s5;
	s5 =	sadd.s32 s25, s2;
	s13 =	smax.u32 s0, $0x1  }
0xe: {  	s25 =	simm.s32 $0x3;
	s6 =	sadd.s32 $0x1000, s5;
	s7 =	sadd.s32 $0x2000, s5  }
0xf: {  	s8 =	sadd.s32 $0x3000, s5;
	s9 =	sadd.s32 $0x4000, s5;
	s10 =	sadd.s32 $0x4B200, s1  }
0x10: {  	v0 =	vimm.f32 $0.0e+00;
	s11 =	sadd.s32 $0x5200, s1;
	s12 =	sadd.s32 $0x5F200, s12;
	s1 =	simm.s32 $0x0  }
.LBB2_1:
0x11: {  	s0 =	sand.u32 $0x3F80, s3  }
0x12: {  	s16 =	sand.u32 $0x10, s3;
	s19 =	sshrl.u32 s0, $0x2  }
0x13: {  	s0 =	simm.s32 $0x40;
	s19 =	sor.u32 s16, s19;
	s16 =	simm.s32 $0x0  }
.LBB2_2:
0x14: {  	p0 =	sne.s32 s0, $0x3FC0  }
0x15: {  	[tilespmem:s19+$0xA000] =	vst v0;
	s16 =	sadd.s32 $0x10, s16;
	s19 =	smov.u32 s0;
	s0 =	sadd.s32 $0x40, s0  }
.Ltmp0:
0x16: {  	(pc) =	sbr.rel @p0 .LBB2_2-.Ltmp0, $4  }
0x17: {  	_ = 	snop  }
0x18: {  	s19 =	sand.u32 $0x3F80, s19  }
0x19: {  	s21 =	sand.u32 $0x10, s16;
	s19 =	sshrl.u32 s19, $0x2  }
0x1a: {  	s19 =	sor.u32 s21, s19  }
0x1b: {  	[tilespmem:s19+$0xA000] =	vst v0  }
0x1c: {  	[spmem:s5] =	stream.linear.scatter [tilespmem:s14], [sflag:$0x5], $0x1000, $0x38;
	[tilespmem:$0x13000] =	vst v63  }
0x1d: {  	_ =	swait.ge [sflag:s15], $0x1000  }
0x1e: {  	[sflag:s15] =	ssyncset.done $0x0  }
0x1f: {  	[sflag:s15] =	ssyncadd.s32 $0xFFFFF000  }
0x20: {  	[spmem:s6] =	stream.linear.scatter [tilespmem:s14], [sflag:$0x5], $0x1000, $0x38;
	[tilespmem:$0x13000] =	vst v63  }
0x21: {  	_ =	swait.ge [sflag:s15], $0x1000  }
0x22: {  	[sflag:s15] =	ssyncset.done $0x0  }
0x23: {  	[sflag:s15] =	ssyncadd.s32 $0xFFFFF000  }
0x24: {  	[spmem:s7] =	stream.linear.scatter [tilespmem:s14], [sflag:$0x5], $0x1000, $0x38;
	[tilespmem:$0x13000] =	vst v63  }
0x25: {  	_ =	swait.ge [sflag:s15], $0x1000  }
0x26: {  	[sflag:s15] =	ssyncset.done $0x0  }
0x27: {  	[sflag:s15] =	ssyncadd.s32 $0xFFFFF000  }
0x28: {  	[spmem:s8] =	stream.linear.scatter [tilespmem:s14], [sflag:$0x5], $0x1000, $0x38;
	[tilespmem:$0x13000] =	vst v63  }
0x29: {  	_ =	swait.ge [sflag:s15], $0x1000  }
0x2a: {  	[sflag:s15] =	ssyncset.done $0x0  }
0x2b: {  	[sflag:s15] =	ssyncadd.s32 $0xFFFFF000  }
0x2c: {  	[spmem:s9] =	stream.linear.scatter [tilespmem:s14], [sflag:$0x5], $0x1000, $0x38;
	[tilespmem:$0x13000] =	vst v63  }
0x2d: {  	_ =	swait.ge [sflag:s15], $0x1000  }
0x2e: {  	[sflag:s15] =	ssyncset.done $0x0  }
0x2f: {  	[sflag:s15] =	ssyncadd.s32 $0xFFFFF000  }
0x30: {  	s0 =	simm.s32 $0x0;
	[bflag:$0x0] =	sbarrier.arrive $0xFFFF  }
0x31: {  	[tilespmem:s0], [sflag:$0x5] =	stream.linear.gather [hbm4b:s10+s0], $0x5000, $0x38;
	[tilespmem:$0x13000] =	vst v63  }
0x32: {  	_ =	swait.ge [sflag:s15], $0x5000  }
0x33: {  	[sflag:s15] =	ssyncset.done $0x0  }
0x34: {  	s16 =	simm.s32 $0x5000;
	[sflag:s15] =	ssyncadd.s32 $0xFFFFB000  }
0x35: {  	[tilespmem:s16], [sflag:$0x5] =	stream.linear.gather [hbm4b:s11+s0], $0x5000, $0x38;
	[tilespmem:$0x13000] =	vst v63  }
0x36: {  	_ =	swait.ge [sflag:s15], $0x5000  }
0x37: {  	[sflag:s15] =	ssyncset.done $0x0  }
0x38: {  	[sflag:s15] =	ssyncadd.s32 $0xFFFFB000  }
0x39: {  	[tilespmem:s14], [sflag:$0x1] =	stream.indirect.gather [hbm4b:s4+s17], $0x20, s0, s17, $0xb8;
	[tilespmem:$0x13000] =	vst v63  }
0x3a: {  	_ = 	snop  }
0x3b: {  	[tilespmem:s18], [sflag:$0x2] =	stream.indirect.gather [hbm4b:s4+s17], $0x20, s17, s17, $0xb8;
	[tilespmem:$0x13000] =	vst v63  }
0x3c: {  	s16 =	simm.s32 $0x100  }
0x3d: {  	[tilespmem:s20], [sflag:$0x3] =	stream.indirect.gather [hbm4b:s4+s17], $0x20, s16, s17, $0xb8;
	[tilespmem:$0x13000] =	vst v63  }
0x3e: {  	s19 =	simm.s32 $0x180  }
0x3f: {  	[tilespmem:s22], [sflag:$0x4] =	stream.indirect.gather [hbm4b:s4+s17], $0x20, s19, s17, $0xb8;
	[tilespmem:$0x13000] =	vst v63  }
0x40: {  	_ =	swait.ge [sflag:s23], $0x1000  }
0x41: {  	[sflag:s23] =	ssyncset.done $0x0  }
0x42: {  	s21 =	simm.s32 $0x5000;
	[sflag:s23] =	ssyncadd.s32 $0xFFFFF000  }
0x43: {  	[spmem:s2] =	stream.indirect.scatter.add.f32 [tilespmem:s14], [sflag:$0x5], $0x20, s21, s17, $0xb8;
	[tilespmem:$0x13000] =	vst v63  }
0x44: {  	_ =	swait.ge [sflag:s15], $0x1000  }
0x45: {  	[sflag:s15] =	ssyncset.done $0x0  }
0x46: {  	s16 =	simm.s32 $0x200;
	[sflag:s15] =	ssyncadd.s32 $0xFFFFF000  }
0x47: {  	[tilespmem:s14], [sflag:$0x1] =	stream.indirect.gather [hbm4b:s4+s17], $0x20, s16, s17, $0xb8;
	[tilespmem:$0x13000] =	vst v63  }
0x48: {  	_ =	swait.ge [sflag:s24], $0x1000  }
0x49: {  	[sflag:s24] =	ssyncset.done $0x0  }
0x4a: {  	s19 =	simm.s32 $0x5080;
	[sflag:s24] =	ssyncadd.s32 $0xFFFFF000  }
0x4b: {  	[spmem:s2] =	stream.indirect.scatter.add.f32 [tilespmem:s18], [sflag:$0x5], $0x20, s19, s17, $0xb8;
	[tilespmem:$0x13000] =	vst v63  }
0x4c: {  	_ =	swait.ge [sflag:s15], $0x1000  }
0x4d: {  	[sflag:s15] =	ssyncset.done $0x0  }
0x4e: {  	s21 =	simm.s32 $0x280;
	[sflag:s15] =	ssyncadd.s32 $0xFFFFF000  }
0x4f: {  	[tilespmem:s18], [sflag:$0x2] =	stream.indirect.gather [hbm4b:s4+s17], $0x20, s21, s17, $0xb8;
	[tilespmem:$0x13000] =	vst v63  }
0x50: {  	_ =	swait.ge [sflag:s25], $0x1000  }
0x51: {  	[sflag:s25] =	ssyncset.done $0x0  }
0x52: {  	s16 =	simm.s32 $0x5100;
	[sflag:s25] =	ssyncadd.s32 $0xFFFFF000  }
0x53: {  	[spmem:s2] =	stream.indirect.scatter.add.f32 [tilespmem:s20], [sflag:$0x5], $0x20, s16, s17, $0xb8;
	[tilespmem:$0x13000] =	vst v63  }
0x54: {  	_ =	swait.ge [sflag:s15], $0x1000  }
0x55: {  	[sflag:s15] =	ssyncset.done $0x0  }
0x56: {  	s19 =	simm.s32 $0x300;
	[sflag:s15] =	ssyncadd.s32 $0xFFFFF000  }
0x57: {  	[tilespmem:s20], [sflag:$0x3] =	stream.indirect.gather [hbm4b:s4+s17], $0x20, s19, s17, $0xb8;
	[tilespmem:$0x13000] =	vst v63  }
0x58: {  	_ =	swait.ge [sflag:s26], $0x1000  }
0x59: {  	[sflag:s26] =	ssyncset.done $0x0  }
0x5a: {  	s21 =	simm.s32 $0x5180;
	[sflag:s26] =	ssyncadd.s32 $0xFFFFF000  }
0x5b: {  	[spmem:s2] =	stream.indirect.scatter.add.f32 [tilespmem:s22], [sflag:$0x5], $0x20, s21, s17, $0xb8;
	[tilespmem:$0x13000] =	vst v63  }
0x5c: {  	_ =	swait.ge [sflag:s15], $0x1000  }
0x5d: {  	[sflag:s15] =	ssyncset.done $0x0  }
0x5e: {  	s0 =	simm.s32 $0x800;
	s16 =	simm.s32 $0x380;
	[sflag:s15] =	ssyncadd.s32 $0xFFFFF000  }
.LBB2_4:
0x5f: {  	[tilespmem:s22], [sflag:$0x4] =	stream.indirect.gather [hbm4b:s4+s17], $0x20, s16, s17, $0xb8;
	[tilespmem:$0x13000] =	vst v63  }
0x60: {  	s16 =	smov.u32 s0  }
0x61: {  	p0 =	sne.s32 s0, $0x13000;
	s0 =	sadd.s32 $0x800, s0;
	_ =	swait.ge [sflag:s23], $0x1000  }
0x62: {  	s16 =	sshra.s32 s16, $0x2;
	[sflag:s23] =	ssyncset.done $0x0  }
0x63: {  	s19 =	sadd.s32 $0x5000, s16;
	[sflag:s23] =	ssyncadd.s32 $0xFFFFF000  }
0x64: {  	[spmem:s2] =	stream.indirect.scatter.add.f32 [tilespmem:s14], [sflag:$0x5], $0x20, s19, s17, $0xb8;
	[tilespmem:$0x13000] =	vst v63  }
0x65: {  	_ =	swait.ge [sflag:s15], $0x1000  }
0x66: {  	[sflag:s15] =	ssyncset.done $0x0  }
0x67: {  	s19 =	sadd.s32 $0x200, s16;
	[sflag:s15] =	ssyncadd.s32 $0xFFFFF000  }
0x68: {  	[tilespmem:s14], [sflag:$0x1] =	stream.indirect.gather [hbm4b:s4+s17], $0x20, s19, s17, $0xb8;
	[tilespmem:$0x13000] =	vst v63  }
0x69: {  	_ =	swait.ge [sflag:s24], $0x1000  }
0x6a: {  	[sflag:s24] =	ssyncset.done $0x0  }
0x6b: {  	s19 =	sadd.s32 $0x5080, s16;
	[sflag:s24] =	ssyncadd.s32 $0xFFFFF000  }
0x6c: {  	[spmem:s2] =	stream.indirect.scatter.add.f32 [tilespmem:s18], [sflag:$0x5], $0x20, s19, s17, $0xb8;
	[tilespmem:$0x13000] =	vst v63  }
0x6d: {  	_ =	swait.ge [sflag:s15], $0x1000  }
0x6e: {  	[sflag:s15] =	ssyncset.done $0x0  }
0x6f: {  	s19 =	sadd.s32 $0x280, s16;
	[sflag:s15] =	ssyncadd.s32 $0xFFFFF000  }
0x70: {  	[tilespmem:s18], [sflag:$0x2] =	stream.indirect.gather [hbm4b:s4+s17], $0x20, s19, s17, $0xb8;
	[tilespmem:$0x13000] =	vst v63  }
0x71: {  	_ =	swait.ge [sflag:s25], $0x1000  }
0x72: {  	[sflag:s25] =	ssyncset.done $0x0  }
0x73: {  	s19 =	sadd.s32 $0x5100, s16;
	[sflag:s25] =	ssyncadd.s32 $0xFFFFF000  }
0x74: {  	[spmem:s2] =	stream.indirect.scatter.add.f32 [tilespmem:s20], [sflag:$0x5], $0x20, s19, s17, $0xb8;
	[tilespmem:$0x13000] =	vst v63  }
0x75: {  	_ =	swait.ge [sflag:s15], $0x1000  }
0x76: {  	[sflag:s15] =	ssyncset.done $0x0  }
0x77: {  	s19 =	sadd.s32 $0x300, s16;
	[sflag:s15] =	ssyncadd.s32 $0xFFFFF000  }
0x78: {  	[tilespmem:s20], [sflag:$0x3] =	stream.indirect.gather [hbm4b:s4+s17], $0x20, s19, s17, $0xb8;
	[tilespmem:$0x13000] =	vst v63  }
0x79: {  	_ =	swait.ge [sflag:s26], $0x1000  }
0x7a: {  	[sflag:s26] =	ssyncset.done $0x0  }
.Ltmp1:
0x7b: {  	s19 =	sadd.s32 $0x5180, s16;
	[sflag:s26] =	ssyncadd.s32 $0xFFFFF000;
	(pc) =	sbr.rel @p0 .LBB2_4-.Ltmp1, $4  }
0x7c: {  	[spmem:s2] =	stream.indirect.scatter.add.f32 [tilespmem:s22], [sflag:$0x5], $0x20, s19, s17, $0xb8;
	[tilespmem:$0x13000] =	vst v63  }
0x7d: {  	_ =	swait.ge [sflag:s15], $0x1000  }
0x7e: {  	[sflag:s15] =	ssyncset.done $0x0  }
0x7f: {  	s16 =	sadd.s32 $0x380, s16;
	[sflag:s15] =	ssyncadd.s32 $0xFFFFF000  }
0x80: {  	[tilespmem:s22], [sflag:$0x4] =	stream.indirect.gather [hbm4b:s4+s17], $0x20, s16, s17, $0xb8;
	[tilespmem:$0x13000] =	vst v63  }
0x81: {  	_ =	swait.ge [sflag:s23], $0x1000  }
0x82: {  	[sflag:s23] =	ssyncset.done $0x0  }
0x83: {  	[sflag:s23] =	ssyncadd.s32 $0xFFFFF000  }
0x84: {  	[spmem:s2] =	stream.indirect.scatter.add.f32 [tilespmem:s14], [sflag:$0x5], $0x20, s28, s17, $0xb8;
	[tilespmem:$0x13000] =	vst v63  }
0x85: {  	_ =	swait.ge [sflag:s15], $0x1000  }
0x86: {  	[sflag:s15] =	ssyncset.done $0x0  }
0x87: {  	[sflag:s15] =	ssyncadd.s32 $0xFFFFF000  }
0x88: {  	_ =	swait.ge [sflag:s24], $0x1000  }
0x89: {  	[sflag:s24] =	ssyncset.done $0x0  }
0x8a: {  	[sflag:s24] =	ssyncadd.s32 $0xFFFFF000  }
0x8b: {  	[spmem:s2] =	stream.indirect.scatter.add.f32 [tilespmem:s18], [sflag:$0x5], $0x20, s29, s17, $0xb8;
	[tilespmem:$0x13000] =	vst v63  }
0x8c: {  	_ =	swait.ge [sflag:s15], $0x1000  }
0x8d: {  	[sflag:s15] =	ssyncset.done $0x0  }
0x8e: {  	[sflag:s15] =	ssyncadd.s32 $0xFFFFF000  }
0x8f: {  	_ =	swait.ge [sflag:s25], $0x1000  }
0x90: {  	[sflag:s25] =	ssyncset.done $0x0  }
0x91: {  	[sflag:s25] =	ssyncadd.s32 $0xFFFFF000  }
0x92: {  	[spmem:s2] =	stream.indirect.scatter.add.f32 [tilespmem:s20], [sflag:$0x5], $0x20, s30, s17, $0xb8;
	[tilespmem:$0x13000] =	vst v63  }
0x93: {  	_ =	swait.ge [sflag:s15], $0x1000  }
0x94: {  	[sflag:s15] =	ssyncset.done $0x0  }
0x95: {  	[sflag:s15] =	ssyncadd.s32 $0xFFFFF000  }
0x96: {  	_ =	swait.ge [sflag:s26], $0x1000  }
0x97: {  	[sflag:s26] =	ssyncset.done $0x0  }
0x98: {  	[sflag:s26] =	ssyncadd.s32 $0xFFFFF000  }
0x99: {  	[spmem:s2] =	stream.indirect.scatter.add.f32 [tilespmem:s22], [sflag:$0x5], $0x20, s31, s17, $0xb8;
	[tilespmem:$0x13000] =	vst v63  }
0x9a: {  	s0 =	stileid.u32;
	_ =	swait.ge [sflag:s15], $0x1000  }
0x9b: {  	s21 =	sshrl.u32 s5, $0x3;
	s1 =	sadd.s32 $0x1, s1;
	[sflag:s15] =	ssyncset.done $0x0  }
0x9c: {  	s0 =	sshll.u32 s0, $0x6;
	p0 =	sne.s32 s1, s13;
	[sflag:s15] =	ssyncadd.s32 $0xFFFFF000  }
.Ltmp2:
0x9d: {  	s0 =	sor.u32 $0x1C05, s0;
	[bflag:$0x0] =	sbarrier.arrive $0xFFFF;
	(pc) =	sbr.rel @p0 .LBB2_1-.Ltmp2, $4  }
0x9e: {  	[hbm:s12], [sflag:s0] =	dma.local [spmem:s21], $0xA00  }
0x9f: {  	_ =	swait.ge [sflag:s15], $0xA00  }
0xa0: {  	[sflag:s15] =	ssyncset.done $0x0  }
0xa1: {  	[sflag:s15] =	ssyncadd.s32 $0xFFFFF600  }
0xa2: {  	_ =	sfence.sel $0x180000  }
0xa3: {  	[bflag:$0x0] =	sbarrier.arrive $0xFFFF  }
0xa4: {  	_ =	strace $0x9000004A  }
0xa5: {  	s0 =	stileid.u32;
	[bflag:$0x2] =	sbarrier.arrive $0xFFFF  }
0xa6: {  	p0 =	sne.s32 s0, $0x0;
	s0 =	rddreg [dreg:$0x2]  }
0xa7: {  	s0 =	sadd.s32 @!p0 $0x100000, s0  }
0xa8: {  	[sflag:s0] =	ssyncadd.tile.s32 @!p0 $0x1;
	_ =	shalt  }
.Lfunc_end2:
_tile_overlayer_lowered:
.L_overlay_start_2:
0xa9: {  	(tag) =	ssettag $0x2  }
0xaa: {  	s0 =	rddreg [dreg:$0x0];
	s2 =	stileid.u32  }
0xab: {  	s1 =	rddreg [dreg:$0x1];
	p0 =	sne.s32 s2, $0x0  }
0xac: {  	s3 =	rddreg [dreg:$0x2];
	[bflag:$0x3] =	sbarrier.arrive $0xFFFF;
	s2 =	simm.s32 @!p0 $0x1C05  }
0xad: {  	[timem:s3], [sflag:s2] =	dma.local @!p0 [hbm:s0], s1  }
0xae: {  	s0 =	simm.s32 @!p0 $0x5  }
0xaf: {  	_ =	swait.ge @!p0 [sflag:s0], s1  }
0xb0: {  	s1 =	ssub.s32 @!p0 $0x0, s1;
	[sflag:s0] =	ssyncset.done @!p0 $0x0  }
0xb1: {  	[sflag:s0] =	ssyncadd.s32 @!p0 s1  }
0xb2: {  	[bflag:$0x3] =	sbarrier.arrive $0xFFFF  }
0xb3: {  	_ =	shalt  }

// kernel: kernel.20.cloned.1.call-start
scs
__scs_entry_jumppad:
0x0: {  	(pc) =	sbr.rel $0x88, $3  }
0x1: {  	(tag) =	ssettag $0x0;
	lr =	simm.s32 $0x1  }
0x2: {  	[smem:$0x3F90] =	sst lr;
	_ =	strace $0xD0000000  }
0x3: {  	_ = 	snop  }
0x4: {  	_ = 	snop  }
0x5: {  	_ = 	snop  }
0x6: {  	_ = 	snop  }
0x7: {  	_ = 	snop  }
__scs_overlays_trampoline_lowered:
0x8: {  	[smem:$0x3F9F] =	sst s0  }
0x9: {  	[smem:$0x3FA0] =	sst s1  }
0xa: {  	[smem:$0x3FA1] =	sst s2  }
0xb: {  	[smem:$0x3FA2] =	sst s3  }
0xc: {  	[smem:$0x3FA3] =	sst s4  }
0xd: {  	[smem:$0x3FA4] =	sst s5  }
0xe: {  	[smem:$0x3FA5] =	sst s6  }
0xf: {  	[smem:$0x3FA6] =	sst s7  }
0x10: {  	[smem:$0x3FA7] =	sst s8  }
0x11: {  	[smem:$0x3FA8] =	sst s9;
	s0 =	simm.s32 @!p0 $0x0  }
0x12: {  	s1 =	sld [smem:$0x3F8E];
	s0 =	simm.s32 @p0 $0x1  }
0x13: {  	[smem:$0x3FA9] =	sst s0;
	s0 =	simm.s32 @!p1 $0x0  }
0x14: {  	s2 =	sld [smem:$0x3F8D];
	s0 =	simm.s32 @p1 $0x1  }
0x15: {  	[smem:$0x3FAA] =	sst s0;
	s0 =	simm.s32 @!p2 $0x0  }
0x16: {  	s3 =	sld [smem:$0x3FDB];
	s0 =	simm.s32 @p2 $0x1  }
0x17: {  	s4 =	simm.s32 $0x1BF5;
	[smem:$0x3FAC] =	sst s0  }
0x18: {  	s0 =	sld [smem:$0x3F8F];
	_ =	swait.ge [sflag:s4], $0x0  }
0x19: {  	s7 =	sld [smem:$0x3F90]  }
0x1a: {  	s8 =	sadd.s32 $0xFFFFE003, lr  }
0x1b: {  	s9 =	sadd.s32 $0xFFFFFEF7, lr;
	s5 =	simm.s32 $0xFFFFFFFF;
	p2 =	slt.u32 s8, $0xFFFFF086  }
0x1c: {  	p1 =	slt.u32 s9, $0xF7A;
	s5 =	simm.s32 @!p2 $0x0  }
0x1d: {  	s5 =	simm.s32 @p1 $0x1;
	p0 =	seq.s32 s7, s2  }
0x1e: {  	s7 =	smul.u32 @!p0 $0xF7A, s2;
	p2 =	seq.s32 @!p0 s5, $0x0  }
0x1f: {  	s9 =	smul.u32 $0xF7A, s1;
	s8 =	simm.s32 @!p0 $0x1BF5;
	p2 =	por !p2, p0  }
0x20: {  	[sflag:s8] =	ssyncset.s32 @!p0 $0xFFFFF086;
	s6 =	sadd.s32 @!p0 s3, s7;
	s7 =	simm.s32 @!p0 $0x108  }
0x21: {  	s3 =	sadd.s32 s3, s9;
	s6 =	sadd.s32 @!p0 $0x88, s6;
	s7 =	simm.s32 @p2 $0x1082  }
0x22: {  	[simem:s7], [sflag:s8] =	dma.local @!p0 [hbm:s6], $0xF7A  }
0x23: {  	s9 =	sor.u32 $0xD0000000, s2;
	s6 =	simm.s32 $0x108;
	_ =	swait.ge @!p0 [sflag:s8], $0x0  }
0x24: {  	s3 =	sadd.s32 $0x88, s3;
	s6 =	simm.s32 @!p1 $0x1082;
	[sflag:s4] =	ssyncset.s32 $0xFFFFF086  }
0x25: {  	[simem:s6], [sflag:s4] =	dma.local [hbm:s3], $0xF7A  }
0x26: {  	[smem:$0x3F90] =	sst s1;
	(tag) =	ssettag s2;
	_ =	strace s9  }
0x27: {  	s1 =	sld [smem:$0x3FA0]  }
0x28: {  	s2 =	sld [smem:$0x3FA1]  }
0x29: {  	s4 =	sld [smem:$0x3FA3]  }
0x2a: {  	p0 =	seq.s32 s5, $0x0;
	s5 =	sld [smem:$0x3FA4]  }
0x2b: {  	s6 =	sld [smem:$0x3FA5]  }
0x2c: {  	s7 =	sld [smem:$0x3FA6]  }
0x2d: {  	s3 =	simm.s32 $0x108;
	s8 =	sld [smem:$0x3FA7]  }
0x2e: {  	s3 =	simm.s32 @!p0 $0x1082;
	s9 =	sld [smem:$0x3FA8]  }
0x2f: {  	lr =	sadd.s32 s0, s3;
	s0 =	sld [smem:$0x3F9F]  }
0x30: {  	s3 =	sld [smem:$0x3FA2]  }
0x31: {  	[smem:$0x3FAB] =	sst s10  }
0x32: {  	s10 =	sld [smem:$0x3FA9];
	_ =	sdelay $0x3  }
0x33: {  	p0 =	seq.s32 s10, $0x1;
	s10 =	sld [smem:$0x3FAB];
	_ =	sdelay $0x3  }
0x34: {  	[smem:$0x3FAB] =	sst s10  }
0x35: {  	s10 =	sld [smem:$0x3FAA];
	_ =	sdelay $0x3  }
0x36: {  	p1 =	seq.s32 s10, $0x1;
	s10 =	sld [smem:$0x3FAB];
	_ =	sdelay $0x3  }
0x37: {  	[smem:$0x3FAB] =	sst s10  }
0x38: {  	s10 =	sld [smem:$0x3FAC]  }
0x39: {  	_ = 	snop;
	(pc) =	sbr.ind lr, $3  }
0x3a: {  	_ = 	snop  }
0x3b: {  	_ = 	snop  }
0x3c: {  	p2 =	seq.s32 s10, $0x1;
	s10 =	sld [smem:$0x3FAB]  }
0x3d: {  	_ =	shalt  }
0x3e: {  	_ =	shalt  }
0x3f: {  	_ =	shalt  }
0x40: {  	_ =	shalt  }
0x41: {  	_ =	shalt  }
0x42: {  	_ =	shalt  }
0x43: {  	_ =	shalt  }
0x44: {  	_ =	shalt  }
0x45: {  	_ =	shalt  }
0x46: {  	_ =	shalt  }
0x47: {  	_ =	shalt  }
0x48: {  	_ =	shalt  }
0x49: {  	_ =	shalt  }
0x4a: {  	_ =	shalt  }
0x4b: {  	_ =	shalt  }
0x4c: {  	_ =	shalt  }
0x4d: {  	_ =	shalt  }
0x4e: {  	_ =	shalt  }
0x4f: {  	_ =	shalt  }
0x50: {  	_ =	shalt  }
0x51: {  	_ =	shalt  }
0x52: {  	_ =	shalt  }
0x53: {  	_ =	shalt  }
0x54: {  	_ =	shalt  }
0x55: {  	_ =	shalt  }
0x56: {  	_ =	shalt  }
0x57: {  	_ =	shalt  }
0x58: {  	_ =	shalt  }
0x59: {  	_ =	shalt  }
0x5a: {  	_ =	shalt  }
0x5b: {  	_ =	shalt  }
0x5c: {  	_ =	shalt  }
0x5d: {  	_ =	shalt  }
0x5e: {  	_ =	shalt  }
0x5f: {  	_ =	shalt  }
0x60: {  	_ =	shalt  }
0x61: {  	_ =	shalt  }
0x62: {  	_ =	shalt  }
0x63: {  	_ =	shalt  }
0x64: {  	_ =	shalt  }
0x65: {  	_ =	shalt  }
0x66: {  	_ =	shalt  }
0x67: {  	_ =	shalt  }
0x68: {  	_ =	shalt  }
0x69: {  	_ =	shalt  }
0x6a: {  	_ =	shalt  }
0x6b: {  	_ =	shalt  }
0x6c: {  	_ =	shalt  }
0x6d: {  	_ =	shalt  }
0x6e: {  	_ =	shalt  }
0x6f: {  	_ =	shalt  }
0x70: {  	_ =	shalt  }
0x71: {  	_ =	shalt  }
0x72: {  	_ =	shalt  }
0x73: {  	_ =	shalt  }
0x74: {  	_ =	shalt  }
0x75: {  	_ =	shalt  }
0x76: {  	_ =	shalt  }
0x77: {  	_ =	shalt  }
0x78: {  	_ =	shalt  }
0x79: {  	_ =	shalt  }
0x7a: {  	_ =	shalt  }
0x7b: {  	_ =	shalt  }
0x7c: {  	_ =	shalt  }
0x7d: {  	_ =	shalt  }
0x7e: {  	_ =	shalt  }
0x7f: {  	_ =	shalt  }
0x80: {  	_ =	shalt  }
0x81: {  	_ =	shalt  }
0x82: {  	_ =	shalt  }
0x83: {  	_ =	shalt  }
0x84: {  	_ =	shalt  }
0x85: {  	_ =	shalt  }
0x86: {  	_ =	shalt  }
0x87: {  	_ =	shalt  }
.Lfunc_end0:
.L_simem_size_0:
called_computation.2_lowered:
.L_overlay_start_0:
0x88: {  	s2 =	sld [smem:$0x3FD9]  }
0x89: {  	s3 =	sld [smem:$0x3FFE];
	_ =	sdelay $0x1  }
0x8a: {  	s1 =	srdreg.scid  }
0x8b: {  	s0 =	sand.u32 $0x1, s1  }
0x8c: {  	s16 =	sshll.u32 s0, $0xA;
	s2 =	sadd.s32 s3, s2  }
0x8d: {  	s2 =	sadd.s32 s2, s16  }
0x8e: {  	[smem:$0x3FB7] =	sst s2  }
0x8f: {  	_ = 	snop  }
0x90: {  	(tm) =	ssettm $0x1  }
0x91: {  	s17 =	sld [smem:$0x3FFB];
	_ =	sdelay $0x3  }
0x92: {  	_ =	strace s17  }
0x93: {  	s2 =	sld [smem:$0x3FFC];
	_ =	sdelay $0x3  }
0x94: {  	_ =	strace s2  }
0x95: {  	s2 =	sld [smem:$0x3FFD];
	_ =	sdelay $0x3  }
0x96: {  	_ =	strace s2  }
0x97: {  	_ =	strace $0x8FFFFFFF  }
0x98: {  	s18 =	sld [smem:$0x3FDB];
	_ =	sdelay $0x1  }
0x99: {  	s19 =	simm.s32 $_scs_section_size  }
0x9a: {  	s4 =	simm.s32 $_size__tile_overlayer_lowered;
	s5 =	simm.s32 $_tile_overlayer_lowered  }
0x9b: {  	s22 =	simm.s32 $0x1BFF;
	s21 =	sshll.u32 s5, $0x1;
	s2 =	sadd.s32 s19, s18  }
0x9c: {  	s6 =	simm.s32 $0x0;
	s20 =	sshll.u32 s4, $0x1;
	s4 =	sadd.s32 s21, s2  }
0x9d: {  	[timem:s6], [sflag:s22] =	dma.local [hbm:s4], s20  }
0x9e: {  	_ =	swait.ge [sflag:s22], s20  }
0x9f: {  	s3 =	ssub.s32 $0x0, s20;
	[sflag:s22] =	ssyncset.done $0x0  }
0xa0: {  	[sflag:s22] =	ssyncadd.s32 s3;
	_ =	sdelay $0x1  }
0xa1: {  	s23 =	simm.s32 $0x1B8B  }
0xa2: {  	_ =	swait.ge [sflag:s23], $0x1  }
0xa3: {  	[sflag:s23] =	ssyncset.done $0x0  }
0xa4: {  	s25 =	simm.s32 $0x1B8E;
	s24 =	sld [smem:$0x3FFE];
	[sflag:s23] =	ssyncadd.s32 $0xFFFFFFFF  }
0xa5: {  	s26 =	simm.s32 $execute0_lowered;
	[smem:$0x3FD2] =	sst s25  }
0xa6: {  	s4 =	sshll.u32 s26, $0x1;
	_ =	strace $0x8000004C;
	[dreg:$0x1] =	wrdreg $0xFFFFFFFF  }
0xa7: {  	s28 =	simm.s32 $_size_execute0_lowered;
	s2 =	sadd.s32 s2, s4;
	[dreg:$0x0] =	wrdreg $0x0  }
0xa8: {  	s4 =	sshll.u32 s28, $0x1;
	[dreg:$0x2] =	wrdreg s2  }
0xa9: {  	[dreg:$0x3] =	wrdreg s4  }
0xaa: {  	[dreg:$0x4] =	wrdreg $0xC0  }
0xab: {  	_ =	task [dreg:s6], $0x5FFFF  }
0xac: {  	[dreg:$0x1] =	wrdreg $0xFFFFFFFF  }
0xad: {  	[dreg:$0x0] =	wrdreg $0x60  }
0xae: {  	[dreg:$0x2] =	wrdreg s24  }
0xaf: {  	[dreg:$0x3] =	wrdreg $0xE0000  }
0xb0: {  	[dreg:$0x4] =	wrdreg $0x9  }
0xb1: {  	_ =	task.clear_ibuf [dreg:s6], $0x5FFFF;
	_ =	strace $0x9000004C  }
0xb2: {  	s29 =	simm.s32 $0x9;
	_ =	strace $0x8000004E  }
0xb3: {  	_ =	swait.ge [sflag:s29], $0x1  }
0xb4: {  	[sflag:s29] =	ssyncadd.s32 $0xFFFFFFFF  }
0xb5: {  	_ =	strace $0x9000004E  }
0xb6: {  	_ =	sfence  }
0xb7: {  	s30 =	sld [smem:$0x0];
	_ =	sdelay $0x2  }
0xb8: {  	s31 =	sshll.u32 s1, $0xD;
	s1 =	sshrl.u32 s1, $0x2  }
0xb9: {  	s3 =	sand.u32 $0x4000, s31;
	s1 =	sadd.s32 s1, s30  }
0xba: {  	s0 =	sor.u32 s3, s0;
	s1 =	sshll.u32 s1, $0x11  }
0xbb: {  	s0 =	sor.u32 s1, s0  }
0xbc: {  	s0 =	sadd.s32 $0x8F2B, s0  }
0xbd: {  	[sflag:s0] =	ssyncadd.remote.s32 $0x1  }
0xbe: {  	_ =	sfence.sel $0xFFFF  }
0xbf: {  	[dreg:$0x0] =	wrdreg $0xFFFFFFFF;
	(pc) =	sbr.abs _section_cstart, $3  }
0xc0: {  	[dreg:$0x1] =	wrdreg $0xFFFFFFFF  }
0xc1: {  	_ =	task.clear_ibuf [dreg:s6], $0x2FFFF;
	_ =	strace $0x9FFFFFFF  }
0xc2: {  	(tm) =	ssettm $0x7FFFFFFF  }
0xc3: {  	_ =	shalt  }
tec
execute0_lowered:
.L_overlay_start_1:
0x0: {  	(tag) =	ssettag $0x1  }
0x1: {  	s0 =	srdreg.scid;
	s5 =	rddreg [dreg:$0x0]  }
0x2: {  	s4 =	stileid.u32;
	s2 =	rddreg [dreg:$0x1]  }
0x3: {  	s3 =	simm.s32 $0x0;
	s14 =	simm.s32 $0xA000;
	s15 =	simm.s32 $0x5  }
0x4: {  	s17 =	simm.s32 $0x80;
	s18 =	simm.s32 $0xB000;
	s20 =	simm.s32 $0xC000  }
0x5: {  	s22 =	simm.s32 $0xD000;
	s23 =	simm.s32 $0x1;
	s24 =	simm.s32 $0x2  }
0x6: {  	s28 =	simm.s32 $0x9E00;
	s29 =	simm.s32 $0x9E80;
	s30 =	simm.s32 $0x9F00  }
0x7: {  	s31 =	simm.s32 $0x9F80;
	s0 =	sand.u32 $0x1, s0;
	s6 =	smul.u32 $0xA00, s4  }
0x8: {  	s1 =	sshll.u32 s4, $0x1;
	[smem:$0x7FF] =	sst s3;
	s8 =	smul.u32 $0x14000, s4  }
0x9: {  	s4 =	sadd.s32 $0x41200, s5;
	s1 =	sor.u32 s0, s1;
	s7 =	smul.u32 $0xA000, s0  }
0xa: {  	_ =	strace $0x8000004D;
	s0 =	ssub.s32 $0x2, s0;
	s1 =	smul.u32 $0xA00, s1  }
0xb: {  	s25 =	sshrl.u32 s8, $0x2;
	s26 =	sshrl.u32 s0, $0x1;
	s6 =	sadd.s32 s6, s7  }
0xc: {  	s0 =	ssub.s32 s0, s26;
	s26 =	simm.s32 $0x4;
	s1 =	sadd.s32 s1, s5  }
0xd: {  	s12 =	sadd.s32 s6, s5;
	s5 =	sadd.s32 s25, s2;
	s13 =	smax.u32 s0, $0x1  }
0xe: {  	s25 =	simm.s32 $0x3;
	s6 =	sadd.s32 $0x1000, s5;
	s7 =	sadd.s32 $0x2000, s5  }
0xf: {  	s8 =	sadd.s32 $0x3000, s5;
	s9 =	sadd.s32 $0x4000, s5;
	s10 =	sadd.s32 $0x4B200, s1  }
0x10: {  	v0 =	vimm.f32 $0.0e+00;
	s11 =	sadd.s32 $0x5200, s1;
	s12 =	sadd.s32 $0x5F200, s12;
	s1 =	simm.s32 $0x0  }
.LBB2_1:
0x11: {  	s0 =	sand.u32 $0x3F80, s3  }
0x12: {  	s16 =	sand.u32 $0x10, s3;
	s19 =	sshrl.u32 s0, $0x2  }
0x13: {  	s0 =	simm.s32 $0x40;
	s19 =	sor.u32 s16, s19;
	s16 =	simm.s32 $0x0  }
.LBB2_2:
0x14: {  	p0 =	sne.s32 s0, $0x3FC0  }
0x15: {  	[tilespmem:s19+$0xA000] =	vst v0;
	s16 =	sadd.s32 $0x10, s16;
	s19 =	smov.u32 s0;
	s0 =	sadd.s32 $0x40, s0  }
.Ltmp0:
0x16: {  	(pc) =	sbr.rel @p0 .LBB2_2-.Ltmp0, $4  }
0x17: {  	_ = 	snop  }
0x18: {  	s19 =	sand.u32 $0x3F80, s19  }
0x19: {  	s21 =	sand.u32 $0x10, s16;
	s19 =	sshrl.u32 s19, $0x2  }
0x1a: {  	s19 =	sor.u32 s21, s19  }
0x1b: {  	[tilespmem:s19+$0xA000] =	vst v0  }
0x1c: {  	[spmem:s5] =	stream.linear.scatter [tilespmem:s14], [sflag:$0x5], $0x1000, $0x38;
	[tilespmem:$0x13000] =	vst v63  }
0x1d: {  	_ =	swait.ge [sflag:s15], $0x1000  }
0x1e: {  	[sflag:s15] =	ssyncset.done $0x0  }
0x1f: {  	[sflag:s15] =	ssyncadd.s32 $0xFFFFF000  }
0x20: {  	[spmem:s6] =	stream.linear.scatter [tilespmem:s14], [sflag:$0x5], $0x1000, $0x38;
	[tilespmem:$0x13000] =	vst v63  }
0x21: {  	_ =	swait.ge [sflag:s15], $0x1000  }
0x22: {  	[sflag:s15] =	ssyncset.done $0x0  }
0x23: {  	[sflag:s15] =	ssyncadd.s32 $0xFFFFF000  }
0x24: {  	[spmem:s7] =	stream.linear.scatter [tilespmem:s14], [sflag:$0x5], $0x1000, $0x38;
	[tilespmem:$0x13000] =	vst v63  }
0x25: {  	_ =	swait.ge [sflag:s15], $0x1000  }
0x26: {  	[sflag:s15] =	ssyncset.done $0x0  }
0x27: {  	[sflag:s15] =	ssyncadd.s32 $0xFFFFF000  }
0x28: {  	[spmem:s8] =	stream.linear.scatter [tilespmem:s14], [sflag:$0x5], $0x1000, $0x38;
	[tilespmem:$0x13000] =	vst v63  }
0x29: {  	_ =	swait.ge [sflag:s15], $0x1000  }
0x2a: {  	[sflag:s15] =	ssyncset.done $0x0  }
0x2b: {  	[sflag:s15] =	ssyncadd.s32 $0xFFFFF000  }
0x2c: {  	[spmem:s9] =	stream.linear.scatter [tilespmem:s14], [sflag:$0x5], $0x1000, $0x38;
	[tilespmem:$0x13000] =	vst v63  }
0x2d: {  	_ =	swait.ge [sflag:s15], $0x1000  }
0x2e: {  	[sflag:s15] =	ssyncset.done $0x0  }
0x2f: {  	[sflag:s15] =	ssyncadd.s32 $0xFFFFF000  }
0x30: {  	s0 =	simm.s32 $0x0;
	[bflag:$0x0] =	sbarrier.arrive $0xFFFF  }
0x31: {  	[tilespmem:s0], [sflag:$0x5] =	stream.linear.gather [hbm4b:s10+s0], $0x5000, $0x38;
	[tilespmem:$0x13000] =	vst v63  }
0x32: {  	_ =	swait.ge [sflag:s15], $0x5000  }
0x33: {  	[sflag:s15] =	ssyncset.done $0x0  }
0x34: {  	s16 =	simm.s32 $0x5000;
	[sflag:s15] =	ssyncadd.s32 $0xFFFFB000  }
0x35: {  	[tilespmem:s16], [sflag:$0x5] =	stream.linear.gather [hbm4b:s11+s0], $0x5000, $0x38;
	[tilespmem:$0x13000] =	vst v63  }
0x36: {  	_ =	swait.ge [sflag:s15], $0x5000  }
0x37: {  	[sflag:s15] =	ssyncset.done $0x0  }
0x38: {  	[sflag:s15] =	ssyncadd.s32 $0xFFFFB000  }
0x39: {  	[tilespmem:s14], [sflag:$0x1] =	stream.indirect.gather [hbm4b:s4+s17], $0x20, s0, s17, $0xb8;
	[tilespmem:$0x13000] =	vst v63  }
0x3a: {  	_ = 	snop  }
0x3b: {  	[tilespmem:s18], [sflag:$0x2] =	stream.indirect.gather [hbm4b:s4+s17], $0x20, s17, s17, $0xb8;
	[tilespmem:$0x13000] =	vst v63  }
0x3c: {  	s16 =	simm.s32 $0x100  }
0x3d: {  	[tilespmem:s20], [sflag:$0x3] =	stream.indirect.gather [hbm4b:s4+s17], $0x20, s16, s17, $0xb8;
	[tilespmem:$0x13000] =	vst v63  }
0x3e: {  	s19 =	simm.s32 $0x180  }
0x3f: {  	[tilespmem:s22], [sflag:$0x4] =	stream.indirect.gather [hbm4b:s4+s17], $0x20, s19, s17, $0xb8;
	[tilespmem:$0x13000] =	vst v63  }
0x40: {  	_ =	swait.ge [sflag:s23], $0x1000  }
0x41: {  	[sflag:s23] =	ssyncset.done $0x0  }
0x42: {  	s21 =	simm.s32 $0x5000;
	[sflag:s23] =	ssyncadd.s32 $0xFFFFF000  }
0x43: {  	[spmem:s2] =	stream.indirect.scatter.add.f32 [tilespmem:s14], [sflag:$0x5], $0x20, s21, s17, $0xb8;
	[tilespmem:$0x13000] =	vst v63  }
0x44: {  	_ =	swait.ge [sflag:s15], $0x1000  }
0x45: {  	[sflag:s15] =	ssyncset.done $0x0  }
0x46: {  	s16 =	simm.s32 $0x200;
	[sflag:s15] =	ssyncadd.s32 $0xFFFFF000  }
0x47: {  	[tilespmem:s14], [sflag:$0x1] =	stream.indirect.gather [hbm4b:s4+s17], $0x20, s16, s17, $0xb8;
	[tilespmem:$0x13000] =	vst v63  }
0x48: {  	_ =	swait.ge [sflag:s24], $0x1000  }
0x49: {  	[sflag:s24] =	ssyncset.done $0x0  }
0x4a: {  	s19 =	simm.s32 $0x5080;
	[sflag:s24] =	ssyncadd.s32 $0xFFFFF000  }
0x4b: {  	[spmem:s2] =	stream.indirect.scatter.add.f32 [tilespmem:s18], [sflag:$0x5], $0x20, s19, s17, $0xb8;
	[tilespmem:$0x13000] =	vst v63  }
0x4c: {  	_ =	swait.ge [sflag:s15], $0x1000  }
0x4d: {  	[sflag:s15] =	ssyncset.done $0x0  }
0x4e: {  	s21 =	simm.s32 $0x280;
	[sflag:s15] =	ssyncadd.s32 $0xFFFFF000  }
0x4f: {  	[tilespmem:s18], [sflag:$0x2] =	stream.indirect.gather [hbm4b:s4+s17], $0x20, s21, s17, $0xb8;
	[tilespmem:$0x13000] =	vst v63  }
0x50: {  	_ =	swait.ge [sflag:s25], $0x1000  }
0x51: {  	[sflag:s25] =	ssyncset.done $0x0  }
0x52: {  	s16 =	simm.s32 $0x5100;
	[sflag:s25] =	ssyncadd.s32 $0xFFFFF000  }
0x53: {  	[spmem:s2] =	stream.indirect.scatter.add.f32 [tilespmem:s20], [sflag:$0x5], $0x20, s16, s17, $0xb8;
	[tilespmem:$0x13000] =	vst v63  }
0x54: {  	_ =	swait.ge [sflag:s15], $0x1000  }
0x55: {  	[sflag:s15] =	ssyncset.done $0x0  }
0x56: {  	s19 =	simm.s32 $0x300;
	[sflag:s15] =	ssyncadd.s32 $0xFFFFF000  }
0x57: {  	[tilespmem:s20], [sflag:$0x3] =	stream.indirect.gather [hbm4b:s4+s17], $0x20, s19, s17, $0xb8;
	[tilespmem:$0x13000] =	vst v63  }
0x58: {  	_ =	swait.ge [sflag:s26], $0x1000  }
0x59: {  	[sflag:s26] =	ssyncset.done $0x0  }
0x5a: {  	s21 =	simm.s32 $0x5180;
	[sflag:s26] =	ssyncadd.s32 $0xFFFFF000  }
0x5b: {  	[spmem:s2] =	stream.indirect.scatter.add.f32 [tilespmem:s22], [sflag:$0x5], $0x20, s21, s17, $0xb8;
	[tilespmem:$0x13000] =	vst v63  }
0x5c: {  	_ =	swait.ge [sflag:s15], $0x1000  }
0x5d: {  	[sflag:s15] =	ssyncset.done $0x0  }
0x5e: {  	s0 =	simm.s32 $0x800;
	s16 =	simm.s32 $0x380;
	[sflag:s15] =	ssyncadd.s32 $0xFFFFF000  }
.LBB2_4:
0x5f: {  	[tilespmem:s22], [sflag:$0x4] =	stream.indirect.gather [hbm4b:s4+s17], $0x20, s16, s17, $0xb8;
	[tilespmem:$0x13000] =	vst v63  }
0x60: {  	s16 =	smov.u32 s0  }
0x61: {  	p0 =	sne.s32 s0, $0x13000;
	s0 =	sadd.s32 $0x800, s0;
	_ =	swait.ge [sflag:s23], $0x1000  }
0x62: {  	s16 =	sshra.s32 s16, $0x2;
	[sflag:s23] =	ssyncset.done $0x0  }
0x63: {  	s19 =	sadd.s32 $0x5000, s16;
	[sflag:s23] =	ssyncadd.s32 $0xFFFFF000  }
0x64: {  	[spmem:s2] =	stream.indirect.scatter.add.f32 [tilespmem:s14], [sflag:$0x5], $0x20, s19, s17, $0xb8;
	[tilespmem:$0x13000] =	vst v63  }
0x65: {  	_ =	swait.ge [sflag:s15], $0x1000  }
0x66: {  	[sflag:s15] =	ssyncset.done $0x0  }
0x67: {  	s19 =	sadd.s32 $0x200, s16;
	[sflag:s15] =	ssyncadd.s32 $0xFFFFF000  }
0x68: {  	[tilespmem:s14], [sflag:$0x1] =	stream.indirect.gather [hbm4b:s4+s17], $0x20, s19, s17, $0xb8;
	[tilespmem:$0x13000] =	vst v63  }
0x69: {  	_ =	swait.ge [sflag:s24], $0x1000  }
0x6a: {  	[sflag:s24] =	ssyncset.done $0x0  }
0x6b: {  	s19 =	sadd.s32 $0x5080, s16;
	[sflag:s24] =	ssyncadd.s32 $0xFFFFF000  }
0x6c: {  	[spmem:s2] =	stream.indirect.scatter.add.f32 [tilespmem:s18], [sflag:$0x5], $0x20, s19, s17, $0xb8;
	[tilespmem:$0x13000] =	vst v63  }
0x6d: {  	_ =	swait.ge [sflag:s15], $0x1000  }
0x6e: {  	[sflag:s15] =	ssyncset.done $0x0  }
0x6f: {  	s19 =	sadd.s32 $0x280, s16;
	[sflag:s15] =	ssyncadd.s32 $0xFFFFF000  }
0x70: {  	[tilespmem:s18], [sflag:$0x2] =	stream.indirect.gather [hbm4b:s4+s17], $0x20, s19, s17, $0xb8;
	[tilespmem:$0x13000] =	vst v63  }
0x71: {  	_ =	swait.ge [sflag:s25], $0x1000  }
0x72: {  	[sflag:s25] =	ssyncset.done $0x0  }
0x73: {  	s19 =	sadd.s32 $0x5100, s16;
	[sflag:s25] =	ssyncadd.s32 $0xFFFFF000  }
0x74: {  	[spmem:s2] =	stream.indirect.scatter.add.f32 [tilespmem:s20], [sflag:$0x5], $0x20, s19, s17, $0xb8;
	[tilespmem:$0x13000] =	vst v63  }
0x75: {  	_ =	swait.ge [sflag:s15], $0x1000  }
0x76: {  	[sflag:s15] =	ssyncset.done $0x0  }
0x77: {  	s19 =	sadd.s32 $0x300, s16;
	[sflag:s15] =	ssyncadd.s32 $0xFFFFF000  }
0x78: {  	[tilespmem:s20], [sflag:$0x3] =	stream.indirect.gather [hbm4b:s4+s17], $0x20, s19, s17, $0xb8;
	[tilespmem:$0x13000] =	vst v63  }
0x79: {  	_ =	swait.ge [sflag:s26], $0x1000  }
0x7a: {  	[sflag:s26] =	ssyncset.done $0x0  }
.Ltmp1:
0x7b: {  	s19 =	sadd.s32 $0x5180, s16;
	[sflag:s26] =	ssyncadd.s32 $0xFFFFF000;
	(pc) =	sbr.rel @p0 .LBB2_4-.Ltmp1, $4  }
0x7c: {  	[spmem:s2] =	stream.indirect.scatter.add.f32 [tilespmem:s22], [sflag:$0x5], $0x20, s19, s17, $0xb8;
	[tilespmem:$0x13000] =	vst v63  }
0x7d: {  	_ =	swait.ge [sflag:s15], $0x1000  }
0x7e: {  	[sflag:s15] =	ssyncset.done $0x0  }
0x7f: {  	s16 =	sadd.s32 $0x380, s16;
	[sflag:s15] =	ssyncadd.s32 $0xFFFFF000  }
0x80: {  	[tilespmem:s22], [sflag:$0x4] =	stream.indirect.gather [hbm4b:s4+s17], $0x20, s16, s17, $0xb8;
	[tilespmem:$0x13000] =	vst v63  }
0x81: {  	_ =	swait.ge [sflag:s23], $0x1000  }
0x82: {  	[sflag:s23] =	ssyncset.done $0x0  }
0x83: {  	[sflag:s23] =	ssyncadd.s32 $0xFFFFF000  }
0x84: {  	[spmem:s2] =	stream.indirect.scatter.add.f32 [tilespmem:s14], [sflag:$0x5], $0x20, s28, s17, $0xb8;
	[tilespmem:$0x13000] =	vst v63  }
0x85: {  	_ =	swait.ge [sflag:s15], $0x1000  }
0x86: {  	[sflag:s15] =	ssyncset.done $0x0  }
0x87: {  	[sflag:s15] =	ssyncadd.s32 $0xFFFFF000  }
0x88: {  	_ =	swait.ge [sflag:s24], $0x1000  }
0x89: {  	[sflag:s24] =	ssyncset.done $0x0  }
0x8a: {  	[sflag:s24] =	ssyncadd.s32 $0xFFFFF000  }
0x8b: {  	[spmem:s2] =	stream.indirect.scatter.add.f32 [tilespmem:s18], [sflag:$0x5], $0x20, s29, s17, $0xb8;
	[tilespmem:$0x13000] =	vst v63  }
0x8c: {  	_ =	swait.ge [sflag:s15], $0x1000  }
0x8d: {  	[sflag:s15] =	ssyncset.done $0x0  }
0x8e: {  	[sflag:s15] =	ssyncadd.s32 $0xFFFFF000  }
0x8f: {  	_ =	swait.ge [sflag:s25], $0x1000  }
0x90: {  	[sflag:s25] =	ssyncset.done $0x0  }
0x91: {  	[sflag:s25] =	ssyncadd.s32 $0xFFFFF000  }
0x92: {  	[spmem:s2] =	stream.indirect.scatter.add.f32 [tilespmem:s20], [sflag:$0x5], $0x20, s30, s17, $0xb8;
	[tilespmem:$0x13000] =	vst v63  }
0x93: {  	_ =	swait.ge [sflag:s15], $0x1000  }
0x94: {  	[sflag:s15] =	ssyncset.done $0x0  }
0x95: {  	[sflag:s15] =	ssyncadd.s32 $0xFFFFF000  }
0x96: {  	_ =	swait.ge [sflag:s26], $0x1000  }
0x97: {  	[sflag:s26] =	ssyncset.done $0x0  }
0x98: {  	[sflag:s26] =	ssyncadd.s32 $0xFFFFF000  }
0x99: {  	[spmem:s2] =	stream.indirect.scatter.add.f32 [tilespmem:s22], [sflag:$0x5], $0x20, s31, s17, $0xb8;
	[tilespmem:$0x13000] =	vst v63  }
0x9a: {  	s0 =	stileid.u32;
	_ =	swait.ge [sflag:s15], $0x1000  }
0x9b: {  	s21 =	sshrl.u32 s5, $0x3;
	s1 =	sadd.s32 $0x1, s1;
	[sflag:s15] =	ssyncset.done $0x0  }
0x9c: {  	s0 =	sshll.u32 s0, $0x6;
	p0 =	sne.s32 s1, s13;
	[sflag:s15] =	ssyncadd.s32 $0xFFFFF000  }
.Ltmp2:
0x9d: {  	s0 =	sor.u32 $0x1C05, s0;
	[bflag:$0x0] =	sbarrier.arrive $0xFFFF;
	(pc) =	sbr.rel @p0 .LBB2_1-.Ltmp2, $4  }
0x9e: {  	[hbm:s12], [sflag:s0] =	dma.local [spmem:s21], $0xA00  }
0x9f: {  	_ =	swait.ge [sflag:s15], $0xA00  }
0xa0: {  	[sflag:s15] =	ssyncset.done $0x0  }
0xa1: {  	[sflag:s15] =	ssyncadd.s32 $0xFFFFF600  }
0xa2: {  	_ =	sfence.sel $0x180000  }
0xa3: {  	[bflag:$0x0] =	sbarrier.arrive $0xFFFF  }
0xa4: {  	_ =	strace $0x9000004D  }
0xa5: {  	s0 =	stileid.u32;
	[bflag:$0x2] =	sbarrier.arrive $0xFFFF  }
0xa6: {  	p0 =	sne.s32 s0, $0x0;
	s0 =	rddreg [dreg:$0x2]  }
0xa7: {  	s0 =	sadd.s32 @!p0 $0x100000, s0  }
0xa8: {  	[sflag:s0] =	ssyncadd.tile.s32 @!p0 $0x1;
	_ =	shalt  }
.Lfunc_end2:
_tile_overlayer_lowered:
.L_overlay_start_2:
0xa9: {  	(tag) =	ssettag $0x2  }
0xaa: {  	s0 =	rddreg [dreg:$0x0];
	s2 =	stileid.u32  }
0xab: {  	s1 =	rddreg [dreg:$0x1];
	p0 =	sne.s32 s2, $0x0  }
0xac: {  	s3 =	rddreg [dreg:$0x2];
	[bflag:$0x3] =	sbarrier.arrive $0xFFFF;
	s2 =	simm.s32 @!p0 $0x1C05  }
0xad: {  	[timem:s3], [sflag:s2] =	dma.local @!p0 [hbm:s0], s1  }
0xae: {  	s0 =	simm.s32 @!p0 $0x5  }
0xaf: {  	_ =	swait.ge @!p0 [sflag:s0], s1  }
0xb0: {  	s1 =	ssub.s32 @!p0 $0x0, s1;
	[sflag:s0] =	ssyncset.done @!p0 $0x0  }
0xb1: {  	[sflag:s0] =	ssyncadd.s32 @!p0 s1  }
0xb2: {  	[bflag:$0x3] =	sbarrier.arrive $0xFFFF  }
0xb3: {  	_ =	shalt  }

// kernel: kernel.23.cloned.1.call-start
scs
__scs_entry_jumppad:
0x0: {  	(pc) =	sbr.rel $0x88, $3  }
0x1: {  	(tag) =	ssettag $0x0;
	lr =	simm.s32 $0x1  }
0x2: {  	[smem:$0x3F90] =	sst lr;
	_ =	strace $0xD0000000  }
0x3: {  	_ = 	snop  }
0x4: {  	_ = 	snop  }
0x5: {  	_ = 	snop  }
0x6: {  	_ = 	snop  }
0x7: {  	_ = 	snop  }
__scs_overlays_trampoline_lowered:
0x8: {  	[smem:$0x3F9F] =	sst s0  }
0x9: {  	[smem:$0x3FA0] =	sst s1  }
0xa: {  	[smem:$0x3FA1] =	sst s2  }
0xb: {  	[smem:$0x3FA2] =	sst s3  }
0xc: {  	[smem:$0x3FA3] =	sst s4  }
0xd: {  	[smem:$0x3FA4] =	sst s5  }
0xe: {  	[smem:$0x3FA5] =	sst s6  }
0xf: {  	[smem:$0x3FA6] =	sst s7  }
0x10: {  	[smem:$0x3FA7] =	sst s8  }
0x11: {  	[smem:$0x3FA8] =	sst s9;
	s0 =	simm.s32 @!p0 $0x0  }
0x12: {  	s1 =	sld [smem:$0x3F8E];
	s0 =	simm.s32 @p0 $0x1  }
0x13: {  	[smem:$0x3FA9] =	sst s0;
	s0 =	simm.s32 @!p1 $0x0  }
0x14: {  	s2 =	sld [smem:$0x3F8D];
	s0 =	simm.s32 @p1 $0x1  }
0x15: {  	[smem:$0x3FAA] =	sst s0;
	s0 =	simm.s32 @!p2 $0x0  }
0x16: {  	s3 =	sld [smem:$0x3FDB];
	s0 =	simm.s32 @p2 $0x1  }
0x17: {  	s4 =	simm.s32 $0x1BF5;
	[smem:$0x3FAC] =	sst s0  }
0x18: {  	s0 =	sld [smem:$0x3F8F];
	_ =	swait.ge [sflag:s4], $0x0  }
0x19: {  	s7 =	sld [smem:$0x3F90]  }
0x1a: {  	s8 =	sadd.s32 $0xFFFFE003, lr  }
0x1b: {  	s9 =	sadd.s32 $0xFFFFFEF7, lr;
	s5 =	simm.s32 $0xFFFFFFFF;
	p2 =	slt.u32 s8, $0xFFFFF086  }
0x1c: {  	p1 =	slt.u32 s9, $0xF7A;
	s5 =	simm.s32 @!p2 $0x0  }
0x1d: {  	s5 =	simm.s32 @p1 $0x1;
	p0 =	seq.s32 s7, s2  }
0x1e: {  	s7 =	smul.u32 @!p0 $0xF7A, s2;
	p2 =	seq.s32 @!p0 s5, $0x0  }
0x1f: {  	s9 =	smul.u32 $0xF7A, s1;
	s8 =	simm.s32 @!p0 $0x1BF5;
	p2 =	por !p2, p0  }
0x20: {  	[sflag:s8] =	ssyncset.s32 @!p0 $0xFFFFF086;
	s6 =	sadd.s32 @!p0 s3, s7;
	s7 =	simm.s32 @!p0 $0x108  }
0x21: {  	s3 =	sadd.s32 s3, s9;
	s6 =	sadd.s32 @!p0 $0x88, s6;
	s7 =	simm.s32 @p2 $0x1082  }
0x22: {  	[simem:s7], [sflag:s8] =	dma.local @!p0 [hbm:s6], $0xF7A  }
0x23: {  	s9 =	sor.u32 $0xD0000000, s2;
	s6 =	simm.s32 $0x108;
	_ =	swait.ge @!p0 [sflag:s8], $0x0  }
0x24: {  	s3 =	sadd.s32 $0x88, s3;
	s6 =	simm.s32 @!p1 $0x1082;
	[sflag:s4] =	ssyncset.s32 $0xFFFFF086  }
0x25: {  	[simem:s6], [sflag:s4] =	dma.local [hbm:s3], $0xF7A  }
0x26: {  	[smem:$0x3F90] =	sst s1;
	(tag) =	ssettag s2;
	_ =	strace s9  }
0x27: {  	s1 =	sld [smem:$0x3FA0]  }
0x28: {  	s2 =	sld [smem:$0x3FA1]  }
0x29: {  	s4 =	sld [smem:$0x3FA3]  }
0x2a: {  	p0 =	seq.s32 s5, $0x0;
	s5 =	sld [smem:$0x3FA4]  }
0x2b: {  	s6 =	sld [smem:$0x3FA5]  }
0x2c: {  	s7 =	sld [smem:$0x3FA6]  }
0x2d: {  	s3 =	simm.s32 $0x108;
	s8 =	sld [smem:$0x3FA7]  }
0x2e: {  	s3 =	simm.s32 @!p0 $0x1082;
	s9 =	sld [smem:$0x3FA8]  }
0x2f: {  	lr =	sadd.s32 s0, s3;
	s0 =	sld [smem:$0x3F9F]  }
0x30: {  	s3 =	sld [smem:$0x3FA2]  }
0x31: {  	[smem:$0x3FAB] =	sst s10  }
0x32: {  	s10 =	sld [smem:$0x3FA9];
	_ =	sdelay $0x3  }
0x33: {  	p0 =	seq.s32 s10, $0x1;
	s10 =	sld [smem:$0x3FAB];
	_ =	sdelay $0x3  }
0x34: {  	[smem:$0x3FAB] =	sst s10  }
0x35: {  	s10 =	sld [smem:$0x3FAA];
	_ =	sdelay $0x3  }
0x36: {  	p1 =	seq.s32 s10, $0x1;
	s10 =	sld [smem:$0x3FAB];
	_ =	sdelay $0x3  }
0x37: {  	[smem:$0x3FAB] =	sst s10  }
0x38: {  	s10 =	sld [smem:$0x3FAC]  }
0x39: {  	_ = 	snop;
	(pc) =	sbr.ind lr, $3  }
0x3a: {  	_ = 	snop  }
0x3b: {  	_ = 	snop  }
0x3c: {  	p2 =	seq.s32 s10, $0x1;
	s10 =	sld [smem:$0x3FAB]  }
0x3d: {  	_ =	shalt  }
0x3e: {  	_ =	shalt  }
0x3f: {  	_ =	shalt  }
0x40: {  	_ =	shalt  }
0x41: {  	_ =	shalt  }
0x42: {  	_ =	shalt  }
0x43: {  	_ =	shalt  }
0x44: {  	_ =	shalt  }
0x45: {  	_ =	shalt  }
0x46: {  	_ =	shalt  }
0x47: {  	_ =	shalt  }
0x48: {  	_ =	shalt  }
0x49: {  	_ =	shalt  }
0x4a: {  	_ =	shalt  }
0x4b: {  	_ =	shalt  }
0x4c: {  	_ =	shalt  }
0x4d: {  	_ =	shalt  }
0x4e: {  	_ =	shalt  }
0x4f: {  	_ =	shalt  }
0x50: {  	_ =	shalt  }
0x51: {  	_ =	shalt  }
0x52: {  	_ =	shalt  }
0x53: {  	_ =	shalt  }
0x54: {  	_ =	shalt  }
0x55: {  	_ =	shalt  }
0x56: {  	_ =	shalt  }
0x57: {  	_ =	shalt  }
0x58: {  	_ =	shalt  }
0x59: {  	_ =	shalt  }
0x5a: {  	_ =	shalt  }
0x5b: {  	_ =	shalt  }
0x5c: {  	_ =	shalt  }
0x5d: {  	_ =	shalt  }
0x5e: {  	_ =	shalt  }
0x5f: {  	_ =	shalt  }
0x60: {  	_ =	shalt  }
0x61: {  	_ =	shalt  }
0x62: {  	_ =	shalt  }
0x63: {  	_ =	shalt  }
0x64: {  	_ =	shalt  }
0x65: {  	_ =	shalt  }
0x66: {  	_ =	shalt  }
0x67: {  	_ =	shalt  }
0x68: {  	_ =	shalt  }
0x69: {  	_ =	shalt  }
0x6a: {  	_ =	shalt  }
0x6b: {  	_ =	shalt  }
0x6c: {  	_ =	shalt  }
0x6d: {  	_ =	shalt  }
0x6e: {  	_ =	shalt  }
0x6f: {  	_ =	shalt  }
0x70: {  	_ =	shalt  }
0x71: {  	_ =	shalt  }
0x72: {  	_ =	shalt  }
0x73: {  	_ =	shalt  }
0x74: {  	_ =	shalt  }
0x75: {  	_ =	shalt  }
0x76: {  	_ =	shalt  }
0x77: {  	_ =	shalt  }
0x78: {  	_ =	shalt  }
0x79: {  	_ =	shalt  }
0x7a: {  	_ =	shalt  }
0x7b: {  	_ =	shalt  }
0x7c: {  	_ =	shalt  }
0x7d: {  	_ =	shalt  }
0x7e: {  	_ =	shalt  }
0x7f: {  	_ =	shalt  }
0x80: {  	_ =	shalt  }
0x81: {  	_ =	shalt  }
0x82: {  	_ =	shalt  }
0x83: {  	_ =	shalt  }
0x84: {  	_ =	shalt  }
0x85: {  	_ =	shalt  }
0x86: {  	_ =	shalt  }
0x87: {  	_ =	shalt  }
.Lfunc_end0:
.L_simem_size_0:
called_computation.3_lowered:
.L_overlay_start_0:
0x88: {  	s2 =	sld [smem:$0x3FD9]  }
0x89: {  	s3 =	sld [smem:$0x3FFE];
	_ =	sdelay $0x1  }
0x8a: {  	s1 =	srdreg.scid  }
0x8b: {  	s0 =	sand.u32 $0x1, s1  }
0x8c: {  	s16 =	sshll.u32 s0, $0xA;
	s2 =	sadd.s32 s3, s2  }
0x8d: {  	s2 =	sadd.s32 s2, s16  }
0x8e: {  	[smem:$0x3FB7] =	sst s2  }
0x8f: {  	_ = 	snop  }
0x90: {  	(tm) =	ssettm $0x1  }
0x91: {  	s17 =	sld [smem:$0x3FFB];
	_ =	sdelay $0x3  }
0x92: {  	_ =	strace s17  }
0x93: {  	s2 =	sld [smem:$0x3FFC];
	_ =	sdelay $0x3  }
0x94: {  	_ =	strace s2  }
0x95: {  	s2 =	sld [smem:$0x3FFD];
	_ =	sdelay $0x3  }
0x96: {  	_ =	strace s2  }
0x97: {  	_ =	strace $0x8FFFFFFF  }
0x98: {  	s18 =	sld [smem:$0x3FDB];
	_ =	sdelay $0x1  }
0x99: {  	s19 =	simm.s32 $_scs_section_size  }
0x9a: {  	s4 =	simm.s32 $_size__tile_overlayer_lowered;
	s5 =	simm.s32 $_tile_overlayer_lowered  }
0x9b: {  	s22 =	simm.s32 $0x1BFF;
	s21 =	sshll.u32 s5, $0x1;
	s2 =	sadd.s32 s19, s18  }
0x9c: {  	s6 =	simm.s32 $0x0;
	s20 =	sshll.u32 s4, $0x1;
	s4 =	sadd.s32 s21, s2  }
0x9d: {  	[timem:s6], [sflag:s22] =	dma.local [hbm:s4], s20  }
0x9e: {  	_ =	swait.ge [sflag:s22], s20  }
0x9f: {  	s3 =	ssub.s32 $0x0, s20;
	[sflag:s22] =	ssyncset.done $0x0  }
0xa0: {  	[sflag:s22] =	ssyncadd.s32 s3;
	_ =	sdelay $0x1  }
0xa1: {  	s23 =	simm.s32 $0x1B8B  }
0xa2: {  	_ =	swait.ge [sflag:s23], $0x1  }
0xa3: {  	[sflag:s23] =	ssyncset.done $0x0  }
0xa4: {  	s25 =	simm.s32 $0x1B8E;
	s24 =	sld [smem:$0x3FFE];
	[sflag:s23] =	ssyncadd.s32 $0xFFFFFFFF  }
0xa5: {  	s26 =	simm.s32 $execute0_lowered;
	[smem:$0x3FD2] =	sst s25  }
0xa6: {  	s4 =	sshll.u32 s26, $0x1;
	_ =	strace $0x8000004F;
	[dreg:$0x1] =	wrdreg $0xFFFFFFFF  }
0xa7: {  	s28 =	simm.s32 $_size_execute0_lowered;
	s2 =	sadd.s32 s2, s4;
	[dreg:$0x0] =	wrdreg $0x0  }
0xa8: {  	s4 =	sshll.u32 s28, $0x1;
	[dreg:$0x2] =	wrdreg s2  }
0xa9: {  	[dreg:$0x3] =	wrdreg s4  }
0xaa: {  	[dreg:$0x4] =	wrdreg $0xC0  }
0xab: {  	_ =	task [dreg:s6], $0x5FFFF  }
0xac: {  	[dreg:$0x1] =	wrdreg $0xFFFFFFFF  }
0xad: {  	[dreg:$0x0] =	wrdreg $0x60  }
0xae: {  	[dreg:$0x2] =	wrdreg s24  }
0xaf: {  	[dreg:$0x3] =	wrdreg $0xE0000  }
0xb0: {  	[dreg:$0x4] =	wrdreg $0x9  }
0xb1: {  	_ =	task.clear_ibuf [dreg:s6], $0x5FFFF;
	_ =	strace $0x9000004F  }
0xb2: {  	s29 =	simm.s32 $0x9;
	_ =	strace $0x80000051  }
0xb3: {  	_ =	swait.ge [sflag:s29], $0x1  }
0xb4: {  	[sflag:s29] =	ssyncadd.s32 $0xFFFFFFFF  }
0xb5: {  	_ =	strace $0x90000051  }
0xb6: {  	_ =	sfence  }
0xb7: {  	s30 =	sld [smem:$0x0];
	_ =	sdelay $0x2  }
0xb8: {  	s31 =	sshll.u32 s1, $0xD;
	s1 =	sshrl.u32 s1, $0x2  }
0xb9: {  	s3 =	sand.u32 $0x4000, s31;
	s1 =	sadd.s32 s1, s30  }
0xba: {  	s0 =	sor.u32 s3, s0;
	s1 =	sshll.u32 s1, $0x11  }
0xbb: {  	s0 =	sor.u32 s1, s0  }
0xbc: {  	s0 =	sadd.s32 $0x8F2B, s0  }
0xbd: {  	[sflag:s0] =	ssyncadd.remote.s32 $0x1  }
0xbe: {  	_ =	sfence.sel $0xFFFF  }
0xbf: {  	[dreg:$0x0] =	wrdreg $0xFFFFFFFF;
	(pc) =	sbr.abs _section_cstart, $3  }
0xc0: {  	[dreg:$0x1] =	wrdreg $0xFFFFFFFF  }
0xc1: {  	_ =	task.clear_ibuf [dreg:s6], $0x2FFFF;
	_ =	strace $0x9FFFFFFF  }
0xc2: {  	(tm) =	ssettm $0x7FFFFFFF  }
0xc3: {  	_ =	shalt  }
tec
execute0_lowered:
.L_overlay_start_1:
0x0: {  	(tag) =	ssettag $0x1  }
0x1: {  	s0 =	srdreg.scid;
	s5 =	rddreg [dreg:$0x0]  }
0x2: {  	s4 =	stileid.u32;
	s2 =	rddreg [dreg:$0x1]  }
0x3: {  	s3 =	simm.s32 $0x0;
	s14 =	simm.s32 $0xA000;
	s15 =	simm.s32 $0x5  }
0x4: {  	s17 =	simm.s32 $0x80;
	s18 =	simm.s32 $0xB000;
	s20 =	simm.s32 $0xC000  }
0x5: {  	s22 =	simm.s32 $0xD000;
	s23 =	simm.s32 $0x1;
	s24 =	simm.s32 $0x2  }
0x6: {  	s28 =	simm.s32 $0x9E00;
	s29 =	simm.s32 $0x9E80;
	s30 =	simm.s32 $0x9F00  }
0x7: {  	s31 =	simm.s32 $0x9F80;
	s0 =	sand.u32 $0x1, s0;
	s6 =	smul.u32 $0xA00, s4  }
0x8: {  	s1 =	sshll.u32 s4, $0x1;
	[smem:$0x7FF] =	sst s3;
	s8 =	smul.u32 $0x14000, s4  }
0x9: {  	s4 =	sadd.s32 $0x41200, s5;
	s1 =	sor.u32 s0, s1;
	s7 =	smul.u32 $0xA000, s0  }
0xa: {  	_ =	strace $0x80000050;
	s0 =	ssub.s32 $0x2, s0;
	s1 =	smul.u32 $0xA00, s1  }
0xb: {  	s25 =	sshrl.u32 s8, $0x2;
	s26 =	sshrl.u32 s0, $0x1;
	s6 =	sadd.s32 s6, s7  }
0xc: {  	s0 =	ssub.s32 s0, s26;
	s26 =	simm.s32 $0x4;
	s1 =	sadd.s32 s1, s5  }
0xd: {  	s12 =	sadd.s32 s6, s5;
	s5 =	sadd.s32 s25, s2;
	s13 =	smax.u32 s0, $0x1  }
0xe: {  	s25 =	simm.s32 $0x3;
	s6 =	sadd.s32 $0x1000, s5;
	s7 =	sadd.s32 $0x2000, s5  }
0xf: {  	s8 =	sadd.s32 $0x3000, s5;
	s9 =	sadd.s32 $0x4000, s5;
	s10 =	sadd.s32 $0x4B200, s1  }
0x10: {  	v0 =	vimm.f32 $0.0e+00;
	s11 =	sadd.s32 $0x5200, s1;
	s12 =	sadd.s32 $0x5F200, s12;
	s1 =	simm.s32 $0x0  }
.LBB2_1:
0x11: {  	s0 =	sand.u32 $0x3F80, s3  }
0x12: {  	s16 =	sand.u32 $0x10, s3;
	s19 =	sshrl.u32 s0, $0x2  }
0x13: {  	s0 =	simm.s32 $0x40;
	s19 =	sor.u32 s16, s19;
	s16 =	simm.s32 $0x0  }
.LBB2_2:
0x14: {  	p0 =	sne.s32 s0, $0x3FC0  }
0x15: {  	[tilespmem:s19+$0xA000] =	vst v0;
	s16 =	sadd.s32 $0x10, s16;
	s19 =	smov.u32 s0;
	s0 =	sadd.s32 $0x40, s0  }
.Ltmp0:
0x16: {  	(pc) =	sbr.rel @p0 .LBB2_2-.Ltmp0, $4  }
0x17: {  	_ = 	snop  }
0x18: {  	s19 =	sand.u32 $0x3F80, s19  }
0x19: {  	s21 =	sand.u32 $0x10, s16;
	s19 =	sshrl.u32 s19, $0x2  }
0x1a: {  	s19 =	sor.u32 s21, s19  }
0x1b: {  	[tilespmem:s19+$0xA000] =	vst v0  }
0x1c: {  	[spmem:s5] =	stream.linear.scatter [tilespmem:s14], [sflag:$0x5], $0x1000, $0x38;
	[tilespmem:$0x13000] =	vst v63  }
0x1d: {  	_ =	swait.ge [sflag:s15], $0x1000  }
0x1e: {  	[sflag:s15] =	ssyncset.done $0x0  }
0x1f: {  	[sflag:s15] =	ssyncadd.s32 $0xFFFFF000  }
0x20: {  	[spmem:s6] =	stream.linear.scatter [tilespmem:s14], [sflag:$0x5], $0x1000, $0x38;
	[tilespmem:$0x13000] =	vst v63  }
0x21: {  	_ =	swait.ge [sflag:s15], $0x1000  }
0x22: {  	[sflag:s15] =	ssyncset.done $0x0  }
0x23: {  	[sflag:s15] =	ssyncadd.s32 $0xFFFFF000  }
0x24: {  	[spmem:s7] =	stream.linear.scatter [tilespmem:s14], [sflag:$0x5], $0x1000, $0x38;
	[tilespmem:$0x13000] =	vst v63  }
0x25: {  	_ =	swait.ge [sflag:s15], $0x1000  }
0x26: {  	[sflag:s15] =	ssyncset.done $0x0  }
0x27: {  	[sflag:s15] =	ssyncadd.s32 $0xFFFFF000  }
0x28: {  	[spmem:s8] =	stream.linear.scatter [tilespmem:s14], [sflag:$0x5], $0x1000, $0x38;
	[tilespmem:$0x13000] =	vst v63  }
0x29: {  	_ =	swait.ge [sflag:s15], $0x1000  }
0x2a: {  	[sflag:s15] =	ssyncset.done $0x0  }
0x2b: {  	[sflag:s15] =	ssyncadd.s32 $0xFFFFF000  }
0x2c: {  	[spmem:s9] =	stream.linear.scatter [tilespmem:s14], [sflag:$0x5], $0x1000, $0x38;
	[tilespmem:$0x13000] =	vst v63  }
0x2d: {  	_ =	swait.ge [sflag:s15], $0x1000  }
0x2e: {  	[sflag:s15] =	ssyncset.done $0x0  }
0x2f: {  	[sflag:s15] =	ssyncadd.s32 $0xFFFFF000  }
0x30: {  	s0 =	simm.s32 $0x0;
	[bflag:$0x0] =	sbarrier.arrive $0xFFFF  }
0x31: {  	[tilespmem:s0], [sflag:$0x5] =	stream.linear.gather [hbm4b:s10+s0], $0x5000, $0x38;
	[tilespmem:$0x13000] =	vst v63  }
0x32: {  	_ =	swait.ge [sflag:s15], $0x5000  }
0x33: {  	[sflag:s15] =	ssyncset.done $0x0  }
0x34: {  	s16 =	simm.s32 $0x5000;
	[sflag:s15] =	ssyncadd.s32 $0xFFFFB000  }
0x35: {  	[tilespmem:s16], [sflag:$0x5] =	stream.linear.gather [hbm4b:s11+s0], $0x5000, $0x38;
	[tilespmem:$0x13000] =	vst v63  }
0x36: {  	_ =	swait.ge [sflag:s15], $0x5000  }
0x37: {  	[sflag:s15] =	ssyncset.done $0x0  }
0x38: {  	[sflag:s15] =	ssyncadd.s32 $0xFFFFB000  }
0x39: {  	[tilespmem:s14], [sflag:$0x1] =	stream.indirect.gather [hbm4b:s4+s17], $0x20, s0, s17, $0xb8;
	[tilespmem:$0x13000] =	vst v63  }
0x3a: {  	_ = 	snop  }
0x3b: {  	[tilespmem:s18], [sflag:$0x2] =	stream.indirect.gather [hbm4b:s4+s17], $0x20, s17, s17, $0xb8;
	[tilespmem:$0x13000] =	vst v63  }
0x3c: {  	s16 =	simm.s32 $0x100  }
0x3d: {  	[tilespmem:s20], [sflag:$0x3] =	stream.indirect.gather [hbm4b:s4+s17], $0x20, s16, s17, $0xb8;
	[tilespmem:$0x13000] =	vst v63  }
0x3e: {  	s19 =	simm.s32 $0x180  }
0x3f: {  	[tilespmem:s22], [sflag:$0x4] =	stream.indirect.gather [hbm4b:s4+s17], $0x20, s19, s17, $0xb8;
	[tilespmem:$0x13000] =	vst v63  }
0x40: {  	_ =	swait.ge [sflag:s23], $0x1000  }
0x41: {  	[sflag:s23] =	ssyncset.done $0x0  }
0x42: {  	s21 =	simm.s32 $0x5000;
	[sflag:s23] =	ssyncadd.s32 $0xFFFFF000  }
0x43: {  	[spmem:s2] =	stream.indirect.scatter.add.f32 [tilespmem:s14], [sflag:$0x5], $0x20, s21, s17, $0xb8;
	[tilespmem:$0x13000] =	vst v63  }
0x44: {  	_ =	swait.ge [sflag:s15], $0x1000  }
0x45: {  	[sflag:s15] =	ssyncset.done $0x0  }
0x46: {  	s16 =	simm.s32 $0x200;
	[sflag:s15] =	ssyncadd.s32 $0xFFFFF000  }
0x47: {  	[tilespmem:s14], [sflag:$0x1] =	stream.indirect.gather [hbm4b:s4+s17], $0x20, s16, s17, $0xb8;
	[tilespmem:$0x13000] =	vst v63  }
0x48: {  	_ =	swait.ge [sflag:s24], $0x1000  }
0x49: {  	[sflag:s24] =	ssyncset.done $0x0  }
0x4a: {  	s19 =	simm.s32 $0x5080;
	[sflag:s24] =	ssyncadd.s32 $0xFFFFF000  }
0x4b: {  	[spmem:s2] =	stream.indirect.scatter.add.f32 [tilespmem:s18], [sflag:$0x5], $0x20, s19, s17, $0xb8;
	[tilespmem:$0x13000] =	vst v63  }
0x4c: {  	_ =	swait.ge [sflag:s15], $0x1000  }
0x4d: {  	[sflag:s15] =	ssyncset.done $0x0  }
0x4e: {  	s21 =	simm.s32 $0x280;
	[sflag:s15] =	ssyncadd.s32 $0xFFFFF000  }
0x4f: {  	[tilespmem:s18], [sflag:$0x2] =	stream.indirect.gather [hbm4b:s4+s17], $0x20, s21, s17, $0xb8;
	[tilespmem:$0x13000] =	vst v63  }
0x50: {  	_ =	swait.ge [sflag:s25], $0x1000  }
0x51: {  	[sflag:s25] =	ssyncset.done $0x0  }
0x52: {  	s16 =	simm.s32 $0x5100;
	[sflag:s25] =	ssyncadd.s32 $0xFFFFF000  }
0x53: {  	[spmem:s2] =	stream.indirect.scatter.add.f32 [tilespmem:s20], [sflag:$0x5], $0x20, s16, s17, $0xb8;
	[tilespmem:$0x13000] =	vst v63  }
0x54: {  	_ =	swait.ge [sflag:s15], $0x1000  }
0x55: {  	[sflag:s15] =	ssyncset.done $0x0  }
0x56: {  	s19 =	simm.s32 $0x300;
	[sflag:s15] =	ssyncadd.s32 $0xFFFFF000  }
0x57: {  	[tilespmem:s20], [sflag:$0x3] =	stream.indirect.gather [hbm4b:s4+s17], $0x20, s19, s17, $0xb8;
	[tilespmem:$0x13000] =	vst v63  }
0x58: {  	_ =	swait.ge [sflag:s26], $0x1000  }
0x59: {  	[sflag:s26] =	ssyncset.done $0x0  }
0x5a: {  	s21 =	simm.s32 $0x5180;
	[sflag:s26] =	ssyncadd.s32 $0xFFFFF000  }
0x5b: {  	[spmem:s2] =	stream.indirect.scatter.add.f32 [tilespmem:s22], [sflag:$0x5], $0x20, s21, s17, $0xb8;
	[tilespmem:$0x13000] =	vst v63  }
0x5c: {  	_ =	swait.ge [sflag:s15], $0x1000  }
0x5d: {  	[sflag:s15] =	ssyncset.done $0x0  }
0x5e: {  	s0 =	simm.s32 $0x800;
	s16 =	simm.s32 $0x380;
	[sflag:s15] =	ssyncadd.s32 $0xFFFFF000  }
.LBB2_4:
0x5f: {  	[tilespmem:s22], [sflag:$0x4] =	stream.indirect.gather [hbm4b:s4+s17], $0x20, s16, s17, $0xb8;
	[tilespmem:$0x13000] =	vst v63  }
0x60: {  	s16 =	smov.u32 s0  }
0x61: {  	p0 =	sne.s32 s0, $0x13000;
	s0 =	sadd.s32 $0x800, s0;
	_ =	swait.ge [sflag:s23], $0x1000  }
0x62: {  	s16 =	sshra.s32 s16, $0x2;
	[sflag:s23] =	ssyncset.done $0x0  }
0x63: {  	s19 =	sadd.s32 $0x5000, s16;
	[sflag:s23] =	ssyncadd.s32 $0xFFFFF000  }
0x64: {  	[spmem:s2] =	stream.indirect.scatter.add.f32 [tilespmem:s14], [sflag:$0x5], $0x20, s19, s17, $0xb8;
	[tilespmem:$0x13000] =	vst v63  }
0x65: {  	_ =	swait.ge [sflag:s15], $0x1000  }
0x66: {  	[sflag:s15] =	ssyncset.done $0x0  }
0x67: {  	s19 =	sadd.s32 $0x200, s16;
	[sflag:s15] =	ssyncadd.s32 $0xFFFFF000  }
0x68: {  	[tilespmem:s14], [sflag:$0x1] =	stream.indirect.gather [hbm4b:s4+s17], $0x20, s19, s17, $0xb8;
	[tilespmem:$0x13000] =	vst v63  }
0x69: {  	_ =	swait.ge [sflag:s24], $0x1000  }
0x6a: {  	[sflag:s24] =	ssyncset.done $0x0  }
0x6b: {  	s19 =	sadd.s32 $0x5080, s16;
	[sflag:s24] =	ssyncadd.s32 $0xFFFFF000  }
0x6c: {  	[spmem:s2] =	stream.indirect.scatter.add.f32 [tilespmem:s18], [sflag:$0x5], $0x20, s19, s17, $0xb8;
	[tilespmem:$0x13000] =	vst v63  }
0x6d: {  	_ =	swait.ge [sflag:s15], $0x1000  }
0x6e: {  	[sflag:s15] =	ssyncset.done $0x0  }
0x6f: {  	s19 =	sadd.s32 $0x280, s16;
	[sflag:s15] =	ssyncadd.s32 $0xFFFFF000  }
0x70: {  	[tilespmem:s18], [sflag:$0x2] =	stream.indirect.gather [hbm4b:s4+s17], $0x20, s19, s17, $0xb8;
	[tilespmem:$0x13000] =	vst v63  }
0x71: {  	_ =	swait.ge [sflag:s25], $0x1000  }
0x72: {  	[sflag:s25] =	ssyncset.done $0x0  }
0x73: {  	s19 =	sadd.s32 $0x5100, s16;
	[sflag:s25] =	ssyncadd.s32 $0xFFFFF000  }
0x74: {  	[spmem:s2] =	stream.indirect.scatter.add.f32 [tilespmem:s20], [sflag:$0x5], $0x20, s19, s17, $0xb8;
	[tilespmem:$0x13000] =	vst v63  }
0x75: {  	_ =	swait.ge [sflag:s15], $0x1000  }
0x76: {  	[sflag:s15] =	ssyncset.done $0x0  }
0x77: {  	s19 =	sadd.s32 $0x300, s16;
	[sflag:s15] =	ssyncadd.s32 $0xFFFFF000  }
0x78: {  	[tilespmem:s20], [sflag:$0x3] =	stream.indirect.gather [hbm4b:s4+s17], $0x20, s19, s17, $0xb8;
	[tilespmem:$0x13000] =	vst v63  }
0x79: {  	_ =	swait.ge [sflag:s26], $0x1000  }
0x7a: {  	[sflag:s26] =	ssyncset.done $0x0  }
.Ltmp1:
0x7b: {  	s19 =	sadd.s32 $0x5180, s16;
	[sflag:s26] =	ssyncadd.s32 $0xFFFFF000;
	(pc) =	sbr.rel @p0 .LBB2_4-.Ltmp1, $4  }
0x7c: {  	[spmem:s2] =	stream.indirect.scatter.add.f32 [tilespmem:s22], [sflag:$0x5], $0x20, s19, s17, $0xb8;
	[tilespmem:$0x13000] =	vst v63  }
0x7d: {  	_ =	swait.ge [sflag:s15], $0x1000  }
0x7e: {  	[sflag:s15] =	ssyncset.done $0x0  }
0x7f: {  	s16 =	sadd.s32 $0x380, s16;
	[sflag:s15] =	ssyncadd.s32 $0xFFFFF000  }
0x80: {  	[tilespmem:s22], [sflag:$0x4] =	stream.indirect.gather [hbm4b:s4+s17], $0x20, s16, s17, $0xb8;
	[tilespmem:$0x13000] =	vst v63  }
0x81: {  	_ =	swait.ge [sflag:s23], $0x1000  }
0x82: {  	[sflag:s23] =	ssyncset.done $0x0  }
0x83: {  	[sflag:s23] =	ssyncadd.s32 $0xFFFFF000  }
0x84: {  	[spmem:s2] =	stream.indirect.scatter.add.f32 [tilespmem:s14], [sflag:$0x5], $0x20, s28, s17, $0xb8;
	[tilespmem:$0x13000] =	vst v63  }
0x85: {  	_ =	swait.ge [sflag:s15], $0x1000  }
0x86: {  	[sflag:s15] =	ssyncset.done $0x0  }
0x87: {  	[sflag:s15] =	ssyncadd.s32 $0xFFFFF000  }
0x88: {  	_ =	swait.ge [sflag:s24], $0x1000  }
0x89: {  	[sflag:s24] =	ssyncset.done $0x0  }
0x8a: {  	[sflag:s24] =	ssyncadd.s32 $0xFFFFF000  }
0x8b: {  	[spmem:s2] =	stream.indirect.scatter.add.f32 [tilespmem:s18], [sflag:$0x5], $0x20, s29, s17, $0xb8;
	[tilespmem:$0x13000] =	vst v63  }
0x8c: {  	_ =	swait.ge [sflag:s15], $0x1000  }
0x8d: {  	[sflag:s15] =	ssyncset.done $0x0  }
0x8e: {  	[sflag:s15] =	ssyncadd.s32 $0xFFFFF000  }
0x8f: {  	_ =	swait.ge [sflag:s25], $0x1000  }
0x90: {  	[sflag:s25] =	ssyncset.done $0x0  }
0x91: {  	[sflag:s25] =	ssyncadd.s32 $0xFFFFF000  }
0x92: {  	[spmem:s2] =	stream.indirect.scatter.add.f32 [tilespmem:s20], [sflag:$0x5], $0x20, s30, s17, $0xb8;
	[tilespmem:$0x13000] =	vst v63  }
0x93: {  	_ =	swait.ge [sflag:s15], $0x1000  }
0x94: {  	[sflag:s15] =	ssyncset.done $0x0  }
0x95: {  	[sflag:s15] =	ssyncadd.s32 $0xFFFFF000  }
0x96: {  	_ =	swait.ge [sflag:s26], $0x1000  }
0x97: {  	[sflag:s26] =	ssyncset.done $0x0  }
0x98: {  	[sflag:s26] =	ssyncadd.s32 $0xFFFFF000  }
0x99: {  	[spmem:s2] =	stream.indirect.scatter.add.f32 [tilespmem:s22], [sflag:$0x5], $0x20, s31, s17, $0xb8;
	[tilespmem:$0x13000] =	vst v63  }
0x9a: {  	s0 =	stileid.u32;
	_ =	swait.ge [sflag:s15], $0x1000  }
0x9b: {  	s21 =	sshrl.u32 s5, $0x3;
	s1 =	sadd.s32 $0x1, s1;
	[sflag:s15] =	ssyncset.done $0x0  }
0x9c: {  	s0 =	sshll.u32 s0, $0x6;
	p0 =	sne.s32 s1, s13;
	[sflag:s15] =	ssyncadd.s32 $0xFFFFF000  }
.Ltmp2:
0x9d: {  	s0 =	sor.u32 $0x1C05, s0;
	[bflag:$0x0] =	sbarrier.arrive $0xFFFF;
	(pc) =	sbr.rel @p0 .LBB2_1-.Ltmp2, $4  }
0x9e: {  	[hbm:s12], [sflag:s0] =	dma.local [spmem:s21], $0xA00  }
0x9f: {  	_ =	swait.ge [sflag:s15], $0xA00  }
0xa0: {  	[sflag:s15] =	ssyncset.done $0x0  }
0xa1: {  	[sflag:s15] =	ssyncadd.s32 $0xFFFFF600  }
0xa2: {  	_ =	sfence.sel $0x180000  }
0xa3: {  	[bflag:$0x0] =	sbarrier.arrive $0xFFFF  }
0xa4: {  	_ =	strace $0x90000050  }
0xa5: {  	s0 =	stileid.u32;
	[bflag:$0x2] =	sbarrier.arrive $0xFFFF  }
0xa6: {  	p0 =	sne.s32 s0, $0x0;
	s0 =	rddreg [dreg:$0x2]  }
0xa7: {  	s0 =	sadd.s32 @!p0 $0x100000, s0  }
0xa8: {  	[sflag:s0] =	ssyncadd.tile.s32 @!p0 $0x1;
	_ =	shalt  }
.Lfunc_end2:
_tile_overlayer_lowered:
.L_overlay_start_2:
0xa9: {  	(tag) =	ssettag $0x2  }
0xaa: {  	s0 =	rddreg [dreg:$0x0];
	s2 =	stileid.u32  }
0xab: {  	s1 =	rddreg [dreg:$0x1];
	p0 =	sne.s32 s2, $0x0  }
0xac: {  	s3 =	rddreg [dreg:$0x2];
	[bflag:$0x3] =	sbarrier.arrive $0xFFFF;
	s2 =	simm.s32 @!p0 $0x1C05  }
0xad: {  	[timem:s3], [sflag:s2] =	dma.local @!p0 [hbm:s0], s1  }
0xae: {  	s0 =	simm.s32 @!p0 $0x5  }
0xaf: {  	_ =	swait.ge @!p0 [sflag:s0], s1  }
0xb0: {  	s1 =	ssub.s32 @!p0 $0x0, s1;
	[sflag:s0] =	ssyncset.done @!p0 $0x0  }
0xb1: {  	[sflag:s0] =	ssyncadd.s32 @!p0 s1  }
0xb2: {  	[bflag:$0x3] =	sbarrier.arrive $0xFFFF  }
0xb3: {  	_ =	shalt  }

// kernel: kernel.26.cloned.1.call-start
scs
__scs_entry_jumppad:
0x0: {  	(pc) =	sbr.rel $0x88, $3  }
0x1: {  	(tag) =	ssettag $0x0;
	lr =	simm.s32 $0x1  }
0x2: {  	[smem:$0x3F90] =	sst lr;
	_ =	strace $0xD0000000  }
0x3: {  	_ = 	snop  }
0x4: {  	_ = 	snop  }
0x5: {  	_ = 	snop  }
0x6: {  	_ = 	snop  }
0x7: {  	_ = 	snop  }
__scs_overlays_trampoline_lowered:
0x8: {  	[smem:$0x3F9F] =	sst s0  }
0x9: {  	[smem:$0x3FA0] =	sst s1  }
0xa: {  	[smem:$0x3FA1] =	sst s2  }
0xb: {  	[smem:$0x3FA2] =	sst s3  }
0xc: {  	[smem:$0x3FA3] =	sst s4  }
0xd: {  	[smem:$0x3FA4] =	sst s5  }
0xe: {  	[smem:$0x3FA5] =	sst s6  }
0xf: {  	[smem:$0x3FA6] =	sst s7  }
0x10: {  	[smem:$0x3FA7] =	sst s8  }
0x11: {  	[smem:$0x3FA8] =	sst s9;
	s0 =	simm.s32 @!p0 $0x0  }
0x12: {  	s1 =	sld [smem:$0x3F8E];
	s0 =	simm.s32 @p0 $0x1  }
0x13: {  	[smem:$0x3FA9] =	sst s0;
	s0 =	simm.s32 @!p1 $0x0  }
0x14: {  	s2 =	sld [smem:$0x3F8D];
	s0 =	simm.s32 @p1 $0x1  }
0x15: {  	[smem:$0x3FAA] =	sst s0;
	s0 =	simm.s32 @!p2 $0x0  }
0x16: {  	s3 =	sld [smem:$0x3FDB];
	s0 =	simm.s32 @p2 $0x1  }
0x17: {  	s4 =	simm.s32 $0x1BF5;
	[smem:$0x3FAC] =	sst s0  }
0x18: {  	s0 =	sld [smem:$0x3F8F];
	_ =	swait.ge [sflag:s4], $0x0  }
0x19: {  	s7 =	sld [smem:$0x3F90]  }
0x1a: {  	s8 =	sadd.s32 $0xFFFFE003, lr  }
0x1b: {  	s9 =	sadd.s32 $0xFFFFFEF7, lr;
	s5 =	simm.s32 $0xFFFFFFFF;
	p2 =	slt.u32 s8, $0xFFFFF086  }
0x1c: {  	p1 =	slt.u32 s9, $0xF7A;
	s5 =	simm.s32 @!p2 $0x0  }
0x1d: {  	s5 =	simm.s32 @p1 $0x1;
	p0 =	seq.s32 s7, s2  }
0x1e: {  	s7 =	smul.u32 @!p0 $0xF7A, s2;
	p2 =	seq.s32 @!p0 s5, $0x0  }
0x1f: {  	s9 =	smul.u32 $0xF7A, s1;
	s8 =	simm.s32 @!p0 $0x1BF5;
	p2 =	por !p2, p0  }
0x20: {  	[sflag:s8] =	ssyncset.s32 @!p0 $0xFFFFF086;
	s6 =	sadd.s32 @!p0 s3, s7;
	s7 =	simm.s32 @!p0 $0x108  }
0x21: {  	s3 =	sadd.s32 s3, s9;
	s6 =	sadd.s32 @!p0 $0x88, s6;
	s7 =	simm.s32 @p2 $0x1082  }
0x22: {  	[simem:s7], [sflag:s8] =	dma.local @!p0 [hbm:s6], $0xF7A  }
0x23: {  	s9 =	sor.u32 $0xD0000000, s2;
	s6 =	simm.s32 $0x108;
	_ =	swait.ge @!p0 [sflag:s8], $0x0  }
0x24: {  	s3 =	sadd.s32 $0x88, s3;
	s6 =	simm.s32 @!p1 $0x1082;
	[sflag:s4] =	ssyncset.s32 $0xFFFFF086  }
0x25: {  	[simem:s6], [sflag:s4] =	dma.local [hbm:s3], $0xF7A  }
0x26: {  	[smem:$0x3F90] =	sst s1;
	(tag) =	ssettag s2;
	_ =	strace s9  }
0x27: {  	s1 =	sld [smem:$0x3FA0]  }
0x28: {  	s2 =	sld [smem:$0x3FA1]  }
0x29: {  	s4 =	sld [smem:$0x3FA3]  }
0x2a: {  	p0 =	seq.s32 s5, $0x0;
	s5 =	sld [smem:$0x3FA4]  }
0x2b: {  	s6 =	sld [smem:$0x3FA5]  }
0x2c: {  	s7 =	sld [smem:$0x3FA6]  }
0x2d: {  	s3 =	simm.s32 $0x108;
	s8 =	sld [smem:$0x3FA7]  }
0x2e: {  	s3 =	simm.s32 @!p0 $0x1082;
	s9 =	sld [smem:$0x3FA8]  }
0x2f: {  	lr =	sadd.s32 s0, s3;
	s0 =	sld [smem:$0x3F9F]  }
0x30: {  	s3 =	sld [smem:$0x3FA2]  }
0x31: {  	[smem:$0x3FAB] =	sst s10  }
0x32: {  	s10 =	sld [smem:$0x3FA9];
	_ =	sdelay $0x3  }
0x33: {  	p0 =	seq.s32 s10, $0x1;
	s10 =	sld [smem:$0x3FAB];
	_ =	sdelay $0x3  }
0x34: {  	[smem:$0x3FAB] =	sst s10  }
0x35: {  	s10 =	sld [smem:$0x3FAA];
	_ =	sdelay $0x3  }
0x36: {  	p1 =	seq.s32 s10, $0x1;
	s10 =	sld [smem:$0x3FAB];
	_ =	sdelay $0x3  }
0x37: {  	[smem:$0x3FAB] =	sst s10  }
0x38: {  	s10 =	sld [smem:$0x3FAC]  }
0x39: {  	_ = 	snop;
	(pc) =	sbr.ind lr, $3  }
0x3a: {  	_ = 	snop  }
0x3b: {  	_ = 	snop  }
0x3c: {  	p2 =	seq.s32 s10, $0x1;
	s10 =	sld [smem:$0x3FAB]  }
0x3d: {  	_ =	shalt  }
0x3e: {  	_ =	shalt  }
0x3f: {  	_ =	shalt  }
0x40: {  	_ =	shalt  }
0x41: {  	_ =	shalt  }
0x42: {  	_ =	shalt  }
0x43: {  	_ =	shalt  }
0x44: {  	_ =	shalt  }
0x45: {  	_ =	shalt  }
0x46: {  	_ =	shalt  }
0x47: {  	_ =	shalt  }
0x48: {  	_ =	shalt  }
0x49: {  	_ =	shalt  }
0x4a: {  	_ =	shalt  }
0x4b: {  	_ =	shalt  }
0x4c: {  	_ =	shalt  }
0x4d: {  	_ =	shalt  }
0x4e: {  	_ =	shalt  }
0x4f: {  	_ =	shalt  }
0x50: {  	_ =	shalt  }
0x51: {  	_ =	shalt  }
0x52: {  	_ =	shalt  }
0x53: {  	_ =	shalt  }
0x54: {  	_ =	shalt  }
0x55: {  	_ =	shalt  }
0x56: {  	_ =	shalt  }
0x57: {  	_ =	shalt  }
0x58: {  	_ =	shalt  }
0x59: {  	_ =	shalt  }
0x5a: {  	_ =	shalt  }
0x5b: {  	_ =	shalt  }
0x5c: {  	_ =	shalt  }
0x5d: {  	_ =	shalt  }
0x5e: {  	_ =	shalt  }
0x5f: {  	_ =	shalt  }
0x60: {  	_ =	shalt  }
0x61: {  	_ =	shalt  }
0x62: {  	_ =	shalt  }
0x63: {  	_ =	shalt  }
0x64: {  	_ =	shalt  }
0x65: {  	_ =	shalt  }
0x66: {  	_ =	shalt  }
0x67: {  	_ =	shalt  }
0x68: {  	_ =	shalt  }
0x69: {  	_ =	shalt  }
0x6a: {  	_ =	shalt  }
0x6b: {  	_ =	shalt  }
0x6c: {  	_ =	shalt  }
0x6d: {  	_ =	shalt  }
0x6e: {  	_ =	shalt  }
0x6f: {  	_ =	shalt  }
0x70: {  	_ =	shalt  }
0x71: {  	_ =	shalt  }
0x72: {  	_ =	shalt  }
0x73: {  	_ =	shalt  }
0x74: {  	_ =	shalt  }
0x75: {  	_ =	shalt  }
0x76: {  	_ =	shalt  }
0x77: {  	_ =	shalt  }
0x78: {  	_ =	shalt  }
0x79: {  	_ =	shalt  }
0x7a: {  	_ =	shalt  }
0x7b: {  	_ =	shalt  }
0x7c: {  	_ =	shalt  }
0x7d: {  	_ =	shalt  }
0x7e: {  	_ =	shalt  }
0x7f: {  	_ =	shalt  }
0x80: {  	_ =	shalt  }
0x81: {  	_ =	shalt  }
0x82: {  	_ =	shalt  }
0x83: {  	_ =	shalt  }
0x84: {  	_ =	shalt  }
0x85: {  	_ =	shalt  }
0x86: {  	_ =	shalt  }
0x87: {  	_ =	shalt  }
.Lfunc_end0:
.L_simem_size_0:
called_computation.4_lowered:
.L_overlay_start_0:
0x88: {  	s2 =	sld [smem:$0x3FD9]  }
0x89: {  	s3 =	sld [smem:$0x3FFE];
	_ =	sdelay $0x1  }
0x8a: {  	s1 =	srdreg.scid  }
0x8b: {  	s0 =	sand.u32 $0x1, s1  }
0x8c: {  	s16 =	sshll.u32 s0, $0xA;
	s2 =	sadd.s32 s3, s2  }
0x8d: {  	s2 =	sadd.s32 s2, s16  }
0x8e: {  	[smem:$0x3FB7] =	sst s2  }
0x8f: {  	_ = 	snop  }
0x90: {  	(tm) =	ssettm $0x1  }
0x91: {  	s17 =	sld [smem:$0x3FFB];
	_ =	sdelay $0x3  }
0x92: {  	_ =	strace s17  }
0x93: {  	s2 =	sld [smem:$0x3FFC];
	_ =	sdelay $0x3  }
0x94: {  	_ =	strace s2  }
0x95: {  	s2 =	sld [smem:$0x3FFD];
	_ =	sdelay $0x3  }
0x96: {  	_ =	strace s2  }
0x97: {  	_ =	strace $0x8FFFFFFF  }
0x98: {  	s18 =	sld [smem:$0x3FDB];
	_ =	sdelay $0x1  }
0x99: {  	s19 =	simm.s32 $_scs_section_size  }
0x9a: {  	s4 =	simm.s32 $_size__tile_overlayer_lowered;
	s5 =	simm.s32 $_tile_overlayer_lowered  }
0x9b: {  	s22 =	simm.s32 $0x1BFF;
	s21 =	sshll.u32 s5, $0x1;
	s2 =	sadd.s32 s19, s18  }
0x9c: {  	s6 =	simm.s32 $0x0;
	s20 =	sshll.u32 s4, $0x1;
	s4 =	sadd.s32 s21, s2  }
0x9d: {  	[timem:s6], [sflag:s22] =	dma.local [hbm:s4], s20  }
0x9e: {  	_ =	swait.ge [sflag:s22], s20  }
0x9f: {  	s3 =	ssub.s32 $0x0, s20;
	[sflag:s22] =	ssyncset.done $0x0  }
0xa0: {  	[sflag:s22] =	ssyncadd.s32 s3;
	_ =	sdelay $0x1  }
0xa1: {  	s23 =	simm.s32 $0x1B8B  }
0xa2: {  	_ =	swait.ge [sflag:s23], $0x1  }
0xa3: {  	[sflag:s23] =	ssyncset.done $0x0  }
0xa4: {  	s25 =	simm.s32 $0x1B8E;
	s24 =	sld [smem:$0x3FFE];
	[sflag:s23] =	ssyncadd.s32 $0xFFFFFFFF  }
0xa5: {  	s26 =	simm.s32 $execute0_lowered;
	[smem:$0x3FD2] =	sst s25  }
0xa6: {  	s4 =	sshll.u32 s26, $0x1;
	_ =	strace $0x80000052;
	[dreg:$0x1] =	wrdreg $0xFFFFFFFF  }
0xa7: {  	s28 =	simm.s32 $_size_execute0_lowered;
	s2 =	sadd.s32 s2, s4;
	[dreg:$0x0] =	wrdreg $0x0  }
0xa8: {  	s4 =	sshll.u32 s28, $0x1;
	[dreg:$0x2] =	wrdreg s2  }
0xa9: {  	[dreg:$0x3] =	wrdreg s4  }
0xaa: {  	[dreg:$0x4] =	wrdreg $0xC0  }
0xab: {  	_ =	task [dreg:s6], $0x5FFFF  }
0xac: {  	[dreg:$0x1] =	wrdreg $0xFFFFFFFF  }
0xad: {  	[dreg:$0x0] =	wrdreg $0x60  }
0xae: {  	[dreg:$0x2] =	wrdreg s24  }
0xaf: {  	[dreg:$0x3] =	wrdreg $0xE0000  }
0xb0: {  	[dreg:$0x4] =	wrdreg $0x9  }
0xb1: {  	_ =	task.clear_ibuf [dreg:s6], $0x5FFFF;
	_ =	strace $0x90000052  }
0xb2: {  	s29 =	simm.s32 $0x9;
	_ =	strace $0x80000054  }
0xb3: {  	_ =	swait.ge [sflag:s29], $0x1  }
0xb4: {  	[sflag:s29] =	ssyncadd.s32 $0xFFFFFFFF  }
0xb5: {  	_ =	strace $0x90000054  }
0xb6: {  	_ =	sfence  }
0xb7: {  	s30 =	sld [smem:$0x0];
	_ =	sdelay $0x2  }
0xb8: {  	s31 =	sshll.u32 s1, $0xD;
	s1 =	sshrl.u32 s1, $0x2  }
0xb9: {  	s3 =	sand.u32 $0x4000, s31;
	s1 =	sadd.s32 s1, s30  }
0xba: {  	s0 =	sor.u32 s3, s0;
	s1 =	sshll.u32 s1, $0x11  }
0xbb: {  	s0 =	sor.u32 s1, s0  }
0xbc: {  	s0 =	sadd.s32 $0x8F2B, s0  }
0xbd: {  	[sflag:s0] =	ssyncadd.remote.s32 $0x1  }
0xbe: {  	_ =	sfence.sel $0xFFFF  }
0xbf: {  	[dreg:$0x0] =	wrdreg $0xFFFFFFFF;
	(pc) =	sbr.abs _section_cstart, $3  }
0xc0: {  	[dreg:$0x1] =	wrdreg $0xFFFFFFFF  }
0xc1: {  	_ =	task.clear_ibuf [dreg:s6], $0x2FFFF;
	_ =	strace $0x9FFFFFFF  }
0xc2: {  	(tm) =	ssettm $0x7FFFFFFF  }
0xc3: {  	_ =	shalt  }
tec
execute0_lowered:
.L_overlay_start_1:
0x0: {  	(tag) =	ssettag $0x1  }
0x1: {  	s0 =	srdreg.scid;
	s5 =	rddreg [dreg:$0x0]  }
0x2: {  	s4 =	stileid.u32;
	s2 =	rddreg [dreg:$0x1]  }
0x3: {  	s3 =	simm.s32 $0x0;
	s14 =	simm.s32 $0xA000;
	s15 =	simm.s32 $0x5  }
0x4: {  	s17 =	simm.s32 $0x80;
	s18 =	simm.s32 $0xB000;
	s20 =	simm.s32 $0xC000  }
0x5: {  	s22 =	simm.s32 $0xD000;
	s23 =	simm.s32 $0x1;
	s24 =	simm.s32 $0x2  }
0x6: {  	s28 =	simm.s32 $0x9E00;
	s29 =	simm.s32 $0x9E80;
	s30 =	simm.s32 $0x9F00  }
0x7: {  	s31 =	simm.s32 $0x9F80;
	s0 =	sand.u32 $0x1, s0;
	s6 =	smul.u32 $0xA00, s4  }
0x8: {  	s1 =	sshll.u32 s4, $0x1;
	[smem:$0x7FF] =	sst s3;
	s8 =	smul.u32 $0x14000, s4  }
0x9: {  	s4 =	sadd.s32 $0x41200, s5;
	s1 =	sor.u32 s0, s1;
	s7 =	smul.u32 $0xA000, s0  }
0xa: {  	_ =	strace $0x80000053;
	s0 =	ssub.s32 $0x2, s0;
	s1 =	smul.u32 $0xA00, s1  }
0xb: {  	s25 =	sshrl.u32 s8, $0x2;
	s26 =	sshrl.u32 s0, $0x1;
	s6 =	sadd.s32 s6, s7  }
0xc: {  	s0 =	ssub.s32 s0, s26;
	s26 =	simm.s32 $0x4;
	s1 =	sadd.s32 s1, s5  }
0xd: {  	s12 =	sadd.s32 s6, s5;
	s5 =	sadd.s32 s25, s2;
	s13 =	smax.u32 s0, $0x1  }
0xe: {  	s25 =	simm.s32 $0x3;
	s6 =	sadd.s32 $0x1000, s5;
	s7 =	sadd.s32 $0x2000, s5  }
0xf: {  	s8 =	sadd.s32 $0x3000, s5;
	s9 =	sadd.s32 $0x4000, s5;
	s10 =	sadd.s32 $0x4B200, s1  }
0x10: {  	v0 =	vimm.f32 $0.0e+00;
	s11 =	sadd.s32 $0x5200, s1;
	s12 =	sadd.s32 $0x5F200, s12;
	s1 =	simm.s32 $0x0  }
.LBB2_1:
0x11: {  	s0 =	sand.u32 $0x3F80, s3  }
0x12: {  	s16 =	sand.u32 $0x10, s3;
	s19 =	sshrl.u32 s0, $0x2  }
0x13: {  	s0 =	simm.s32 $0x40;
	s19 =	sor.u32 s16, s19;
	s16 =	simm.s32 $0x0  }
.LBB2_2:
0x14: {  	p0 =	sne.s32 s0, $0x3FC0  }
0x15: {  	[tilespmem:s19+$0xA000] =	vst v0;
	s16 =	sadd.s32 $0x10, s16;
	s19 =	smov.u32 s0;
	s0 =	sadd.s32 $0x40, s0  }
.Ltmp0:
0x16: {  	(pc) =	sbr.rel @p0 .LBB2_2-.Ltmp0, $4  }
0x17: {  	_ = 	snop  }
0x18: {  	s19 =	sand.u32 $0x3F80, s19  }
0x19: {  	s21 =	sand.u32 $0x10, s16;
	s19 =	sshrl.u32 s19, $0x2  }
0x1a: {  	s19 =	sor.u32 s21, s19  }
0x1b: {  	[tilespmem:s19+$0xA000] =	vst v0  }
0x1c: {  	[spmem:s5] =	stream.linear.scatter [tilespmem:s14], [sflag:$0x5], $0x1000, $0x38;
	[tilespmem:$0x13000] =	vst v63  }
0x1d: {  	_ =	swait.ge [sflag:s15], $0x1000  }
0x1e: {  	[sflag:s15] =	ssyncset.done $0x0  }
0x1f: {  	[sflag:s15] =	ssyncadd.s32 $0xFFFFF000  }
0x20: {  	[spmem:s6] =	stream.linear.scatter [tilespmem:s14], [sflag:$0x5], $0x1000, $0x38;
	[tilespmem:$0x13000] =	vst v63  }
0x21: {  	_ =	swait.ge [sflag:s15], $0x1000  }
0x22: {  	[sflag:s15] =	ssyncset.done $0x0  }
0x23: {  	[sflag:s15] =	ssyncadd.s32 $0xFFFFF000  }
0x24: {  	[spmem:s7] =	stream.linear.scatter [tilespmem:s14], [sflag:$0x5], $0x1000, $0x38;
	[tilespmem:$0x13000] =	vst v63  }
0x25: {  	_ =	swait.ge [sflag:s15], $0x1000  }
0x26: {  	[sflag:s15] =	ssyncset.done $0x0  }
0x27: {  	[sflag:s15] =	ssyncadd.s32 $0xFFFFF000  }
0x28: {  	[spmem:s8] =	stream.linear.scatter [tilespmem:s14], [sflag:$0x5], $0x1000, $0x38;
	[tilespmem:$0x13000] =	vst v63  }
0x29: {  	_ =	swait.ge [sflag:s15], $0x1000  }
0x2a: {  	[sflag:s15] =	ssyncset.done $0x0  }
0x2b: {  	[sflag:s15] =	ssyncadd.s32 $0xFFFFF000  }
0x2c: {  	[spmem:s9] =	stream.linear.scatter [tilespmem:s14], [sflag:$0x5], $0x1000, $0x38;
	[tilespmem:$0x13000] =	vst v63  }
0x2d: {  	_ =	swait.ge [sflag:s15], $0x1000  }
0x2e: {  	[sflag:s15] =	ssyncset.done $0x0  }
0x2f: {  	[sflag:s15] =	ssyncadd.s32 $0xFFFFF000  }
0x30: {  	s0 =	simm.s32 $0x0;
	[bflag:$0x0] =	sbarrier.arrive $0xFFFF  }
0x31: {  	[tilespmem:s0], [sflag:$0x5] =	stream.linear.gather [hbm4b:s10+s0], $0x5000, $0x38;
	[tilespmem:$0x13000] =	vst v63  }
0x32: {  	_ =	swait.ge [sflag:s15], $0x5000  }
0x33: {  	[sflag:s15] =	ssyncset.done $0x0  }
0x34: {  	s16 =	simm.s32 $0x5000;
	[sflag:s15] =	ssyncadd.s32 $0xFFFFB000  }
0x35: {  	[tilespmem:s16], [sflag:$0x5] =	stream.linear.gather [hbm4b:s11+s0], $0x5000, $0x38;
	[tilespmem:$0x13000] =	vst v63  }
0x36: {  	_ =	swait.ge [sflag:s15], $0x5000  }
0x37: {  	[sflag:s15] =	ssyncset.done $0x0  }
0x38: {  	[sflag:s15] =	ssyncadd.s32 $0xFFFFB000  }
0x39: {  	[tilespmem:s14], [sflag:$0x1] =	stream.indirect.gather [hbm4b:s4+s17], $0x20, s0, s17, $0xb8;
	[tilespmem:$0x13000] =	vst v63  }
0x3a: {  	_ = 	snop  }
0x3b: {  	[tilespmem:s18], [sflag:$0x2] =	stream.indirect.gather [hbm4b:s4+s17], $0x20, s17, s17, $0xb8;
	[tilespmem:$0x13000] =	vst v63  }
0x3c: {  	s16 =	simm.s32 $0x100  }
0x3d: {  	[tilespmem:s20], [sflag:$0x3] =	stream.indirect.gather [hbm4b:s4+s17], $0x20, s16, s17, $0xb8;
	[tilespmem:$0x13000] =	vst v63  }
0x3e: {  	s19 =	simm.s32 $0x180  }
0x3f: {  	[tilespmem:s22], [sflag:$0x4] =	stream.indirect.gather [hbm4b:s4+s17], $0x20, s19, s17, $0xb8;
	[tilespmem:$0x13000] =	vst v63  }
0x40: {  	_ =	swait.ge [sflag:s23], $0x1000  }
0x41: {  	[sflag:s23] =	ssyncset.done $0x0  }
0x42: {  	s21 =	simm.s32 $0x5000;
	[sflag:s23] =	ssyncadd.s32 $0xFFFFF000  }
0x43: {  	[spmem:s2] =	stream.indirect.scatter.add.f32 [tilespmem:s14], [sflag:$0x5], $0x20, s21, s17, $0xb8;
	[tilespmem:$0x13000] =	vst v63  }
0x44: {  	_ =	swait.ge [sflag:s15], $0x1000  }
0x45: {  	[sflag:s15] =	ssyncset.done $0x0  }
0x46: {  	s16 =	simm.s32 $0x200;
	[sflag:s15] =	ssyncadd.s32 $0xFFFFF000  }
0x47: {  	[tilespmem:s14], [sflag:$0x1] =	stream.indirect.gather [hbm4b:s4+s17], $0x20, s16, s17, $0xb8;
	[tilespmem:$0x13000] =	vst v63  }
0x48: {  	_ =	swait.ge [sflag:s24], $0x1000  }
0x49: {  	[sflag:s24] =	ssyncset.done $0x0  }
0x4a: {  	s19 =	simm.s32 $0x5080;
	[sflag:s24] =	ssyncadd.s32 $0xFFFFF000  }
0x4b: {  	[spmem:s2] =	stream.indirect.scatter.add.f32 [tilespmem:s18], [sflag:$0x5], $0x20, s19, s17, $0xb8;
	[tilespmem:$0x13000] =	vst v63  }
0x4c: {  	_ =	swait.ge [sflag:s15], $0x1000  }
0x4d: {  	[sflag:s15] =	ssyncset.done $0x0  }
0x4e: {  	s21 =	simm.s32 $0x280;
	[sflag:s15] =	ssyncadd.s32 $0xFFFFF000  }
0x4f: {  	[tilespmem:s18], [sflag:$0x2] =	stream.indirect.gather [hbm4b:s4+s17], $0x20, s21, s17, $0xb8;
	[tilespmem:$0x13000] =	vst v63  }
0x50: {  	_ =	swait.ge [sflag:s25], $0x1000  }
0x51: {  	[sflag:s25] =	ssyncset.done $0x0  }
0x52: {  	s16 =	simm.s32 $0x5100;
	[sflag:s25] =	ssyncadd.s32 $0xFFFFF000  }
0x53: {  	[spmem:s2] =	stream.indirect.scatter.add.f32 [tilespmem:s20], [sflag:$0x5], $0x20, s16, s17, $0xb8;
	[tilespmem:$0x13000] =	vst v63  }
0x54: {  	_ =	swait.ge [sflag:s15], $0x1000  }
0x55: {  	[sflag:s15] =	ssyncset.done $0x0  }
0x56: {  	s19 =	simm.s32 $0x300;
	[sflag:s15] =	ssyncadd.s32 $0xFFFFF000  }
0x57: {  	[tilespmem:s20], [sflag:$0x3] =	stream.indirect.gather [hbm4b:s4+s17], $0x20, s19, s17, $0xb8;
	[tilespmem:$0x13000] =	vst v63  }
0x58: {  	_ =	swait.ge [sflag:s26], $0x1000  }
0x59: {  	[sflag:s26] =	ssyncset.done $0x0  }
0x5a: {  	s21 =	simm.s32 $0x5180;
	[sflag:s26] =	ssyncadd.s32 $0xFFFFF000  }
0x5b: {  	[spmem:s2] =	stream.indirect.scatter.add.f32 [tilespmem:s22], [sflag:$0x5], $0x20, s21, s17, $0xb8;
	[tilespmem:$0x13000] =	vst v63  }
0x5c: {  	_ =	swait.ge [sflag:s15], $0x1000  }
0x5d: {  	[sflag:s15] =	ssyncset.done $0x0  }
0x5e: {  	s0 =	simm.s32 $0x800;
	s16 =	simm.s32 $0x380;
	[sflag:s15] =	ssyncadd.s32 $0xFFFFF000  }
.LBB2_4:
0x5f: {  	[tilespmem:s22], [sflag:$0x4] =	stream.indirect.gather [hbm4b:s4+s17], $0x20, s16, s17, $0xb8;
	[tilespmem:$0x13000] =	vst v63  }
0x60: {  	s16 =	smov.u32 s0  }
0x61: {  	p0 =	sne.s32 s0, $0x13000;
	s0 =	sadd.s32 $0x800, s0;
	_ =	swait.ge [sflag:s23], $0x1000  }
0x62: {  	s16 =	sshra.s32 s16, $0x2;
	[sflag:s23] =	ssyncset.done $0x0  }
0x63: {  	s19 =	sadd.s32 $0x5000, s16;
	[sflag:s23] =	ssyncadd.s32 $0xFFFFF000  }
0x64: {  	[spmem:s2] =	stream.indirect.scatter.add.f32 [tilespmem:s14], [sflag:$0x5], $0x20, s19, s17, $0xb8;
	[tilespmem:$0x13000] =	vst v63  }
0x65: {  	_ =	swait.ge [sflag:s15], $0x1000  }
0x66: {  	[sflag:s15] =	ssyncset.done $0x0  }
0x67: {  	s19 =	sadd.s32 $0x200, s16;
	[sflag:s15] =	ssyncadd.s32 $0xFFFFF000  }
0x68: {  	[tilespmem:s14], [sflag:$0x1] =	stream.indirect.gather [hbm4b:s4+s17], $0x20, s19, s17, $0xb8;
	[tilespmem:$0x13000] =	vst v63  }
0x69: {  	_ =	swait.ge [sflag:s24], $0x1000  }
0x6a: {  	[sflag:s24] =	ssyncset.done $0x0  }
0x6b: {  	s19 =	sadd.s32 $0x5080, s16;
	[sflag:s24] =	ssyncadd.s32 $0xFFFFF000  }
0x6c: {  	[spmem:s2] =	stream.indirect.scatter.add.f32 [tilespmem:s18], [sflag:$0x5], $0x20, s19, s17, $0xb8;
	[tilespmem:$0x13000] =	vst v63  }
0x6d: {  	_ =	swait.ge [sflag:s15], $0x1000  }
0x6e: {  	[sflag:s15] =	ssyncset.done $0x0  }
0x6f: {  	s19 =	sadd.s32 $0x280, s16;
	[sflag:s15] =	ssyncadd.s32 $0xFFFFF000  }
0x70: {  	[tilespmem:s18], [sflag:$0x2] =	stream.indirect.gather [hbm4b:s4+s17], $0x20, s19, s17, $0xb8;
	[tilespmem:$0x13000] =	vst v63  }
0x71: {  	_ =	swait.ge [sflag:s25], $0x1000  }
0x72: {  	[sflag:s25] =	ssyncset.done $0x0  }
0x73: {  	s19 =	sadd.s32 $0x5100, s16;
	[sflag:s25] =	ssyncadd.s32 $0xFFFFF000  }
0x74: {  	[spmem:s2] =	stream.indirect.scatter.add.f32 [tilespmem:s20], [sflag:$0x5], $0x20, s19, s17, $0xb8;
	[tilespmem:$0x13000] =	vst v63  }
0x75: {  	_ =	swait.ge [sflag:s15], $0x1000  }
0x76: {  	[sflag:s15] =	ssyncset.done $0x0  }
0x77: {  	s19 =	sadd.s32 $0x300, s16;
	[sflag:s15] =	ssyncadd.s32 $0xFFFFF000  }
0x78: {  	[tilespmem:s20], [sflag:$0x3] =	stream.indirect.gather [hbm4b:s4+s17], $0x20, s19, s17, $0xb8;
	[tilespmem:$0x13000] =	vst v63  }
0x79: {  	_ =	swait.ge [sflag:s26], $0x1000  }
0x7a: {  	[sflag:s26] =	ssyncset.done $0x0  }
.Ltmp1:
0x7b: {  	s19 =	sadd.s32 $0x5180, s16;
	[sflag:s26] =	ssyncadd.s32 $0xFFFFF000;
	(pc) =	sbr.rel @p0 .LBB2_4-.Ltmp1, $4  }
0x7c: {  	[spmem:s2] =	stream.indirect.scatter.add.f32 [tilespmem:s22], [sflag:$0x5], $0x20, s19, s17, $0xb8;
	[tilespmem:$0x13000] =	vst v63  }
0x7d: {  	_ =	swait.ge [sflag:s15], $0x1000  }
0x7e: {  	[sflag:s15] =	ssyncset.done $0x0  }
0x7f: {  	s16 =	sadd.s32 $0x380, s16;
	[sflag:s15] =	ssyncadd.s32 $0xFFFFF000  }
0x80: {  	[tilespmem:s22], [sflag:$0x4] =	stream.indirect.gather [hbm4b:s4+s17], $0x20, s16, s17, $0xb8;
	[tilespmem:$0x13000] =	vst v63  }
0x81: {  	_ =	swait.ge [sflag:s23], $0x1000  }
0x82: {  	[sflag:s23] =	ssyncset.done $0x0  }
0x83: {  	[sflag:s23] =	ssyncadd.s32 $0xFFFFF000  }
0x84: {  	[spmem:s2] =	stream.indirect.scatter.add.f32 [tilespmem:s14], [sflag:$0x5], $0x20, s28, s17, $0xb8;
	[tilespmem:$0x13000] =	vst v63  }
0x85: {  	_ =	swait.ge [sflag:s15], $0x1000  }
0x86: {  	[sflag:s15] =	ssyncset.done $0x0  }
0x87: {  	[sflag:s15] =	ssyncadd.s32 $0xFFFFF000  }
0x88: {  	_ =	swait.ge [sflag:s24], $0x1000  }
0x89: {  	[sflag:s24] =	ssyncset.done $0x0  }
0x8a: {  	[sflag:s24] =	ssyncadd.s32 $0xFFFFF000  }
0x8b: {  	[spmem:s2] =	stream.indirect.scatter.add.f32 [tilespmem:s18], [sflag:$0x5], $0x20, s29, s17, $0xb8;
	[tilespmem:$0x13000] =	vst v63  }
0x8c: {  	_ =	swait.ge [sflag:s15], $0x1000  }
0x8d: {  	[sflag:s15] =	ssyncset.done $0x0  }
0x8e: {  	[sflag:s15] =	ssyncadd.s32 $0xFFFFF000  }
0x8f: {  	_ =	swait.ge [sflag:s25], $0x1000  }
0x90: {  	[sflag:s25] =	ssyncset.done $0x0  }
0x91: {  	[sflag:s25] =	ssyncadd.s32 $0xFFFFF000  }
0x92: {  	[spmem:s2] =	stream.indirect.scatter.add.f32 [tilespmem:s20], [sflag:$0x5], $0x20, s30, s17, $0xb8;
	[tilespmem:$0x13000] =	vst v63  }
0x93: {  	_ =	swait.ge [sflag:s15], $0x1000  }
0x94: {  	[sflag:s15] =	ssyncset.done $0x0  }
0x95: {  	[sflag:s15] =	ssyncadd.s32 $0xFFFFF000  }
0x96: {  	_ =	swait.ge [sflag:s26], $0x1000  }
0x97: {  	[sflag:s26] =	ssyncset.done $0x0  }
0x98: {  	[sflag:s26] =	ssyncadd.s32 $0xFFFFF000  }
0x99: {  	[spmem:s2] =	stream.indirect.scatter.add.f32 [tilespmem:s22], [sflag:$0x5], $0x20, s31, s17, $0xb8;
	[tilespmem:$0x13000] =	vst v63  }
0x9a: {  	s0 =	stileid.u32;
	_ =	swait.ge [sflag:s15], $0x1000  }
0x9b: {  	s21 =	sshrl.u32 s5, $0x3;
	s1 =	sadd.s32 $0x1, s1;
	[sflag:s15] =	ssyncset.done $0x0  }
0x9c: {  	s0 =	sshll.u32 s0, $0x6;
	p0 =	sne.s32 s1, s13;
	[sflag:s15] =	ssyncadd.s32 $0xFFFFF000  }
.Ltmp2:
0x9d: {  	s0 =	sor.u32 $0x1C05, s0;
	[bflag:$0x0] =	sbarrier.arrive $0xFFFF;
	(pc) =	sbr.rel @p0 .LBB2_1-.Ltmp2, $4  }
0x9e: {  	[hbm:s12], [sflag:s0] =	dma.local [spmem:s21], $0xA00  }
0x9f: {  	_ =	swait.ge [sflag:s15], $0xA00  }
0xa0: {  	[sflag:s15] =	ssyncset.done $0x0  }
0xa1: {  	[sflag:s15] =	ssyncadd.s32 $0xFFFFF600  }
0xa2: {  	_ =	sfence.sel $0x180000  }
0xa3: {  	[bflag:$0x0] =	sbarrier.arrive $0xFFFF  }
0xa4: {  	_ =	strace $0x90000053  }
0xa5: {  	s0 =	stileid.u32;
	[bflag:$0x2] =	sbarrier.arrive $0xFFFF  }
0xa6: {  	p0 =	sne.s32 s0, $0x0;
	s0 =	rddreg [dreg:$0x2]  }
0xa7: {  	s0 =	sadd.s32 @!p0 $0x100000, s0  }
0xa8: {  	[sflag:s0] =	ssyncadd.tile.s32 @!p0 $0x1;
	_ =	shalt  }
.Lfunc_end2:
_tile_overlayer_lowered:
.L_overlay_start_2:
0xa9: {  	(tag) =	ssettag $0x2  }
0xaa: {  	s0 =	rddreg [dreg:$0x0];
	s2 =	stileid.u32  }
0xab: {  	s1 =	rddreg [dreg:$0x1];
	p0 =	sne.s32 s2, $0x0  }
0xac: {  	s3 =	rddreg [dreg:$0x2];
	[bflag:$0x3] =	sbarrier.arrive $0xFFFF;
	s2 =	simm.s32 @!p0 $0x1C05  }
0xad: {  	[timem:s3], [sflag:s2] =	dma.local @!p0 [hbm:s0], s1  }
0xae: {  	s0 =	simm.s32 @!p0 $0x5  }
0xaf: {  	_ =	swait.ge @!p0 [sflag:s0], s1  }
0xb0: {  	s1 =	ssub.s32 @!p0 $0x0, s1;
	[sflag:s0] =	ssyncset.done @!p0 $0x0  }
0xb1: {  	[sflag:s0] =	ssyncadd.s32 @!p0 s1  }
0xb2: {  	[bflag:$0x3] =	sbarrier.arrive $0xFFFF  }
0xb3: {  	_ =	shalt  }

// kernel: kernel.29.cloned.1.call-start
scs
__scs_entry_jumppad:
0x0: {  	(pc) =	sbr.rel $0x88, $3  }
0x1: {  	(tag) =	ssettag $0x0;
	lr =	simm.s32 $0x1  }
0x2: {  	[smem:$0x3F90] =	sst lr;
	_ =	strace $0xD0000000  }
0x3: {  	_ = 	snop  }
0x4: {  	_ = 	snop  }
0x5: {  	_ = 	snop  }
0x6: {  	_ = 	snop  }
0x7: {  	_ = 	snop  }
__scs_overlays_trampoline_lowered:
0x8: {  	[smem:$0x3F9F] =	sst s0  }
0x9: {  	[smem:$0x3FA0] =	sst s1  }
0xa: {  	[smem:$0x3FA1] =	sst s2  }
0xb: {  	[smem:$0x3FA2] =	sst s3  }
0xc: {  	[smem:$0x3FA3] =	sst s4  }
0xd: {  	[smem:$0x3FA4] =	sst s5  }
0xe: {  	[smem:$0x3FA5] =	sst s6  }
0xf: {  	[smem:$0x3FA6] =	sst s7  }
0x10: {  	[smem:$0x3FA7] =	sst s8  }
0x11: {  	[smem:$0x3FA8] =	sst s9;
	s0 =	simm.s32 @!p0 $0x0  }
0x12: {  	s1 =	sld [smem:$0x3F8E];
	s0 =	simm.s32 @p0 $0x1  }
0x13: {  	[smem:$0x3FA9] =	sst s0;
	s0 =	simm.s32 @!p1 $0x0  }
0x14: {  	s2 =	sld [smem:$0x3F8D];
	s0 =	simm.s32 @p1 $0x1  }
0x15: {  	[smem:$0x3FAA] =	sst s0;
	s0 =	simm.s32 @!p2 $0x0  }
0x16: {  	s3 =	sld [smem:$0x3FDB];
	s0 =	simm.s32 @p2 $0x1  }
0x17: {  	s4 =	simm.s32 $0x1BF5;
	[smem:$0x3FAC] =	sst s0  }
0x18: {  	s0 =	sld [smem:$0x3F8F];
	_ =	swait.ge [sflag:s4], $0x0  }
0x19: {  	s7 =	sld [smem:$0x3F90]  }
0x1a: {  	s8 =	sadd.s32 $0xFFFFE003, lr  }
0x1b: {  	s9 =	sadd.s32 $0xFFFFFEF7, lr;
	s5 =	simm.s32 $0xFFFFFFFF;
	p2 =	slt.u32 s8, $0xFFFFF086  }
0x1c: {  	p1 =	slt.u32 s9, $0xF7A;
	s5 =	simm.s32 @!p2 $0x0  }
0x1d: {  	s5 =	simm.s32 @p1 $0x1;
	p0 =	seq.s32 s7, s2  }
0x1e: {  	s7 =	smul.u32 @!p0 $0xF7A, s2;
	p2 =	seq.s32 @!p0 s5, $0x0  }
0x1f: {  	s9 =	smul.u32 $0xF7A, s1;
	s8 =	simm.s32 @!p0 $0x1BF5;
	p2 =	por !p2, p0  }
0x20: {  	[sflag:s8] =	ssyncset.s32 @!p0 $0xFFFFF086;
	s6 =	sadd.s32 @!p0 s3, s7;
	s7 =	simm.s32 @!p0 $0x108  }
0x21: {  	s3 =	sadd.s32 s3, s9;
	s6 =	sadd.s32 @!p0 $0x88, s6;
	s7 =	simm.s32 @p2 $0x1082  }
0x22: {  	[simem:s7], [sflag:s8] =	dma.local @!p0 [hbm:s6], $0xF7A  }
0x23: {  	s9 =	sor.u32 $0xD0000000, s2;
	s6 =	simm.s32 $0x108;
	_ =	swait.ge @!p0 [sflag:s8], $0x0  }
0x24: {  	s3 =	sadd.s32 $0x88, s3;
	s6 =	simm.s32 @!p1 $0x1082;
	[sflag:s4] =	ssyncset.s32 $0xFFFFF086  }
0x25: {  	[simem:s6], [sflag:s4] =	dma.local [hbm:s3], $0xF7A  }
0x26: {  	[smem:$0x3F90] =	sst s1;
	(tag) =	ssettag s2;
	_ =	strace s9  }
0x27: {  	s1 =	sld [smem:$0x3FA0]  }
0x28: {  	s2 =	sld [smem:$0x3FA1]  }
0x29: {  	s4 =	sld [smem:$0x3FA3]  }
0x2a: {  	p0 =	seq.s32 s5, $0x0;
	s5 =	sld [smem:$0x3FA4]  }
0x2b: {  	s6 =	sld [smem:$0x3FA5]  }
0x2c: {  	s7 =	sld [smem:$0x3FA6]  }
0x2d: {  	s3 =	simm.s32 $0x108;
	s8 =	sld [smem:$0x3FA7]  }
0x2e: {  	s3 =	simm.s32 @!p0 $0x1082;
	s9 =	sld [smem:$0x3FA8]  }
0x2f: {  	lr =	sadd.s32 s0, s3;
	s0 =	sld [smem:$0x3F9F]  }
0x30: {  	s3 =	sld [smem:$0x3FA2]  }
0x31: {  	[smem:$0x3FAB] =	sst s10  }
0x32: {  	s10 =	sld [smem:$0x3FA9];
	_ =	sdelay $0x3  }
0x33: {  	p0 =	seq.s32 s10, $0x1;
	s10 =	sld [smem:$0x3FAB];
	_ =	sdelay $0x3  }
0x34: {  	[smem:$0x3FAB] =	sst s10  }
0x35: {  	s10 =	sld [smem:$0x3FAA];
	_ =	sdelay $0x3  }
0x36: {  	p1 =	seq.s32 s10, $0x1;
	s10 =	sld [smem:$0x3FAB];
	_ =	sdelay $0x3  }
0x37: {  	[smem:$0x3FAB] =	sst s10  }
0x38: {  	s10 =	sld [smem:$0x3FAC]  }
0x39: {  	_ = 	snop;
	(pc) =	sbr.ind lr, $3  }
0x3a: {  	_ = 	snop  }
0x3b: {  	_ = 	snop  }
0x3c: {  	p2 =	seq.s32 s10, $0x1;
	s10 =	sld [smem:$0x3FAB]  }
0x3d: {  	_ =	shalt  }
0x3e: {  	_ =	shalt  }
0x3f: {  	_ =	shalt  }
0x40: {  	_ =	shalt  }
0x41: {  	_ =	shalt  }
0x42: {  	_ =	shalt  }
0x43: {  	_ =	shalt  }
0x44: {  	_ =	shalt  }
0x45: {  	_ =	shalt  }
0x46: {  	_ =	shalt  }
0x47: {  	_ =	shalt  }
0x48: {  	_ =	shalt  }
0x49: {  	_ =	shalt  }
0x4a: {  	_ =	shalt  }
0x4b: {  	_ =	shalt  }
0x4c: {  	_ =	shalt  }
0x4d: {  	_ =	shalt  }
0x4e: {  	_ =	shalt  }
0x4f: {  	_ =	shalt  }
0x50: {  	_ =	shalt  }
0x51: {  	_ =	shalt  }
0x52: {  	_ =	shalt  }
0x53: {  	_ =	shalt  }
0x54: {  	_ =	shalt  }
0x55: {  	_ =	shalt  }
0x56: {  	_ =	shalt  }
0x57: {  	_ =	shalt  }
0x58: {  	_ =	shalt  }
0x59: {  	_ =	shalt  }
0x5a: {  	_ =	shalt  }
0x5b: {  	_ =	shalt  }
0x5c: {  	_ =	shalt  }
0x5d: {  	_ =	shalt  }
0x5e: {  	_ =	shalt  }
0x5f: {  	_ =	shalt  }
0x60: {  	_ =	shalt  }
0x61: {  	_ =	shalt  }
0x62: {  	_ =	shalt  }
0x63: {  	_ =	shalt  }
0x64: {  	_ =	shalt  }
0x65: {  	_ =	shalt  }
0x66: {  	_ =	shalt  }
0x67: {  	_ =	shalt  }
0x68: {  	_ =	shalt  }
0x69: {  	_ =	shalt  }
0x6a: {  	_ =	shalt  }
0x6b: {  	_ =	shalt  }
0x6c: {  	_ =	shalt  }
0x6d: {  	_ =	shalt  }
0x6e: {  	_ =	shalt  }
0x6f: {  	_ =	shalt  }
0x70: {  	_ =	shalt  }
0x71: {  	_ =	shalt  }
0x72: {  	_ =	shalt  }
0x73: {  	_ =	shalt  }
0x74: {  	_ =	shalt  }
0x75: {  	_ =	shalt  }
0x76: {  	_ =	shalt  }
0x77: {  	_ =	shalt  }
0x78: {  	_ =	shalt  }
0x79: {  	_ =	shalt  }
0x7a: {  	_ =	shalt  }
0x7b: {  	_ =	shalt  }
0x7c: {  	_ =	shalt  }
0x7d: {  	_ =	shalt  }
0x7e: {  	_ =	shalt  }
0x7f: {  	_ =	shalt  }
0x80: {  	_ =	shalt  }
0x81: {  	_ =	shalt  }
0x82: {  	_ =	shalt  }
0x83: {  	_ =	shalt  }
0x84: {  	_ =	shalt  }
0x85: {  	_ =	shalt  }
0x86: {  	_ =	shalt  }
0x87: {  	_ =	shalt  }
.Lfunc_end0:
.L_simem_size_0:
called_computation.5_lowered:
.L_overlay_start_0:
0x88: {  	s2 =	sld [smem:$0x3FD9]  }
0x89: {  	s3 =	sld [smem:$0x3FFE];
	_ =	sdelay $0x1  }
0x8a: {  	s1 =	srdreg.scid  }
0x8b: {  	s0 =	sand.u32 $0x1, s1  }
0x8c: {  	s16 =	sshll.u32 s0, $0xA;
	s2 =	sadd.s32 s3, s2  }
0x8d: {  	s2 =	sadd.s32 s2, s16  }
0x8e: {  	[smem:$0x3FB7] =	sst s2  }
0x8f: {  	_ = 	snop  }
0x90: {  	(tm) =	ssettm $0x1  }
0x91: {  	s17 =	sld [smem:$0x3FFB];
	_ =	sdelay $0x3  }
0x92: {  	_ =	strace s17  }
0x93: {  	s2 =	sld [smem:$0x3FFC];
	_ =	sdelay $0x3  }
0x94: {  	_ =	strace s2  }
0x95: {  	s2 =	sld [smem:$0x3FFD];
	_ =	sdelay $0x3  }
0x96: {  	_ =	strace s2  }
0x97: {  	_ =	strace $0x8FFFFFFF  }
0x98: {  	s18 =	sld [smem:$0x3FDB];
	_ =	sdelay $0x1  }
0x99: {  	s19 =	simm.s32 $_scs_section_size  }
0x9a: {  	s4 =	simm.s32 $_size__tile_overlayer_lowered;
	s5 =	simm.s32 $_tile_overlayer_lowered  }
0x9b: {  	s22 =	simm.s32 $0x1BFF;
	s21 =	sshll.u32 s5, $0x1;
	s2 =	sadd.s32 s19, s18  }
0x9c: {  	s6 =	simm.s32 $0x0;
	s20 =	sshll.u32 s4, $0x1;
	s4 =	sadd.s32 s21, s2  }
0x9d: {  	[timem:s6], [sflag:s22] =	dma.local [hbm:s4], s20  }
0x9e: {  	_ =	swait.ge [sflag:s22], s20  }
0x9f: {  	s3 =	ssub.s32 $0x0, s20;
	[sflag:s22] =	ssyncset.done $0x0  }
0xa0: {  	[sflag:s22] =	ssyncadd.s32 s3;
	_ =	sdelay $0x1  }
0xa1: {  	s23 =	simm.s32 $0x1B8B  }
0xa2: {  	_ =	swait.ge [sflag:s23], $0x1  }
0xa3: {  	[sflag:s23] =	ssyncset.done $0x0  }
0xa4: {  	s25 =	simm.s32 $0x1B8E;
	s24 =	sld [smem:$0x3FFE];
	[sflag:s23] =	ssyncadd.s32 $0xFFFFFFFF  }
0xa5: {  	s26 =	simm.s32 $execute0_lowered;
	[smem:$0x3FD2] =	sst s25  }
0xa6: {  	s4 =	sshll.u32 s26, $0x1;
	_ =	strace $0x80000055;
	[dreg:$0x1] =	wrdreg $0xFFFFFFFF  }
0xa7: {  	s28 =	simm.s32 $_size_execute0_lowered;
	s2 =	sadd.s32 s2, s4;
	[dreg:$0x0] =	wrdreg $0x0  }
0xa8: {  	s4 =	sshll.u32 s28, $0x1;
	[dreg:$0x2] =	wrdreg s2  }
0xa9: {  	[dreg:$0x3] =	wrdreg s4  }
0xaa: {  	[dreg:$0x4] =	wrdreg $0xC0  }
0xab: {  	_ =	task [dreg:s6], $0x5FFFF  }
0xac: {  	[dreg:$0x1] =	wrdreg $0xFFFFFFFF  }
0xad: {  	[dreg:$0x0] =	wrdreg $0x60  }
0xae: {  	[dreg:$0x2] =	wrdreg s24  }
0xaf: {  	[dreg:$0x3] =	wrdreg $0xE0000  }
0xb0: {  	[dreg:$0x4] =	wrdreg $0x9  }
0xb1: {  	_ =	task.clear_ibuf [dreg:s6], $0x5FFFF;
	_ =	strace $0x90000055  }
0xb2: {  	s29 =	simm.s32 $0x9;
	_ =	strace $0x80000057  }
0xb3: {  	_ =	swait.ge [sflag:s29], $0x1  }
0xb4: {  	[sflag:s29] =	ssyncadd.s32 $0xFFFFFFFF  }
0xb5: {  	_ =	strace $0x90000057  }
0xb6: {  	_ =	sfence  }
0xb7: {  	s30 =	sld [smem:$0x0];
	_ =	sdelay $0x2  }
0xb8: {  	s31 =	sshll.u32 s1, $0xD;
	s1 =	sshrl.u32 s1, $0x2  }
0xb9: {  	s3 =	sand.u32 $0x4000, s31;
	s1 =	sadd.s32 s1, s30  }
0xba: {  	s0 =	sor.u32 s3, s0;
	s1 =	sshll.u32 s1, $0x11  }
0xbb: {  	s0 =	sor.u32 s1, s0  }
0xbc: {  	s0 =	sadd.s32 $0x8F2B, s0  }
0xbd: {  	[sflag:s0] =	ssyncadd.remote.s32 $0x1  }
0xbe: {  	_ =	sfence.sel $0xFFFF  }
0xbf: {  	[dreg:$0x0] =	wrdreg $0xFFFFFFFF;
	(pc) =	sbr.abs _section_cstart, $3  }
0xc0: {  	[dreg:$0x1] =	wrdreg $0xFFFFFFFF  }
0xc1: {  	_ =	task.clear_ibuf [dreg:s6], $0x2FFFF;
	_ =	strace $0x9FFFFFFF  }
0xc2: {  	(tm) =	ssettm $0x7FFFFFFF  }
0xc3: {  	_ =	shalt  }
tec
execute0_lowered:
.L_overlay_start_1:
0x0: {  	(tag) =	ssettag $0x1  }
0x1: {  	s0 =	srdreg.scid;
	s5 =	rddreg [dreg:$0x0]  }
0x2: {  	s4 =	stileid.u32;
	s2 =	rddreg [dreg:$0x1]  }
0x3: {  	s3 =	simm.s32 $0x0;
	s14 =	simm.s32 $0xA000;
	s15 =	simm.s32 $0x5  }
0x4: {  	s17 =	simm.s32 $0x80;
	s18 =	simm.s32 $0xB000;
	s20 =	simm.s32 $0xC000  }
0x5: {  	s22 =	simm.s32 $0xD000;
	s23 =	simm.s32 $0x1;
	s24 =	simm.s32 $0x2  }
0x6: {  	s28 =	simm.s32 $0x9E00;
	s29 =	simm.s32 $0x9E80;
	s30 =	simm.s32 $0x9F00  }
0x7: {  	s31 =	simm.s32 $0x9F80;
	s0 =	sand.u32 $0x1, s0;
	s6 =	smul.u32 $0xA00, s4  }
0x8: {  	s1 =	sshll.u32 s4, $0x1;
	[smem:$0x7FF] =	sst s3;
	s8 =	smul.u32 $0x14000, s4  }
0x9: {  	s4 =	sadd.s32 $0x5F200, s5;
	s1 =	sor.u32 s0, s1;
	s7 =	smul.u32 $0xA000, s0  }
0xa: {  	_ =	strace $0x80000056;
	s0 =	ssub.s32 $0x2, s0;
	s1 =	smul.u32 $0xA00, s1  }
0xb: {  	s25 =	sshrl.u32 s8, $0x2;
	s26 =	sshrl.u32 s0, $0x1;
	s6 =	sadd.s32 s6, s7  }
0xc: {  	s0 =	ssub.s32 s0, s26;
	s26 =	simm.s32 $0x4;
	s1 =	sadd.s32 s1, s5  }
0xd: {  	s12 =	sadd.s32 s6, s5;
	s5 =	sadd.s32 s25, s2;
	s13 =	smax.u32 s0, $0x1  }
0xe: {  	s25 =	simm.s32 $0x3;
	s6 =	sadd.s32 $0x1000, s5;
	s7 =	sadd.s32 $0x2000, s5  }
0xf: {  	s8 =	sadd.s32 $0x3000, s5;
	s9 =	sadd.s32 $0x4000, s5;
	s10 =	sadd.s32 $0x4B200, s1  }
0x10: {  	v0 =	vimm.f32 $0.0e+00;
	s11 =	sadd.s32 $0x5200, s1;
	s12 =	sadd.s32 $0x19200, s12;
	s1 =	simm.s32 $0x0  }
.LBB2_1:
0x11: {  	s0 =	sand.u32 $0x3F80, s3  }
0x12: {  	s16 =	sand.u32 $0x10, s3;
	s19 =	sshrl.u32 s0, $0x2  }
0x13: {  	s0 =	simm.s32 $0x40;
	s19 =	sor.u32 s16, s19;
	s16 =	simm.s32 $0x0  }
.LBB2_2:
0x14: {  	p0 =	sne.s32 s0, $0x3FC0  }
0x15: {  	[tilespmem:s19+$0xA000] =	vst v0;
	s16 =	sadd.s32 $0x10, s16;
	s19 =	smov.u32 s0;
	s0 =	sadd.s32 $0x40, s0  }
.Ltmp0:
0x16: {  	(pc) =	sbr.rel @p0 .LBB2_2-.Ltmp0, $4  }
0x17: {  	_ = 	snop  }
0x18: {  	s19 =	sand.u32 $0x3F80, s19  }
0x19: {  	s21 =	sand.u32 $0x10, s16;
	s19 =	sshrl.u32 s19, $0x2  }
0x1a: {  	s19 =	sor.u32 s21, s19  }
0x1b: {  	[tilespmem:s19+$0xA000] =	vst v0  }
0x1c: {  	[spmem:s5] =	stream.linear.scatter [tilespmem:s14], [sflag:$0x5], $0x1000, $0x38;
	[tilespmem:$0x13000] =	vst v63  }
0x1d: {  	_ =	swait.ge [sflag:s15], $0x1000  }
0x1e: {  	[sflag:s15] =	ssyncset.done $0x0  }
0x1f: {  	[sflag:s15] =	ssyncadd.s32 $0xFFFFF000  }
0x20: {  	[spmem:s6] =	stream.linear.scatter [tilespmem:s14], [sflag:$0x5], $0x1000, $0x38;
	[tilespmem:$0x13000] =	vst v63  }
0x21: {  	_ =	swait.ge [sflag:s15], $0x1000  }
0x22: {  	[sflag:s15] =	ssyncset.done $0x0  }
0x23: {  	[sflag:s15] =	ssyncadd.s32 $0xFFFFF000  }
0x24: {  	[spmem:s7] =	stream.linear.scatter [tilespmem:s14], [sflag:$0x5], $0x1000, $0x38;
	[tilespmem:$0x13000] =	vst v63  }
0x25: {  	_ =	swait.ge [sflag:s15], $0x1000  }
0x26: {  	[sflag:s15] =	ssyncset.done $0x0  }
0x27: {  	[sflag:s15] =	ssyncadd.s32 $0xFFFFF000  }
0x28: {  	[spmem:s8] =	stream.linear.scatter [tilespmem:s14], [sflag:$0x5], $0x1000, $0x38;
	[tilespmem:$0x13000] =	vst v63  }
0x29: {  	_ =	swait.ge [sflag:s15], $0x1000  }
0x2a: {  	[sflag:s15] =	ssyncset.done $0x0  }
0x2b: {  	[sflag:s15] =	ssyncadd.s32 $0xFFFFF000  }
0x2c: {  	[spmem:s9] =	stream.linear.scatter [tilespmem:s14], [sflag:$0x5], $0x1000, $0x38;
	[tilespmem:$0x13000] =	vst v63  }
0x2d: {  	_ =	swait.ge [sflag:s15], $0x1000  }
0x2e: {  	[sflag:s15] =	ssyncset.done $0x0  }
0x2f: {  	[sflag:s15] =	ssyncadd.s32 $0xFFFFF000  }
0x30: {  	s0 =	simm.s32 $0x0;
	[bflag:$0x0] =	sbarrier.arrive $0xFFFF  }
0x31: {  	[tilespmem:s0], [sflag:$0x5] =	stream.linear.gather [hbm4b:s10+s0], $0x5000, $0x38;
	[tilespmem:$0x13000] =	vst v63  }
0x32: {  	_ =	swait.ge [sflag:s15], $0x5000  }
0x33: {  	[sflag:s15] =	ssyncset.done $0x0  }
0x34: {  	s16 =	simm.s32 $0x5000;
	[sflag:s15] =	ssyncadd.s32 $0xFFFFB000  }
0x35: {  	[tilespmem:s16], [sflag:$0x5] =	stream.linear.gather [hbm4b:s11+s0], $0x5000, $0x38;
	[tilespmem:$0x13000] =	vst v63  }
0x36: {  	_ =	swait.ge [sflag:s15], $0x5000  }
0x37: {  	[sflag:s15] =	ssyncset.done $0x0  }
0x38: {  	[sflag:s15] =	ssyncadd.s32 $0xFFFFB000  }
0x39: {  	[tilespmem:s14], [sflag:$0x1] =	stream.indirect.gather [hbm4b:s4+s17], $0x20, s0, s17, $0xb8;
	[tilespmem:$0x13000] =	vst v63  }
0x3a: {  	_ = 	snop  }
0x3b: {  	[tilespmem:s18], [sflag:$0x2] =	stream.indirect.gather [hbm4b:s4+s17], $0x20, s17, s17, $0xb8;
	[tilespmem:$0x13000] =	vst v63  }
0x3c: {  	s16 =	simm.s32 $0x100  }
0x3d: {  	[tilespmem:s20], [sflag:$0x3] =	stream.indirect.gather [hbm4b:s4+s17], $0x20, s16, s17, $0xb8;
	[tilespmem:$0x13000] =	vst v63  }
0x3e: {  	s19 =	simm.s32 $0x180  }
0x3f: {  	[tilespmem:s22], [sflag:$0x4] =	stream.indirect.gather [hbm4b:s4+s17], $0x20, s19, s17, $0xb8;
	[tilespmem:$0x13000] =	vst v63  }
0x40: {  	_ =	swait.ge [sflag:s23], $0x1000  }
0x41: {  	[sflag:s23] =	ssyncset.done $0x0  }
0x42: {  	s21 =	simm.s32 $0x5000;
	[sflag:s23] =	ssyncadd.s32 $0xFFFFF000  }
0x43: {  	[spmem:s2] =	stream.indirect.scatter.add.f32 [tilespmem:s14], [sflag:$0x5], $0x20, s21, s17, $0xb8;
	[tilespmem:$0x13000] =	vst v63  }
0x44: {  	_ =	swait.ge [sflag:s15], $0x1000  }
0x45: {  	[sflag:s15] =	ssyncset.done $0x0  }
0x46: {  	s16 =	simm.s32 $0x200;
	[sflag:s15] =	ssyncadd.s32 $0xFFFFF000  }
0x47: {  	[tilespmem:s14], [sflag:$0x1] =	stream.indirect.gather [hbm4b:s4+s17], $0x20, s16, s17, $0xb8;
	[tilespmem:$0x13000] =	vst v63  }
0x48: {  	_ =	swait.ge [sflag:s24], $0x1000  }
0x49: {  	[sflag:s24] =	ssyncset.done $0x0  }
0x4a: {  	s19 =	simm.s32 $0x5080;
	[sflag:s24] =	ssyncadd.s32 $0xFFFFF000  }
0x4b: {  	[spmem:s2] =	stream.indirect.scatter.add.f32 [tilespmem:s18], [sflag:$0x5], $0x20, s19, s17, $0xb8;
	[tilespmem:$0x13000] =	vst v63  }
0x4c: {  	_ =	swait.ge [sflag:s15], $0x1000  }
0x4d: {  	[sflag:s15] =	ssyncset.done $0x0  }
0x4e: {  	s21 =	simm.s32 $0x280;
	[sflag:s15] =	ssyncadd.s32 $0xFFFFF000  }
0x4f: {  	[tilespmem:s18], [sflag:$0x2] =	stream.indirect.gather [hbm4b:s4+s17], $0x20, s21, s17, $0xb8;
	[tilespmem:$0x13000] =	vst v63  }
0x50: {  	_ =	swait.ge [sflag:s25], $0x1000  }
0x51: {  	[sflag:s25] =	ssyncset.done $0x0  }
0x52: {  	s16 =	simm.s32 $0x5100;
	[sflag:s25] =	ssyncadd.s32 $0xFFFFF000  }
0x53: {  	[spmem:s2] =	stream.indirect.scatter.add.f32 [tilespmem:s20], [sflag:$0x5], $0x20, s16, s17, $0xb8;
	[tilespmem:$0x13000] =	vst v63  }
0x54: {  	_ =	swait.ge [sflag:s15], $0x1000  }
0x55: {  	[sflag:s15] =	ssyncset.done $0x0  }
0x56: {  	s19 =	simm.s32 $0x300;
	[sflag:s15] =	ssyncadd.s32 $0xFFFFF000  }
0x57: {  	[tilespmem:s20], [sflag:$0x3] =	stream.indirect.gather [hbm4b:s4+s17], $0x20, s19, s17, $0xb8;
	[tilespmem:$0x13000] =	vst v63  }
0x58: {  	_ =	swait.ge [sflag:s26], $0x1000  }
0x59: {  	[sflag:s26] =	ssyncset.done $0x0  }
0x5a: {  	s21 =	simm.s32 $0x5180;
	[sflag:s26] =	ssyncadd.s32 $0xFFFFF000  }
0x5b: {  	[spmem:s2] =	stream.indirect.scatter.add.f32 [tilespmem:s22], [sflag:$0x5], $0x20, s21, s17, $0xb8;
	[tilespmem:$0x13000] =	vst v63  }
0x5c: {  	_ =	swait.ge [sflag:s15], $0x1000  }
0x5d: {  	[sflag:s15] =	ssyncset.done $0x0  }
0x5e: {  	s0 =	simm.s32 $0x800;
	s16 =	simm.s32 $0x380;
	[sflag:s15] =	ssyncadd.s32 $0xFFFFF000  }
.LBB2_4:
0x5f: {  	[tilespmem:s22], [sflag:$0x4] =	stream.indirect.gather [hbm4b:s4+s17], $0x20, s16, s17, $0xb8;
	[tilespmem:$0x13000] =	vst v63  }
0x60: {  	s16 =	smov.u32 s0  }
0x61: {  	p0 =	sne.s32 s0, $0x13000;
	s0 =	sadd.s32 $0x800, s0;
	_ =	swait.ge [sflag:s23], $0x1000  }
0x62: {  	s16 =	sshra.s32 s16, $0x2;
	[sflag:s23] =	ssyncset.done $0x0  }
0x63: {  	s19 =	sadd.s32 $0x5000, s16;
	[sflag:s23] =	ssyncadd.s32 $0xFFFFF000  }
0x64: {  	[spmem:s2] =	stream.indirect.scatter.add.f32 [tilespmem:s14], [sflag:$0x5], $0x20, s19, s17, $0xb8;
	[tilespmem:$0x13000] =	vst v63  }
0x65: {  	_ =	swait.ge [sflag:s15], $0x1000  }
0x66: {  	[sflag:s15] =	ssyncset.done $0x0  }
0x67: {  	s19 =	sadd.s32 $0x200, s16;
	[sflag:s15] =	ssyncadd.s32 $0xFFFFF000  }
0x68: {  	[tilespmem:s14], [sflag:$0x1] =	stream.indirect.gather [hbm4b:s4+s17], $0x20, s19, s17, $0xb8;
	[tilespmem:$0x13000] =	vst v63  }
0x69: {  	_ =	swait.ge [sflag:s24], $0x1000  }
0x6a: {  	[sflag:s24] =	ssyncset.done $0x0  }
0x6b: {  	s19 =	sadd.s32 $0x5080, s16;
	[sflag:s24] =	ssyncadd.s32 $0xFFFFF000  }
0x6c: {  	[spmem:s2] =	stream.indirect.scatter.add.f32 [tilespmem:s18], [sflag:$0x5], $0x20, s19, s17, $0xb8;
	[tilespmem:$0x13000] =	vst v63  }
0x6d: {  	_ =	swait.ge [sflag:s15], $0x1000  }
0x6e: {  	[sflag:s15] =	ssyncset.done $0x0  }
0x6f: {  	s19 =	sadd.s32 $0x280, s16;
	[sflag:s15] =	ssyncadd.s32 $0xFFFFF000  }
0x70: {  	[tilespmem:s18], [sflag:$0x2] =	stream.indirect.gather [hbm4b:s4+s17], $0x20, s19, s17, $0xb8;
	[tilespmem:$0x13000] =	vst v63  }
0x71: {  	_ =	swait.ge [sflag:s25], $0x1000  }
0x72: {  	[sflag:s25] =	ssyncset.done $0x0  }
0x73: {  	s19 =	sadd.s32 $0x5100, s16;
	[sflag:s25] =	ssyncadd.s32 $0xFFFFF000  }
0x74: {  	[spmem:s2] =	stream.indirect.scatter.add.f32 [tilespmem:s20], [sflag:$0x5], $0x20, s19, s17, $0xb8;
	[tilespmem:$0x13000] =	vst v63  }
0x75: {  	_ =	swait.ge [sflag:s15], $0x1000  }
0x76: {  	[sflag:s15] =	ssyncset.done $0x0  }
0x77: {  	s19 =	sadd.s32 $0x300, s16;
	[sflag:s15] =	ssyncadd.s32 $0xFFFFF000  }
0x78: {  	[tilespmem:s20], [sflag:$0x3] =	stream.indirect.gather [hbm4b:s4+s17], $0x20, s19, s17, $0xb8;
	[tilespmem:$0x13000] =	vst v63  }
0x79: {  	_ =	swait.ge [sflag:s26], $0x1000  }
0x7a: {  	[sflag:s26] =	ssyncset.done $0x0  }
.Ltmp1:
0x7b: {  	s19 =	sadd.s32 $0x5180, s16;
	[sflag:s26] =	ssyncadd.s32 $0xFFFFF000;
	(pc) =	sbr.rel @p0 .LBB2_4-.Ltmp1, $4  }
0x7c: {  	[spmem:s2] =	stream.indirect.scatter.add.f32 [tilespmem:s22], [sflag:$0x5], $0x20, s19, s17, $0xb8;
	[tilespmem:$0x13000] =	vst v63  }
0x7d: {  	_ =	swait.ge [sflag:s15], $0x1000  }
0x7e: {  	[sflag:s15] =	ssyncset.done $0x0  }
0x7f: {  	s16 =	sadd.s32 $0x380, s16;
	[sflag:s15] =	ssyncadd.s32 $0xFFFFF000  }
0x80: {  	[tilespmem:s22], [sflag:$0x4] =	stream.indirect.gather [hbm4b:s4+s17], $0x20, s16, s17, $0xb8;
	[tilespmem:$0x13000] =	vst v63  }
0x81: {  	_ =	swait.ge [sflag:s23], $0x1000  }
0x82: {  	[sflag:s23] =	ssyncset.done $0x0  }
0x83: {  	[sflag:s23] =	ssyncadd.s32 $0xFFFFF000  }
0x84: {  	[spmem:s2] =	stream.indirect.scatter.add.f32 [tilespmem:s14], [sflag:$0x5], $0x20, s28, s17, $0xb8;
	[tilespmem:$0x13000] =	vst v63  }
0x85: {  	_ =	swait.ge [sflag:s15], $0x1000  }
0x86: {  	[sflag:s15] =	ssyncset.done $0x0  }
0x87: {  	[sflag:s15] =	ssyncadd.s32 $0xFFFFF000  }
0x88: {  	_ =	swait.ge [sflag:s24], $0x1000  }
0x89: {  	[sflag:s24] =	ssyncset.done $0x0  }
0x8a: {  	[sflag:s24] =	ssyncadd.s32 $0xFFFFF000  }
0x8b: {  	[spmem:s2] =	stream.indirect.scatter.add.f32 [tilespmem:s18], [sflag:$0x5], $0x20, s29, s17, $0xb8;
	[tilespmem:$0x13000] =	vst v63  }
0x8c: {  	_ =	swait.ge [sflag:s15], $0x1000  }
0x8d: {  	[sflag:s15] =	ssyncset.done $0x0  }
0x8e: {  	[sflag:s15] =	ssyncadd.s32 $0xFFFFF000  }
0x8f: {  	_ =	swait.ge [sflag:s25], $0x1000  }
0x90: {  	[sflag:s25] =	ssyncset.done $0x0  }
0x91: {  	[sflag:s25] =	ssyncadd.s32 $0xFFFFF000  }
0x92: {  	[spmem:s2] =	stream.indirect.scatter.add.f32 [tilespmem:s20], [sflag:$0x5], $0x20, s30, s17, $0xb8;
	[tilespmem:$0x13000] =	vst v63  }
0x93: {  	_ =	swait.ge [sflag:s15], $0x1000  }
0x94: {  	[sflag:s15] =	ssyncset.done $0x0  }
0x95: {  	[sflag:s15] =	ssyncadd.s32 $0xFFFFF000  }
0x96: {  	_ =	swait.ge [sflag:s26], $0x1000  }
0x97: {  	[sflag:s26] =	ssyncset.done $0x0  }
0x98: {  	[sflag:s26] =	ssyncadd.s32 $0xFFFFF000  }
0x99: {  	[spmem:s2] =	stream.indirect.scatter.add.f32 [tilespmem:s22], [sflag:$0x5], $0x20, s31, s17, $0xb8;
	[tilespmem:$0x13000] =	vst v63  }
0x9a: {  	s0 =	stileid.u32;
	_ =	swait.ge [sflag:s15], $0x1000  }
0x9b: {  	s21 =	sshrl.u32 s5, $0x3;
	s1 =	sadd.s32 $0x1, s1;
	[sflag:s15] =	ssyncset.done $0x0  }
0x9c: {  	s0 =	sshll.u32 s0, $0x6;
	p0 =	sne.s32 s1, s13;
	[sflag:s15] =	ssyncadd.s32 $0xFFFFF000  }
.Ltmp2:
0x9d: {  	s0 =	sor.u32 $0x1C05, s0;
	[bflag:$0x0] =	sbarrier.arrive $0xFFFF;
	(pc) =	sbr.rel @p0 .LBB2_1-.Ltmp2, $4  }
0x9e: {  	[hbm:s12], [sflag:s0] =	dma.local [spmem:s21], $0xA00  }
0x9f: {  	_ =	swait.ge [sflag:s15], $0xA00  }
0xa0: {  	[sflag:s15] =	ssyncset.done $0x0  }
0xa1: {  	[sflag:s15] =	ssyncadd.s32 $0xFFFFF600  }
0xa2: {  	_ =	sfence.sel $0x180000  }
0xa3: {  	[bflag:$0x0] =	sbarrier.arrive $0xFFFF  }
0xa4: {  	_ =	strace $0x90000056  }
0xa5: {  	s0 =	stileid.u32;
	[bflag:$0x2] =	sbarrier.arrive $0xFFFF  }
0xa6: {  	p0 =	sne.s32 s0, $0x0;
	s0 =	rddreg [dreg:$0x2]  }
0xa7: {  	s0 =	sadd.s32 @!p0 $0x100000, s0  }
0xa8: {  	[sflag:s0] =	ssyncadd.tile.s32 @!p0 $0x1;
	_ =	shalt  }
.Lfunc_end2:
_tile_overlayer_lowered:
.L_overlay_start_2:
0xa9: {  	(tag) =	ssettag $0x2  }
0xaa: {  	s0 =	rddreg [dreg:$0x0];
	s2 =	stileid.u32  }
0xab: {  	s1 =	rddreg [dreg:$0x1];
	p0 =	sne.s32 s2, $0x0  }
0xac: {  	s3 =	rddreg [dreg:$0x2];
	[bflag:$0x3] =	sbarrier.arrive $0xFFFF;
	s2 =	simm.s32 @!p0 $0x1C05  }
0xad: {  	[timem:s3], [sflag:s2] =	dma.local @!p0 [hbm:s0], s1  }
0xae: {  	s0 =	simm.s32 @!p0 $0x5  }
0xaf: {  	_ =	swait.ge @!p0 [sflag:s0], s1  }
0xb0: {  	s1 =	ssub.s32 @!p0 $0x0, s1;
	[sflag:s0] =	ssyncset.done @!p0 $0x0  }
0xb1: {  	[sflag:s0] =	ssyncadd.s32 @!p0 s1  }
0xb2: {  	[bflag:$0x3] =	sbarrier.arrive $0xFFFF  }
0xb3: {  	_ =	shalt  }

</sc_bundles>
